<compile_context>
chip_gen: v7x
topology: tpu7x:2x2x1
jax: 0.10.2.dev20260603
libtpu: 0.0.44.dev20260713+nightly
codegen_flags: <defaults>
</compile_context>

<pallas_src>
import functools

import jax
import jax.numpy as jnp
from jax import lax
from jax.experimental import pallas as pl
from jax.experimental.pallas import tpu as pltpu
from jax.experimental.pallas import tpu_sc as plsc

N = 100000
E = 1600000
H = 8
C = 4
F1 = H * C
HID = 64
NG = 64

_NC = 2
_NS = 16
_NW = _NC * _NS
_W1 = 18

_K1 = 2000
_EW1 = E // _NS
_NCH1 = _EW1 // _K1

_K2 = 200
_EW2 = E // _NS
_NCH2 = _EW2 // _K2

@functools.cache
def _make_sc_gat_edges():
    mesh = plsc.VectorSubcoreMesh(core_axis_name="c", subcore_axis_name="s")
    return functools.partial(
        pl.kernel,
        out_type=jax.ShapeDtypeStruct((_NC, N * 9), jnp.float32),
        mesh=mesh,
        scratch_types=[
            pltpu.VMEM_SHARED((N * 9,), jnp.float32),
            pltpu.VMEM_SHARED((N,), jnp.float32),
            pltpu.VMEM((2560,), jnp.float32),
            pltpu.VMEM((_K1,), jnp.int32),
            pltpu.VMEM((_K1,), jnp.int32),
            pltpu.VMEM((_K1,), jnp.float32),
            pltpu.VMEM((_K1,), jnp.float32),
            pltpu.VMEM((_K1,), jnp.float32),
            pltpu.VMEM((9 * _K1,), jnp.float32),
            pltpu.VMEM((9 * _K1,), jnp.int32),
            pltpu.SemaphoreType.DMA,
            pltpu.SemaphoreType.DMA,
        ],
    )(_sc_gat_edges_body)


def _sc_gat_edges_body(src_hbm, dst_hbm, ea_hbm, x_hbm, z_hbm, wsplat_hbm,
                       out_hbm,
                       acc, xsp, wv, srcv, dstv, eav, xsv, xdv, val, idx,
                       sem1, sem2):
    c = lax.axis_index("c")
    s = lax.axis_index("s")

    @pl.when(s == 0)
    def _stage():
        pltpu.sync_copy(x_hbm, xsp)
        pltpu.sync_copy(z_hbm, acc)
    pltpu.sync_copy(wsplat_hbm, wv)
    plsc.subcore_barrier()

    def make_chunk_body(is_core0):
        def chunk_body(g, carry):
            base = s * _EW1 + g * _K1
            pltpu.sync_copy(src_hbm.at[pl.ds(base, _K1)], srcv)
            pltpu.sync_copy(dst_hbm.at[pl.ds(base, _K1)], dstv)
            pltpu.sync_copy(ea_hbm.at[pl.ds(base, _K1)], eav)
            cp1 = pltpu.async_copy(xsp.at[srcv], xsv, sem1)
            cp2 = pltpu.async_copy(xsp.at[dstv], xdv, sem2)
            cp1.wait()
            cp2.wait()

            def vec_body(j, carry2):
                sl = pl.ds(j * 16, 16)
                xs = xsv[sl]
                xd = xdv[sl]
                ea = eav[sl]
                dbase = dstv[sl] * 9
                aexps = []
                for h in range(H):
                    alpha = jnp.zeros((16,), jnp.float32)
                    for cc in range(C):
                        f = h * C + cc
                        m = (xs * wv[pl.ds(16 * f, 16)]
                             + xd * wv[pl.ds(512 + 16 * f, 16)]
                             + ea * wv[pl.ds(1024 + 16 * f, 16)]
                             + wv[pl.ds(1536 + 16 * f, 16)])
                        lk = 0.6 * m + 0.4 * jnp.abs(m)
                        alpha = alpha + wv[pl.ds(2048 + 16 * f, 16)] * lk
                    aexps.append(jnp.exp(alpha))
                if is_core0:
                    cols = [ea, jnp.full((16,), 1.0, jnp.float32)] + aexps[:7]
                else:
                    cols = [aexps[7]] + [a * xs for a in aexps]
                for b, v in enumerate(cols):
                    val[pl.ds(b * _K1 + j * 16, 16)] = v
                    idx[pl.ds(b * _K1 + j * 16, 16)] = dbase + b
                return carry2

            lax.fori_loop(0, _K1 // 16, vec_body, 0)
            pltpu.sync_copy(val, acc.at[idx], add=True)
            return carry
        return chunk_body

    @pl.when(c == 0)
    def _core0():
        lax.fori_loop(0, _NCH1, make_chunk_body(True), 0)

    @pl.when(c == 1)
    def _core1():
        lax.fori_loop(0, _NCH1, make_chunk_body(False), 0)

    plsc.subcore_barrier()

    @pl.when(s == 0)
    def _flush():
        pltpu.sync_copy(acc, out_hbm.at[c])


@functools.cache
def _make_sc_sage_edges():
    mesh = plsc.VectorSubcoreMesh(core_axis_name="c", subcore_axis_name="s")
    return functools.partial(
        pl.kernel,
        out_type=jax.ShapeDtypeStruct((_NC, N, 16), jnp.float32),
        mesh=mesh,
        scratch_types=[
            pltpu.VMEM_SHARED((N, 16), jnp.float32),
            pltpu.VMEM((_K2,), jnp.int32),
            pltpu.VMEM((_K2,), jnp.int32),
            pltpu.VMEM((_K2, 16), jnp.float32),
            pltpu.SemaphoreType.DMA,
        ],
        compiler_params=pltpu.CompilerParams(use_tc_tiling_on_sc=False),
    )(_sc_sage_edges_body)


def _sc_sage_edges_body(src_hbm, dst_hbm, hA_hbm, hB_hbm, z_hbm, out_hbm,
                        acc, srcv, dstv, rows, sem1):
    c = lax.axis_index("c")
    s = lax.axis_index("s")

    @pl.when(s == 0)
    def _zero():
        pltpu.sync_copy(z_hbm, acc)
    plsc.subcore_barrier()

    def make_body(h_hbm):
        def chunk_body(g, carry):
            base = s * _EW2 + g * _K2
            pltpu.sync_copy(src_hbm.at[pl.ds(base, _K2)], srcv)
            pltpu.sync_copy(dst_hbm.at[pl.ds(base, _K2)], dstv)
            pltpu.async_copy(h_hbm.at[srcv], rows, sem1).wait()
            pltpu.sync_copy(rows, acc.at[dstv], add=True)
            return carry
        return chunk_body

    @pl.when(c == 0)
    def _colsA():
        lax.fori_loop(0, _NCH2, make_body(hA_hbm), 0)

    @pl.when(c == 1)
    def _colsB():
        lax.fori_loop(0, _NCH2, make_body(hB_hbm), 0)

    plsc.subcore_barrier()

    @pl.when(s == 0)
    def _flush():
        pltpu.sync_copy(acc, out_hbm.at[c])


_BN = 2000
_NB = N // _BN


def _tca_body(acc0_ref, x_ref, batch_ref, wrow_ref, g8_ref, g8t_ref,
              h_ref, cntc_ref, sums_ref, sq_ref, gcnt_ref):
    i = pl.program_id(0)

    @pl.when(i == 0)
    def _init():
        sums_ref[...] = jnp.zeros_like(sums_ref)
        sq_ref[...] = jnp.zeros_like(sq_ref)
        gcnt_ref[...] = jnp.zeros_like(gcnt_ref)

    a = acc0_ref[...]
    cnt = a[:, 1:2]
    cntc = jnp.maximum(cnt, 1.0)
    ea_mean = a[:, 0:1] / cntc
    D = a[:, 2:10]
    Sx = a[:, 10:18]
    xb = x_ref[...]

    wl = wrow_ref[0:1, :]
    wr = wrow_ref[1:2, :]
    we = wrow_ref[2:3, :]
    bsum = wrow_ref[3:4, :]
    attf = wrow_ref[4:5, :]
    blb = wrow_ref[5:6, :]

    m = xb * (wl + wr) + ea_mean * we + bsum
    lk = 0.6 * m + 0.4 * jnp.abs(m)
    alpha_s = jnp.dot(lk * attf, g8_ref[...],
                      preferred_element_type=jnp.float32, precision=lax.Precision.HIGHEST)
    aexp_s = jnp.exp(alpha_s)
    D = D + aexp_s
    Sx = Sx + aexp_s * xb
    S = Sx / (D + 1e-16)
    Se = jnp.dot(S, g8t_ref[...], preferred_element_type=jnp.float32, precision=lax.Precision.HIGHEST)
    h = jax.nn.relu(Se * wl + blb)
    h_ref[...] = h
    cntc_ref[...] = cntc

    bb = batch_ref[0]
    oh = (lax.broadcasted_iota(jnp.int32, (NG, _BN), 0) == bb).astype(jnp.float32)
    sums_ref[...] += jnp.dot(oh, h, preferred_element_type=jnp.float32, precision=lax.Precision.HIGHEST)
    sq_ref[...] += jnp.dot(oh, h * h, preferred_element_type=jnp.float32, precision=lax.Precision.HIGHEST)
    gcnt_ref[...] += jnp.sum(oh, axis=1, keepdims=True)


def _tc_a(acc0, x2d, batch3d, wrow, g8, g8t):
    return pl.pallas_call(
        _tca_body,
        grid=(_NB,),
        in_specs=[
            pl.BlockSpec((_BN, _W1), lambda i: (i, 0)),
            pl.BlockSpec((_BN, 1), lambda i: (i, 0)),
            pl.BlockSpec((1, 1, _BN), lambda i: (i, 0, 0)),
            pl.BlockSpec((6, F1), lambda i: (0, 0)),
            pl.BlockSpec((F1, H), lambda i: (0, 0)),
            pl.BlockSpec((H, F1), lambda i: (0, 0)),
        ],
        out_specs=[
            pl.BlockSpec((_BN, F1), lambda i: (i, 0)),
            pl.BlockSpec((_BN, 1), lambda i: (i, 0)),
            pl.BlockSpec((NG, F1), lambda i: (0, 0)),
            pl.BlockSpec((NG, F1), lambda i: (0, 0)),
            pl.BlockSpec((NG, 1), lambda i: (0, 0)),
        ],
        out_shape=[
            jax.ShapeDtypeStruct((N, F1), jnp.float32),
            jax.ShapeDtypeStruct((N, 1), jnp.float32),
            jax.ShapeDtypeStruct((NG, F1), jnp.float32),
            jax.ShapeDtypeStruct((NG, F1), jnp.float32),
            jax.ShapeDtypeStruct((NG, 1), jnp.float32),
        ],
    )(acc0, x2d, batch3d, wrow, g8, g8t)


def _tcb_body(h_ref, batch_ref, sums_ref, sq_ref, gcnt_ref, gn_ref,
              hA_ref, hB_ref):
    gcnt = jnp.maximum(gcnt_ref[...], 1.0)
    mean = sums_ref[...] / gcnt
    galpha = gn_ref[2:3, :]
    var = sq_ref[...] / gcnt - galpha * mean * (2.0 * sums_ref[...] / gcnt
                                                - galpha * mean)
    bb = batch_ref[0]
    oh = (lax.broadcasted_iota(jnp.int32, (NG, _BN), 0) == bb).astype(jnp.float32)
    dn = (((0,), (0,)), ((), ()))
    mean_b = lax.dot_general(oh, mean, dn,
                             preferred_element_type=jnp.float32, precision=lax.Precision.HIGHEST)
    var_b = lax.dot_general(oh, var, dn, preferred_element_type=jnp.float32, precision=lax.Precision.HIGHEST)
    h = h_ref[...]
    hn = gn_ref[0:1, :] * (h - galpha * mean_b) * lax.rsqrt(var_b + 1e-5) \
        + gn_ref[1:2, :]
    hA_ref[...] = hn[:, :16]
    hB_ref[...] = hn[:, 16:]


def _tc_b(h, batch3d, sums, sq, gcnt, gn):
    return pl.pallas_call(
        _tcb_body,
        grid=(_NB,),
        in_specs=[
            pl.BlockSpec((_BN, F1), lambda i: (i, 0)),
            pl.BlockSpec((1, 1, _BN), lambda i: (i, 0, 0)),
            pl.BlockSpec((NG, F1), lambda i: (0, 0)),
            pl.BlockSpec((NG, F1), lambda i: (0, 0)),
            pl.BlockSpec((NG, 1), lambda i: (0, 0)),
            pl.BlockSpec((3, F1), lambda i: (0, 0)),
        ],
        out_specs=[
            pl.BlockSpec((_BN, 16), lambda i: (i, 0)),
            pl.BlockSpec((_BN, 16), lambda i: (i, 0)),
        ],
        out_shape=[
            jax.ShapeDtypeStruct((N, 16), jnp.float32),
            jax.ShapeDtypeStruct((N, 16), jnp.float32),
        ],
    )(h, batch3d, sums, sq, gcnt, gn)


def _tcc_body(nb0_ref, nb1_ref, cntc_ref, hA_ref, hB_ref, batch_ref,
              batchc_ref, gcnt_ref,
              sWl_ref, sbl_ref, sWr_ref, w1_ref, b1_ref, w2_ref, b2_ref,
              w3_ref, b3_ref, o_ref, maxacc, sumacc):
    i = pl.program_id(0)

    @pl.when(i == 0)
    def _init():
        maxacc[...] = jnp.full_like(maxacc, -jnp.inf)
        sumacc[...] = jnp.zeros_like(sumacc)

    nb = jnp.concatenate([nb0_ref[...], nb1_ref[...]], axis=1) / cntc_ref[...]
    hn = jnp.concatenate([hA_ref[...], hB_ref[...]], axis=1)
    h2 = jax.nn.relu(jnp.dot(nb, sWl_ref[...], preferred_element_type=jnp.float32)
                     + sbl_ref[...]
                     + jnp.dot(hn, sWr_ref[...], preferred_element_type=jnp.float32))

    bb = batch_ref[0]
    oh = (lax.broadcasted_iota(jnp.int32, (NG, _BN), 0) == bb).astype(jnp.float32)
    sumacc[...] += jnp.dot(oh, h2, preferred_element_type=jnp.float32, precision=lax.Precision.HIGHEST)
    bc = batchc_ref[...]
    for g in range(NG):
        mg = bc == g
        gmax = jnp.max(jnp.where(mg, h2, -jnp.inf), axis=0, keepdims=True)
        maxacc[g:g + 1, :] = jnp.maximum(maxacc[g:g + 1, :], gmax)

    @pl.when(i == _NB - 1)
    def _head():
        x1 = maxacc[...]
        x1 = jnp.where(x1 == -jnp.inf, 0.0, x1)
        x2 = sumacc[...] / jnp.maximum(gcnt_ref[...], 1.0)
        g = jnp.concatenate([x1, x2], axis=1)
        a = jax.nn.relu(jnp.dot(g, w1_ref[...], preferred_element_type=jnp.float32)
                        + b1_ref[...])
        b = jax.nn.relu(jnp.dot(a, w2_ref[...], preferred_element_type=jnp.float32)
                        + b2_ref[...])
        o_ref[...] = jnp.dot(b, w3_ref[...], preferred_element_type=jnp.float32) \
            + b3_ref[...]


def _tc_c(nb0, nb1, cntc, hA, hB, batch3d, batch2d, gcnt,
          sage_Wl, sage_bl, sage_Wr, fc1_W, fc1_b, fc2_W, fc2_b, fc3_W, fc3_b):
    return pl.pallas_call(
        _tcc_body,
        grid=(_NB,),
        in_specs=[
            pl.BlockSpec((_BN, 16), lambda i: (i, 0)),
            pl.BlockSpec((_BN, 16), lambda i: (i, 0)),
            pl.BlockSpec((_BN, 1), lambda i: (i, 0)),
            pl.BlockSpec((_BN, 16), lambda i: (i, 0)),
            pl.BlockSpec((_BN, 16), lambda i: (i, 0)),
            pl.BlockSpec((1, 1, _BN), lambda i: (i, 0, 0)),
            pl.BlockSpec((_BN, 1), lambda i: (i, 0)),
            pl.BlockSpec((NG, 1), lambda i: (0, 0)),
            pl.BlockSpec((F1, HID), lambda i: (0, 0)),
            pl.BlockSpec((1, HID), lambda i: (0, 0)),
            pl.BlockSpec((F1, HID), lambda i: (0, 0)),
            pl.BlockSpec((2 * HID, 1024), lambda i: (0, 0)),
            pl.BlockSpec((1, 1024), lambda i: (0, 0)),
            pl.BlockSpec((1024, 512), lambda i: (0, 0)),
            pl.BlockSpec((1, 512), lambda i: (0, 0)),
            pl.BlockSpec((512, 3), lambda i: (0, 0)),
            pl.BlockSpec((1, 3), lambda i: (0, 0)),
        ],
        out_specs=pl.BlockSpec((NG, 3), lambda i: (0, 0)),
        out_shape=jax.ShapeDtypeStruct((NG, 3), jnp.float32),
        scratch_shapes=[
            pltpu.VMEM((NG, HID), jnp.float32),
            pltpu.VMEM((NG, HID), jnp.float32),
        ],
    )(nb0, nb1, cntc, hA, hB, batch3d, batch2d, gcnt,
      sage_Wl, sage_bl, sage_Wr, fc1_W, fc1_b, fc2_W, fc2_b, fc3_W, fc3_b)


def kernel(x, edge_index, edge_attr, batch, W_l, b_l, W_r, b_r, W_e, att, bias1,
           gn_gamma, gn_beta, gn_alpha, sage_Wl, sage_bl, sage_Wr,
           fc1_W, fc1_b, fc2_W, fc2_b, fc3_W, fc3_b):
    src = edge_index[0]
    dst = edge_index[1]

    wl = W_l[0]
    wr = W_r[0]
    we = W_e[0]
    bsum = b_l + b_r
    attf = att.reshape(F1)
    wpack = jnp.concatenate([wl, wr, we, bsum, attf])
    wsplat = jnp.broadcast_to(wpack[:, None], (160, 16)).reshape(2560)

    acc2 = _make_sc_gat_edges()(src, dst, edge_attr, x,
                                jnp.zeros((N * 9,), jnp.float32), wsplat)
    acc2 = acc2.reshape(_NC, N, 9)
    acc = jnp.concatenate([acc2[0], acc2[1]], axis=1)

    x2d = x.reshape(N, 1)
    batch3d = batch.reshape(_NB, 1, _BN)
    wrow = jnp.stack([wl, wr, we, bsum, attf, b_l + bias1], axis=0)
    g8 = jnp.repeat(jnp.eye(H, dtype=jnp.float32), C, axis=0)

    h, cntc, sums, sq, gcnt = _tc_a(acc, x2d, batch3d, wrow, g8, g8.T)

    gn = jnp.stack([gn_gamma, gn_beta, gn_alpha], axis=0)
    hA, hB = _tc_b(h, batch3d, sums, sq, gcnt, gn)

    nb = _make_sc_sage_edges()(src, dst, hA, hB,
                               jnp.zeros((N, 16), jnp.float32))

    return _tc_c(nb[0], nb[1], cntc, hA, hB, batch3d,
                 batch.reshape(N, 1), gcnt,
                 sage_Wl, sage_bl.reshape(1, HID), sage_Wr,
                 fc1_W, fc1_b.reshape(1, 1024), fc2_W, fc2_b.reshape(1, 512),
                 fc3_W, fc3_b.reshape(1, 3))

# --- scband reference (transcript-rebuilt; emitter-appended) ---
"""Pipeline reference for scband-gat-50500225466774 (READ-ONLY COPY).

The authoritative reference and input builder live on the scoring server;
editing this copy changes nothing except your own understanding.
"""

import jax, jax.numpy as jnp
import numpy as np

N = 100000
E = 1600000
H = 8
C = 4
F1 = H * C  # 32 = heads*out_features, concat=True
HID = 64
NG = 64


def setup_inputs(seed: int = 0) -> dict:
    key = jax.random.key(seed)
    ks = jax.random.split(key, 24)
    s = 0.1
    inp = {}
    inp['x'] = jax.random.normal(ks[0], (N,), dtype=jnp.float32)
    inp['edge_index'] = jax.random.randint(ks[1], (2, E), 0, N, dtype=jnp.int32)
    inp['edge_attr'] = jax.random.normal(ks[2], (E,), dtype=jnp.float32)
    inp['batch'] = jnp.sort(jax.random.randint(ks[3], (N,), 0, NG, dtype=jnp.int32))
    # GATv2Conv(1, 4, heads=8, edge_dim=1, concat=True) params
    inp['W_l'] = jax.random.normal(ks[4], (1, F1), dtype=jnp.float32) * s
    inp['b_l'] = jnp.full((F1,), 0.01, dtype=jnp.float32)
    inp['W_r'] = jax.random.normal(ks[5], (1, F1), dtype=jnp.float32) * s
    inp['b_r'] = jnp.full((F1,), 0.01, dtype=jnp.float32)
    inp['W_e'] = jax.random.normal(ks[6], (1, F1), dtype=jnp.float32) * s
    inp['att'] = jax.random.normal(ks[7], (H, C), dtype=jnp.float32) * s
    inp['bias1'] = jnp.zeros((F1,), dtype=jnp.float32)
    # GraphNorm(32)
    inp['gn_gamma'] = jnp.ones((F1,), dtype=jnp.float32)
    inp['gn_beta'] = jnp.zeros((F1,), dtype=jnp.float32)
    inp['gn_alpha'] = jnp.ones((F1,), dtype=jnp.float32)
    # SAGEConv(32, 64, normalize=False): lin_l on mean-aggr neighbors (bias), lin_r on root (no bias)
    inp['sage_Wl'] = jax.random.normal(ks[8], (F1, HID), dtype=jnp.float32) * s
    inp['sage_bl'] = jnp.full((HID,), 0.01, dtype=jnp.float32)
    inp['sage_Wr'] = jax.random.normal(ks[9], (F1, HID), dtype=jnp.float32) * s
    # fc head: Linear(128,1024) -> Linear(1024,512) -> Linear(512,3)
    inp['fc1_W'] = jax.random.normal(ks[10], (2 * HID, 1024), dtype=jnp.float32) * (s / 4)
    inp['fc1_b'] = jnp.full((1024,), 0.01, dtype=jnp.float32)
    inp['fc2_W'] = jax.random.normal(ks[11], (1024, 512), dtype=jnp.float32) * (s / 8)
    inp['fc2_b'] = jnp.full((512,), 0.01, dtype=jnp.float32)
    inp['fc3_W'] = jax.random.normal(ks[12], (512, 3), dtype=jnp.float32) * (s / 4)
    inp['fc3_b'] = jnp.full((3,), 0.01, dtype=jnp.float32)
    return inp


def reference(x, edge_index, edge_attr, batch, W_l, b_l, W_r, b_r, W_e, att, bias1,
              gn_gamma, gn_beta, gn_alpha, sage_Wl, sage_bl, sage_Wr,
              fc1_W, fc1_b, fc2_W, fc2_b, fc3_W, fc3_b):
    xf = x[:, None]            # [N,1]
    ea = edge_attr[:, None]    # [E,1]
    src = edge_index[0]
    dst = edge_index[1]
    # GATv2Conv add_self_loops=True, fill_value='mean' (per-dst mean of incoming edge_attr)
    ea_sum = jax.ops.segment_sum(ea, dst, num_segments=N)
    ea_cnt = jax.ops.segment_sum(jnp.ones((E, 1), jnp.float32), dst, num_segments=N)
    ea_mean = ea_sum / jnp.maximum(ea_cnt, 1.0)
    loop = jnp.arange(N, dtype=src.dtype)
    src_f = jnp.concatenate([src, loop])
    dst_f = jnp.concatenate([dst, loop])
    ea_f = jnp.concatenate([ea, ea_mean], axis=0)   # [E+N,1]
    x_l = (xf @ W_l + b_l).reshape(N, H, C)
    x_r = (xf @ W_r + b_r).reshape(N, H, C)
    e_emb = (ea_f @ W_e).reshape(-1, H, C)
    m = x_l[src_f] + x_r[dst_f] + e_emb
    m = jax.nn.leaky_relu(m, 0.2)
    alpha = (m * att[None, :, :]).sum(-1)           # [E+N,H]
    amax = jax.ops.segment_max(alpha, dst_f, num_segments=N)
    amax = jnp.where(jnp.isneginf(amax), 0.0, amax)
    aexp = jnp.exp(alpha - amax[dst_f])
    denom = jax.ops.segment_sum(aexp, dst_f, num_segments=N)
    attw = aexp / (denom[dst_f] + 1e-16)
    msg = x_l[src_f] * attw[:, :, None]
    h = jax.ops.segment_sum(msg, dst_f, num_segments=N).reshape(N, F1) + bias1
    h = jax.nn.relu(h)
    # GraphNorm over batch (eval mode, dropout = identity)
    cnt = jnp.maximum(jax.ops.segment_sum(jnp.ones((N,), jnp.float32), batch, num_segments=NG), 1.0)
    mean = jax.ops.segment_sum(h, batch, num_segments=NG) / cnt[:, None]
    hc = h - gn_alpha * mean[batch]
    var = jax.ops.segment_sum(hc * hc, batch, num_segments=NG) / cnt[:, None]
    h = gn_gamma * hc / jnp.sqrt(var[batch] + 1e-5) + gn_beta
    # SAGEConv(32,64) mean aggregation
    nb_sum = jax.ops.segment_sum(h[src], dst, num_segments=N)
    nb_cnt = jnp.maximum(jax.ops.segment_sum(jnp.ones((E,), jnp.float32), dst, num_segments=N), 1.0)
    nb_mean = nb_sum / nb_cnt[:, None]
    h2 = nb_mean @ sage_Wl + sage_bl + h @ sage_Wr
    h2 = jax.nn.relu(h2)
    # global max / mean pool per graph
    x1 = jax.ops.segment_max(h2, batch, num_segments=NG)
    x1 = jnp.where(jnp.isneginf(x1), 0.0, x1)
    x2 = jax.ops.segment_sum(h2, batch, num_segments=NG) / cnt[:, None]
    g = jnp.concatenate([x1, x2], axis=1)           # [NG,128]
    g = jax.nn.relu(g @ fc1_W + fc1_b)
    g = jax.nn.relu(g @ fc2_W + fc2_b)
    return g @ fc3_W + fc3_b                        # [NG,3]

if __name__ == "__main__":
    import jax
    _d = setup_inputs()
    print(jax.jit(kernel)(*tuple(_d.values())))

</pallas_src>

<mosaic_0001>
#map = affine_map<(d0, d1) -> (0)>
#map1 = affine_map<(d0, d1) -> (0, 0)>
module attributes {stable_mosaic.version = 14 : i64} {
  func.func @_sc_gat_edges_body(%arg0: i32, %arg1: i32, %arg2: memref<1600000xi32, #tpu.memory_space<hbm>>, %arg3: memref<1600000xi32, #tpu.memory_space<hbm>>, %arg4: memref<1600000xf32, #tpu.memory_space<hbm>>, %arg5: memref<100000xf32, #tpu.memory_space<hbm>>, %arg6: memref<900000xf32, #tpu.memory_space<hbm>>, %arg7: memref<2560xf32, #tpu.memory_space<hbm>>, %arg8: memref<2x900000xf32, #tpu.memory_space<hbm>>, %arg9: memref<900000xf32, #tpu.memory_space<vmem_shared>>, %arg10: memref<100000xf32, #tpu.memory_space<vmem_shared>>, %arg11: memref<2560xf32, #tpu.memory_space<vmem>>, %arg12: memref<2000xi32, #tpu.memory_space<vmem>>, %arg13: memref<2000xi32, #tpu.memory_space<vmem>>, %arg14: memref<2000xf32, #tpu.memory_space<vmem>>, %arg15: memref<2000xf32, #tpu.memory_space<vmem>>, %arg16: memref<2000xf32, #tpu.memory_space<vmem>>, %arg17: memref<18000xf32, #tpu.memory_space<vmem>>, %arg18: memref<18000xi32, #tpu.memory_space<vmem>>, %arg19: memref<!tpu.dma_semaphore, #tpu.memory_space<semaphore_mem>>, %arg20: memref<!tpu.dma_semaphore, #tpu.memory_space<semaphore_mem>>) attributes {dimension_semantics = [#tpu.dimension_semantics<core_parallel>, #tpu.dimension_semantics<subcore_parallel>], iteration_bounds = array<i64: 2, 16>, scalar_prefetch = 0 : i64, scratch_operands = 12 : i64, tpu.core_type = #tpu.core_type<sc_vector_subcore>, window_params = [{transform_indices = #map}, {transform_indices = #map}, {transform_indices = #map}, {transform_indices = #map}, {transform_indices = #map}, {transform_indices = #map}, {transform_indices = #map1}]} {
    %eq3A = arith.constant 0 : i32
    %eq3A_0 = arith.cmpi eq, %arg1, %eq3A : i32
    %convert_element_type3A = arith.extui %eq3A_0 : i1 to i32
    %cond3A = arith.constant 0 : i32
    %cond3A_1 = arith.cmpi ne, %convert_element_type3A, %cond3A : i32
    scf.if %cond3A_1 {
      "tpu.region"() ({
        %run_scoped3A = tpu.sem_alloc : memref<!tpu.dma_semaphore, #tpu.memory_space<semaphore_mem>>
        tpu.enqueue_dma source(%arg5 : memref<100000xf32, #tpu.memory_space<hbm>>) target(%arg10 : memref<100000xf32, #tpu.memory_space<vmem_shared>>) target_semaphore(%run_scoped3A : memref<!tpu.dma_semaphore, #tpu.memory_space<semaphore_mem>>)
        tpu.wait_dma2 semaphore(%run_scoped3A : memref<!tpu.dma_semaphore, #tpu.memory_space<semaphore_mem>>) src(%arg5 : memref<100000xf32, #tpu.memory_space<hbm>>) dst(%arg10 : memref<100000xf32, #tpu.memory_space<vmem_shared>>)
        tpu.yield
      }) : () -> ()
      "tpu.region"() ({
        %run_scoped3A = tpu.sem_alloc : memref<!tpu.dma_semaphore, #tpu.memory_space<semaphore_mem>>
        tpu.enqueue_dma source(%arg6 : memref<900000xf32, #tpu.memory_space<hbm>>) target(%arg9 : memref<900000xf32, #tpu.memory_space<vmem_shared>>) target_semaphore(%run_scoped3A : memref<!tpu.dma_semaphore, #tpu.memory_space<semaphore_mem>>)
        tpu.wait_dma2 semaphore(%run_scoped3A : memref<!tpu.dma_semaphore, #tpu.memory_space<semaphore_mem>>) src(%arg6 : memref<900000xf32, #tpu.memory_space<hbm>>) dst(%arg9 : memref<900000xf32, #tpu.memory_space<vmem_shared>>)
        tpu.yield
      }) : () -> ()
    } else {
    }
    "tpu.region"() ({
      %run_scoped3A = tpu.sem_alloc : memref<!tpu.dma_semaphore, #tpu.memory_space<semaphore_mem>>
      tpu.enqueue_dma source(%arg7 : memref<2560xf32, #tpu.memory_space<hbm>>) target(%arg11 : memref<2560xf32, #tpu.memory_space<vmem>>) target_semaphore(%run_scoped3A : memref<!tpu.dma_semaphore, #tpu.memory_space<semaphore_mem>>)
      tpu.wait_dma2 semaphore(%run_scoped3A : memref<!tpu.dma_semaphore, #tpu.memory_space<semaphore_mem>>) src(%arg7 : memref<2560xf32, #tpu.memory_space<hbm>>) dst(%arg11 : memref<2560xf32, #tpu.memory_space<vmem>>)
      tpu.yield
    }) : () -> ()
    %barrier3A = arith.constant 0 : index
    tpu.barrier barrier_id(%barrier3A)
    %eq3A_2 = arith.constant 0 : i32
    %eq3A_3 = arith.cmpi eq, %arg0, %eq3A_2 : i32
    %convert_element_type3A_4 = arith.extui %eq3A_3 : i1 to i32
    %cond3A_5 = arith.constant 0 : i32
    %cond3A_6 = arith.cmpi ne, %convert_element_type3A_4, %cond3A_5 : i32
    scf.if %cond3A_6 {
      %scan3A = arith.constant 0 : i32
      %scan3A_18 = arith.constant 0 : i32
      %scan3A_19 = arith.constant 50 : i32
      %scan3A_20 = arith.addi %scan3A_18, %scan3A_19 : i32
      %scan3A_21 = arith.constant 1 : i32
      scf.for %scan3A_23 = %scan3A_18 to %scan3A_20 step %scan3A_21  : i32 {
        %mul3A = arith.constant 100000 : i32
        %mul3A_24 = arith.muli %arg1, %mul3A : i32
        %mul3A_25 = arith.constant 2000 : i32
        %mul3A_26 = arith.muli %scan3A_23, %mul3A_25 : i32
        %add3A = arith.addi %mul3A_24, %mul3A_26 : i32
        "tpu.region"() ({
          %run_scoped3A = tpu.sem_alloc : memref<!tpu.dma_semaphore, #tpu.memory_space<semaphore_mem>>
          %dma_start3A_39 = tpu.memref_slice %arg2[%add3A] : memref<1600000xi32, #tpu.memory_space<hbm>> -> memref<2000xi32, #tpu.memory_space<hbm>>
          %dma_start3A_40 = tpu.memref_slice %arg2[%add3A] : memref<1600000xi32, #tpu.memory_space<hbm>> -> memref<2000xi32, #tpu.memory_space<hbm>>
          tpu.enqueue_dma source(%dma_start3A_40 : memref<2000xi32, #tpu.memory_space<hbm>>) target(%arg12 : memref<2000xi32, #tpu.memory_space<vmem>>) target_semaphore(%run_scoped3A : memref<!tpu.dma_semaphore, #tpu.memory_space<semaphore_mem>>)
          %dma_wait3A_41 = tpu.memref_slice %arg2[%add3A] : memref<1600000xi32, #tpu.memory_space<hbm>> -> memref<2000xi32, #tpu.memory_space<hbm>>
          %dma_wait3A_42 = tpu.memref_slice %arg2[%add3A] : memref<1600000xi32, #tpu.memory_space<hbm>> -> memref<2000xi32, #tpu.memory_space<hbm>>
          tpu.wait_dma2 semaphore(%run_scoped3A : memref<!tpu.dma_semaphore, #tpu.memory_space<semaphore_mem>>) src(%dma_wait3A_42 : memref<2000xi32, #tpu.memory_space<hbm>>) dst(%arg12 : memref<2000xi32, #tpu.memory_space<vmem>>)
          tpu.yield
        }) : () -> ()
        "tpu.region"() ({
          %run_scoped3A = tpu.sem_alloc : memref<!tpu.dma_semaphore, #tpu.memory_space<semaphore_mem>>
          %dma_start3A_39 = tpu.memref_slice %arg3[%add3A] : memref<1600000xi32, #tpu.memory_space<hbm>> -> memref<2000xi32, #tpu.memory_space<hbm>>
          %dma_start3A_40 = tpu.memref_slice %arg3[%add3A] : memref<1600000xi32, #tpu.memory_space<hbm>> -> memref<2000xi32, #tpu.memory_space<hbm>>
          tpu.enqueue_dma source(%dma_start3A_40 : memref<2000xi32, #tpu.memory_space<hbm>>) target(%arg13 : memref<2000xi32, #tpu.memory_space<vmem>>) target_semaphore(%run_scoped3A : memref<!tpu.dma_semaphore, #tpu.memory_space<semaphore_mem>>)
          %dma_wait3A_41 = tpu.memref_slice %arg3[%add3A] : memref<1600000xi32, #tpu.memory_space<hbm>> -> memref<2000xi32, #tpu.memory_space<hbm>>
          %dma_wait3A_42 = tpu.memref_slice %arg3[%add3A] : memref<1600000xi32, #tpu.memory_space<hbm>> -> memref<2000xi32, #tpu.memory_space<hbm>>
          tpu.wait_dma2 semaphore(%run_scoped3A : memref<!tpu.dma_semaphore, #tpu.memory_space<semaphore_mem>>) src(%dma_wait3A_42 : memref<2000xi32, #tpu.memory_space<hbm>>) dst(%arg13 : memref<2000xi32, #tpu.memory_space<vmem>>)
          tpu.yield
        }) : () -> ()
        "tpu.region"() ({
          %run_scoped3A = tpu.sem_alloc : memref<!tpu.dma_semaphore, #tpu.memory_space<semaphore_mem>>
          %dma_start3A_39 = tpu.memref_slice %arg4[%add3A] : memref<1600000xf32, #tpu.memory_space<hbm>> -> memref<2000xf32, #tpu.memory_space<hbm>>
          %dma_start3A_40 = tpu.memref_slice %arg4[%add3A] : memref<1600000xf32, #tpu.memory_space<hbm>> -> memref<2000xf32, #tpu.memory_space<hbm>>
          tpu.enqueue_dma source(%dma_start3A_40 : memref<2000xf32, #tpu.memory_space<hbm>>) target(%arg14 : memref<2000xf32, #tpu.memory_space<vmem>>) target_semaphore(%run_scoped3A : memref<!tpu.dma_semaphore, #tpu.memory_space<semaphore_mem>>)
          %dma_wait3A_41 = tpu.memref_slice %arg4[%add3A] : memref<1600000xf32, #tpu.memory_space<hbm>> -> memref<2000xf32, #tpu.memory_space<hbm>>
          %dma_wait3A_42 = tpu.memref_slice %arg4[%add3A] : memref<1600000xf32, #tpu.memory_space<hbm>> -> memref<2000xf32, #tpu.memory_space<hbm>>
          tpu.wait_dma2 semaphore(%run_scoped3A : memref<!tpu.dma_semaphore, #tpu.memory_space<semaphore_mem>>) src(%dma_wait3A_42 : memref<2000xf32, #tpu.memory_space<hbm>>) dst(%arg14 : memref<2000xf32, #tpu.memory_space<vmem>>)
          tpu.yield
        }) : () -> ()
        %dma_start3A = arith.constant 0 : i32
        %dma_start3A_27 = tpu.memref_slice %arg10[%dma_start3A] : memref<100000xf32, #tpu.memory_space<vmem_shared>> -> memref<100000xf32, #tpu.memory_space<vmem_shared>>
        tpu.enqueue_indirect_dma source(%dma_start3A_27 : memref<100000xf32, #tpu.memory_space<vmem_shared>>) target(%arg15 : memref<2000xf32, #tpu.memory_space<vmem>>) offsets(%arg12 : memref<2000xi32, #tpu.memory_space<vmem>>) semaphore(%arg19 : memref<!tpu.dma_semaphore, #tpu.memory_space<semaphore_mem>>)
        %dma_start3A_28 = arith.constant 0 : i32
        %dma_start3A_29 = tpu.memref_slice %arg10[%dma_start3A_28] : memref<100000xf32, #tpu.memory_space<vmem_shared>> -> memref<100000xf32, #tpu.memory_space<vmem_shared>>
        tpu.enqueue_indirect_dma source(%dma_start3A_29 : memref<100000xf32, #tpu.memory_space<vmem_shared>>) target(%arg16 : memref<2000xf32, #tpu.memory_space<vmem>>) offsets(%arg13 : memref<2000xi32, #tpu.memory_space<vmem>>) semaphore(%arg20 : memref<!tpu.dma_semaphore, #tpu.memory_space<semaphore_mem>>)
        %dma_wait3A = arith.constant 0 : i32
        %dma_wait3A_30 = tpu.memref_slice %arg10[%dma_wait3A] : memref<100000xf32, #tpu.memory_space<vmem_shared>> -> memref<100000xf32, #tpu.memory_space<vmem_shared>>
        tpu.wait_indirect_dma semaphore(%arg19 : memref<!tpu.dma_semaphore, #tpu.memory_space<semaphore_mem>>) src(%dma_wait3A_30 : memref<100000xf32, #tpu.memory_space<vmem_shared>>) dst(%arg15 : memref<2000xf32, #tpu.memory_space<vmem>>)
        %dma_wait3A_31 = arith.constant 0 : i32
        %dma_wait3A_32 = tpu.memref_slice %arg10[%dma_wait3A_31] : memref<100000xf32, #tpu.memory_space<vmem_shared>> -> memref<100000xf32, #tpu.memory_space<vmem_shared>>
        tpu.wait_indirect_dma semaphore(%arg20 : memref<!tpu.dma_semaphore, #tpu.memory_space<semaphore_mem>>) src(%dma_wait3A_32 : memref<100000xf32, #tpu.memory_space<vmem_shared>>) dst(%arg16 : memref<2000xf32, #tpu.memory_space<vmem>>)
        %scan3A_33 = arith.constant 0 : i32
        %scan3A_34 = arith.constant 0 : i32
        %scan3A_35 = arith.constant 125 : i32
        %scan3A_36 = arith.addi %scan3A_34, %scan3A_35 : i32
        %scan3A_37 = arith.constant 1 : i32
        scf.for %scan3A_39 = %scan3A_34 to %scan3A_36 step %scan3A_37  : i32 {
          %mul3A_40 = arith.constant 16 : i32
          %mul3A_41 = arith.muli %scan3A_39, %mul3A_40 : i32
          %get3A = arith.index_cast %mul3A_41 : i32 to index
          %get3A_42 = tpu.vector_load %arg15[%get3A] {strides = array<i32>} : memref<2000xf32, #tpu.memory_space<vmem>>, vector<16xf32>,
          %get3A_43 = vector.shape_cast %get3A_42 : vector<16xf32> to vector<16xf32>
          %get3A_44 = arith.index_cast %mul3A_41 : i32 to index
          %get3A_45 = tpu.vector_load %arg16[%get3A_44] {strides = array<i32>} : memref<2000xf32, #tpu.memory_space<vmem>>, vector<16xf32>,
          %get3A_46 = vector.shape_cast %get3A_45 : vector<16xf32> to vector<16xf32>
          %get3A_47 = arith.index_cast %mul3A_41 : i32 to index
          %get3A_48 = tpu.vector_load %arg14[%get3A_47] {strides = array<i32>} : memref<2000xf32, #tpu.memory_space<vmem>>, vector<16xf32>,
          %get3A_49 = vector.shape_cast %get3A_48 : vector<16xf32> to vector<16xf32>
          %get3A_50 = arith.index_cast %mul3A_41 : i32 to index
          %get3A_51 = tpu.vector_load %arg13[%get3A_50] {strides = array<i32>} : memref<2000xi32, #tpu.memory_space<vmem>>, vector<16xi32>,
          %get3A_52 = vector.shape_cast %get3A_51 : vector<16xi32> to vector<16xi32>
          %mul3A_53 = arith.constant 9 : i32
          %mul3A_54 = vector.broadcast %mul3A_53 : i32 to vector<16xi32>
          %mul3A_55 = arith.muli %get3A_52, %mul3A_54 : vector<16xi32>
          %broadcast_in_dim3A = arith.constant 0.000000e+00 : f32
          %broadcast_in_dim3A_56 = vector.broadcast %broadcast_in_dim3A : f32 to vector<16xf32>
          %get3A_57 = arith.constant 0 : index
          %get3A_58 = tpu.vector_load %arg11[%get3A_57] {strides = array<i32>} : memref<2560xf32, #tpu.memory_space<vmem>>, vector<16xf32>,
          %get3A_59 = vector.shape_cast %get3A_58 : vector<16xf32> to vector<16xf32>
          %mul3A_60 = arith.mulf %get3A_43, %get3A_59 : vector<16xf32>
          %get3A_61 = arith.constant 512 : index
          %get3A_62 = tpu.vector_load %arg11[%get3A_61] {strides = array<i32>} : memref<2560xf32, #tpu.memory_space<vmem>>, vector<16xf32>,
          %get3A_63 = vector.shape_cast %get3A_62 : vector<16xf32> to vector<16xf32>
          %mul3A_64 = arith.mulf %get3A_46, %get3A_63 : vector<16xf32>
          %add3A_65 = arith.addf %mul3A_60, %mul3A_64 : vector<16xf32>
          %get3A_66 = arith.constant 1024 : index
          %get3A_67 = tpu.vector_load %arg11[%get3A_66] {strides = array<i32>} : memref<2560xf32, #tpu.memory_space<vmem>>, vector<16xf32>,
          %get3A_68 = vector.shape_cast %get3A_67 : vector<16xf32> to vector<16xf32>
          %mul3A_69 = arith.mulf %get3A_49, %get3A_68 : vector<16xf32>
          %add3A_70 = arith.addf %add3A_65, %mul3A_69 : vector<16xf32>
          %get3A_71 = arith.constant 1536 : index
          %get3A_72 = tpu.vector_load %arg11[%get3A_71] {strides = array<i32>} : memref<2560xf32, #tpu.memory_space<vmem>>, vector<16xf32>,
          %get3A_73 = vector.shape_cast %get3A_72 : vector<16xf32> to vector<16xf32>
          %add3A_74 = arith.addf %add3A_70, %get3A_73 : vector<16xf32>
          %mul3A_75 = arith.constant 6.000000e-01 : f32
          %mul3A_76 = vector.broadcast %mul3A_75 : f32 to vector<16xf32>
          %mul3A_77 = arith.mulf %mul3A_76, %add3A_74 : vector<16xf32>
          %abs3A = math.absf %add3A_74 : vector<16xf32>
          %mul3A_78 = arith.constant 4.000000e-01 : f32
          %mul3A_79 = vector.broadcast %mul3A_78 : f32 to vector<16xf32>
          %mul3A_80 = arith.mulf %mul3A_79, %abs3A : vector<16xf32>
          %add3A_81 = arith.addf %mul3A_77, %mul3A_80 : vector<16xf32>
          %get3A_82 = arith.constant 2048 : index
          %get3A_83 = tpu.vector_load %arg11[%get3A_82] {strides = array<i32>} : memref<2560xf32, #tpu.memory_space<vmem>>, vector<16xf32>,
          %get3A_84 = vector.shape_cast %get3A_83 : vector<16xf32> to vector<16xf32>
          %mul3A_85 = arith.mulf %get3A_84, %add3A_81 : vector<16xf32>
          %add3A_86 = arith.addf %broadcast_in_dim3A_56, %mul3A_85 : vector<16xf32>
          %get3A_87 = arith.constant 16 : index
          %get3A_88 = tpu.vector_load %arg11[%get3A_87] {strides = array<i32>} : memref<2560xf32, #tpu.memory_space<vmem>>, vector<16xf32>,
          %get3A_89 = vector.shape_cast %get3A_88 : vector<16xf32> to vector<16xf32>
          %mul3A_90 = arith.mulf %get3A_43, %get3A_89 : vector<16xf32>
          %get3A_91 = arith.constant 528 : index
          %get3A_92 = tpu.vector_load %arg11[%get3A_91] {strides = array<i32>} : memref<2560xf32, #tpu.memory_space<vmem>>, vector<16xf32>,
          %get3A_93 = vector.shape_cast %get3A_92 : vector<16xf32> to vector<16xf32>
          %mul3A_94 = arith.mulf %get3A_46, %get3A_93 : vector<16xf32>
          %add3A_95 = arith.addf %mul3A_90, %mul3A_94 : vector<16xf32>
          %get3A_96 = arith.constant 1040 : index
          %get3A_97 = tpu.vector_load %arg11[%get3A_96] {strides = array<i32>} : memref<2560xf32, #tpu.memory_space<vmem>>, vector<16xf32>,
          %get3A_98 = vector.shape_cast %get3A_97 : vector<16xf32> to vector<16xf32>
          %mul3A_99 = arith.mulf %get3A_49, %get3A_98 : vector<16xf32>
          %add3A_100 = arith.addf %add3A_95, %mul3A_99 : vector<16xf32>
          %get3A_101 = arith.constant 1552 : index
          %get3A_102 = tpu.vector_load %arg11[%get3A_101] {strides = array<i32>} : memref<2560xf32, #tpu.memory_space<vmem>>, vector<16xf32>,
          %get3A_103 = vector.shape_cast %get3A_102 : vector<16xf32> to vector<16xf32>
          %add3A_104 = arith.addf %add3A_100, %get3A_103 : vector<16xf32>
          %mul3A_105 = arith.constant 6.000000e-01 : f32
          %mul3A_106 = vector.broadcast %mul3A_105 : f32 to vector<16xf32>
          %mul3A_107 = arith.mulf %mul3A_106, %add3A_104 : vector<16xf32>
          %abs3A_108 = math.absf %add3A_104 : vector<16xf32>
          %mul3A_109 = arith.constant 4.000000e-01 : f32
          %mul3A_110 = vector.broadcast %mul3A_109 : f32 to vector<16xf32>
          %mul3A_111 = arith.mulf %mul3A_110, %abs3A_108 : vector<16xf32>
          %add3A_112 = arith.addf %mul3A_107, %mul3A_111 : vector<16xf32>
          %get3A_113 = arith.constant 2064 : index
          %get3A_114 = tpu.vector_load %arg11[%get3A_113] {strides = array<i32>} : memref<2560xf32, #tpu.memory_space<vmem>>, vector<16xf32>,
          %get3A_115 = vector.shape_cast %get3A_114 : vector<16xf32> to vector<16xf32>
          %mul3A_116 = arith.mulf %get3A_115, %add3A_112 : vector<16xf32>
          %add3A_117 = arith.addf %add3A_86, %mul3A_116 : vector<16xf32>
          %get3A_118 = arith.constant 32 : index
          %get3A_119 = tpu.vector_load %arg11[%get3A_118] {strides = array<i32>} : memref<2560xf32, #tpu.memory_space<vmem>>, vector<16xf32>,
          %get3A_120 = vector.shape_cast %get3A_119 : vector<16xf32> to vector<16xf32>
          %mul3A_121 = arith.mulf %get3A_43, %get3A_120 : vector<16xf32>
          %get3A_122 = arith.constant 544 : index
          %get3A_123 = tpu.vector_load %arg11[%get3A_122] {strides = array<i32>} : memref<2560xf32, #tpu.memory_space<vmem>>, vector<16xf32>,
          %get3A_124 = vector.shape_cast %get3A_123 : vector<16xf32> to vector<16xf32>
          %mul3A_125 = arith.mulf %get3A_46, %get3A_124 : vector<16xf32>
          %add3A_126 = arith.addf %mul3A_121, %mul3A_125 : vector<16xf32>
          %get3A_127 = arith.constant 1056 : index
          %get3A_128 = tpu.vector_load %arg11[%get3A_127] {strides = array<i32>} : memref<2560xf32, #tpu.memory_space<vmem>>, vector<16xf32>,
          %get3A_129 = vector.shape_cast %get3A_128 : vector<16xf32> to vector<16xf32>
          %mul3A_130 = arith.mulf %get3A_49, %get3A_129 : vector<16xf32>
          %add3A_131 = arith.addf %add3A_126, %mul3A_130 : vector<16xf32>
          %get3A_132 = arith.constant 1568 : index
          %get3A_133 = tpu.vector_load %arg11[%get3A_132] {strides = array<i32>} : memref<2560xf32, #tpu.memory_space<vmem>>, vector<16xf32>,
          %get3A_134 = vector.shape_cast %get3A_133 : vector<16xf32> to vector<16xf32>
          %add3A_135 = arith.addf %add3A_131, %get3A_134 : vector<16xf32>
          %mul3A_136 = arith.constant 6.000000e-01 : f32
          %mul3A_137 = vector.broadcast %mul3A_136 : f32 to vector<16xf32>
          %mul3A_138 = arith.mulf %mul3A_137, %add3A_135 : vector<16xf32>
          %abs3A_139 = math.absf %add3A_135 : vector<16xf32>
          %mul3A_140 = arith.constant 4.000000e-01 : f32
          %mul3A_141 = vector.broadcast %mul3A_140 : f32 to vector<16xf32>
          %mul3A_142 = arith.mulf %mul3A_141, %abs3A_139 : vector<16xf32>
          %add3A_143 = arith.addf %mul3A_138, %mul3A_142 : vector<16xf32>
          %get3A_144 = arith.constant 2080 : index
          %get3A_145 = tpu.vector_load %arg11[%get3A_144] {strides = array<i32>} : memref<2560xf32, #tpu.memory_space<vmem>>, vector<16xf32>,
          %get3A_146 = vector.shape_cast %get3A_145 : vector<16xf32> to vector<16xf32>
          %mul3A_147 = arith.mulf %get3A_146, %add3A_143 : vector<16xf32>
          %add3A_148 = arith.addf %add3A_117, %mul3A_147 : vector<16xf32>
          %get3A_149 = arith.constant 48 : index
          %get3A_150 = tpu.vector_load %arg11[%get3A_149] {strides = array<i32>} : memref<2560xf32, #tpu.memory_space<vmem>>, vector<16xf32>,
          %get3A_151 = vector.shape_cast %get3A_150 : vector<16xf32> to vector<16xf32>
          %mul3A_152 = arith.mulf %get3A_43, %get3A_151 : vector<16xf32>
          %get3A_153 = arith.constant 560 : index
          %get3A_154 = tpu.vector_load %arg11[%get3A_153] {strides = array<i32>} : memref<2560xf32, #tpu.memory_space<vmem>>, vector<16xf32>,
          %get3A_155 = vector.shape_cast %get3A_154 : vector<16xf32> to vector<16xf32>
          %mul3A_156 = arith.mulf %get3A_46, %get3A_155 : vector<16xf32>
          %add3A_157 = arith.addf %mul3A_152, %mul3A_156 : vector<16xf32>
          %get3A_158 = arith.constant 1072 : index
          %get3A_159 = tpu.vector_load %arg11[%get3A_158] {strides = array<i32>} : memref<2560xf32, #tpu.memory_space<vmem>>, vector<16xf32>,
          %get3A_160 = vector.shape_cast %get3A_159 : vector<16xf32> to vector<16xf32>
          %mul3A_161 = arith.mulf %get3A_49, %get3A_160 : vector<16xf32>
          %add3A_162 = arith.addf %add3A_157, %mul3A_161 : vector<16xf32>
          %get3A_163 = arith.constant 1584 : index
          %get3A_164 = tpu.vector_load %arg11[%get3A_163] {strides = array<i32>} : memref<2560xf32, #tpu.memory_space<vmem>>, vector<16xf32>,
          %get3A_165 = vector.shape_cast %get3A_164 : vector<16xf32> to vector<16xf32>
          %add3A_166 = arith.addf %add3A_162, %get3A_165 : vector<16xf32>
          %mul3A_167 = arith.constant 6.000000e-01 : f32
          %mul3A_168 = vector.broadcast %mul3A_167 : f32 to vector<16xf32>
          %mul3A_169 = arith.mulf %mul3A_168, %add3A_166 : vector<16xf32>
          %abs3A_170 = math.absf %add3A_166 : vector<16xf32>
          %mul3A_171 = arith.constant 4.000000e-01 : f32
          %mul3A_172 = vector.broadcast %mul3A_171 : f32 to vector<16xf32>
          %mul3A_173 = arith.mulf %mul3A_172, %abs3A_170 : vector<16xf32>
          %add3A_174 = arith.addf %mul3A_169, %mul3A_173 : vector<16xf32>
          %get3A_175 = arith.constant 2096 : index
          %get3A_176 = tpu.vector_load %arg11[%get3A_175] {strides = array<i32>} : memref<2560xf32, #tpu.memory_space<vmem>>, vector<16xf32>,
          %get3A_177 = vector.shape_cast %get3A_176 : vector<16xf32> to vector<16xf32>
          %mul3A_178 = arith.mulf %get3A_177, %add3A_174 : vector<16xf32>
          %add3A_179 = arith.addf %add3A_148, %mul3A_178 : vector<16xf32>
          %exp3A = math.exp %add3A_179 : vector<16xf32>
          %broadcast_in_dim3A_180 = arith.constant 0.000000e+00 : f32
          %broadcast_in_dim3A_181 = vector.broadcast %broadcast_in_dim3A_180 : f32 to vector<16xf32>
          %get3A_182 = arith.constant 64 : index
          %get3A_183 = tpu.vector_load %arg11[%get3A_182] {strides = array<i32>} : memref<2560xf32, #tpu.memory_space<vmem>>, vector<16xf32>,
          %get3A_184 = vector.shape_cast %get3A_183 : vector<16xf32> to vector<16xf32>
          %mul3A_185 = arith.mulf %get3A_43, %get3A_184 : vector<16xf32>
          %get3A_186 = arith.constant 576 : index
          %get3A_187 = tpu.vector_load %arg11[%get3A_186] {strides = array<i32>} : memref<2560xf32, #tpu.memory_space<vmem>>, vector<16xf32>,
          %get3A_188 = vector.shape_cast %get3A_187 : vector<16xf32> to vector<16xf32>
          %mul3A_189 = arith.mulf %get3A_46, %get3A_188 : vector<16xf32>
          %add3A_190 = arith.addf %mul3A_185, %mul3A_189 : vector<16xf32>
          %get3A_191 = arith.constant 1088 : index
          %get3A_192 = tpu.vector_load %arg11[%get3A_191] {strides = array<i32>} : memref<2560xf32, #tpu.memory_space<vmem>>, vector<16xf32>,
          %get3A_193 = vector.shape_cast %get3A_192 : vector<16xf32> to vector<16xf32>
          %mul3A_194 = arith.mulf %get3A_49, %get3A_193 : vector<16xf32>
          %add3A_195 = arith.addf %add3A_190, %mul3A_194 : vector<16xf32>
          %get3A_196 = arith.constant 1600 : index
          %get3A_197 = tpu.vector_load %arg11[%get3A_196] {strides = array<i32>} : memref<2560xf32, #tpu.memory_space<vmem>>, vector<16xf32>,
          %get3A_198 = vector.shape_cast %get3A_197 : vector<16xf32> to vector<16xf32>
          %add3A_199 = arith.addf %add3A_195, %get3A_198 : vector<16xf32>
          %mul3A_200 = arith.constant 6.000000e-01 : f32
          %mul3A_201 = vector.broadcast %mul3A_200 : f32 to vector<16xf32>
          %mul3A_202 = arith.mulf %mul3A_201, %add3A_199 : vector<16xf32>
          %abs3A_203 = math.absf %add3A_199 : vector<16xf32>
          %mul3A_204 = arith.constant 4.000000e-01 : f32
          %mul3A_205 = vector.broadcast %mul3A_204 : f32 to vector<16xf32>
          %mul3A_206 = arith.mulf %mul3A_205, %abs3A_203 : vector<16xf32>
          %add3A_207 = arith.addf %mul3A_202, %mul3A_206 : vector<16xf32>
          %get3A_208 = arith.constant 2112 : index
          %get3A_209 = tpu.vector_load %arg11[%get3A_208] {strides = array<i32>} : memref<2560xf32, #tpu.memory_space<vmem>>, vector<16xf32>,
          %get3A_210 = vector.shape_cast %get3A_209 : vector<16xf32> to vector<16xf32>
          %mul3A_211 = arith.mulf %get3A_210, %add3A_207 : vector<16xf32>
          %add3A_212 = arith.addf %broadcast_in_dim3A_181, %mul3A_211 : vector<16xf32>
          %get3A_213 = arith.constant 80 : index
          %get3A_214 = tpu.vector_load %arg11[%get3A_213] {strides = array<i32>} : memref<2560xf32, #tpu.memory_space<vmem>>, vector<16xf32>,
          %get3A_215 = vector.shape_cast %get3A_214 : vector<16xf32> to vector<16xf32>
          %mul3A_216 = arith.mulf %get3A_43, %get3A_215 : vector<16xf32>
          %get3A_217 = arith.constant 592 : index
          %get3A_218 = tpu.vector_load %arg11[%get3A_217] {strides = array<i32>} : memref<2560xf32, #tpu.memory_space<vmem>>, vector<16xf32>,
          %get3A_219 = vector.shape_cast %get3A_218 : vector<16xf32> to vector<16xf32>
          %mul3A_220 = arith.mulf %get3A_46, %get3A_219 : vector<16xf32>
          %add3A_221 = arith.addf %mul3A_216, %mul3A_220 : vector<16xf32>
          %get3A_222 = arith.constant 1104 : index
          %get3A_223 = tpu.vector_load %arg11[%get3A_222] {strides = array<i32>} : memref<2560xf32, #tpu.memory_space<vmem>>, vector<16xf32>,
          %get3A_224 = vector.shape_cast %get3A_223 : vector<16xf32> to vector<16xf32>
          %mul3A_225 = arith.mulf %get3A_49, %get3A_224 : vector<16xf32>
          %add3A_226 = arith.addf %add3A_221, %mul3A_225 : vector<16xf32>
          %get3A_227 = arith.constant 1616 : index
          %get3A_228 = tpu.vector_load %arg11[%get3A_227] {strides = array<i32>} : memref<2560xf32, #tpu.memory_space<vmem>>, vector<16xf32>,
          %get3A_229 = vector.shape_cast %get3A_228 : vector<16xf32> to vector<16xf32>
          %add3A_230 = arith.addf %add3A_226, %get3A_229 : vector<16xf32>
          %mul3A_231 = arith.constant 6.000000e-01 : f32
          %mul3A_232 = vector.broadcast %mul3A_231 : f32 to vector<16xf32>
          %mul3A_233 = arith.mulf %mul3A_232, %add3A_230 : vector<16xf32>
          %abs3A_234 = math.absf %add3A_230 : vector<16xf32>
          %mul3A_235 = arith.constant 4.000000e-01 : f32
          %mul3A_236 = vector.broadcast %mul3A_235 : f32 to vector<16xf32>
          %mul3A_237 = arith.mulf %mul3A_236, %abs3A_234 : vector<16xf32>
          %add3A_238 = arith.addf %mul3A_233, %mul3A_237 : vector<16xf32>
          %get3A_239 = arith.constant 2128 : index
          %get3A_240 = tpu.vector_load %arg11[%get3A_239] {strides = array<i32>} : memref<2560xf32, #tpu.memory_space<vmem>>, vector<16xf32>,
          %get3A_241 = vector.shape_cast %get3A_240 : vector<16xf32> to vector<16xf32>
          %mul3A_242 = arith.mulf %get3A_241, %add3A_238 : vector<16xf32>
          %add3A_243 = arith.addf %add3A_212, %mul3A_242 : vector<16xf32>
          %get3A_244 = arith.constant 96 : index
          %get3A_245 = tpu.vector_load %arg11[%get3A_244] {strides = array<i32>} : memref<2560xf32, #tpu.memory_space<vmem>>, vector<16xf32>,
          %get3A_246 = vector.shape_cast %get3A_245 : vector<16xf32> to vector<16xf32>
          %mul3A_247 = arith.mulf %get3A_43, %get3A_246 : vector<16xf32>
          %get3A_248 = arith.constant 608 : index
          %get3A_249 = tpu.vector_load %arg11[%get3A_248] {strides = array<i32>} : memref<2560xf32, #tpu.memory_space<vmem>>, vector<16xf32>,
          %get3A_250 = vector.shape_cast %get3A_249 : vector<16xf32> to vector<16xf32>
          %mul3A_251 = arith.mulf %get3A_46, %get3A_250 : vector<16xf32>
          %add3A_252 = arith.addf %mul3A_247, %mul3A_251 : vector<16xf32>
          %get3A_253 = arith.constant 1120 : index
          %get3A_254 = tpu.vector_load %arg11[%get3A_253] {strides = array<i32>} : memref<2560xf32, #tpu.memory_space<vmem>>, vector<16xf32>,
          %get3A_255 = vector.shape_cast %get3A_254 : vector<16xf32> to vector<16xf32>
          %mul3A_256 = arith.mulf %get3A_49, %get3A_255 : vector<16xf32>
          %add3A_257 = arith.addf %add3A_252, %mul3A_256 : vector<16xf32>
          %get3A_258 = arith.constant 1632 : index
          %get3A_259 = tpu.vector_load %arg11[%get3A_258] {strides = array<i32>} : memref<2560xf32, #tpu.memory_space<vmem>>, vector<16xf32>,
          %get3A_260 = vector.shape_cast %get3A_259 : vector<16xf32> to vector<16xf32>
          %add3A_261 = arith.addf %add3A_257, %get3A_260 : vector<16xf32>
          %mul3A_262 = arith.constant 6.000000e-01 : f32
          %mul3A_263 = vector.broadcast %mul3A_262 : f32 to vector<16xf32>
          %mul3A_264 = arith.mulf %mul3A_263, %add3A_261 : vector<16xf32>
          %abs3A_265 = math.absf %add3A_261 : vector<16xf32>
          %mul3A_266 = arith.constant 4.000000e-01 : f32
          %mul3A_267 = vector.broadcast %mul3A_266 : f32 to vector<16xf32>
          %mul3A_268 = arith.mulf %mul3A_267, %abs3A_265 : vector<16xf32>
          %add3A_269 = arith.addf %mul3A_264, %mul3A_268 : vector<16xf32>
          %get3A_270 = arith.constant 2144 : index
          %get3A_271 = tpu.vector_load %arg11[%get3A_270] {strides = array<i32>} : memref<2560xf32, #tpu.memory_space<vmem>>, vector<16xf32>,
          %get3A_272 = vector.shape_cast %get3A_271 : vector<16xf32> to vector<16xf32>
          %mul3A_273 = arith.mulf %get3A_272, %add3A_269 : vector<16xf32>
          %add3A_274 = arith.addf %add3A_243, %mul3A_273 : vector<16xf32>
          %get3A_275 = arith.constant 112 : index
          %get3A_276 = tpu.vector_load %arg11[%get3A_275] {strides = array<i32>} : memref<2560xf32, #tpu.memory_space<vmem>>, vector<16xf32>,
          %get3A_277 = vector.shape_cast %get3A_276 : vector<16xf32> to vector<16xf32>
          %mul3A_278 = arith.mulf %get3A_43, %get3A_277 : vector<16xf32>
          %get3A_279 = arith.constant 624 : index
          %get3A_280 = tpu.vector_load %arg11[%get3A_279] {strides = array<i32>} : memref<2560xf32, #tpu.memory_space<vmem>>, vector<16xf32>,
          %get3A_281 = vector.shape_cast %get3A_280 : vector<16xf32> to vector<16xf32>
          %mul3A_282 = arith.mulf %get3A_46, %get3A_281 : vector<16xf32>
          %add3A_283 = arith.addf %mul3A_278, %mul3A_282 : vector<16xf32>
          %get3A_284 = arith.constant 1136 : index
          %get3A_285 = tpu.vector_load %arg11[%get3A_284] {strides = array<i32>} : memref<2560xf32, #tpu.memory_space<vmem>>, vector<16xf32>,
          %get3A_286 = vector.shape_cast %get3A_285 : vector<16xf32> to vector<16xf32>
          %mul3A_287 = arith.mulf %get3A_49, %get3A_286 : vector<16xf32>
          %add3A_288 = arith.addf %add3A_283, %mul3A_287 : vector<16xf32>
          %get3A_289 = arith.constant 1648 : index
          %get3A_290 = tpu.vector_load %arg11[%get3A_289] {strides = array<i32>} : memref<2560xf32, #tpu.memory_space<vmem>>, vector<16xf32>,
          %get3A_291 = vector.shape_cast %get3A_290 : vector<16xf32> to vector<16xf32>
          %add3A_292 = arith.addf %add3A_288, %get3A_291 : vector<16xf32>
          %mul3A_293 = arith.constant 6.000000e-01 : f32
          %mul3A_294 = vector.broadcast %mul3A_293 : f32 to vector<16xf32>
          %mul3A_295 = arith.mulf %mul3A_294, %add3A_292 : vector<16xf32>
          %abs3A_296 = math.absf %add3A_292 : vector<16xf32>
          %mul3A_297 = arith.constant 4.000000e-01 : f32
          %mul3A_298 = vector.broadcast %mul3A_297 : f32 to vector<16xf32>
          %mul3A_299 = arith.mulf %mul3A_298, %abs3A_296 : vector<16xf32>
          %add3A_300 = arith.addf %mul3A_295, %mul3A_299 : vector<16xf32>
          %get3A_301 = arith.constant 2160 : index
          %get3A_302 = tpu.vector_load %arg11[%get3A_301] {strides = array<i32>} : memref<2560xf32, #tpu.memory_space<vmem>>, vector<16xf32>,
          %get3A_303 = vector.shape_cast %get3A_302 : vector<16xf32> to vector<16xf32>
          %mul3A_304 = arith.mulf %get3A_303, %add3A_300 : vector<16xf32>
          %add3A_305 = arith.addf %add3A_274, %mul3A_304 : vector<16xf32>
          %exp3A_306 = math.exp %add3A_305 : vector<16xf32>
          %broadcast_in_dim3A_307 = arith.constant 0.000000e+00 : f32
          %broadcast_in_dim3A_308 = vector.broadcast %broadcast_in_dim3A_307 : f32 to vector<16xf32>
          %get3A_309 = arith.constant 128 : index
          %get3A_310 = tpu.vector_load %arg11[%get3A_309] {strides = array<i32>} : memref<2560xf32, #tpu.memory_space<vmem>>, vector<16xf32>,
          %get3A_311 = vector.shape_cast %get3A_310 : vector<16xf32> to vector<16xf32>
          %mul3A_312 = arith.mulf %get3A_43, %get3A_311 : vector<16xf32>
          %get3A_313 = arith.constant 640 : index
          %get3A_314 = tpu.vector_load %arg11[%get3A_313] {strides = array<i32>} : memref<2560xf32, #tpu.memory_space<vmem>>, vector<16xf32>,
          %get3A_315 = vector.shape_cast %get3A_314 : vector<16xf32> to vector<16xf32>
          %mul3A_316 = arith.mulf %get3A_46, %get3A_315 : vector<16xf32>
          %add3A_317 = arith.addf %mul3A_312, %mul3A_316 : vector<16xf32>
          %get3A_318 = arith.constant 1152 : index
          %get3A_319 = tpu.vector_load %arg11[%get3A_318] {strides = array<i32>} : memref<2560xf32, #tpu.memory_space<vmem>>, vector<16xf32>,
          %get3A_320 = vector.shape_cast %get3A_319 : vector<16xf32> to vector<16xf32>
          %mul3A_321 = arith.mulf %get3A_49, %get3A_320 : vector<16xf32>
          %add3A_322 = arith.addf %add3A_317, %mul3A_321 : vector<16xf32>
          %get3A_323 = arith.constant 1664 : index
          %get3A_324 = tpu.vector_load %arg11[%get3A_323] {strides = array<i32>} : memref<2560xf32, #tpu.memory_space<vmem>>, vector<16xf32>,
          %get3A_325 = vector.shape_cast %get3A_324 : vector<16xf32> to vector<16xf32>
          %add3A_326 = arith.addf %add3A_322, %get3A_325 : vector<16xf32>
          %mul3A_327 = arith.constant 6.000000e-01 : f32
          %mul3A_328 = vector.broadcast %mul3A_327 : f32 to vector<16xf32>
          %mul3A_329 = arith.mulf %mul3A_328, %add3A_326 : vector<16xf32>
          %abs3A_330 = math.absf %add3A_326 : vector<16xf32>
          %mul3A_331 = arith.constant 4.000000e-01 : f32
          %mul3A_332 = vector.broadcast %mul3A_331 : f32 to vector<16xf32>
          %mul3A_333 = arith.mulf %mul3A_332, %abs3A_330 : vector<16xf32>
          %add3A_334 = arith.addf %mul3A_329, %mul3A_333 : vector<16xf32>
          %get3A_335 = arith.constant 2176 : index
          %get3A_336 = tpu.vector_load %arg11[%get3A_335] {strides = array<i32>} : memref<2560xf32, #tpu.memory_space<vmem>>, vector<16xf32>,
          %get3A_337 = vector.shape_cast %get3A_336 : vector<16xf32> to vector<16xf32>
          %mul3A_338 = arith.mulf %get3A_337, %add3A_334 : vector<16xf32>
          %add3A_339 = arith.addf %broadcast_in_dim3A_308, %mul3A_338 : vector<16xf32>
          %get3A_340 = arith.constant 144 : index
          %get3A_341 = tpu.vector_load %arg11[%get3A_340] {strides = array<i32>} : memref<2560xf32, #tpu.memory_space<vmem>>, vector<16xf32>,
          %get3A_342 = vector.shape_cast %get3A_341 : vector<16xf32> to vector<16xf32>
          %mul3A_343 = arith.mulf %get3A_43, %get3A_342 : vector<16xf32>
          %get3A_344 = arith.constant 656 : index
          %get3A_345 = tpu.vector_load %arg11[%get3A_344] {strides = array<i32>} : memref<2560xf32, #tpu.memory_space<vmem>>, vector<16xf32>,
          %get3A_346 = vector.shape_cast %get3A_345 : vector<16xf32> to vector<16xf32>
          %mul3A_347 = arith.mulf %get3A_46, %get3A_346 : vector<16xf32>
          %add3A_348 = arith.addf %mul3A_343, %mul3A_347 : vector<16xf32>
          %get3A_349 = arith.constant 1168 : index
          %get3A_350 = tpu.vector_load %arg11[%get3A_349] {strides = array<i32>} : memref<2560xf32, #tpu.memory_space<vmem>>, vector<16xf32>,
          %get3A_351 = vector.shape_cast %get3A_350 : vector<16xf32> to vector<16xf32>
          %mul3A_352 = arith.mulf %get3A_49, %get3A_351 : vector<16xf32>
          %add3A_353 = arith.addf %add3A_348, %mul3A_352 : vector<16xf32>
          %get3A_354 = arith.constant 1680 : index
          %get3A_355 = tpu.vector_load %arg11[%get3A_354] {strides = array<i32>} : memref<2560xf32, #tpu.memory_space<vmem>>, vector<16xf32>,
          %get3A_356 = vector.shape_cast %get3A_355 : vector<16xf32> to vector<16xf32>
          %add3A_357 = arith.addf %add3A_353, %get3A_356 : vector<16xf32>
          %mul3A_358 = arith.constant 6.000000e-01 : f32
          %mul3A_359 = vector.broadcast %mul3A_358 : f32 to vector<16xf32>
          %mul3A_360 = arith.mulf %mul3A_359, %add3A_357 : vector<16xf32>
          %abs3A_361 = math.absf %add3A_357 : vector<16xf32>
          %mul3A_362 = arith.constant 4.000000e-01 : f32
          %mul3A_363 = vector.broadcast %mul3A_362 : f32 to vector<16xf32>
          %mul3A_364 = arith.mulf %mul3A_363, %abs3A_361 : vector<16xf32>
          %add3A_365 = arith.addf %mul3A_360, %mul3A_364 : vector<16xf32>
          %get3A_366 = arith.constant 2192 : index
          %get3A_367 = tpu.vector_load %arg11[%get3A_366] {strides = array<i32>} : memref<2560xf32, #tpu.memory_space<vmem>>, vector<16xf32>,
          %get3A_368 = vector.shape_cast %get3A_367 : vector<16xf32> to vector<16xf32>
          %mul3A_369 = arith.mulf %get3A_368, %add3A_365 : vector<16xf32>
          %add3A_370 = arith.addf %add3A_339, %mul3A_369 : vector<16xf32>
          %get3A_371 = arith.constant 160 : index
          %get3A_372 = tpu.vector_load %arg11[%get3A_371] {strides = array<i32>} : memref<2560xf32, #tpu.memory_space<vmem>>, vector<16xf32>,
          %get3A_373 = vector.shape_cast %get3A_372 : vector<16xf32> to vector<16xf32>
          %mul3A_374 = arith.mulf %get3A_43, %get3A_373 : vector<16xf32>
          %get3A_375 = arith.constant 672 : index
          %get3A_376 = tpu.vector_load %arg11[%get3A_375] {strides = array<i32>} : memref<2560xf32, #tpu.memory_space<vmem>>, vector<16xf32>,
          %get3A_377 = vector.shape_cast %get3A_376 : vector<16xf32> to vector<16xf32>
          %mul3A_378 = arith.mulf %get3A_46, %get3A_377 : vector<16xf32>
          %add3A_379 = arith.addf %mul3A_374, %mul3A_378 : vector<16xf32>
          %get3A_380 = arith.constant 1184 : index
          %get3A_381 = tpu.vector_load %arg11[%get3A_380] {strides = array<i32>} : memref<2560xf32, #tpu.memory_space<vmem>>, vector<16xf32>,
          %get3A_382 = vector.shape_cast %get3A_381 : vector<16xf32> to vector<16xf32>
          %mul3A_383 = arith.mulf %get3A_49, %get3A_382 : vector<16xf32>
          %add3A_384 = arith.addf %add3A_379, %mul3A_383 : vector<16xf32>
          %get3A_385 = arith.constant 1696 : index
          %get3A_386 = tpu.vector_load %arg11[%get3A_385] {strides = array<i32>} : memref<2560xf32, #tpu.memory_space<vmem>>, vector<16xf32>,
          %get3A_387 = vector.shape_cast %get3A_386 : vector<16xf32> to vector<16xf32>
          %add3A_388 = arith.addf %add3A_384, %get3A_387 : vector<16xf32>
          %mul3A_389 = arith.constant 6.000000e-01 : f32
          %mul3A_390 = vector.broadcast %mul3A_389 : f32 to vector<16xf32>
          %mul3A_391 = arith.mulf %mul3A_390, %add3A_388 : vector<16xf32>
          %abs3A_392 = math.absf %add3A_388 : vector<16xf32>
          %mul3A_393 = arith.constant 4.000000e-01 : f32
          %mul3A_394 = vector.broadcast %mul3A_393 : f32 to vector<16xf32>
          %mul3A_395 = arith.mulf %mul3A_394, %abs3A_392 : vector<16xf32>
          %add3A_396 = arith.addf %mul3A_391, %mul3A_395 : vector<16xf32>
          %get3A_397 = arith.constant 2208 : index
          %get3A_398 = tpu.vector_load %arg11[%get3A_397] {strides = array<i32>} : memref<2560xf32, #tpu.memory_space<vmem>>, vector<16xf32>,
          %get3A_399 = vector.shape_cast %get3A_398 : vector<16xf32> to vector<16xf32>
          %mul3A_400 = arith.mulf %get3A_399, %add3A_396 : vector<16xf32>
          %add3A_401 = arith.addf %add3A_370, %mul3A_400 : vector<16xf32>
          %get3A_402 = arith.constant 176 : index
          %get3A_403 = tpu.vector_load %arg11[%get3A_402] {strides = array<i32>} : memref<2560xf32, #tpu.memory_space<vmem>>, vector<16xf32>,
          %get3A_404 = vector.shape_cast %get3A_403 : vector<16xf32> to vector<16xf32>
          %mul3A_405 = arith.mulf %get3A_43, %get3A_404 : vector<16xf32>
          %get3A_406 = arith.constant 688 : index
          %get3A_407 = tpu.vector_load %arg11[%get3A_406] {strides = array<i32>} : memref<2560xf32, #tpu.memory_space<vmem>>, vector<16xf32>,
          %get3A_408 = vector.shape_cast %get3A_407 : vector<16xf32> to vector<16xf32>
          %mul3A_409 = arith.mulf %get3A_46, %get3A_408 : vector<16xf32>
          %add3A_410 = arith.addf %mul3A_405, %mul3A_409 : vector<16xf32>
          %get3A_411 = arith.constant 1200 : index
          %get3A_412 = tpu.vector_load %arg11[%get3A_411] {strides = array<i32>} : memref<2560xf32, #tpu.memory_space<vmem>>, vector<16xf32>,
          %get3A_413 = vector.shape_cast %get3A_412 : vector<16xf32> to vector<16xf32>
          %mul3A_414 = arith.mulf %get3A_49, %get3A_413 : vector<16xf32>
          %add3A_415 = arith.addf %add3A_410, %mul3A_414 : vector<16xf32>
          %get3A_416 = arith.constant 1712 : index
          %get3A_417 = tpu.vector_load %arg11[%get3A_416] {strides = array<i32>} : memref<2560xf32, #tpu.memory_space<vmem>>, vector<16xf32>,
          %get3A_418 = vector.shape_cast %get3A_417 : vector<16xf32> to vector<16xf32>
          %add3A_419 = arith.addf %add3A_415, %get3A_418 : vector<16xf32>
          %mul3A_420 = arith.constant 6.000000e-01 : f32
          %mul3A_421 = vector.broadcast %mul3A_420 : f32 to vector<16xf32>
          %mul3A_422 = arith.mulf %mul3A_421, %add3A_419 : vector<16xf32>
          %abs3A_423 = math.absf %add3A_419 : vector<16xf32>
          %mul3A_424 = arith.constant 4.000000e-01 : f32
          %mul3A_425 = vector.broadcast %mul3A_424 : f32 to vector<16xf32>
          %mul3A_426 = arith.mulf %mul3A_425, %abs3A_423 : vector<16xf32>
          %add3A_427 = arith.addf %mul3A_422, %mul3A_426 : vector<16xf32>
          %get3A_428 = arith.constant 2224 : index
          %get3A_429 = tpu.vector_load %arg11[%get3A_428] {strides = array<i32>} : memref<2560xf32, #tpu.memory_space<vmem>>, vector<16xf32>,
          %get3A_430 = vector.shape_cast %get3A_429 : vector<16xf32> to vector<16xf32>
          %mul3A_431 = arith.mulf %get3A_430, %add3A_427 : vector<16xf32>
          %add3A_432 = arith.addf %add3A_401, %mul3A_431 : vector<16xf32>
          %exp3A_433 = math.exp %add3A_432 : vector<16xf32>
          %broadcast_in_dim3A_434 = arith.constant 0.000000e+00 : f32
          %broadcast_in_dim3A_435 = vector.broadcast %broadcast_in_dim3A_434 : f32 to vector<16xf32>
          %get3A_436 = arith.constant 192 : index
          %get3A_437 = tpu.vector_load %arg11[%get3A_436] {strides = array<i32>} : memref<2560xf32, #tpu.memory_space<vmem>>, vector<16xf32>,
          %get3A_438 = vector.shape_cast %get3A_437 : vector<16xf32> to vector<16xf32>
          %mul3A_439 = arith.mulf %get3A_43, %get3A_438 : vector<16xf32>
          %get3A_440 = arith.constant 704 : index
          %get3A_441 = tpu.vector_load %arg11[%get3A_440] {strides = array<i32>} : memref<2560xf32, #tpu.memory_space<vmem>>, vector<16xf32>,
          %get3A_442 = vector.shape_cast %get3A_441 : vector<16xf32> to vector<16xf32>
          %mul3A_443 = arith.mulf %get3A_46, %get3A_442 : vector<16xf32>
          %add3A_444 = arith.addf %mul3A_439, %mul3A_443 : vector<16xf32>
          %get3A_445 = arith.constant 1216 : index
          %get3A_446 = tpu.vector_load %arg11[%get3A_445] {strides = array<i32>} : memref<2560xf32, #tpu.memory_space<vmem>>, vector<16xf32>,
          %get3A_447 = vector.shape_cast %get3A_446 : vector<16xf32> to vector<16xf32>
          %mul3A_448 = arith.mulf %get3A_49, %get3A_447 : vector<16xf32>
          %add3A_449 = arith.addf %add3A_444, %mul3A_448 : vector<16xf32>
          %get3A_450 = arith.constant 1728 : index
          %get3A_451 = tpu.vector_load %arg11[%get3A_450] {strides = array<i32>} : memref<2560xf32, #tpu.memory_space<vmem>>, vector<16xf32>,
          %get3A_452 = vector.shape_cast %get3A_451 : vector<16xf32> to vector<16xf32>
          %add3A_453 = arith.addf %add3A_449, %get3A_452 : vector<16xf32>
          %mul3A_454 = arith.constant 6.000000e-01 : f32
          %mul3A_455 = vector.broadcast %mul3A_454 : f32 to vector<16xf32>
          %mul3A_456 = arith.mulf %mul3A_455, %add3A_453 : vector<16xf32>
          %abs3A_457 = math.absf %add3A_453 : vector<16xf32>
          %mul3A_458 = arith.constant 4.000000e-01 : f32
          %mul3A_459 = vector.broadcast %mul3A_458 : f32 to vector<16xf32>
          %mul3A_460 = arith.mulf %mul3A_459, %abs3A_457 : vector<16xf32>
          %add3A_461 = arith.addf %mul3A_456, %mul3A_460 : vector<16xf32>
          %get3A_462 = arith.constant 2240 : index
          %get3A_463 = tpu.vector_load %arg11[%get3A_462] {strides = array<i32>} : memref<2560xf32, #tpu.memory_space<vmem>>, vector<16xf32>,
          %get3A_464 = vector.shape_cast %get3A_463 : vector<16xf32> to vector<16xf32>
          %mul3A_465 = arith.mulf %get3A_464, %add3A_461 : vector<16xf32>
          %add3A_466 = arith.addf %broadcast_in_dim3A_435, %mul3A_465 : vector<16xf32>
          %get3A_467 = arith.constant 208 : index
          %get3A_468 = tpu.vector_load %arg11[%get3A_467] {strides = array<i32>} : memref<2560xf32, #tpu.memory_space<vmem>>, vector<16xf32>,
          %get3A_469 = vector.shape_cast %get3A_468 : vector<16xf32> to vector<16xf32>
          %mul3A_470 = arith.mulf %get3A_43, %get3A_469 : vector<16xf32>
          %get3A_471 = arith.constant 720 : index
          %get3A_472 = tpu.vector_load %arg11[%get3A_471] {strides = array<i32>} : memref<2560xf32, #tpu.memory_space<vmem>>, vector<16xf32>,
          %get3A_473 = vector.shape_cast %get3A_472 : vector<16xf32> to vector<16xf32>
          %mul3A_474 = arith.mulf %get3A_46, %get3A_473 : vector<16xf32>
          %add3A_475 = arith.addf %mul3A_470, %mul3A_474 : vector<16xf32>
          %get3A_476 = arith.constant 1232 : index
          %get3A_477 = tpu.vector_load %arg11[%get3A_476] {strides = array<i32>} : memref<2560xf32, #tpu.memory_space<vmem>>, vector<16xf32>,
          %get3A_478 = vector.shape_cast %get3A_477 : vector<16xf32> to vector<16xf32>
          %mul3A_479 = arith.mulf %get3A_49, %get3A_478 : vector<16xf32>
          %add3A_480 = arith.addf %add3A_475, %mul3A_479 : vector<16xf32>
          %get3A_481 = arith.constant 1744 : index
          %get3A_482 = tpu.vector_load %arg11[%get3A_481] {strides = array<i32>} : memref<2560xf32, #tpu.memory_space<vmem>>, vector<16xf32>,
          %get3A_483 = vector.shape_cast %get3A_482 : vector<16xf32> to vector<16xf32>
          %add3A_484 = arith.addf %add3A_480, %get3A_483 : vector<16xf32>
          %mul3A_485 = arith.constant 6.000000e-01 : f32
          %mul3A_486 = vector.broadcast %mul3A_485 : f32 to vector<16xf32>
          %mul3A_487 = arith.mulf %mul3A_486, %add3A_484 : vector<16xf32>
          %abs3A_488 = math.absf %add3A_484 : vector<16xf32>
          %mul3A_489 = arith.constant 4.000000e-01 : f32
          %mul3A_490 = vector.broadcast %mul3A_489 : f32 to vector<16xf32>
          %mul3A_491 = arith.mulf %mul3A_490, %abs3A_488 : vector<16xf32>
          %add3A_492 = arith.addf %mul3A_487, %mul3A_491 : vector<16xf32>
          %get3A_493 = arith.constant 2256 : index
          %get3A_494 = tpu.vector_load %arg11[%get3A_493] {strides = array<i32>} : memref<2560xf32, #tpu.memory_space<vmem>>, vector<16xf32>,
          %get3A_495 = vector.shape_cast %get3A_494 : vector<16xf32> to vector<16xf32>
          %mul3A_496 = arith.mulf %get3A_495, %add3A_492 : vector<16xf32>
          %add3A_497 = arith.addf %add3A_466, %mul3A_496 : vector<16xf32>
          %get3A_498 = arith.constant 224 : index
          %get3A_499 = tpu.vector_load %arg11[%get3A_498] {strides = array<i32>} : memref<2560xf32, #tpu.memory_space<vmem>>, vector<16xf32>,
          %get3A_500 = vector.shape_cast %get3A_499 : vector<16xf32> to vector<16xf32>
          %mul3A_501 = arith.mulf %get3A_43, %get3A_500 : vector<16xf32>
          %get3A_502 = arith.constant 736 : index
          %get3A_503 = tpu.vector_load %arg11[%get3A_502] {strides = array<i32>} : memref<2560xf32, #tpu.memory_space<vmem>>, vector<16xf32>,
          %get3A_504 = vector.shape_cast %get3A_503 : vector<16xf32> to vector<16xf32>
          %mul3A_505 = arith.mulf %get3A_46, %get3A_504 : vector<16xf32>
          %add3A_506 = arith.addf %mul3A_501, %mul3A_505 : vector<16xf32>
          %get3A_507 = arith.constant 1248 : index
          %get3A_508 = tpu.vector_load %arg11[%get3A_507] {strides = array<i32>} : memref<2560xf32, #tpu.memory_space<vmem>>, vector<16xf32>,
          %get3A_509 = vector.shape_cast %get3A_508 : vector<16xf32> to vector<16xf32>
          %mul3A_510 = arith.mulf %get3A_49, %get3A_509 : vector<16xf32>
          %add3A_511 = arith.addf %add3A_506, %mul3A_510 : vector<16xf32>
          %get3A_512 = arith.constant 1760 : index
          %get3A_513 = tpu.vector_load %arg11[%get3A_512] {strides = array<i32>} : memref<2560xf32, #tpu.memory_space<vmem>>, vector<16xf32>,
          %get3A_514 = vector.shape_cast %get3A_513 : vector<16xf32> to vector<16xf32>
          %add3A_515 = arith.addf %add3A_511, %get3A_514 : vector<16xf32>
          %mul3A_516 = arith.constant 6.000000e-01 : f32
          %mul3A_517 = vector.broadcast %mul3A_516 : f32 to vector<16xf32>
          %mul3A_518 = arith.mulf %mul3A_517, %add3A_515 : vector<16xf32>
          %abs3A_519 = math.absf %add3A_515 : vector<16xf32>
          %mul3A_520 = arith.constant 4.000000e-01 : f32
          %mul3A_521 = vector.broadcast %mul3A_520 : f32 to vector<16xf32>
          %mul3A_522 = arith.mulf %mul3A_521, %abs3A_519 : vector<16xf32>
          %add3A_523 = arith.addf %mul3A_518, %mul3A_522 : vector<16xf32>
          %get3A_524 = arith.constant 2272 : index
          %get3A_525 = tpu.vector_load %arg11[%get3A_524] {strides = array<i32>} : memref<2560xf32, #tpu.memory_space<vmem>>, vector<16xf32>,
          %get3A_526 = vector.shape_cast %get3A_525 : vector<16xf32> to vector<16xf32>
          %mul3A_527 = arith.mulf %get3A_526, %add3A_523 : vector<16xf32>
          %add3A_528 = arith.addf %add3A_497, %mul3A_527 : vector<16xf32>
          %get3A_529 = arith.constant 240 : index
          %get3A_530 = tpu.vector_load %arg11[%get3A_529] {strides = array<i32>} : memref<2560xf32, #tpu.memory_space<vmem>>, vector<16xf32>,
          %get3A_531 = vector.shape_cast %get3A_530 : vector<16xf32> to vector<16xf32>
          %mul3A_532 = arith.mulf %get3A_43, %get3A_531 : vector<16xf32>
          %get3A_533 = arith.constant 752 : index
          %get3A_534 = tpu.vector_load %arg11[%get3A_533] {strides = array<i32>} : memref<2560xf32, #tpu.memory_space<vmem>>, vector<16xf32>,
          %get3A_535 = vector.shape_cast %get3A_534 : vector<16xf32> to vector<16xf32>
          %mul3A_536 = arith.mulf %get3A_46, %get3A_535 : vector<16xf32>
          %add3A_537 = arith.addf %mul3A_532, %mul3A_536 : vector<16xf32>
          %get3A_538 = arith.constant 1264 : index
          %get3A_539 = tpu.vector_load %arg11[%get3A_538] {strides = array<i32>} : memref<2560xf32, #tpu.memory_space<vmem>>, vector<16xf32>,
          %get3A_540 = vector.shape_cast %get3A_539 : vector<16xf32> to vector<16xf32>
          %mul3A_541 = arith.mulf %get3A_49, %get3A_540 : vector<16xf32>
          %add3A_542 = arith.addf %add3A_537, %mul3A_541 : vector<16xf32>
          %get3A_543 = arith.constant 1776 : index
          %get3A_544 = tpu.vector_load %arg11[%get3A_543] {strides = array<i32>} : memref<2560xf32, #tpu.memory_space<vmem>>, vector<16xf32>,
          %get3A_545 = vector.shape_cast %get3A_544 : vector<16xf32> to vector<16xf32>
          %add3A_546 = arith.addf %add3A_542, %get3A_545 : vector<16xf32>
          %mul3A_547 = arith.constant 6.000000e-01 : f32
          %mul3A_548 = vector.broadcast %mul3A_547 : f32 to vector<16xf32>
          %mul3A_549 = arith.mulf %mul3A_548, %add3A_546 : vector<16xf32>
          %abs3A_550 = math.absf %add3A_546 : vector<16xf32>
          %mul3A_551 = arith.constant 4.000000e-01 : f32
          %mul3A_552 = vector.broadcast %mul3A_551 : f32 to vector<16xf32>
          %mul3A_553 = arith.mulf %mul3A_552, %abs3A_550 : vector<16xf32>
          %add3A_554 = arith.addf %mul3A_549, %mul3A_553 : vector<16xf32>
          %get3A_555 = arith.constant 2288 : index
          %get3A_556 = tpu.vector_load %arg11[%get3A_555] {strides = array<i32>} : memref<2560xf32, #tpu.memory_space<vmem>>, vector<16xf32>,
          %get3A_557 = vector.shape_cast %get3A_556 : vector<16xf32> to vector<16xf32>
          %mul3A_558 = arith.mulf %get3A_557, %add3A_554 : vector<16xf32>
          %add3A_559 = arith.addf %add3A_528, %mul3A_558 : vector<16xf32>
          %exp3A_560 = math.exp %add3A_559 : vector<16xf32>
          %broadcast_in_dim3A_561 = arith.constant 0.000000e+00 : f32
          %broadcast_in_dim3A_562 = vector.broadcast %broadcast_in_dim3A_561 : f32 to vector<16xf32>
          %get3A_563 = arith.constant 256 : index
          %get3A_564 = tpu.vector_load %arg11[%get3A_563] {strides = array<i32>} : memref<2560xf32, #tpu.memory_space<vmem>>, vector<16xf32>,
          %get3A_565 = vector.shape_cast %get3A_564 : vector<16xf32> to vector<16xf32>
          %mul3A_566 = arith.mulf %get3A_43, %get3A_565 : vector<16xf32>
          %get3A_567 = arith.constant 768 : index
          %get3A_568 = tpu.vector_load %arg11[%get3A_567] {strides = array<i32>} : memref<2560xf32, #tpu.memory_space<vmem>>, vector<16xf32>,
          %get3A_569 = vector.shape_cast %get3A_568 : vector<16xf32> to vector<16xf32>
          %mul3A_570 = arith.mulf %get3A_46, %get3A_569 : vector<16xf32>
          %add3A_571 = arith.addf %mul3A_566, %mul3A_570 : vector<16xf32>
          %get3A_572 = arith.constant 1280 : index
          %get3A_573 = tpu.vector_load %arg11[%get3A_572] {strides = array<i32>} : memref<2560xf32, #tpu.memory_space<vmem>>, vector<16xf32>,
          %get3A_574 = vector.shape_cast %get3A_573 : vector<16xf32> to vector<16xf32>
          %mul3A_575 = arith.mulf %get3A_49, %get3A_574 : vector<16xf32>
          %add3A_576 = arith.addf %add3A_571, %mul3A_575 : vector<16xf32>
          %get3A_577 = arith.constant 1792 : index
          %get3A_578 = tpu.vector_load %arg11[%get3A_577] {strides = array<i32>} : memref<2560xf32, #tpu.memory_space<vmem>>, vector<16xf32>,
          %get3A_579 = vector.shape_cast %get3A_578 : vector<16xf32> to vector<16xf32>
          %add3A_580 = arith.addf %add3A_576, %get3A_579 : vector<16xf32>
          %mul3A_581 = arith.constant 6.000000e-01 : f32
          %mul3A_582 = vector.broadcast %mul3A_581 : f32 to vector<16xf32>
          %mul3A_583 = arith.mulf %mul3A_582, %add3A_580 : vector<16xf32>
          %abs3A_584 = math.absf %add3A_580 : vector<16xf32>
          %mul3A_585 = arith.constant 4.000000e-01 : f32
          %mul3A_586 = vector.broadcast %mul3A_585 : f32 to vector<16xf32>
          %mul3A_587 = arith.mulf %mul3A_586, %abs3A_584 : vector<16xf32>
          %add3A_588 = arith.addf %mul3A_583, %mul3A_587 : vector<16xf32>
          %get3A_589 = arith.constant 2304 : index
          %get3A_590 = tpu.vector_load %arg11[%get3A_589] {strides = array<i32>} : memref<2560xf32, #tpu.memory_space<vmem>>, vector<16xf32>,
          %get3A_591 = vector.shape_cast %get3A_590 : vector<16xf32> to vector<16xf32>
          %mul3A_592 = arith.mulf %get3A_591, %add3A_588 : vector<16xf32>
          %add3A_593 = arith.addf %broadcast_in_dim3A_562, %mul3A_592 : vector<16xf32>
          %get3A_594 = arith.constant 272 : index
          %get3A_595 = tpu.vector_load %arg11[%get3A_594] {strides = array<i32>} : memref<2560xf32, #tpu.memory_space<vmem>>, vector<16xf32>,
          %get3A_596 = vector.shape_cast %get3A_595 : vector<16xf32> to vector<16xf32>
          %mul3A_597 = arith.mulf %get3A_43, %get3A_596 : vector<16xf32>
          %get3A_598 = arith.constant 784 : index
          %get3A_599 = tpu.vector_load %arg11[%get3A_598] {strides = array<i32>} : memref<2560xf32, #tpu.memory_space<vmem>>, vector<16xf32>,
          %get3A_600 = vector.shape_cast %get3A_599 : vector<16xf32> to vector<16xf32>
          %mul3A_601 = arith.mulf %get3A_46, %get3A_600 : vector<16xf32>
          %add3A_602 = arith.addf %mul3A_597, %mul3A_601 : vector<16xf32>
          %get3A_603 = arith.constant 1296 : index
          %get3A_604 = tpu.vector_load %arg11[%get3A_603] {strides = array<i32>} : memref<2560xf32, #tpu.memory_space<vmem>>, vector<16xf32>,
          %get3A_605 = vector.shape_cast %get3A_604 : vector<16xf32> to vector<16xf32>
          %mul3A_606 = arith.mulf %get3A_49, %get3A_605 : vector<16xf32>
          %add3A_607 = arith.addf %add3A_602, %mul3A_606 : vector<16xf32>
          %get3A_608 = arith.constant 1808 : index
          %get3A_609 = tpu.vector_load %arg11[%get3A_608] {strides = array<i32>} : memref<2560xf32, #tpu.memory_space<vmem>>, vector<16xf32>,
          %get3A_610 = vector.shape_cast %get3A_609 : vector<16xf32> to vector<16xf32>
          %add3A_611 = arith.addf %add3A_607, %get3A_610 : vector<16xf32>
          %mul3A_612 = arith.constant 6.000000e-01 : f32
          %mul3A_613 = vector.broadcast %mul3A_612 : f32 to vector<16xf32>
          %mul3A_614 = arith.mulf %mul3A_613, %add3A_611 : vector<16xf32>
          %abs3A_615 = math.absf %add3A_611 : vector<16xf32>
          %mul3A_616 = arith.constant 4.000000e-01 : f32
          %mul3A_617 = vector.broadcast %mul3A_616 : f32 to vector<16xf32>
          %mul3A_618 = arith.mulf %mul3A_617, %abs3A_615 : vector<16xf32>
          %add3A_619 = arith.addf %mul3A_614, %mul3A_618 : vector<16xf32>
          %get3A_620 = arith.constant 2320 : index
          %get3A_621 = tpu.vector_load %arg11[%get3A_620] {strides = array<i32>} : memref<2560xf32, #tpu.memory_space<vmem>>, vector<16xf32>,
          %get3A_622 = vector.shape_cast %get3A_621 : vector<16xf32> to vector<16xf32>
          %mul3A_623 = arith.mulf %get3A_622, %add3A_619 : vector<16xf32>
          %add3A_624 = arith.addf %add3A_593, %mul3A_623 : vector<16xf32>
          %get3A_625 = arith.constant 288 : index
          %get3A_626 = tpu.vector_load %arg11[%get3A_625] {strides = array<i32>} : memref<2560xf32, #tpu.memory_space<vmem>>, vector<16xf32>,
          %get3A_627 = vector.shape_cast %get3A_626 : vector<16xf32> to vector<16xf32>
          %mul3A_628 = arith.mulf %get3A_43, %get3A_627 : vector<16xf32>
          %get3A_629 = arith.constant 800 : index
          %get3A_630 = tpu.vector_load %arg11[%get3A_629] {strides = array<i32>} : memref<2560xf32, #tpu.memory_space<vmem>>, vector<16xf32>,
          %get3A_631 = vector.shape_cast %get3A_630 : vector<16xf32> to vector<16xf32>
          %mul3A_632 = arith.mulf %get3A_46, %get3A_631 : vector<16xf32>
          %add3A_633 = arith.addf %mul3A_628, %mul3A_632 : vector<16xf32>
          %get3A_634 = arith.constant 1312 : index
          %get3A_635 = tpu.vector_load %arg11[%get3A_634] {strides = array<i32>} : memref<2560xf32, #tpu.memory_space<vmem>>, vector<16xf32>,
          %get3A_636 = vector.shape_cast %get3A_635 : vector<16xf32> to vector<16xf32>
          %mul3A_637 = arith.mulf %get3A_49, %get3A_636 : vector<16xf32>
          %add3A_638 = arith.addf %add3A_633, %mul3A_637 : vector<16xf32>
          %get3A_639 = arith.constant 1824 : index
          %get3A_640 = tpu.vector_load %arg11[%get3A_639] {strides = array<i32>} : memref<2560xf32, #tpu.memory_space<vmem>>, vector<16xf32>,
          %get3A_641 = vector.shape_cast %get3A_640 : vector<16xf32> to vector<16xf32>
          %add3A_642 = arith.addf %add3A_638, %get3A_641 : vector<16xf32>
          %mul3A_643 = arith.constant 6.000000e-01 : f32
          %mul3A_644 = vector.broadcast %mul3A_643 : f32 to vector<16xf32>
          %mul3A_645 = arith.mulf %mul3A_644, %add3A_642 : vector<16xf32>
          %abs3A_646 = math.absf %add3A_642 : vector<16xf32>
          %mul3A_647 = arith.constant 4.000000e-01 : f32
          %mul3A_648 = vector.broadcast %mul3A_647 : f32 to vector<16xf32>
          %mul3A_649 = arith.mulf %mul3A_648, %abs3A_646 : vector<16xf32>
          %add3A_650 = arith.addf %mul3A_645, %mul3A_649 : vector<16xf32>
          %get3A_651 = arith.constant 2336 : index
          %get3A_652 = tpu.vector_load %arg11[%get3A_651] {strides = array<i32>} : memref<2560xf32, #tpu.memory_space<vmem>>, vector<16xf32>,
          %get3A_653 = vector.shape_cast %get3A_652 : vector<16xf32> to vector<16xf32>
          %mul3A_654 = arith.mulf %get3A_653, %add3A_650 : vector<16xf32>
          %add3A_655 = arith.addf %add3A_624, %mul3A_654 : vector<16xf32>
          %get3A_656 = arith.constant 304 : index
          %get3A_657 = tpu.vector_load %arg11[%get3A_656] {strides = array<i32>} : memref<2560xf32, #tpu.memory_space<vmem>>, vector<16xf32>,
          %get3A_658 = vector.shape_cast %get3A_657 : vector<16xf32> to vector<16xf32>
          %mul3A_659 = arith.mulf %get3A_43, %get3A_658 : vector<16xf32>
          %get3A_660 = arith.constant 816 : index
          %get3A_661 = tpu.vector_load %arg11[%get3A_660] {strides = array<i32>} : memref<2560xf32, #tpu.memory_space<vmem>>, vector<16xf32>,
          %get3A_662 = vector.shape_cast %get3A_661 : vector<16xf32> to vector<16xf32>
          %mul3A_663 = arith.mulf %get3A_46, %get3A_662 : vector<16xf32>
          %add3A_664 = arith.addf %mul3A_659, %mul3A_663 : vector<16xf32>
          %get3A_665 = arith.constant 1328 : index
          %get3A_666 = tpu.vector_load %arg11[%get3A_665] {strides = array<i32>} : memref<2560xf32, #tpu.memory_space<vmem>>, vector<16xf32>,
          %get3A_667 = vector.shape_cast %get3A_666 : vector<16xf32> to vector<16xf32>
          %mul3A_668 = arith.mulf %get3A_49, %get3A_667 : vector<16xf32>
          %add3A_669 = arith.addf %add3A_664, %mul3A_668 : vector<16xf32>
          %get3A_670 = arith.constant 1840 : index
          %get3A_671 = tpu.vector_load %arg11[%get3A_670] {strides = array<i32>} : memref<2560xf32, #tpu.memory_space<vmem>>, vector<16xf32>,
          %get3A_672 = vector.shape_cast %get3A_671 : vector<16xf32> to vector<16xf32>
          %add3A_673 = arith.addf %add3A_669, %get3A_672 : vector<16xf32>
          %mul3A_674 = arith.constant 6.000000e-01 : f32
          %mul3A_675 = vector.broadcast %mul3A_674 : f32 to vector<16xf32>
          %mul3A_676 = arith.mulf %mul3A_675, %add3A_673 : vector<16xf32>
          %abs3A_677 = math.absf %add3A_673 : vector<16xf32>
          %mul3A_678 = arith.constant 4.000000e-01 : f32
          %mul3A_679 = vector.broadcast %mul3A_678 : f32 to vector<16xf32>
          %mul3A_680 = arith.mulf %mul3A_679, %abs3A_677 : vector<16xf32>
          %add3A_681 = arith.addf %mul3A_676, %mul3A_680 : vector<16xf32>
          %get3A_682 = arith.constant 2352 : index
          %get3A_683 = tpu.vector_load %arg11[%get3A_682] {strides = array<i32>} : memref<2560xf32, #tpu.memory_space<vmem>>, vector<16xf32>,
          %get3A_684 = vector.shape_cast %get3A_683 : vector<16xf32> to vector<16xf32>
          %mul3A_685 = arith.mulf %get3A_684, %add3A_681 : vector<16xf32>
          %add3A_686 = arith.addf %add3A_655, %mul3A_685 : vector<16xf32>
          %exp3A_687 = math.exp %add3A_686 : vector<16xf32>
          %broadcast_in_dim3A_688 = arith.constant 0.000000e+00 : f32
          %broadcast_in_dim3A_689 = vector.broadcast %broadcast_in_dim3A_688 : f32 to vector<16xf32>
          %get3A_690 = arith.constant 320 : index
          %get3A_691 = tpu.vector_load %arg11[%get3A_690] {strides = array<i32>} : memref<2560xf32, #tpu.memory_space<vmem>>, vector<16xf32>,
          %get3A_692 = vector.shape_cast %get3A_691 : vector<16xf32> to vector<16xf32>
          %mul3A_693 = arith.mulf %get3A_43, %get3A_692 : vector<16xf32>
          %get3A_694 = arith.constant 832 : index
          %get3A_695 = tpu.vector_load %arg11[%get3A_694] {strides = array<i32>} : memref<2560xf32, #tpu.memory_space<vmem>>, vector<16xf32>,
          %get3A_696 = vector.shape_cast %get3A_695 : vector<16xf32> to vector<16xf32>
          %mul3A_697 = arith.mulf %get3A_46, %get3A_696 : vector<16xf32>
          %add3A_698 = arith.addf %mul3A_693, %mul3A_697 : vector<16xf32>
          %get3A_699 = arith.constant 1344 : index
          %get3A_700 = tpu.vector_load %arg11[%get3A_699] {strides = array<i32>} : memref<2560xf32, #tpu.memory_space<vmem>>, vector<16xf32>,
          %get3A_701 = vector.shape_cast %get3A_700 : vector<16xf32> to vector<16xf32>
          %mul3A_702 = arith.mulf %get3A_49, %get3A_701 : vector<16xf32>
          %add3A_703 = arith.addf %add3A_698, %mul3A_702 : vector<16xf32>
          %get3A_704 = arith.constant 1856 : index
          %get3A_705 = tpu.vector_load %arg11[%get3A_704] {strides = array<i32>} : memref<2560xf32, #tpu.memory_space<vmem>>, vector<16xf32>,
          %get3A_706 = vector.shape_cast %get3A_705 : vector<16xf32> to vector<16xf32>
          %add3A_707 = arith.addf %add3A_703, %get3A_706 : vector<16xf32>
          %mul3A_708 = arith.constant 6.000000e-01 : f32
          %mul3A_709 = vector.broadcast %mul3A_708 : f32 to vector<16xf32>
          %mul3A_710 = arith.mulf %mul3A_709, %add3A_707 : vector<16xf32>
          %abs3A_711 = math.absf %add3A_707 : vector<16xf32>
          %mul3A_712 = arith.constant 4.000000e-01 : f32
          %mul3A_713 = vector.broadcast %mul3A_712 : f32 to vector<16xf32>
          %mul3A_714 = arith.mulf %mul3A_713, %abs3A_711 : vector<16xf32>
          %add3A_715 = arith.addf %mul3A_710, %mul3A_714 : vector<16xf32>
          %get3A_716 = arith.constant 2368 : index
          %get3A_717 = tpu.vector_load %arg11[%get3A_716] {strides = array<i32>} : memref<2560xf32, #tpu.memory_space<vmem>>, vector<16xf32>,
          %get3A_718 = vector.shape_cast %get3A_717 : vector<16xf32> to vector<16xf32>
          %mul3A_719 = arith.mulf %get3A_718, %add3A_715 : vector<16xf32>
          %add3A_720 = arith.addf %broadcast_in_dim3A_689, %mul3A_719 : vector<16xf32>
          %get3A_721 = arith.constant 336 : index
          %get3A_722 = tpu.vector_load %arg11[%get3A_721] {strides = array<i32>} : memref<2560xf32, #tpu.memory_space<vmem>>, vector<16xf32>,
          %get3A_723 = vector.shape_cast %get3A_722 : vector<16xf32> to vector<16xf32>
          %mul3A_724 = arith.mulf %get3A_43, %get3A_723 : vector<16xf32>
          %get3A_725 = arith.constant 848 : index
          %get3A_726 = tpu.vector_load %arg11[%get3A_725] {strides = array<i32>} : memref<2560xf32, #tpu.memory_space<vmem>>, vector<16xf32>,
          %get3A_727 = vector.shape_cast %get3A_726 : vector<16xf32> to vector<16xf32>
          %mul3A_728 = arith.mulf %get3A_46, %get3A_727 : vector<16xf32>
          %add3A_729 = arith.addf %mul3A_724, %mul3A_728 : vector<16xf32>
          %get3A_730 = arith.constant 1360 : index
          %get3A_731 = tpu.vector_load %arg11[%get3A_730] {strides = array<i32>} : memref<2560xf32, #tpu.memory_space<vmem>>, vector<16xf32>,
          %get3A_732 = vector.shape_cast %get3A_731 : vector<16xf32> to vector<16xf32>
          %mul3A_733 = arith.mulf %get3A_49, %get3A_732 : vector<16xf32>
          %add3A_734 = arith.addf %add3A_729, %mul3A_733 : vector<16xf32>
          %get3A_735 = arith.constant 1872 : index
          %get3A_736 = tpu.vector_load %arg11[%get3A_735] {strides = array<i32>} : memref<2560xf32, #tpu.memory_space<vmem>>, vector<16xf32>,
          %get3A_737 = vector.shape_cast %get3A_736 : vector<16xf32> to vector<16xf32>
          %add3A_738 = arith.addf %add3A_734, %get3A_737 : vector<16xf32>
          %mul3A_739 = arith.constant 6.000000e-01 : f32
          %mul3A_740 = vector.broadcast %mul3A_739 : f32 to vector<16xf32>
          %mul3A_741 = arith.mulf %mul3A_740, %add3A_738 : vector<16xf32>
          %abs3A_742 = math.absf %add3A_738 : vector<16xf32>
          %mul3A_743 = arith.constant 4.000000e-01 : f32
          %mul3A_744 = vector.broadcast %mul3A_743 : f32 to vector<16xf32>
          %mul3A_745 = arith.mulf %mul3A_744, %abs3A_742 : vector<16xf32>
          %add3A_746 = arith.addf %mul3A_741, %mul3A_745 : vector<16xf32>
          %get3A_747 = arith.constant 2384 : index
          %get3A_748 = tpu.vector_load %arg11[%get3A_747] {strides = array<i32>} : memref<2560xf32, #tpu.memory_space<vmem>>, vector<16xf32>,
          %get3A_749 = vector.shape_cast %get3A_748 : vector<16xf32> to vector<16xf32>
          %mul3A_750 = arith.mulf %get3A_749, %add3A_746 : vector<16xf32>
          %add3A_751 = arith.addf %add3A_720, %mul3A_750 : vector<16xf32>
          %get3A_752 = arith.constant 352 : index
          %get3A_753 = tpu.vector_load %arg11[%get3A_752] {strides = array<i32>} : memref<2560xf32, #tpu.memory_space<vmem>>, vector<16xf32>,
          %get3A_754 = vector.shape_cast %get3A_753 : vector<16xf32> to vector<16xf32>
          %mul3A_755 = arith.mulf %get3A_43, %get3A_754 : vector<16xf32>
          %get3A_756 = arith.constant 864 : index
          %get3A_757 = tpu.vector_load %arg11[%get3A_756] {strides = array<i32>} : memref<2560xf32, #tpu.memory_space<vmem>>, vector<16xf32>,
          %get3A_758 = vector.shape_cast %get3A_757 : vector<16xf32> to vector<16xf32>
          %mul3A_759 = arith.mulf %get3A_46, %get3A_758 : vector<16xf32>
          %add3A_760 = arith.addf %mul3A_755, %mul3A_759 : vector<16xf32>
          %get3A_761 = arith.constant 1376 : index
          %get3A_762 = tpu.vector_load %arg11[%get3A_761] {strides = array<i32>} : memref<2560xf32, #tpu.memory_space<vmem>>, vector<16xf32>,
          %get3A_763 = vector.shape_cast %get3A_762 : vector<16xf32> to vector<16xf32>
          %mul3A_764 = arith.mulf %get3A_49, %get3A_763 : vector<16xf32>
          %add3A_765 = arith.addf %add3A_760, %mul3A_764 : vector<16xf32>
          %get3A_766 = arith.constant 1888 : index
          %get3A_767 = tpu.vector_load %arg11[%get3A_766] {strides = array<i32>} : memref<2560xf32, #tpu.memory_space<vmem>>, vector<16xf32>,
          %get3A_768 = vector.shape_cast %get3A_767 : vector<16xf32> to vector<16xf32>
          %add3A_769 = arith.addf %add3A_765, %get3A_768 : vector<16xf32>
          %mul3A_770 = arith.constant 6.000000e-01 : f32
          %mul3A_771 = vector.broadcast %mul3A_770 : f32 to vector<16xf32>
          %mul3A_772 = arith.mulf %mul3A_771, %add3A_769 : vector<16xf32>
          %abs3A_773 = math.absf %add3A_769 : vector<16xf32>
          %mul3A_774 = arith.constant 4.000000e-01 : f32
          %mul3A_775 = vector.broadcast %mul3A_774 : f32 to vector<16xf32>
          %mul3A_776 = arith.mulf %mul3A_775, %abs3A_773 : vector<16xf32>
          %add3A_777 = arith.addf %mul3A_772, %mul3A_776 : vector<16xf32>
          %get3A_778 = arith.constant 2400 : index
          %get3A_779 = tpu.vector_load %arg11[%get3A_778] {strides = array<i32>} : memref<2560xf32, #tpu.memory_space<vmem>>, vector<16xf32>,
          %get3A_780 = vector.shape_cast %get3A_779 : vector<16xf32> to vector<16xf32>
          %mul3A_781 = arith.mulf %get3A_780, %add3A_777 : vector<16xf32>
          %add3A_782 = arith.addf %add3A_751, %mul3A_781 : vector<16xf32>
          %get3A_783 = arith.constant 368 : index
          %get3A_784 = tpu.vector_load %arg11[%get3A_783] {strides = array<i32>} : memref<2560xf32, #tpu.memory_space<vmem>>, vector<16xf32>,
          %get3A_785 = vector.shape_cast %get3A_784 : vector<16xf32> to vector<16xf32>
          %mul3A_786 = arith.mulf %get3A_43, %get3A_785 : vector<16xf32>
          %get3A_787 = arith.constant 880 : index
          %get3A_788 = tpu.vector_load %arg11[%get3A_787] {strides = array<i32>} : memref<2560xf32, #tpu.memory_space<vmem>>, vector<16xf32>,
          %get3A_789 = vector.shape_cast %get3A_788 : vector<16xf32> to vector<16xf32>
          %mul3A_790 = arith.mulf %get3A_46, %get3A_789 : vector<16xf32>
          %add3A_791 = arith.addf %mul3A_786, %mul3A_790 : vector<16xf32>
          %get3A_792 = arith.constant 1392 : index
          %get3A_793 = tpu.vector_load %arg11[%get3A_792] {strides = array<i32>} : memref<2560xf32, #tpu.memory_space<vmem>>, vector<16xf32>,
          %get3A_794 = vector.shape_cast %get3A_793 : vector<16xf32> to vector<16xf32>
          %mul3A_795 = arith.mulf %get3A_49, %get3A_794 : vector<16xf32>
          %add3A_796 = arith.addf %add3A_791, %mul3A_795 : vector<16xf32>
          %get3A_797 = arith.constant 1904 : index
          %get3A_798 = tpu.vector_load %arg11[%get3A_797] {strides = array<i32>} : memref<2560xf32, #tpu.memory_space<vmem>>, vector<16xf32>,
          %get3A_799 = vector.shape_cast %get3A_798 : vector<16xf32> to vector<16xf32>
          %add3A_800 = arith.addf %add3A_796, %get3A_799 : vector<16xf32>
          %mul3A_801 = arith.constant 6.000000e-01 : f32
          %mul3A_802 = vector.broadcast %mul3A_801 : f32 to vector<16xf32>
          %mul3A_803 = arith.mulf %mul3A_802, %add3A_800 : vector<16xf32>
          %abs3A_804 = math.absf %add3A_800 : vector<16xf32>
          %mul3A_805 = arith.constant 4.000000e-01 : f32
          %mul3A_806 = vector.broadcast %mul3A_805 : f32 to vector<16xf32>
          %mul3A_807 = arith.mulf %mul3A_806, %abs3A_804 : vector<16xf32>
          %add3A_808 = arith.addf %mul3A_803, %mul3A_807 : vector<16xf32>
          %get3A_809 = arith.constant 2416 : index
          %get3A_810 = tpu.vector_load %arg11[%get3A_809] {strides = array<i32>} : memref<2560xf32, #tpu.memory_space<vmem>>, vector<16xf32>,
          %get3A_811 = vector.shape_cast %get3A_810 : vector<16xf32> to vector<16xf32>
          %mul3A_812 = arith.mulf %get3A_811, %add3A_808 : vector<16xf32>
          %add3A_813 = arith.addf %add3A_782, %mul3A_812 : vector<16xf32>
          %exp3A_814 = math.exp %add3A_813 : vector<16xf32>
          %broadcast_in_dim3A_815 = arith.constant 0.000000e+00 : f32
          %broadcast_in_dim3A_816 = vector.broadcast %broadcast_in_dim3A_815 : f32 to vector<16xf32>
          %get3A_817 = arith.constant 384 : index
          %get3A_818 = tpu.vector_load %arg11[%get3A_817] {strides = array<i32>} : memref<2560xf32, #tpu.memory_space<vmem>>, vector<16xf32>,
          %get3A_819 = vector.shape_cast %get3A_818 : vector<16xf32> to vector<16xf32>
          %mul3A_820 = arith.mulf %get3A_43, %get3A_819 : vector<16xf32>
          %get3A_821 = arith.constant 896 : index
          %get3A_822 = tpu.vector_load %arg11[%get3A_821] {strides = array<i32>} : memref<2560xf32, #tpu.memory_space<vmem>>, vector<16xf32>,
          %get3A_823 = vector.shape_cast %get3A_822 : vector<16xf32> to vector<16xf32>
          %mul3A_824 = arith.mulf %get3A_46, %get3A_823 : vector<16xf32>
          %add3A_825 = arith.addf %mul3A_820, %mul3A_824 : vector<16xf32>
          %get3A_826 = arith.constant 1408 : index
          %get3A_827 = tpu.vector_load %arg11[%get3A_826] {strides = array<i32>} : memref<2560xf32, #tpu.memory_space<vmem>>, vector<16xf32>,
          %get3A_828 = vector.shape_cast %get3A_827 : vector<16xf32> to vector<16xf32>
          %mul3A_829 = arith.mulf %get3A_49, %get3A_828 : vector<16xf32>
          %add3A_830 = arith.addf %add3A_825, %mul3A_829 : vector<16xf32>
          %get3A_831 = arith.constant 1920 : index
          %get3A_832 = tpu.vector_load %arg11[%get3A_831] {strides = array<i32>} : memref<2560xf32, #tpu.memory_space<vmem>>, vector<16xf32>,
          %get3A_833 = vector.shape_cast %get3A_832 : vector<16xf32> to vector<16xf32>
          %add3A_834 = arith.addf %add3A_830, %get3A_833 : vector<16xf32>
          %mul3A_835 = arith.constant 6.000000e-01 : f32
          %mul3A_836 = vector.broadcast %mul3A_835 : f32 to vector<16xf32>
          %mul3A_837 = arith.mulf %mul3A_836, %add3A_834 : vector<16xf32>
          %abs3A_838 = math.absf %add3A_834 : vector<16xf32>
          %mul3A_839 = arith.constant 4.000000e-01 : f32
          %mul3A_840 = vector.broadcast %mul3A_839 : f32 to vector<16xf32>
          %mul3A_841 = arith.mulf %mul3A_840, %abs3A_838 : vector<16xf32>
          %add3A_842 = arith.addf %mul3A_837, %mul3A_841 : vector<16xf32>
          %get3A_843 = arith.constant 2432 : index
          %get3A_844 = tpu.vector_load %arg11[%get3A_843] {strides = array<i32>} : memref<2560xf32, #tpu.memory_space<vmem>>, vector<16xf32>,
          %get3A_845 = vector.shape_cast %get3A_844 : vector<16xf32> to vector<16xf32>
          %mul3A_846 = arith.mulf %get3A_845, %add3A_842 : vector<16xf32>
          %add3A_847 = arith.addf %broadcast_in_dim3A_816, %mul3A_846 : vector<16xf32>
          %get3A_848 = arith.constant 400 : index
          %get3A_849 = tpu.vector_load %arg11[%get3A_848] {strides = array<i32>} : memref<2560xf32, #tpu.memory_space<vmem>>, vector<16xf32>,
          %get3A_850 = vector.shape_cast %get3A_849 : vector<16xf32> to vector<16xf32>
          %mul3A_851 = arith.mulf %get3A_43, %get3A_850 : vector<16xf32>
          %get3A_852 = arith.constant 912 : index
          %get3A_853 = tpu.vector_load %arg11[%get3A_852] {strides = array<i32>} : memref<2560xf32, #tpu.memory_space<vmem>>, vector<16xf32>,
          %get3A_854 = vector.shape_cast %get3A_853 : vector<16xf32> to vector<16xf32>
          %mul3A_855 = arith.mulf %get3A_46, %get3A_854 : vector<16xf32>
          %add3A_856 = arith.addf %mul3A_851, %mul3A_855 : vector<16xf32>
          %get3A_857 = arith.constant 1424 : index
          %get3A_858 = tpu.vector_load %arg11[%get3A_857] {strides = array<i32>} : memref<2560xf32, #tpu.memory_space<vmem>>, vector<16xf32>,
          %get3A_859 = vector.shape_cast %get3A_858 : vector<16xf32> to vector<16xf32>
          %mul3A_860 = arith.mulf %get3A_49, %get3A_859 : vector<16xf32>
          %add3A_861 = arith.addf %add3A_856, %mul3A_860 : vector<16xf32>
          %get3A_862 = arith.constant 1936 : index
          %get3A_863 = tpu.vector_load %arg11[%get3A_862] {strides = array<i32>} : memref<2560xf32, #tpu.memory_space<vmem>>, vector<16xf32>,
          %get3A_864 = vector.shape_cast %get3A_863 : vector<16xf32> to vector<16xf32>
          %add3A_865 = arith.addf %add3A_861, %get3A_864 : vector<16xf32>
          %mul3A_866 = arith.constant 6.000000e-01 : f32
          %mul3A_867 = vector.broadcast %mul3A_866 : f32 to vector<16xf32>
          %mul3A_868 = arith.mulf %mul3A_867, %add3A_865 : vector<16xf32>
          %abs3A_869 = math.absf %add3A_865 : vector<16xf32>
          %mul3A_870 = arith.constant 4.000000e-01 : f32
          %mul3A_871 = vector.broadcast %mul3A_870 : f32 to vector<16xf32>
          %mul3A_872 = arith.mulf %mul3A_871, %abs3A_869 : vector<16xf32>
          %add3A_873 = arith.addf %mul3A_868, %mul3A_872 : vector<16xf32>
          %get3A_874 = arith.constant 2448 : index
          %get3A_875 = tpu.vector_load %arg11[%get3A_874] {strides = array<i32>} : memref<2560xf32, #tpu.memory_space<vmem>>, vector<16xf32>,
          %get3A_876 = vector.shape_cast %get3A_875 : vector<16xf32> to vector<16xf32>
          %mul3A_877 = arith.mulf %get3A_876, %add3A_873 : vector<16xf32>
          %add3A_878 = arith.addf %add3A_847, %mul3A_877 : vector<16xf32>
          %get3A_879 = arith.constant 416 : index
          %get3A_880 = tpu.vector_load %arg11[%get3A_879] {strides = array<i32>} : memref<2560xf32, #tpu.memory_space<vmem>>, vector<16xf32>,
          %get3A_881 = vector.shape_cast %get3A_880 : vector<16xf32> to vector<16xf32>
          %mul3A_882 = arith.mulf %get3A_43, %get3A_881 : vector<16xf32>
          %get3A_883 = arith.constant 928 : index
          %get3A_884 = tpu.vector_load %arg11[%get3A_883] {strides = array<i32>} : memref<2560xf32, #tpu.memory_space<vmem>>, vector<16xf32>,
          %get3A_885 = vector.shape_cast %get3A_884 : vector<16xf32> to vector<16xf32>
          %mul3A_886 = arith.mulf %get3A_46, %get3A_885 : vector<16xf32>
          %add3A_887 = arith.addf %mul3A_882, %mul3A_886 : vector<16xf32>
          %get3A_888 = arith.constant 1440 : index
          %get3A_889 = tpu.vector_load %arg11[%get3A_888] {strides = array<i32>} : memref<2560xf32, #tpu.memory_space<vmem>>, vector<16xf32>,
          %get3A_890 = vector.shape_cast %get3A_889 : vector<16xf32> to vector<16xf32>
          %mul3A_891 = arith.mulf %get3A_49, %get3A_890 : vector<16xf32>
          %add3A_892 = arith.addf %add3A_887, %mul3A_891 : vector<16xf32>
          %get3A_893 = arith.constant 1952 : index
          %get3A_894 = tpu.vector_load %arg11[%get3A_893] {strides = array<i32>} : memref<2560xf32, #tpu.memory_space<vmem>>, vector<16xf32>,
          %get3A_895 = vector.shape_cast %get3A_894 : vector<16xf32> to vector<16xf32>
          %add3A_896 = arith.addf %add3A_892, %get3A_895 : vector<16xf32>
          %mul3A_897 = arith.constant 6.000000e-01 : f32
          %mul3A_898 = vector.broadcast %mul3A_897 : f32 to vector<16xf32>
          %mul3A_899 = arith.mulf %mul3A_898, %add3A_896 : vector<16xf32>
          %abs3A_900 = math.absf %add3A_896 : vector<16xf32>
          %mul3A_901 = arith.constant 4.000000e-01 : f32
          %mul3A_902 = vector.broadcast %mul3A_901 : f32 to vector<16xf32>
          %mul3A_903 = arith.mulf %mul3A_902, %abs3A_900 : vector<16xf32>
          %add3A_904 = arith.addf %mul3A_899, %mul3A_903 : vector<16xf32>
          %get3A_905 = arith.constant 2464 : index
          %get3A_906 = tpu.vector_load %arg11[%get3A_905] {strides = array<i32>} : memref<2560xf32, #tpu.memory_space<vmem>>, vector<16xf32>,
          %get3A_907 = vector.shape_cast %get3A_906 : vector<16xf32> to vector<16xf32>
          %mul3A_908 = arith.mulf %get3A_907, %add3A_904 : vector<16xf32>
          %add3A_909 = arith.addf %add3A_878, %mul3A_908 : vector<16xf32>
          %get3A_910 = arith.constant 432 : index
          %get3A_911 = tpu.vector_load %arg11[%get3A_910] {strides = array<i32>} : memref<2560xf32, #tpu.memory_space<vmem>>, vector<16xf32>,
          %get3A_912 = vector.shape_cast %get3A_911 : vector<16xf32> to vector<16xf32>
          %mul3A_913 = arith.mulf %get3A_43, %get3A_912 : vector<16xf32>
          %get3A_914 = arith.constant 944 : index
          %get3A_915 = tpu.vector_load %arg11[%get3A_914] {strides = array<i32>} : memref<2560xf32, #tpu.memory_space<vmem>>, vector<16xf32>,
          %get3A_916 = vector.shape_cast %get3A_915 : vector<16xf32> to vector<16xf32>
          %mul3A_917 = arith.mulf %get3A_46, %get3A_916 : vector<16xf32>
          %add3A_918 = arith.addf %mul3A_913, %mul3A_917 : vector<16xf32>
          %get3A_919 = arith.constant 1456 : index
          %get3A_920 = tpu.vector_load %arg11[%get3A_919] {strides = array<i32>} : memref<2560xf32, #tpu.memory_space<vmem>>, vector<16xf32>,
          %get3A_921 = vector.shape_cast %get3A_920 : vector<16xf32> to vector<16xf32>
          %mul3A_922 = arith.mulf %get3A_49, %get3A_921 : vector<16xf32>
          %add3A_923 = arith.addf %add3A_918, %mul3A_922 : vector<16xf32>
          %get3A_924 = arith.constant 1968 : index
          %get3A_925 = tpu.vector_load %arg11[%get3A_924] {strides = array<i32>} : memref<2560xf32, #tpu.memory_space<vmem>>, vector<16xf32>,
          %get3A_926 = vector.shape_cast %get3A_925 : vector<16xf32> to vector<16xf32>
          %add3A_927 = arith.addf %add3A_923, %get3A_926 : vector<16xf32>
          %mul3A_928 = arith.constant 6.000000e-01 : f32
          %mul3A_929 = vector.broadcast %mul3A_928 : f32 to vector<16xf32>
          %mul3A_930 = arith.mulf %mul3A_929, %add3A_927 : vector<16xf32>
          %abs3A_931 = math.absf %add3A_927 : vector<16xf32>
          %mul3A_932 = arith.constant 4.000000e-01 : f32
          %mul3A_933 = vector.broadcast %mul3A_932 : f32 to vector<16xf32>
          %mul3A_934 = arith.mulf %mul3A_933, %abs3A_931 : vector<16xf32>
          %add3A_935 = arith.addf %mul3A_930, %mul3A_934 : vector<16xf32>
          %get3A_936 = arith.constant 2480 : index
          %get3A_937 = tpu.vector_load %arg11[%get3A_936] {strides = array<i32>} : memref<2560xf32, #tpu.memory_space<vmem>>, vector<16xf32>,
          %get3A_938 = vector.shape_cast %get3A_937 : vector<16xf32> to vector<16xf32>
          %mul3A_939 = arith.mulf %get3A_938, %add3A_935 : vector<16xf32>
          %add3A_940 = arith.addf %add3A_909, %mul3A_939 : vector<16xf32>
          %exp3A_941 = math.exp %add3A_940 : vector<16xf32>
          %broadcast_in_dim3A_942 = arith.constant 0.000000e+00 : f32
          %broadcast_in_dim3A_943 = vector.broadcast %broadcast_in_dim3A_942 : f32 to vector<16xf32>
          %get3A_944 = arith.constant 448 : index
          %get3A_945 = tpu.vector_load %arg11[%get3A_944] {strides = array<i32>} : memref<2560xf32, #tpu.memory_space<vmem>>, vector<16xf32>,
          %get3A_946 = vector.shape_cast %get3A_945 : vector<16xf32> to vector<16xf32>
          %mul3A_947 = arith.mulf %get3A_43, %get3A_946 : vector<16xf32>
          %get3A_948 = arith.constant 960 : index
          %get3A_949 = tpu.vector_load %arg11[%get3A_948] {strides = array<i32>} : memref<2560xf32, #tpu.memory_space<vmem>>, vector<16xf32>,
          %get3A_950 = vector.shape_cast %get3A_949 : vector<16xf32> to vector<16xf32>
          %mul3A_951 = arith.mulf %get3A_46, %get3A_950 : vector<16xf32>
          %add3A_952 = arith.addf %mul3A_947, %mul3A_951 : vector<16xf32>
          %get3A_953 = arith.constant 1472 : index
          %get3A_954 = tpu.vector_load %arg11[%get3A_953] {strides = array<i32>} : memref<2560xf32, #tpu.memory_space<vmem>>, vector<16xf32>,
          %get3A_955 = vector.shape_cast %get3A_954 : vector<16xf32> to vector<16xf32>
          %mul3A_956 = arith.mulf %get3A_49, %get3A_955 : vector<16xf32>
          %add3A_957 = arith.addf %add3A_952, %mul3A_956 : vector<16xf32>
          %get3A_958 = arith.constant 1984 : index
          %get3A_959 = tpu.vector_load %arg11[%get3A_958] {strides = array<i32>} : memref<2560xf32, #tpu.memory_space<vmem>>, vector<16xf32>,
          %get3A_960 = vector.shape_cast %get3A_959 : vector<16xf32> to vector<16xf32>
          %add3A_961 = arith.addf %add3A_957, %get3A_960 : vector<16xf32>
          %mul3A_962 = arith.constant 6.000000e-01 : f32
          %mul3A_963 = vector.broadcast %mul3A_962 : f32 to vector<16xf32>
          %mul3A_964 = arith.mulf %mul3A_963, %add3A_961 : vector<16xf32>
          %abs3A_965 = math.absf %add3A_961 : vector<16xf32>
          %mul3A_966 = arith.constant 4.000000e-01 : f32
          %mul3A_967 = vector.broadcast %mul3A_966 : f32 to vector<16xf32>
          %mul3A_968 = arith.mulf %mul3A_967, %abs3A_965 : vector<16xf32>
          %add3A_969 = arith.addf %mul3A_964, %mul3A_968 : vector<16xf32>
          %get3A_970 = arith.constant 2496 : index
          %get3A_971 = tpu.vector_load %arg11[%get3A_970] {strides = array<i32>} : memref<2560xf32, #tpu.memory_space<vmem>>, vector<16xf32>,
          %get3A_972 = vector.shape_cast %get3A_971 : vector<16xf32> to vector<16xf32>
          %mul3A_973 = arith.mulf %get3A_972, %add3A_969 : vector<16xf32>
          %add3A_974 = arith.addf %broadcast_in_dim3A_943, %mul3A_973 : vector<16xf32>
          %get3A_975 = arith.constant 464 : index
          %get3A_976 = tpu.vector_load %arg11[%get3A_975] {strides = array<i32>} : memref<2560xf32, #tpu.memory_space<vmem>>, vector<16xf32>,
          %get3A_977 = vector.shape_cast %get3A_976 : vector<16xf32> to vector<16xf32>
          %mul3A_978 = arith.mulf %get3A_43, %get3A_977 : vector<16xf32>
          %get3A_979 = arith.constant 976 : index
          %get3A_980 = tpu.vector_load %arg11[%get3A_979] {strides = array<i32>} : memref<2560xf32, #tpu.memory_space<vmem>>, vector<16xf32>,
          %get3A_981 = vector.shape_cast %get3A_980 : vector<16xf32> to vector<16xf32>
          %mul3A_982 = arith.mulf %get3A_46, %get3A_981 : vector<16xf32>
          %add3A_983 = arith.addf %mul3A_978, %mul3A_982 : vector<16xf32>
          %get3A_984 = arith.constant 1488 : index
          %get3A_985 = tpu.vector_load %arg11[%get3A_984] {strides = array<i32>} : memref<2560xf32, #tpu.memory_space<vmem>>, vector<16xf32>,
          %get3A_986 = vector.shape_cast %get3A_985 : vector<16xf32> to vector<16xf32>
          %mul3A_987 = arith.mulf %get3A_49, %get3A_986 : vector<16xf32>
          %add3A_988 = arith.addf %add3A_983, %mul3A_987 : vector<16xf32>
          %get3A_989 = arith.constant 2000 : index
          %get3A_990 = tpu.vector_load %arg11[%get3A_989] {strides = array<i32>} : memref<2560xf32, #tpu.memory_space<vmem>>, vector<16xf32>,
          %get3A_991 = vector.shape_cast %get3A_990 : vector<16xf32> to vector<16xf32>
          %add3A_992 = arith.addf %add3A_988, %get3A_991 : vector<16xf32>
          %mul3A_993 = arith.constant 6.000000e-01 : f32
          %mul3A_994 = vector.broadcast %mul3A_993 : f32 to vector<16xf32>
          %mul3A_995 = arith.mulf %mul3A_994, %add3A_992 : vector<16xf32>
          %abs3A_996 = math.absf %add3A_992 : vector<16xf32>
          %mul3A_997 = arith.constant 4.000000e-01 : f32
          %mul3A_998 = vector.broadcast %mul3A_997 : f32 to vector<16xf32>
          %mul3A_999 = arith.mulf %mul3A_998, %abs3A_996 : vector<16xf32>
          %add3A_1000 = arith.addf %mul3A_995, %mul3A_999 : vector<16xf32>
          %get3A_1001 = arith.constant 2512 : index
          %get3A_1002 = tpu.vector_load %arg11[%get3A_1001] {strides = array<i32>} : memref<2560xf32, #tpu.memory_space<vmem>>, vector<16xf32>,
          %get3A_1003 = vector.shape_cast %get3A_1002 : vector<16xf32> to vector<16xf32>
          %mul3A_1004 = arith.mulf %get3A_1003, %add3A_1000 : vector<16xf32>
          %add3A_1005 = arith.addf %add3A_974, %mul3A_1004 : vector<16xf32>
          %get3A_1006 = arith.constant 480 : index
          %get3A_1007 = tpu.vector_load %arg11[%get3A_1006] {strides = array<i32>} : memref<2560xf32, #tpu.memory_space<vmem>>, vector<16xf32>,
          %get3A_1008 = vector.shape_cast %get3A_1007 : vector<16xf32> to vector<16xf32>
          %mul3A_1009 = arith.mulf %get3A_43, %get3A_1008 : vector<16xf32>
          %get3A_1010 = arith.constant 992 : index
          %get3A_1011 = tpu.vector_load %arg11[%get3A_1010] {strides = array<i32>} : memref<2560xf32, #tpu.memory_space<vmem>>, vector<16xf32>,
          %get3A_1012 = vector.shape_cast %get3A_1011 : vector<16xf32> to vector<16xf32>
          %mul3A_1013 = arith.mulf %get3A_46, %get3A_1012 : vector<16xf32>
          %add3A_1014 = arith.addf %mul3A_1009, %mul3A_1013 : vector<16xf32>
          %get3A_1015 = arith.constant 1504 : index
          %get3A_1016 = tpu.vector_load %arg11[%get3A_1015] {strides = array<i32>} : memref<2560xf32, #tpu.memory_space<vmem>>, vector<16xf32>,
          %get3A_1017 = vector.shape_cast %get3A_1016 : vector<16xf32> to vector<16xf32>
          %mul3A_1018 = arith.mulf %get3A_49, %get3A_1017 : vector<16xf32>
          %add3A_1019 = arith.addf %add3A_1014, %mul3A_1018 : vector<16xf32>
          %get3A_1020 = arith.constant 2016 : index
          %get3A_1021 = tpu.vector_load %arg11[%get3A_1020] {strides = array<i32>} : memref<2560xf32, #tpu.memory_space<vmem>>, vector<16xf32>,
          %get3A_1022 = vector.shape_cast %get3A_1021 : vector<16xf32> to vector<16xf32>
          %add3A_1023 = arith.addf %add3A_1019, %get3A_1022 : vector<16xf32>
          %mul3A_1024 = arith.constant 6.000000e-01 : f32
          %mul3A_1025 = vector.broadcast %mul3A_1024 : f32 to vector<16xf32>
          %mul3A_1026 = arith.mulf %mul3A_1025, %add3A_1023 : vector<16xf32>
          %abs3A_1027 = math.absf %add3A_1023 : vector<16xf32>
          %mul3A_1028 = arith.constant 4.000000e-01 : f32
          %mul3A_1029 = vector.broadcast %mul3A_1028 : f32 to vector<16xf32>
          %mul3A_1030 = arith.mulf %mul3A_1029, %abs3A_1027 : vector<16xf32>
          %add3A_1031 = arith.addf %mul3A_1026, %mul3A_1030 : vector<16xf32>
          %get3A_1032 = arith.constant 2528 : index
          %get3A_1033 = tpu.vector_load %arg11[%get3A_1032] {strides = array<i32>} : memref<2560xf32, #tpu.memory_space<vmem>>, vector<16xf32>,
          %get3A_1034 = vector.shape_cast %get3A_1033 : vector<16xf32> to vector<16xf32>
          %mul3A_1035 = arith.mulf %get3A_1034, %add3A_1031 : vector<16xf32>
          %add3A_1036 = arith.addf %add3A_1005, %mul3A_1035 : vector<16xf32>
          %get3A_1037 = arith.constant 496 : index
          %get3A_1038 = tpu.vector_load %arg11[%get3A_1037] {strides = array<i32>} : memref<2560xf32, #tpu.memory_space<vmem>>, vector<16xf32>,
          %get3A_1039 = vector.shape_cast %get3A_1038 : vector<16xf32> to vector<16xf32>
          %mul3A_1040 = arith.mulf %get3A_43, %get3A_1039 : vector<16xf32>
          %get3A_1041 = arith.constant 1008 : index
          %get3A_1042 = tpu.vector_load %arg11[%get3A_1041] {strides = array<i32>} : memref<2560xf32, #tpu.memory_space<vmem>>, vector<16xf32>,
          %get3A_1043 = vector.shape_cast %get3A_1042 : vector<16xf32> to vector<16xf32>
          %mul3A_1044 = arith.mulf %get3A_46, %get3A_1043 : vector<16xf32>
          %add3A_1045 = arith.addf %mul3A_1040, %mul3A_1044 : vector<16xf32>
          %get3A_1046 = arith.constant 1520 : index
          %get3A_1047 = tpu.vector_load %arg11[%get3A_1046] {strides = array<i32>} : memref<2560xf32, #tpu.memory_space<vmem>>, vector<16xf32>,
          %get3A_1048 = vector.shape_cast %get3A_1047 : vector<16xf32> to vector<16xf32>
          %mul3A_1049 = arith.mulf %get3A_49, %get3A_1048 : vector<16xf32>
          %add3A_1050 = arith.addf %add3A_1045, %mul3A_1049 : vector<16xf32>
          %get3A_1051 = arith.constant 2032 : index
          %get3A_1052 = tpu.vector_load %arg11[%get3A_1051] {strides = array<i32>} : memref<2560xf32, #tpu.memory_space<vmem>>, vector<16xf32>,
          %get3A_1053 = vector.shape_cast %get3A_1052 : vector<16xf32> to vector<16xf32>
          %add3A_1054 = arith.addf %add3A_1050, %get3A_1053 : vector<16xf32>
          %mul3A_1055 = arith.constant 6.000000e-01 : f32
          %mul3A_1056 = vector.broadcast %mul3A_1055 : f32 to vector<16xf32>
          %mul3A_1057 = arith.mulf %mul3A_1056, %add3A_1054 : vector<16xf32>
          %abs3A_1058 = math.absf %add3A_1054 : vector<16xf32>
          %mul3A_1059 = arith.constant 4.000000e-01 : f32
          %mul3A_1060 = vector.broadcast %mul3A_1059 : f32 to vector<16xf32>
          %mul3A_1061 = arith.mulf %mul3A_1060, %abs3A_1058 : vector<16xf32>
          %add3A_1062 = arith.addf %mul3A_1057, %mul3A_1061 : vector<16xf32>
          %get3A_1063 = arith.constant 2544 : index
          %get3A_1064 = tpu.vector_load %arg11[%get3A_1063] {strides = array<i32>} : memref<2560xf32, #tpu.memory_space<vmem>>, vector<16xf32>,
          %get3A_1065 = vector.shape_cast %get3A_1064 : vector<16xf32> to vector<16xf32>
          %mul3A_1066 = arith.mulf %get3A_1065, %add3A_1062 : vector<16xf32>
          %add3A_1067 = arith.addf %add3A_1036, %mul3A_1066 : vector<16xf32>
          %exp3A_1068 = math.exp %add3A_1067 : vector<16xf32>
          %broadcast_in_dim3A_1069 = arith.constant 1.000000e+00 : f32
          %broadcast_in_dim3A_1070 = vector.broadcast %broadcast_in_dim3A_1069 : f32 to vector<16xf32>
          %mul3A_1071 = arith.constant 16 : i32
          %mul3A_1072 = arith.muli %scan3A_39, %mul3A_1071 : i32
          %add3A_1073 = arith.constant 0 : i32
          %add3A_1074 = arith.addi %add3A_1073, %mul3A_1072 : i32
          %swap3A = arith.index_cast %add3A_1074 : i32 to index
          %swap3A_1075 = tpu.vector_load %arg17[%swap3A] {strides = array<i32>} : memref<18000xf32, #tpu.memory_space<vmem>>, vector<16xf32>,
          %swap3A_1076 = vector.shape_cast %swap3A_1075 : vector<16xf32> to vector<16xf32>
          %swap3A_1077 = vector.shape_cast %get3A_49 : vector<16xf32> to vector<16xf32>
          tpu.vector_store %arg17[%swap3A], %swap3A_1077 {strides = array<i32>} : memref<18000xf32, #tpu.memory_space<vmem>>, vector<16xf32>,
          %add3A_1078 = arith.constant 0 : i32
          %add3A_1079 = vector.broadcast %add3A_1078 : i32 to vector<16xi32>
          %add3A_1080 = arith.addi %mul3A_55, %add3A_1079 : vector<16xi32>
          %mul3A_1081 = arith.constant 16 : i32
          %mul3A_1082 = arith.muli %scan3A_39, %mul3A_1081 : i32
          %add3A_1083 = arith.constant 0 : i32
          %add3A_1084 = arith.addi %add3A_1083, %mul3A_1082 : i32
          %swap3A_1085 = arith.index_cast %add3A_1084 : i32 to index
          %swap3A_1086 = tpu.vector_load %arg18[%swap3A_1085] {strides = array<i32>} : memref<18000xi32, #tpu.memory_space<vmem>>, vector<16xi32>,
          %swap3A_1087 = vector.shape_cast %swap3A_1086 : vector<16xi32> to vector<16xi32>
          %swap3A_1088 = vector.shape_cast %add3A_1080 : vector<16xi32> to vector<16xi32>
          tpu.vector_store %arg18[%swap3A_1085], %swap3A_1088 {strides = array<i32>} : memref<18000xi32, #tpu.memory_space<vmem>>, vector<16xi32>,
          %mul3A_1089 = arith.constant 16 : i32
          %mul3A_1090 = arith.muli %scan3A_39, %mul3A_1089 : i32
          %add3A_1091 = arith.constant 2000 : i32
          %add3A_1092 = arith.addi %add3A_1091, %mul3A_1090 : i32
          %swap3A_1093 = arith.index_cast %add3A_1092 : i32 to index
          %swap3A_1094 = tpu.vector_load %arg17[%swap3A_1093] {strides = array<i32>} : memref<18000xf32, #tpu.memory_space<vmem>>, vector<16xf32>,
          %swap3A_1095 = vector.shape_cast %swap3A_1094 : vector<16xf32> to vector<16xf32>
          %swap3A_1096 = vector.shape_cast %broadcast_in_dim3A_1070 : vector<16xf32> to vector<16xf32>
          tpu.vector_store %arg17[%swap3A_1093], %swap3A_1096 {strides = array<i32>} : memref<18000xf32, #tpu.memory_space<vmem>>, vector<16xf32>,
          %add3A_1097 = arith.constant 1 : i32
          %add3A_1098 = vector.broadcast %add3A_1097 : i32 to vector<16xi32>
          %add3A_1099 = arith.addi %mul3A_55, %add3A_1098 : vector<16xi32>
          %mul3A_1100 = arith.constant 16 : i32
          %mul3A_1101 = arith.muli %scan3A_39, %mul3A_1100 : i32
          %add3A_1102 = arith.constant 2000 : i32
          %add3A_1103 = arith.addi %add3A_1102, %mul3A_1101 : i32
          %swap3A_1104 = arith.index_cast %add3A_1103 : i32 to index
          %swap3A_1105 = tpu.vector_load %arg18[%swap3A_1104] {strides = array<i32>} : memref<18000xi32, #tpu.memory_space<vmem>>, vector<16xi32>,
          %swap3A_1106 = vector.shape_cast %swap3A_1105 : vector<16xi32> to vector<16xi32>
          %swap3A_1107 = vector.shape_cast %add3A_1099 : vector<16xi32> to vector<16xi32>
          tpu.vector_store %arg18[%swap3A_1104], %swap3A_1107 {strides = array<i32>} : memref<18000xi32, #tpu.memory_space<vmem>>, vector<16xi32>,
          %mul3A_1108 = arith.constant 16 : i32
          %mul3A_1109 = arith.muli %scan3A_39, %mul3A_1108 : i32
          %add3A_1110 = arith.constant 4000 : i32
          %add3A_1111 = arith.addi %add3A_1110, %mul3A_1109 : i32
          %swap3A_1112 = arith.index_cast %add3A_1111 : i32 to index
          %swap3A_1113 = tpu.vector_load %arg17[%swap3A_1112] {strides = array<i32>} : memref<18000xf32, #tpu.memory_space<vmem>>, vector<16xf32>,
          %swap3A_1114 = vector.shape_cast %swap3A_1113 : vector<16xf32> to vector<16xf32>
          %swap3A_1115 = vector.shape_cast %exp3A : vector<16xf32> to vector<16xf32>
          tpu.vector_store %arg17[%swap3A_1112], %swap3A_1115 {strides = array<i32>} : memref<18000xf32, #tpu.memory_space<vmem>>, vector<16xf32>,
          %add3A_1116 = arith.constant 2 : i32
          %add3A_1117 = vector.broadcast %add3A_1116 : i32 to vector<16xi32>
          %add3A_1118 = arith.addi %mul3A_55, %add3A_1117 : vector<16xi32>
          %mul3A_1119 = arith.constant 16 : i32
          %mul3A_1120 = arith.muli %scan3A_39, %mul3A_1119 : i32
          %add3A_1121 = arith.constant 4000 : i32
          %add3A_1122 = arith.addi %add3A_1121, %mul3A_1120 : i32
          %swap3A_1123 = arith.index_cast %add3A_1122 : i32 to index
          %swap3A_1124 = tpu.vector_load %arg18[%swap3A_1123] {strides = array<i32>} : memref<18000xi32, #tpu.memory_space<vmem>>, vector<16xi32>,
          %swap3A_1125 = vector.shape_cast %swap3A_1124 : vector<16xi32> to vector<16xi32>
          %swap3A_1126 = vector.shape_cast %add3A_1118 : vector<16xi32> to vector<16xi32>
          tpu.vector_store %arg18[%swap3A_1123], %swap3A_1126 {strides = array<i32>} : memref<18000xi32, #tpu.memory_space<vmem>>, vector<16xi32>,
          %mul3A_1127 = arith.constant 16 : i32
          %mul3A_1128 = arith.muli %scan3A_39, %mul3A_1127 : i32
          %add3A_1129 = arith.constant 6000 : i32
          %add3A_1130 = arith.addi %add3A_1129, %mul3A_1128 : i32
          %swap3A_1131 = arith.index_cast %add3A_1130 : i32 to index
          %swap3A_1132 = tpu.vector_load %arg17[%swap3A_1131] {strides = array<i32>} : memref<18000xf32, #tpu.memory_space<vmem>>, vector<16xf32>,
          %swap3A_1133 = vector.shape_cast %swap3A_1132 : vector<16xf32> to vector<16xf32>
          %swap3A_1134 = vector.shape_cast %exp3A_306 : vector<16xf32> to vector<16xf32>
          tpu.vector_store %arg17[%swap3A_1131], %swap3A_1134 {strides = array<i32>} : memref<18000xf32, #tpu.memory_space<vmem>>, vector<16xf32>,
          %add3A_1135 = arith.constant 3 : i32
          %add3A_1136 = vector.broadcast %add3A_1135 : i32 to vector<16xi32>
          %add3A_1137 = arith.addi %mul3A_55, %add3A_1136 : vector<16xi32>
          %mul3A_1138 = arith.constant 16 : i32
          %mul3A_1139 = arith.muli %scan3A_39, %mul3A_1138 : i32
          %add3A_1140 = arith.constant 6000 : i32
          %add3A_1141 = arith.addi %add3A_1140, %mul3A_1139 : i32
          %swap3A_1142 = arith.index_cast %add3A_1141 : i32 to index
          %swap3A_1143 = tpu.vector_load %arg18[%swap3A_1142] {strides = array<i32>} : memref<18000xi32, #tpu.memory_space<vmem>>, vector<16xi32>,
          %swap3A_1144 = vector.shape_cast %swap3A_1143 : vector<16xi32> to vector<16xi32>
          %swap3A_1145 = vector.shape_cast %add3A_1137 : vector<16xi32> to vector<16xi32>
          tpu.vector_store %arg18[%swap3A_1142], %swap3A_1145 {strides = array<i32>} : memref<18000xi32, #tpu.memory_space<vmem>>, vector<16xi32>,
          %mul3A_1146 = arith.constant 16 : i32
          %mul3A_1147 = arith.muli %scan3A_39, %mul3A_1146 : i32
          %add3A_1148 = arith.constant 8000 : i32
          %add3A_1149 = arith.addi %add3A_1148, %mul3A_1147 : i32
          %swap3A_1150 = arith.index_cast %add3A_1149 : i32 to index
          %swap3A_1151 = tpu.vector_load %arg17[%swap3A_1150] {strides = array<i32>} : memref<18000xf32, #tpu.memory_space<vmem>>, vector<16xf32>,
          %swap3A_1152 = vector.shape_cast %swap3A_1151 : vector<16xf32> to vector<16xf32>
          %swap3A_1153 = vector.shape_cast %exp3A_433 : vector<16xf32> to vector<16xf32>
          tpu.vector_store %arg17[%swap3A_1150], %swap3A_1153 {strides = array<i32>} : memref<18000xf32, #tpu.memory_space<vmem>>, vector<16xf32>,
          %add3A_1154 = arith.constant 4 : i32
          %add3A_1155 = vector.broadcast %add3A_1154 : i32 to vector<16xi32>
          %add3A_1156 = arith.addi %mul3A_55, %add3A_1155 : vector<16xi32>
          %mul3A_1157 = arith.constant 16 : i32
          %mul3A_1158 = arith.muli %scan3A_39, %mul3A_1157 : i32
          %add3A_1159 = arith.constant 8000 : i32
          %add3A_1160 = arith.addi %add3A_1159, %mul3A_1158 : i32
          %swap3A_1161 = arith.index_cast %add3A_1160 : i32 to index
          %swap3A_1162 = tpu.vector_load %arg18[%swap3A_1161] {strides = array<i32>} : memref<18000xi32, #tpu.memory_space<vmem>>, vector<16xi32>,
          %swap3A_1163 = vector.shape_cast %swap3A_1162 : vector<16xi32> to vector<16xi32>
          %swap3A_1164 = vector.shape_cast %add3A_1156 : vector<16xi32> to vector<16xi32>
          tpu.vector_store %arg18[%swap3A_1161], %swap3A_1164 {strides = array<i32>} : memref<18000xi32, #tpu.memory_space<vmem>>, vector<16xi32>,
          %mul3A_1165 = arith.constant 16 : i32
          %mul3A_1166 = arith.muli %scan3A_39, %mul3A_1165 : i32
          %add3A_1167 = arith.constant 10000 : i32
          %add3A_1168 = arith.addi %add3A_1167, %mul3A_1166 : i32
          %swap3A_1169 = arith.index_cast %add3A_1168 : i32 to index
          %swap3A_1170 = tpu.vector_load %arg17[%swap3A_1169] {strides = array<i32>} : memref<18000xf32, #tpu.memory_space<vmem>>, vector<16xf32>,
          %swap3A_1171 = vector.shape_cast %swap3A_1170 : vector<16xf32> to vector<16xf32>
          %swap3A_1172 = vector.shape_cast %exp3A_560 : vector<16xf32> to vector<16xf32>
          tpu.vector_store %arg17[%swap3A_1169], %swap3A_1172 {strides = array<i32>} : memref<18000xf32, #tpu.memory_space<vmem>>, vector<16xf32>,
          %add3A_1173 = arith.constant 5 : i32
          %add3A_1174 = vector.broadcast %add3A_1173 : i32 to vector<16xi32>
          %add3A_1175 = arith.addi %mul3A_55, %add3A_1174 : vector<16xi32>
          %mul3A_1176 = arith.constant 16 : i32
          %mul3A_1177 = arith.muli %scan3A_39, %mul3A_1176 : i32
          %add3A_1178 = arith.constant 10000 : i32
          %add3A_1179 = arith.addi %add3A_1178, %mul3A_1177 : i32
          %swap3A_1180 = arith.index_cast %add3A_1179 : i32 to index
          %swap3A_1181 = tpu.vector_load %arg18[%swap3A_1180] {strides = array<i32>} : memref<18000xi32, #tpu.memory_space<vmem>>, vector<16xi32>,
          %swap3A_1182 = vector.shape_cast %swap3A_1181 : vector<16xi32> to vector<16xi32>
          %swap3A_1183 = vector.shape_cast %add3A_1175 : vector<16xi32> to vector<16xi32>
          tpu.vector_store %arg18[%swap3A_1180], %swap3A_1183 {strides = array<i32>} : memref<18000xi32, #tpu.memory_space<vmem>>, vector<16xi32>,
          %mul3A_1184 = arith.constant 16 : i32
          %mul3A_1185 = arith.muli %scan3A_39, %mul3A_1184 : i32
          %add3A_1186 = arith.constant 12000 : i32
          %add3A_1187 = arith.addi %add3A_1186, %mul3A_1185 : i32
          %swap3A_1188 = arith.index_cast %add3A_1187 : i32 to index
          %swap3A_1189 = tpu.vector_load %arg17[%swap3A_1188] {strides = array<i32>} : memref<18000xf32, #tpu.memory_space<vmem>>, vector<16xf32>,
          %swap3A_1190 = vector.shape_cast %swap3A_1189 : vector<16xf32> to vector<16xf32>
          %swap3A_1191 = vector.shape_cast %exp3A_687 : vector<16xf32> to vector<16xf32>
          tpu.vector_store %arg17[%swap3A_1188], %swap3A_1191 {strides = array<i32>} : memref<18000xf32, #tpu.memory_space<vmem>>, vector<16xf32>,
          %add3A_1192 = arith.constant 6 : i32
          %add3A_1193 = vector.broadcast %add3A_1192 : i32 to vector<16xi32>
          %add3A_1194 = arith.addi %mul3A_55, %add3A_1193 : vector<16xi32>
          %mul3A_1195 = arith.constant 16 : i32
          %mul3A_1196 = arith.muli %scan3A_39, %mul3A_1195 : i32
          %add3A_1197 = arith.constant 12000 : i32
          %add3A_1198 = arith.addi %add3A_1197, %mul3A_1196 : i32
          %swap3A_1199 = arith.index_cast %add3A_1198 : i32 to index
          %swap3A_1200 = tpu.vector_load %arg18[%swap3A_1199] {strides = array<i32>} : memref<18000xi32, #tpu.memory_space<vmem>>, vector<16xi32>,
          %swap3A_1201 = vector.shape_cast %swap3A_1200 : vector<16xi32> to vector<16xi32>
          %swap3A_1202 = vector.shape_cast %add3A_1194 : vector<16xi32> to vector<16xi32>
          tpu.vector_store %arg18[%swap3A_1199], %swap3A_1202 {strides = array<i32>} : memref<18000xi32, #tpu.memory_space<vmem>>, vector<16xi32>,
          %mul3A_1203 = arith.constant 16 : i32
          %mul3A_1204 = arith.muli %scan3A_39, %mul3A_1203 : i32
          %add3A_1205 = arith.constant 14000 : i32
          %add3A_1206 = arith.addi %add3A_1205, %mul3A_1204 : i32
          %swap3A_1207 = arith.index_cast %add3A_1206 : i32 to index
          %swap3A_1208 = tpu.vector_load %arg17[%swap3A_1207] {strides = array<i32>} : memref<18000xf32, #tpu.memory_space<vmem>>, vector<16xf32>,
          %swap3A_1209 = vector.shape_cast %swap3A_1208 : vector<16xf32> to vector<16xf32>
          %swap3A_1210 = vector.shape_cast %exp3A_814 : vector<16xf32> to vector<16xf32>
          tpu.vector_store %arg17[%swap3A_1207], %swap3A_1210 {strides = array<i32>} : memref<18000xf32, #tpu.memory_space<vmem>>, vector<16xf32>,
          %add3A_1211 = arith.constant 7 : i32
          %add3A_1212 = vector.broadcast %add3A_1211 : i32 to vector<16xi32>
          %add3A_1213 = arith.addi %mul3A_55, %add3A_1212 : vector<16xi32>
          %mul3A_1214 = arith.constant 16 : i32
          %mul3A_1215 = arith.muli %scan3A_39, %mul3A_1214 : i32
          %add3A_1216 = arith.constant 14000 : i32
          %add3A_1217 = arith.addi %add3A_1216, %mul3A_1215 : i32
          %swap3A_1218 = arith.index_cast %add3A_1217 : i32 to index
          %swap3A_1219 = tpu.vector_load %arg18[%swap3A_1218] {strides = array<i32>} : memref<18000xi32, #tpu.memory_space<vmem>>, vector<16xi32>,
          %swap3A_1220 = vector.shape_cast %swap3A_1219 : vector<16xi32> to vector<16xi32>
          %swap3A_1221 = vector.shape_cast %add3A_1213 : vector<16xi32> to vector<16xi32>
          tpu.vector_store %arg18[%swap3A_1218], %swap3A_1221 {strides = array<i32>} : memref<18000xi32, #tpu.memory_space<vmem>>, vector<16xi32>,
          %mul3A_1222 = arith.constant 16 : i32
          %mul3A_1223 = arith.muli %scan3A_39, %mul3A_1222 : i32
          %add3A_1224 = arith.constant 16000 : i32
          %add3A_1225 = arith.addi %add3A_1224, %mul3A_1223 : i32
          %swap3A_1226 = arith.index_cast %add3A_1225 : i32 to index
          %swap3A_1227 = tpu.vector_load %arg17[%swap3A_1226] {strides = array<i32>} : memref<18000xf32, #tpu.memory_space<vmem>>, vector<16xf32>,
          %swap3A_1228 = vector.shape_cast %swap3A_1227 : vector<16xf32> to vector<16xf32>
          %swap3A_1229 = vector.shape_cast %exp3A_941 : vector<16xf32> to vector<16xf32>
          tpu.vector_store %arg17[%swap3A_1226], %swap3A_1229 {strides = array<i32>} : memref<18000xf32, #tpu.memory_space<vmem>>, vector<16xf32>,
          %add3A_1230 = arith.constant 8 : i32
          %add3A_1231 = vector.broadcast %add3A_1230 : i32 to vector<16xi32>
          %add3A_1232 = arith.addi %mul3A_55, %add3A_1231 : vector<16xi32>
          %mul3A_1233 = arith.constant 16 : i32
          %mul3A_1234 = arith.muli %scan3A_39, %mul3A_1233 : i32
          %add3A_1235 = arith.constant 16000 : i32
          %add3A_1236 = arith.addi %add3A_1235, %mul3A_1234 : i32
          %swap3A_1237 = arith.index_cast %add3A_1236 : i32 to index
          %swap3A_1238 = tpu.vector_load %arg18[%swap3A_1237] {strides = array<i32>} : memref<18000xi32, #tpu.memory_space<vmem>>, vector<16xi32>,
          %swap3A_1239 = vector.shape_cast %swap3A_1238 : vector<16xi32> to vector<16xi32>
          %swap3A_1240 = vector.shape_cast %add3A_1232 : vector<16xi32> to vector<16xi32>
          tpu.vector_store %arg18[%swap3A_1237], %swap3A_1240 {strides = array<i32>} : memref<18000xi32, #tpu.memory_space<vmem>>, vector<16xi32>,
        }
        %scan3A_38 = arith.constant 125 : i32
        "tpu.region"() ({
          %run_scoped3A = tpu.sem_alloc : memref<!tpu.dma_semaphore, #tpu.memory_space<semaphore_mem>>
          %dma_start3A_39 = arith.constant 0 : i32
          %dma_start3A_40 = tpu.memref_slice %arg9[%dma_start3A_39] : memref<900000xf32, #tpu.memory_space<vmem_shared>> -> memref<900000xf32, #tpu.memory_space<vmem_shared>>
          tpu.enqueue_indirect_dma source(%arg17 : memref<18000xf32, #tpu.memory_space<vmem>>) target(%dma_start3A_40 : memref<900000xf32, #tpu.memory_space<vmem_shared>>) offsets(%arg18 : memref<18000xi32, #tpu.memory_space<vmem>>) semaphore(%run_scoped3A : memref<!tpu.dma_semaphore, #tpu.memory_space<semaphore_mem>>) {add = true}
          %dma_wait3A_41 = arith.constant 0 : i32
          %dma_wait3A_42 = tpu.memref_slice %arg9[%dma_wait3A_41] : memref<900000xf32, #tpu.memory_space<vmem_shared>> -> memref<900000xf32, #tpu.memory_space<vmem_shared>>
          tpu.wait_indirect_dma semaphore(%run_scoped3A : memref<!tpu.dma_semaphore, #tpu.memory_space<semaphore_mem>>) src(%arg17 : memref<18000xf32, #tpu.memory_space<vmem>>) dst(%dma_wait3A_42 : memref<900000xf32, #tpu.memory_space<vmem_shared>>)
          tpu.yield
        }) : () -> ()
      }
      %scan3A_22 = arith.constant 50 : i32
    } else {
    }
    %eq3A_7 = arith.constant 1 : i32
    %eq3A_8 = arith.cmpi eq, %arg0, %eq3A_7 : i32
    %convert_element_type3A_9 = arith.extui %eq3A_8 : i1 to i32
    %cond3A_10 = arith.constant 0 : i32
    %cond3A_11 = arith.cmpi ne, %convert_element_type3A_9, %cond3A_10 : i32
    scf.if %cond3A_11 {
      %scan3A = arith.constant 0 : i32
      %scan3A_18 = arith.constant 0 : i32
      %scan3A_19 = arith.constant 50 : i32
      %scan3A_20 = arith.addi %scan3A_18, %scan3A_19 : i32
      %scan3A_21 = arith.constant 1 : i32
      scf.for %scan3A_23 = %scan3A_18 to %scan3A_20 step %scan3A_21  : i32 {
        %mul3A = arith.constant 100000 : i32
        %mul3A_24 = arith.muli %arg1, %mul3A : i32
        %mul3A_25 = arith.constant 2000 : i32
        %mul3A_26 = arith.muli %scan3A_23, %mul3A_25 : i32
        %add3A = arith.addi %mul3A_24, %mul3A_26 : i32
        "tpu.region"() ({
          %run_scoped3A = tpu.sem_alloc : memref<!tpu.dma_semaphore, #tpu.memory_space<semaphore_mem>>
          %dma_start3A_39 = tpu.memref_slice %arg2[%add3A] : memref<1600000xi32, #tpu.memory_space<hbm>> -> memref<2000xi32, #tpu.memory_space<hbm>>
          %dma_start3A_40 = tpu.memref_slice %arg2[%add3A] : memref<1600000xi32, #tpu.memory_space<hbm>> -> memref<2000xi32, #tpu.memory_space<hbm>>
          tpu.enqueue_dma source(%dma_start3A_40 : memref<2000xi32, #tpu.memory_space<hbm>>) target(%arg12 : memref<2000xi32, #tpu.memory_space<vmem>>) target_semaphore(%run_scoped3A : memref<!tpu.dma_semaphore, #tpu.memory_space<semaphore_mem>>)
          %dma_wait3A_41 = tpu.memref_slice %arg2[%add3A] : memref<1600000xi32, #tpu.memory_space<hbm>> -> memref<2000xi32, #tpu.memory_space<hbm>>
          %dma_wait3A_42 = tpu.memref_slice %arg2[%add3A] : memref<1600000xi32, #tpu.memory_space<hbm>> -> memref<2000xi32, #tpu.memory_space<hbm>>
          tpu.wait_dma2 semaphore(%run_scoped3A : memref<!tpu.dma_semaphore, #tpu.memory_space<semaphore_mem>>) src(%dma_wait3A_42 : memref<2000xi32, #tpu.memory_space<hbm>>) dst(%arg12 : memref<2000xi32, #tpu.memory_space<vmem>>)
          tpu.yield
        }) : () -> ()
        "tpu.region"() ({
          %run_scoped3A = tpu.sem_alloc : memref<!tpu.dma_semaphore, #tpu.memory_space<semaphore_mem>>
          %dma_start3A_39 = tpu.memref_slice %arg3[%add3A] : memref<1600000xi32, #tpu.memory_space<hbm>> -> memref<2000xi32, #tpu.memory_space<hbm>>
          %dma_start3A_40 = tpu.memref_slice %arg3[%add3A] : memref<1600000xi32, #tpu.memory_space<hbm>> -> memref<2000xi32, #tpu.memory_space<hbm>>
          tpu.enqueue_dma source(%dma_start3A_40 : memref<2000xi32, #tpu.memory_space<hbm>>) target(%arg13 : memref<2000xi32, #tpu.memory_space<vmem>>) target_semaphore(%run_scoped3A : memref<!tpu.dma_semaphore, #tpu.memory_space<semaphore_mem>>)
          %dma_wait3A_41 = tpu.memref_slice %arg3[%add3A] : memref<1600000xi32, #tpu.memory_space<hbm>> -> memref<2000xi32, #tpu.memory_space<hbm>>
          %dma_wait3A_42 = tpu.memref_slice %arg3[%add3A] : memref<1600000xi32, #tpu.memory_space<hbm>> -> memref<2000xi32, #tpu.memory_space<hbm>>
          tpu.wait_dma2 semaphore(%run_scoped3A : memref<!tpu.dma_semaphore, #tpu.memory_space<semaphore_mem>>) src(%dma_wait3A_42 : memref<2000xi32, #tpu.memory_space<hbm>>) dst(%arg13 : memref<2000xi32, #tpu.memory_space<vmem>>)
          tpu.yield
        }) : () -> ()
        "tpu.region"() ({
          %run_scoped3A = tpu.sem_alloc : memref<!tpu.dma_semaphore, #tpu.memory_space<semaphore_mem>>
          %dma_start3A_39 = tpu.memref_slice %arg4[%add3A] : memref<1600000xf32, #tpu.memory_space<hbm>> -> memref<2000xf32, #tpu.memory_space<hbm>>
          %dma_start3A_40 = tpu.memref_slice %arg4[%add3A] : memref<1600000xf32, #tpu.memory_space<hbm>> -> memref<2000xf32, #tpu.memory_space<hbm>>
          tpu.enqueue_dma source(%dma_start3A_40 : memref<2000xf32, #tpu.memory_space<hbm>>) target(%arg14 : memref<2000xf32, #tpu.memory_space<vmem>>) target_semaphore(%run_scoped3A : memref<!tpu.dma_semaphore, #tpu.memory_space<semaphore_mem>>)
          %dma_wait3A_41 = tpu.memref_slice %arg4[%add3A] : memref<1600000xf32, #tpu.memory_space<hbm>> -> memref<2000xf32, #tpu.memory_space<hbm>>
          %dma_wait3A_42 = tpu.memref_slice %arg4[%add3A] : memref<1600000xf32, #tpu.memory_space<hbm>> -> memref<2000xf32, #tpu.memory_space<hbm>>
          tpu.wait_dma2 semaphore(%run_scoped3A : memref<!tpu.dma_semaphore, #tpu.memory_space<semaphore_mem>>) src(%dma_wait3A_42 : memref<2000xf32, #tpu.memory_space<hbm>>) dst(%arg14 : memref<2000xf32, #tpu.memory_space<vmem>>)
          tpu.yield
        }) : () -> ()
        %dma_start3A = arith.constant 0 : i32
        %dma_start3A_27 = tpu.memref_slice %arg10[%dma_start3A] : memref<100000xf32, #tpu.memory_space<vmem_shared>> -> memref<100000xf32, #tpu.memory_space<vmem_shared>>
        tpu.enqueue_indirect_dma source(%dma_start3A_27 : memref<100000xf32, #tpu.memory_space<vmem_shared>>) target(%arg15 : memref<2000xf32, #tpu.memory_space<vmem>>) offsets(%arg12 : memref<2000xi32, #tpu.memory_space<vmem>>) semaphore(%arg19 : memref<!tpu.dma_semaphore, #tpu.memory_space<semaphore_mem>>)
        %dma_start3A_28 = arith.constant 0 : i32
        %dma_start3A_29 = tpu.memref_slice %arg10[%dma_start3A_28] : memref<100000xf32, #tpu.memory_space<vmem_shared>> -> memref<100000xf32, #tpu.memory_space<vmem_shared>>
        tpu.enqueue_indirect_dma source(%dma_start3A_29 : memref<100000xf32, #tpu.memory_space<vmem_shared>>) target(%arg16 : memref<2000xf32, #tpu.memory_space<vmem>>) offsets(%arg13 : memref<2000xi32, #tpu.memory_space<vmem>>) semaphore(%arg20 : memref<!tpu.dma_semaphore, #tpu.memory_space<semaphore_mem>>)
        %dma_wait3A = arith.constant 0 : i32
        %dma_wait3A_30 = tpu.memref_slice %arg10[%dma_wait3A] : memref<100000xf32, #tpu.memory_space<vmem_shared>> -> memref<100000xf32, #tpu.memory_space<vmem_shared>>
        tpu.wait_indirect_dma semaphore(%arg19 : memref<!tpu.dma_semaphore, #tpu.memory_space<semaphore_mem>>) src(%dma_wait3A_30 : memref<100000xf32, #tpu.memory_space<vmem_shared>>) dst(%arg15 : memref<2000xf32, #tpu.memory_space<vmem>>)
        %dma_wait3A_31 = arith.constant 0 : i32
        %dma_wait3A_32 = tpu.memref_slice %arg10[%dma_wait3A_31] : memref<100000xf32, #tpu.memory_space<vmem_shared>> -> memref<100000xf32, #tpu.memory_space<vmem_shared>>
        tpu.wait_indirect_dma semaphore(%arg20 : memref<!tpu.dma_semaphore, #tpu.memory_space<semaphore_mem>>) src(%dma_wait3A_32 : memref<100000xf32, #tpu.memory_space<vmem_shared>>) dst(%arg16 : memref<2000xf32, #tpu.memory_space<vmem>>)
        %scan3A_33 = arith.constant 0 : i32
        %scan3A_34 = arith.constant 0 : i32
        %scan3A_35 = arith.constant 125 : i32
        %scan3A_36 = arith.addi %scan3A_34, %scan3A_35 : i32
        %scan3A_37 = arith.constant 1 : i32
        scf.for %scan3A_39 = %scan3A_34 to %scan3A_36 step %scan3A_37  : i32 {
          %mul3A_40 = arith.constant 16 : i32
          %mul3A_41 = arith.muli %scan3A_39, %mul3A_40 : i32
          %get3A = arith.index_cast %mul3A_41 : i32 to index
          %get3A_42 = tpu.vector_load %arg15[%get3A] {strides = array<i32>} : memref<2000xf32, #tpu.memory_space<vmem>>, vector<16xf32>,
          %get3A_43 = vector.shape_cast %get3A_42 : vector<16xf32> to vector<16xf32>
          %get3A_44 = arith.index_cast %mul3A_41 : i32 to index
          %get3A_45 = tpu.vector_load %arg16[%get3A_44] {strides = array<i32>} : memref<2000xf32, #tpu.memory_space<vmem>>, vector<16xf32>,
          %get3A_46 = vector.shape_cast %get3A_45 : vector<16xf32> to vector<16xf32>
          %get3A_47 = arith.index_cast %mul3A_41 : i32 to index
          %get3A_48 = tpu.vector_load %arg14[%get3A_47] {strides = array<i32>} : memref<2000xf32, #tpu.memory_space<vmem>>, vector<16xf32>,
          %get3A_49 = vector.shape_cast %get3A_48 : vector<16xf32> to vector<16xf32>
          %get3A_50 = arith.index_cast %mul3A_41 : i32 to index
          %get3A_51 = tpu.vector_load %arg13[%get3A_50] {strides = array<i32>} : memref<2000xi32, #tpu.memory_space<vmem>>, vector<16xi32>,
          %get3A_52 = vector.shape_cast %get3A_51 : vector<16xi32> to vector<16xi32>
          %mul3A_53 = arith.constant 9 : i32
          %mul3A_54 = vector.broadcast %mul3A_53 : i32 to vector<16xi32>
          %mul3A_55 = arith.muli %get3A_52, %mul3A_54 : vector<16xi32>
          %broadcast_in_dim3A = arith.constant 0.000000e+00 : f32
          %broadcast_in_dim3A_56 = vector.broadcast %broadcast_in_dim3A : f32 to vector<16xf32>
          %get3A_57 = arith.constant 0 : index
          %get3A_58 = tpu.vector_load %arg11[%get3A_57] {strides = array<i32>} : memref<2560xf32, #tpu.memory_space<vmem>>, vector<16xf32>,
          %get3A_59 = vector.shape_cast %get3A_58 : vector<16xf32> to vector<16xf32>
          %mul3A_60 = arith.mulf %get3A_43, %get3A_59 : vector<16xf32>
          %get3A_61 = arith.constant 512 : index
          %get3A_62 = tpu.vector_load %arg11[%get3A_61] {strides = array<i32>} : memref<2560xf32, #tpu.memory_space<vmem>>, vector<16xf32>,
          %get3A_63 = vector.shape_cast %get3A_62 : vector<16xf32> to vector<16xf32>
          %mul3A_64 = arith.mulf %get3A_46, %get3A_63 : vector<16xf32>
          %add3A_65 = arith.addf %mul3A_60, %mul3A_64 : vector<16xf32>
          %get3A_66 = arith.constant 1024 : index
          %get3A_67 = tpu.vector_load %arg11[%get3A_66] {strides = array<i32>} : memref<2560xf32, #tpu.memory_space<vmem>>, vector<16xf32>,
          %get3A_68 = vector.shape_cast %get3A_67 : vector<16xf32> to vector<16xf32>
          %mul3A_69 = arith.mulf %get3A_49, %get3A_68 : vector<16xf32>
          %add3A_70 = arith.addf %add3A_65, %mul3A_69 : vector<16xf32>
          %get3A_71 = arith.constant 1536 : index
          %get3A_72 = tpu.vector_load %arg11[%get3A_71] {strides = array<i32>} : memref<2560xf32, #tpu.memory_space<vmem>>, vector<16xf32>,
          %get3A_73 = vector.shape_cast %get3A_72 : vector<16xf32> to vector<16xf32>
          %add3A_74 = arith.addf %add3A_70, %get3A_73 : vector<16xf32>
          %mul3A_75 = arith.constant 6.000000e-01 : f32
          %mul3A_76 = vector.broadcast %mul3A_75 : f32 to vector<16xf32>
          %mul3A_77 = arith.mulf %mul3A_76, %add3A_74 : vector<16xf32>
          %abs3A = math.absf %add3A_74 : vector<16xf32>
          %mul3A_78 = arith.constant 4.000000e-01 : f32
          %mul3A_79 = vector.broadcast %mul3A_78 : f32 to vector<16xf32>
          %mul3A_80 = arith.mulf %mul3A_79, %abs3A : vector<16xf32>
          %add3A_81 = arith.addf %mul3A_77, %mul3A_80 : vector<16xf32>
          %get3A_82 = arith.constant 2048 : index
          %get3A_83 = tpu.vector_load %arg11[%get3A_82] {strides = array<i32>} : memref<2560xf32, #tpu.memory_space<vmem>>, vector<16xf32>,
          %get3A_84 = vector.shape_cast %get3A_83 : vector<16xf32> to vector<16xf32>
          %mul3A_85 = arith.mulf %get3A_84, %add3A_81 : vector<16xf32>
          %add3A_86 = arith.addf %broadcast_in_dim3A_56, %mul3A_85 : vector<16xf32>
          %get3A_87 = arith.constant 16 : index
          %get3A_88 = tpu.vector_load %arg11[%get3A_87] {strides = array<i32>} : memref<2560xf32, #tpu.memory_space<vmem>>, vector<16xf32>,
          %get3A_89 = vector.shape_cast %get3A_88 : vector<16xf32> to vector<16xf32>
          %mul3A_90 = arith.mulf %get3A_43, %get3A_89 : vector<16xf32>
          %get3A_91 = arith.constant 528 : index
          %get3A_92 = tpu.vector_load %arg11[%get3A_91] {strides = array<i32>} : memref<2560xf32, #tpu.memory_space<vmem>>, vector<16xf32>,
          %get3A_93 = vector.shape_cast %get3A_92 : vector<16xf32> to vector<16xf32>
          %mul3A_94 = arith.mulf %get3A_46, %get3A_93 : vector<16xf32>
          %add3A_95 = arith.addf %mul3A_90, %mul3A_94 : vector<16xf32>
          %get3A_96 = arith.constant 1040 : index
          %get3A_97 = tpu.vector_load %arg11[%get3A_96] {strides = array<i32>} : memref<2560xf32, #tpu.memory_space<vmem>>, vector<16xf32>,
          %get3A_98 = vector.shape_cast %get3A_97 : vector<16xf32> to vector<16xf32>
          %mul3A_99 = arith.mulf %get3A_49, %get3A_98 : vector<16xf32>
          %add3A_100 = arith.addf %add3A_95, %mul3A_99 : vector<16xf32>
          %get3A_101 = arith.constant 1552 : index
          %get3A_102 = tpu.vector_load %arg11[%get3A_101] {strides = array<i32>} : memref<2560xf32, #tpu.memory_space<vmem>>, vector<16xf32>,
          %get3A_103 = vector.shape_cast %get3A_102 : vector<16xf32> to vector<16xf32>
          %add3A_104 = arith.addf %add3A_100, %get3A_103 : vector<16xf32>
          %mul3A_105 = arith.constant 6.000000e-01 : f32
          %mul3A_106 = vector.broadcast %mul3A_105 : f32 to vector<16xf32>
          %mul3A_107 = arith.mulf %mul3A_106, %add3A_104 : vector<16xf32>
          %abs3A_108 = math.absf %add3A_104 : vector<16xf32>
          %mul3A_109 = arith.constant 4.000000e-01 : f32
          %mul3A_110 = vector.broadcast %mul3A_109 : f32 to vector<16xf32>
          %mul3A_111 = arith.mulf %mul3A_110, %abs3A_108 : vector<16xf32>
          %add3A_112 = arith.addf %mul3A_107, %mul3A_111 : vector<16xf32>
          %get3A_113 = arith.constant 2064 : index
          %get3A_114 = tpu.vector_load %arg11[%get3A_113] {strides = array<i32>} : memref<2560xf32, #tpu.memory_space<vmem>>, vector<16xf32>,
          %get3A_115 = vector.shape_cast %get3A_114 : vector<16xf32> to vector<16xf32>
          %mul3A_116 = arith.mulf %get3A_115, %add3A_112 : vector<16xf32>
          %add3A_117 = arith.addf %add3A_86, %mul3A_116 : vector<16xf32>
          %get3A_118 = arith.constant 32 : index
          %get3A_119 = tpu.vector_load %arg11[%get3A_118] {strides = array<i32>} : memref<2560xf32, #tpu.memory_space<vmem>>, vector<16xf32>,
          %get3A_120 = vector.shape_cast %get3A_119 : vector<16xf32> to vector<16xf32>
          %mul3A_121 = arith.mulf %get3A_43, %get3A_120 : vector<16xf32>
          %get3A_122 = arith.constant 544 : index
          %get3A_123 = tpu.vector_load %arg11[%get3A_122] {strides = array<i32>} : memref<2560xf32, #tpu.memory_space<vmem>>, vector<16xf32>,
          %get3A_124 = vector.shape_cast %get3A_123 : vector<16xf32> to vector<16xf32>
          %mul3A_125 = arith.mulf %get3A_46, %get3A_124 : vector<16xf32>
          %add3A_126 = arith.addf %mul3A_121, %mul3A_125 : vector<16xf32>
          %get3A_127 = arith.constant 1056 : index
          %get3A_128 = tpu.vector_load %arg11[%get3A_127] {strides = array<i32>} : memref<2560xf32, #tpu.memory_space<vmem>>, vector<16xf32>,
          %get3A_129 = vector.shape_cast %get3A_128 : vector<16xf32> to vector<16xf32>
          %mul3A_130 = arith.mulf %get3A_49, %get3A_129 : vector<16xf32>
          %add3A_131 = arith.addf %add3A_126, %mul3A_130 : vector<16xf32>
          %get3A_132 = arith.constant 1568 : index
          %get3A_133 = tpu.vector_load %arg11[%get3A_132] {strides = array<i32>} : memref<2560xf32, #tpu.memory_space<vmem>>, vector<16xf32>,
          %get3A_134 = vector.shape_cast %get3A_133 : vector<16xf32> to vector<16xf32>
          %add3A_135 = arith.addf %add3A_131, %get3A_134 : vector<16xf32>
          %mul3A_136 = arith.constant 6.000000e-01 : f32
          %mul3A_137 = vector.broadcast %mul3A_136 : f32 to vector<16xf32>
          %mul3A_138 = arith.mulf %mul3A_137, %add3A_135 : vector<16xf32>
          %abs3A_139 = math.absf %add3A_135 : vector<16xf32>
          %mul3A_140 = arith.constant 4.000000e-01 : f32
          %mul3A_141 = vector.broadcast %mul3A_140 : f32 to vector<16xf32>
          %mul3A_142 = arith.mulf %mul3A_141, %abs3A_139 : vector<16xf32>
          %add3A_143 = arith.addf %mul3A_138, %mul3A_142 : vector<16xf32>
          %get3A_144 = arith.constant 2080 : index
          %get3A_145 = tpu.vector_load %arg11[%get3A_144] {strides = array<i32>} : memref<2560xf32, #tpu.memory_space<vmem>>, vector<16xf32>,
          %get3A_146 = vector.shape_cast %get3A_145 : vector<16xf32> to vector<16xf32>
          %mul3A_147 = arith.mulf %get3A_146, %add3A_143 : vector<16xf32>
          %add3A_148 = arith.addf %add3A_117, %mul3A_147 : vector<16xf32>
          %get3A_149 = arith.constant 48 : index
          %get3A_150 = tpu.vector_load %arg11[%get3A_149] {strides = array<i32>} : memref<2560xf32, #tpu.memory_space<vmem>>, vector<16xf32>,
          %get3A_151 = vector.shape_cast %get3A_150 : vector<16xf32> to vector<16xf32>
          %mul3A_152 = arith.mulf %get3A_43, %get3A_151 : vector<16xf32>
          %get3A_153 = arith.constant 560 : index
          %get3A_154 = tpu.vector_load %arg11[%get3A_153] {strides = array<i32>} : memref<2560xf32, #tpu.memory_space<vmem>>, vector<16xf32>,
          %get3A_155 = vector.shape_cast %get3A_154 : vector<16xf32> to vector<16xf32>
          %mul3A_156 = arith.mulf %get3A_46, %get3A_155 : vector<16xf32>
          %add3A_157 = arith.addf %mul3A_152, %mul3A_156 : vector<16xf32>
          %get3A_158 = arith.constant 1072 : index
          %get3A_159 = tpu.vector_load %arg11[%get3A_158] {strides = array<i32>} : memref<2560xf32, #tpu.memory_space<vmem>>, vector<16xf32>,
          %get3A_160 = vector.shape_cast %get3A_159 : vector<16xf32> to vector<16xf32>
          %mul3A_161 = arith.mulf %get3A_49, %get3A_160 : vector<16xf32>
          %add3A_162 = arith.addf %add3A_157, %mul3A_161 : vector<16xf32>
          %get3A_163 = arith.constant 1584 : index
          %get3A_164 = tpu.vector_load %arg11[%get3A_163] {strides = array<i32>} : memref<2560xf32, #tpu.memory_space<vmem>>, vector<16xf32>,
          %get3A_165 = vector.shape_cast %get3A_164 : vector<16xf32> to vector<16xf32>
          %add3A_166 = arith.addf %add3A_162, %get3A_165 : vector<16xf32>
          %mul3A_167 = arith.constant 6.000000e-01 : f32
          %mul3A_168 = vector.broadcast %mul3A_167 : f32 to vector<16xf32>
          %mul3A_169 = arith.mulf %mul3A_168, %add3A_166 : vector<16xf32>
          %abs3A_170 = math.absf %add3A_166 : vector<16xf32>
          %mul3A_171 = arith.constant 4.000000e-01 : f32
          %mul3A_172 = vector.broadcast %mul3A_171 : f32 to vector<16xf32>
          %mul3A_173 = arith.mulf %mul3A_172, %abs3A_170 : vector<16xf32>
          %add3A_174 = arith.addf %mul3A_169, %mul3A_173 : vector<16xf32>
          %get3A_175 = arith.constant 2096 : index
          %get3A_176 = tpu.vector_load %arg11[%get3A_175] {strides = array<i32>} : memref<2560xf32, #tpu.memory_space<vmem>>, vector<16xf32>,
          %get3A_177 = vector.shape_cast %get3A_176 : vector<16xf32> to vector<16xf32>
          %mul3A_178 = arith.mulf %get3A_177, %add3A_174 : vector<16xf32>
          %add3A_179 = arith.addf %add3A_148, %mul3A_178 : vector<16xf32>
          %exp3A = math.exp %add3A_179 : vector<16xf32>
          %broadcast_in_dim3A_180 = arith.constant 0.000000e+00 : f32
          %broadcast_in_dim3A_181 = vector.broadcast %broadcast_in_dim3A_180 : f32 to vector<16xf32>
          %get3A_182 = arith.constant 64 : index
          %get3A_183 = tpu.vector_load %arg11[%get3A_182] {strides = array<i32>} : memref<2560xf32, #tpu.memory_space<vmem>>, vector<16xf32>,
          %get3A_184 = vector.shape_cast %get3A_183 : vector<16xf32> to vector<16xf32>
          %mul3A_185 = arith.mulf %get3A_43, %get3A_184 : vector<16xf32>
          %get3A_186 = arith.constant 576 : index
          %get3A_187 = tpu.vector_load %arg11[%get3A_186] {strides = array<i32>} : memref<2560xf32, #tpu.memory_space<vmem>>, vector<16xf32>,
          %get3A_188 = vector.shape_cast %get3A_187 : vector<16xf32> to vector<16xf32>
          %mul3A_189 = arith.mulf %get3A_46, %get3A_188 : vector<16xf32>
          %add3A_190 = arith.addf %mul3A_185, %mul3A_189 : vector<16xf32>
          %get3A_191 = arith.constant 1088 : index
          %get3A_192 = tpu.vector_load %arg11[%get3A_191] {strides = array<i32>} : memref<2560xf32, #tpu.memory_space<vmem>>, vector<16xf32>,
          %get3A_193 = vector.shape_cast %get3A_192 : vector<16xf32> to vector<16xf32>
          %mul3A_194 = arith.mulf %get3A_49, %get3A_193 : vector<16xf32>
          %add3A_195 = arith.addf %add3A_190, %mul3A_194 : vector<16xf32>
          %get3A_196 = arith.constant 1600 : index
          %get3A_197 = tpu.vector_load %arg11[%get3A_196] {strides = array<i32>} : memref<2560xf32, #tpu.memory_space<vmem>>, vector<16xf32>,
          %get3A_198 = vector.shape_cast %get3A_197 : vector<16xf32> to vector<16xf32>
          %add3A_199 = arith.addf %add3A_195, %get3A_198 : vector<16xf32>
          %mul3A_200 = arith.constant 6.000000e-01 : f32
          %mul3A_201 = vector.broadcast %mul3A_200 : f32 to vector<16xf32>
          %mul3A_202 = arith.mulf %mul3A_201, %add3A_199 : vector<16xf32>
          %abs3A_203 = math.absf %add3A_199 : vector<16xf32>
          %mul3A_204 = arith.constant 4.000000e-01 : f32
          %mul3A_205 = vector.broadcast %mul3A_204 : f32 to vector<16xf32>
          %mul3A_206 = arith.mulf %mul3A_205, %abs3A_203 : vector<16xf32>
          %add3A_207 = arith.addf %mul3A_202, %mul3A_206 : vector<16xf32>
          %get3A_208 = arith.constant 2112 : index
          %get3A_209 = tpu.vector_load %arg11[%get3A_208] {strides = array<i32>} : memref<2560xf32, #tpu.memory_space<vmem>>, vector<16xf32>,
          %get3A_210 = vector.shape_cast %get3A_209 : vector<16xf32> to vector<16xf32>
          %mul3A_211 = arith.mulf %get3A_210, %add3A_207 : vector<16xf32>
          %add3A_212 = arith.addf %broadcast_in_dim3A_181, %mul3A_211 : vector<16xf32>
          %get3A_213 = arith.constant 80 : index
          %get3A_214 = tpu.vector_load %arg11[%get3A_213] {strides = array<i32>} : memref<2560xf32, #tpu.memory_space<vmem>>, vector<16xf32>,
          %get3A_215 = vector.shape_cast %get3A_214 : vector<16xf32> to vector<16xf32>
          %mul3A_216 = arith.mulf %get3A_43, %get3A_215 : vector<16xf32>
          %get3A_217 = arith.constant 592 : index
          %get3A_218 = tpu.vector_load %arg11[%get3A_217] {strides = array<i32>} : memref<2560xf32, #tpu.memory_space<vmem>>, vector<16xf32>,
          %get3A_219 = vector.shape_cast %get3A_218 : vector<16xf32> to vector<16xf32>
          %mul3A_220 = arith.mulf %get3A_46, %get3A_219 : vector<16xf32>
          %add3A_221 = arith.addf %mul3A_216, %mul3A_220 : vector<16xf32>
          %get3A_222 = arith.constant 1104 : index
          %get3A_223 = tpu.vector_load %arg11[%get3A_222] {strides = array<i32>} : memref<2560xf32, #tpu.memory_space<vmem>>, vector<16xf32>,
          %get3A_224 = vector.shape_cast %get3A_223 : vector<16xf32> to vector<16xf32>
          %mul3A_225 = arith.mulf %get3A_49, %get3A_224 : vector<16xf32>
          %add3A_226 = arith.addf %add3A_221, %mul3A_225 : vector<16xf32>
          %get3A_227 = arith.constant 1616 : index
          %get3A_228 = tpu.vector_load %arg11[%get3A_227] {strides = array<i32>} : memref<2560xf32, #tpu.memory_space<vmem>>, vector<16xf32>,
          %get3A_229 = vector.shape_cast %get3A_228 : vector<16xf32> to vector<16xf32>
          %add3A_230 = arith.addf %add3A_226, %get3A_229 : vector<16xf32>
          %mul3A_231 = arith.constant 6.000000e-01 : f32
          %mul3A_232 = vector.broadcast %mul3A_231 : f32 to vector<16xf32>
          %mul3A_233 = arith.mulf %mul3A_232, %add3A_230 : vector<16xf32>
          %abs3A_234 = math.absf %add3A_230 : vector<16xf32>
          %mul3A_235 = arith.constant 4.000000e-01 : f32
          %mul3A_236 = vector.broadcast %mul3A_235 : f32 to vector<16xf32>
          %mul3A_237 = arith.mulf %mul3A_236, %abs3A_234 : vector<16xf32>
          %add3A_238 = arith.addf %mul3A_233, %mul3A_237 : vector<16xf32>
          %get3A_239 = arith.constant 2128 : index
          %get3A_240 = tpu.vector_load %arg11[%get3A_239] {strides = array<i32>} : memref<2560xf32, #tpu.memory_space<vmem>>, vector<16xf32>,
          %get3A_241 = vector.shape_cast %get3A_240 : vector<16xf32> to vector<16xf32>
          %mul3A_242 = arith.mulf %get3A_241, %add3A_238 : vector<16xf32>
          %add3A_243 = arith.addf %add3A_212, %mul3A_242 : vector<16xf32>
          %get3A_244 = arith.constant 96 : index
          %get3A_245 = tpu.vector_load %arg11[%get3A_244] {strides = array<i32>} : memref<2560xf32, #tpu.memory_space<vmem>>, vector<16xf32>,
          %get3A_246 = vector.shape_cast %get3A_245 : vector<16xf32> to vector<16xf32>
          %mul3A_247 = arith.mulf %get3A_43, %get3A_246 : vector<16xf32>
          %get3A_248 = arith.constant 608 : index
          %get3A_249 = tpu.vector_load %arg11[%get3A_248] {strides = array<i32>} : memref<2560xf32, #tpu.memory_space<vmem>>, vector<16xf32>,
          %get3A_250 = vector.shape_cast %get3A_249 : vector<16xf32> to vector<16xf32>
          %mul3A_251 = arith.mulf %get3A_46, %get3A_250 : vector<16xf32>
          %add3A_252 = arith.addf %mul3A_247, %mul3A_251 : vector<16xf32>
          %get3A_253 = arith.constant 1120 : index
          %get3A_254 = tpu.vector_load %arg11[%get3A_253] {strides = array<i32>} : memref<2560xf32, #tpu.memory_space<vmem>>, vector<16xf32>,
          %get3A_255 = vector.shape_cast %get3A_254 : vector<16xf32> to vector<16xf32>
          %mul3A_256 = arith.mulf %get3A_49, %get3A_255 : vector<16xf32>
          %add3A_257 = arith.addf %add3A_252, %mul3A_256 : vector<16xf32>
          %get3A_258 = arith.constant 1632 : index
          %get3A_259 = tpu.vector_load %arg11[%get3A_258] {strides = array<i32>} : memref<2560xf32, #tpu.memory_space<vmem>>, vector<16xf32>,
          %get3A_260 = vector.shape_cast %get3A_259 : vector<16xf32> to vector<16xf32>
          %add3A_261 = arith.addf %add3A_257, %get3A_260 : vector<16xf32>
          %mul3A_262 = arith.constant 6.000000e-01 : f32
          %mul3A_263 = vector.broadcast %mul3A_262 : f32 to vector<16xf32>
          %mul3A_264 = arith.mulf %mul3A_263, %add3A_261 : vector<16xf32>
          %abs3A_265 = math.absf %add3A_261 : vector<16xf32>
          %mul3A_266 = arith.constant 4.000000e-01 : f32
          %mul3A_267 = vector.broadcast %mul3A_266 : f32 to vector<16xf32>
          %mul3A_268 = arith.mulf %mul3A_267, %abs3A_265 : vector<16xf32>
          %add3A_269 = arith.addf %mul3A_264, %mul3A_268 : vector<16xf32>
          %get3A_270 = arith.constant 2144 : index
          %get3A_271 = tpu.vector_load %arg11[%get3A_270] {strides = array<i32>} : memref<2560xf32, #tpu.memory_space<vmem>>, vector<16xf32>,
          %get3A_272 = vector.shape_cast %get3A_271 : vector<16xf32> to vector<16xf32>
          %mul3A_273 = arith.mulf %get3A_272, %add3A_269 : vector<16xf32>
          %add3A_274 = arith.addf %add3A_243, %mul3A_273 : vector<16xf32>
          %get3A_275 = arith.constant 112 : index
          %get3A_276 = tpu.vector_load %arg11[%get3A_275] {strides = array<i32>} : memref<2560xf32, #tpu.memory_space<vmem>>, vector<16xf32>,
          %get3A_277 = vector.shape_cast %get3A_276 : vector<16xf32> to vector<16xf32>
          %mul3A_278 = arith.mulf %get3A_43, %get3A_277 : vector<16xf32>
          %get3A_279 = arith.constant 624 : index
          %get3A_280 = tpu.vector_load %arg11[%get3A_279] {strides = array<i32>} : memref<2560xf32, #tpu.memory_space<vmem>>, vector<16xf32>,
          %get3A_281 = vector.shape_cast %get3A_280 : vector<16xf32> to vector<16xf32>
          %mul3A_282 = arith.mulf %get3A_46, %get3A_281 : vector<16xf32>
          %add3A_283 = arith.addf %mul3A_278, %mul3A_282 : vector<16xf32>
          %get3A_284 = arith.constant 1136 : index
          %get3A_285 = tpu.vector_load %arg11[%get3A_284] {strides = array<i32>} : memref<2560xf32, #tpu.memory_space<vmem>>, vector<16xf32>,
          %get3A_286 = vector.shape_cast %get3A_285 : vector<16xf32> to vector<16xf32>
          %mul3A_287 = arith.mulf %get3A_49, %get3A_286 : vector<16xf32>
          %add3A_288 = arith.addf %add3A_283, %mul3A_287 : vector<16xf32>
          %get3A_289 = arith.constant 1648 : index
          %get3A_290 = tpu.vector_load %arg11[%get3A_289] {strides = array<i32>} : memref<2560xf32, #tpu.memory_space<vmem>>, vector<16xf32>,
          %get3A_291 = vector.shape_cast %get3A_290 : vector<16xf32> to vector<16xf32>
          %add3A_292 = arith.addf %add3A_288, %get3A_291 : vector<16xf32>
          %mul3A_293 = arith.constant 6.000000e-01 : f32
          %mul3A_294 = vector.broadcast %mul3A_293 : f32 to vector<16xf32>
          %mul3A_295 = arith.mulf %mul3A_294, %add3A_292 : vector<16xf32>
          %abs3A_296 = math.absf %add3A_292 : vector<16xf32>
          %mul3A_297 = arith.constant 4.000000e-01 : f32
          %mul3A_298 = vector.broadcast %mul3A_297 : f32 to vector<16xf32>
          %mul3A_299 = arith.mulf %mul3A_298, %abs3A_296 : vector<16xf32>
          %add3A_300 = arith.addf %mul3A_295, %mul3A_299 : vector<16xf32>
          %get3A_301 = arith.constant 2160 : index
          %get3A_302 = tpu.vector_load %arg11[%get3A_301] {strides = array<i32>} : memref<2560xf32, #tpu.memory_space<vmem>>, vector<16xf32>,
          %get3A_303 = vector.shape_cast %get3A_302 : vector<16xf32> to vector<16xf32>
          %mul3A_304 = arith.mulf %get3A_303, %add3A_300 : vector<16xf32>
          %add3A_305 = arith.addf %add3A_274, %mul3A_304 : vector<16xf32>
          %exp3A_306 = math.exp %add3A_305 : vector<16xf32>
          %broadcast_in_dim3A_307 = arith.constant 0.000000e+00 : f32
          %broadcast_in_dim3A_308 = vector.broadcast %broadcast_in_dim3A_307 : f32 to vector<16xf32>
          %get3A_309 = arith.constant 128 : index
          %get3A_310 = tpu.vector_load %arg11[%get3A_309] {strides = array<i32>} : memref<2560xf32, #tpu.memory_space<vmem>>, vector<16xf32>,
          %get3A_311 = vector.shape_cast %get3A_310 : vector<16xf32> to vector<16xf32>
          %mul3A_312 = arith.mulf %get3A_43, %get3A_311 : vector<16xf32>
          %get3A_313 = arith.constant 640 : index
          %get3A_314 = tpu.vector_load %arg11[%get3A_313] {strides = array<i32>} : memref<2560xf32, #tpu.memory_space<vmem>>, vector<16xf32>,
          %get3A_315 = vector.shape_cast %get3A_314 : vector<16xf32> to vector<16xf32>
          %mul3A_316 = arith.mulf %get3A_46, %get3A_315 : vector<16xf32>
          %add3A_317 = arith.addf %mul3A_312, %mul3A_316 : vector<16xf32>
          %get3A_318 = arith.constant 1152 : index
          %get3A_319 = tpu.vector_load %arg11[%get3A_318] {strides = array<i32>} : memref<2560xf32, #tpu.memory_space<vmem>>, vector<16xf32>,
          %get3A_320 = vector.shape_cast %get3A_319 : vector<16xf32> to vector<16xf32>
          %mul3A_321 = arith.mulf %get3A_49, %get3A_320 : vector<16xf32>
          %add3A_322 = arith.addf %add3A_317, %mul3A_321 : vector<16xf32>
          %get3A_323 = arith.constant 1664 : index
          %get3A_324 = tpu.vector_load %arg11[%get3A_323] {strides = array<i32>} : memref<2560xf32, #tpu.memory_space<vmem>>, vector<16xf32>,
          %get3A_325 = vector.shape_cast %get3A_324 : vector<16xf32> to vector<16xf32>
          %add3A_326 = arith.addf %add3A_322, %get3A_325 : vector<16xf32>
          %mul3A_327 = arith.constant 6.000000e-01 : f32
          %mul3A_328 = vector.broadcast %mul3A_327 : f32 to vector<16xf32>
          %mul3A_329 = arith.mulf %mul3A_328, %add3A_326 : vector<16xf32>
          %abs3A_330 = math.absf %add3A_326 : vector<16xf32>
          %mul3A_331 = arith.constant 4.000000e-01 : f32
          %mul3A_332 = vector.broadcast %mul3A_331 : f32 to vector<16xf32>
          %mul3A_333 = arith.mulf %mul3A_332, %abs3A_330 : vector<16xf32>
          %add3A_334 = arith.addf %mul3A_329, %mul3A_333 : vector<16xf32>
          %get3A_335 = arith.constant 2176 : index
          %get3A_336 = tpu.vector_load %arg11[%get3A_335] {strides = array<i32>} : memref<2560xf32, #tpu.memory_space<vmem>>, vector<16xf32>,
          %get3A_337 = vector.shape_cast %get3A_336 : vector<16xf32> to vector<16xf32>
          %mul3A_338 = arith.mulf %get3A_337, %add3A_334 : vector<16xf32>
          %add3A_339 = arith.addf %broadcast_in_dim3A_308, %mul3A_338 : vector<16xf32>
          %get3A_340 = arith.constant 144 : index
          %get3A_341 = tpu.vector_load %arg11[%get3A_340] {strides = array<i32>} : memref<2560xf32, #tpu.memory_space<vmem>>, vector<16xf32>,
          %get3A_342 = vector.shape_cast %get3A_341 : vector<16xf32> to vector<16xf32>
          %mul3A_343 = arith.mulf %get3A_43, %get3A_342 : vector<16xf32>
          %get3A_344 = arith.constant 656 : index
          %get3A_345 = tpu.vector_load %arg11[%get3A_344] {strides = array<i32>} : memref<2560xf32, #tpu.memory_space<vmem>>, vector<16xf32>,
          %get3A_346 = vector.shape_cast %get3A_345 : vector<16xf32> to vector<16xf32>
          %mul3A_347 = arith.mulf %get3A_46, %get3A_346 : vector<16xf32>
          %add3A_348 = arith.addf %mul3A_343, %mul3A_347 : vector<16xf32>
          %get3A_349 = arith.constant 1168 : index
          %get3A_350 = tpu.vector_load %arg11[%get3A_349] {strides = array<i32>} : memref<2560xf32, #tpu.memory_space<vmem>>, vector<16xf32>,
          %get3A_351 = vector.shape_cast %get3A_350 : vector<16xf32> to vector<16xf32>
          %mul3A_352 = arith.mulf %get3A_49, %get3A_351 : vector<16xf32>
          %add3A_353 = arith.addf %add3A_348, %mul3A_352 : vector<16xf32>
          %get3A_354 = arith.constant 1680 : index
          %get3A_355 = tpu.vector_load %arg11[%get3A_354] {strides = array<i32>} : memref<2560xf32, #tpu.memory_space<vmem>>, vector<16xf32>,
          %get3A_356 = vector.shape_cast %get3A_355 : vector<16xf32> to vector<16xf32>
          %add3A_357 = arith.addf %add3A_353, %get3A_356 : vector<16xf32>
          %mul3A_358 = arith.constant 6.000000e-01 : f32
          %mul3A_359 = vector.broadcast %mul3A_358 : f32 to vector<16xf32>
          %mul3A_360 = arith.mulf %mul3A_359, %add3A_357 : vector<16xf32>
          %abs3A_361 = math.absf %add3A_357 : vector<16xf32>
          %mul3A_362 = arith.constant 4.000000e-01 : f32
          %mul3A_363 = vector.broadcast %mul3A_362 : f32 to vector<16xf32>
          %mul3A_364 = arith.mulf %mul3A_363, %abs3A_361 : vector<16xf32>
          %add3A_365 = arith.addf %mul3A_360, %mul3A_364 : vector<16xf32>
          %get3A_366 = arith.constant 2192 : index
          %get3A_367 = tpu.vector_load %arg11[%get3A_366] {strides = array<i32>} : memref<2560xf32, #tpu.memory_space<vmem>>, vector<16xf32>,
          %get3A_368 = vector.shape_cast %get3A_367 : vector<16xf32> to vector<16xf32>
          %mul3A_369 = arith.mulf %get3A_368, %add3A_365 : vector<16xf32>
          %add3A_370 = arith.addf %add3A_339, %mul3A_369 : vector<16xf32>
          %get3A_371 = arith.constant 160 : index
          %get3A_372 = tpu.vector_load %arg11[%get3A_371] {strides = array<i32>} : memref<2560xf32, #tpu.memory_space<vmem>>, vector<16xf32>,
          %get3A_373 = vector.shape_cast %get3A_372 : vector<16xf32> to vector<16xf32>
          %mul3A_374 = arith.mulf %get3A_43, %get3A_373 : vector<16xf32>
          %get3A_375 = arith.constant 672 : index
          %get3A_376 = tpu.vector_load %arg11[%get3A_375] {strides = array<i32>} : memref<2560xf32, #tpu.memory_space<vmem>>, vector<16xf32>,
          %get3A_377 = vector.shape_cast %get3A_376 : vector<16xf32> to vector<16xf32>
          %mul3A_378 = arith.mulf %get3A_46, %get3A_377 : vector<16xf32>
          %add3A_379 = arith.addf %mul3A_374, %mul3A_378 : vector<16xf32>
          %get3A_380 = arith.constant 1184 : index
          %get3A_381 = tpu.vector_load %arg11[%get3A_380] {strides = array<i32>} : memref<2560xf32, #tpu.memory_space<vmem>>, vector<16xf32>,
          %get3A_382 = vector.shape_cast %get3A_381 : vector<16xf32> to vector<16xf32>
          %mul3A_383 = arith.mulf %get3A_49, %get3A_382 : vector<16xf32>
          %add3A_384 = arith.addf %add3A_379, %mul3A_383 : vector<16xf32>
          %get3A_385 = arith.constant 1696 : index
          %get3A_386 = tpu.vector_load %arg11[%get3A_385] {strides = array<i32>} : memref<2560xf32, #tpu.memory_space<vmem>>, vector<16xf32>,
          %get3A_387 = vector.shape_cast %get3A_386 : vector<16xf32> to vector<16xf32>
          %add3A_388 = arith.addf %add3A_384, %get3A_387 : vector<16xf32>
          %mul3A_389 = arith.constant 6.000000e-01 : f32
          %mul3A_390 = vector.broadcast %mul3A_389 : f32 to vector<16xf32>
          %mul3A_391 = arith.mulf %mul3A_390, %add3A_388 : vector<16xf32>
          %abs3A_392 = math.absf %add3A_388 : vector<16xf32>
          %mul3A_393 = arith.constant 4.000000e-01 : f32
          %mul3A_394 = vector.broadcast %mul3A_393 : f32 to vector<16xf32>
          %mul3A_395 = arith.mulf %mul3A_394, %abs3A_392 : vector<16xf32>
          %add3A_396 = arith.addf %mul3A_391, %mul3A_395 : vector<16xf32>
          %get3A_397 = arith.constant 2208 : index
          %get3A_398 = tpu.vector_load %arg11[%get3A_397] {strides = array<i32>} : memref<2560xf32, #tpu.memory_space<vmem>>, vector<16xf32>,
          %get3A_399 = vector.shape_cast %get3A_398 : vector<16xf32> to vector<16xf32>
          %mul3A_400 = arith.mulf %get3A_399, %add3A_396 : vector<16xf32>
          %add3A_401 = arith.addf %add3A_370, %mul3A_400 : vector<16xf32>
          %get3A_402 = arith.constant 176 : index
          %get3A_403 = tpu.vector_load %arg11[%get3A_402] {strides = array<i32>} : memref<2560xf32, #tpu.memory_space<vmem>>, vector<16xf32>,
          %get3A_404 = vector.shape_cast %get3A_403 : vector<16xf32> to vector<16xf32>
          %mul3A_405 = arith.mulf %get3A_43, %get3A_404 : vector<16xf32>
          %get3A_406 = arith.constant 688 : index
          %get3A_407 = tpu.vector_load %arg11[%get3A_406] {strides = array<i32>} : memref<2560xf32, #tpu.memory_space<vmem>>, vector<16xf32>,
          %get3A_408 = vector.shape_cast %get3A_407 : vector<16xf32> to vector<16xf32>
          %mul3A_409 = arith.mulf %get3A_46, %get3A_408 : vector<16xf32>
          %add3A_410 = arith.addf %mul3A_405, %mul3A_409 : vector<16xf32>
          %get3A_411 = arith.constant 1200 : index
          %get3A_412 = tpu.vector_load %arg11[%get3A_411] {strides = array<i32>} : memref<2560xf32, #tpu.memory_space<vmem>>, vector<16xf32>,
          %get3A_413 = vector.shape_cast %get3A_412 : vector<16xf32> to vector<16xf32>
          %mul3A_414 = arith.mulf %get3A_49, %get3A_413 : vector<16xf32>
          %add3A_415 = arith.addf %add3A_410, %mul3A_414 : vector<16xf32>
          %get3A_416 = arith.constant 1712 : index
          %get3A_417 = tpu.vector_load %arg11[%get3A_416] {strides = array<i32>} : memref<2560xf32, #tpu.memory_space<vmem>>, vector<16xf32>,
          %get3A_418 = vector.shape_cast %get3A_417 : vector<16xf32> to vector<16xf32>
          %add3A_419 = arith.addf %add3A_415, %get3A_418 : vector<16xf32>
          %mul3A_420 = arith.constant 6.000000e-01 : f32
          %mul3A_421 = vector.broadcast %mul3A_420 : f32 to vector<16xf32>
          %mul3A_422 = arith.mulf %mul3A_421, %add3A_419 : vector<16xf32>
          %abs3A_423 = math.absf %add3A_419 : vector<16xf32>
          %mul3A_424 = arith.constant 4.000000e-01 : f32
          %mul3A_425 = vector.broadcast %mul3A_424 : f32 to vector<16xf32>
          %mul3A_426 = arith.mulf %mul3A_425, %abs3A_423 : vector<16xf32>
          %add3A_427 = arith.addf %mul3A_422, %mul3A_426 : vector<16xf32>
          %get3A_428 = arith.constant 2224 : index
          %get3A_429 = tpu.vector_load %arg11[%get3A_428] {strides = array<i32>} : memref<2560xf32, #tpu.memory_space<vmem>>, vector<16xf32>,
          %get3A_430 = vector.shape_cast %get3A_429 : vector<16xf32> to vector<16xf32>
          %mul3A_431 = arith.mulf %get3A_430, %add3A_427 : vector<16xf32>
          %add3A_432 = arith.addf %add3A_401, %mul3A_431 : vector<16xf32>
          %exp3A_433 = math.exp %add3A_432 : vector<16xf32>
          %broadcast_in_dim3A_434 = arith.constant 0.000000e+00 : f32
          %broadcast_in_dim3A_435 = vector.broadcast %broadcast_in_dim3A_434 : f32 to vector<16xf32>
          %get3A_436 = arith.constant 192 : index
          %get3A_437 = tpu.vector_load %arg11[%get3A_436] {strides = array<i32>} : memref<2560xf32, #tpu.memory_space<vmem>>, vector<16xf32>,
          %get3A_438 = vector.shape_cast %get3A_437 : vector<16xf32> to vector<16xf32>
          %mul3A_439 = arith.mulf %get3A_43, %get3A_438 : vector<16xf32>
          %get3A_440 = arith.constant 704 : index
          %get3A_441 = tpu.vector_load %arg11[%get3A_440] {strides = array<i32>} : memref<2560xf32, #tpu.memory_space<vmem>>, vector<16xf32>,
          %get3A_442 = vector.shape_cast %get3A_441 : vector<16xf32> to vector<16xf32>
          %mul3A_443 = arith.mulf %get3A_46, %get3A_442 : vector<16xf32>
          %add3A_444 = arith.addf %mul3A_439, %mul3A_443 : vector<16xf32>
          %get3A_445 = arith.constant 1216 : index
          %get3A_446 = tpu.vector_load %arg11[%get3A_445] {strides = array<i32>} : memref<2560xf32, #tpu.memory_space<vmem>>, vector<16xf32>,
          %get3A_447 = vector.shape_cast %get3A_446 : vector<16xf32> to vector<16xf32>
          %mul3A_448 = arith.mulf %get3A_49, %get3A_447 : vector<16xf32>
          %add3A_449 = arith.addf %add3A_444, %mul3A_448 : vector<16xf32>
          %get3A_450 = arith.constant 1728 : index
          %get3A_451 = tpu.vector_load %arg11[%get3A_450] {strides = array<i32>} : memref<2560xf32, #tpu.memory_space<vmem>>, vector<16xf32>,
          %get3A_452 = vector.shape_cast %get3A_451 : vector<16xf32> to vector<16xf32>
          %add3A_453 = arith.addf %add3A_449, %get3A_452 : vector<16xf32>
          %mul3A_454 = arith.constant 6.000000e-01 : f32
          %mul3A_455 = vector.broadcast %mul3A_454 : f32 to vector<16xf32>
          %mul3A_456 = arith.mulf %mul3A_455, %add3A_453 : vector<16xf32>
          %abs3A_457 = math.absf %add3A_453 : vector<16xf32>
          %mul3A_458 = arith.constant 4.000000e-01 : f32
          %mul3A_459 = vector.broadcast %mul3A_458 : f32 to vector<16xf32>
          %mul3A_460 = arith.mulf %mul3A_459, %abs3A_457 : vector<16xf32>
          %add3A_461 = arith.addf %mul3A_456, %mul3A_460 : vector<16xf32>
          %get3A_462 = arith.constant 2240 : index
          %get3A_463 = tpu.vector_load %arg11[%get3A_462] {strides = array<i32>} : memref<2560xf32, #tpu.memory_space<vmem>>, vector<16xf32>,
          %get3A_464 = vector.shape_cast %get3A_463 : vector<16xf32> to vector<16xf32>
          %mul3A_465 = arith.mulf %get3A_464, %add3A_461 : vector<16xf32>
          %add3A_466 = arith.addf %broadcast_in_dim3A_435, %mul3A_465 : vector<16xf32>
          %get3A_467 = arith.constant 208 : index
          %get3A_468 = tpu.vector_load %arg11[%get3A_467] {strides = array<i32>} : memref<2560xf32, #tpu.memory_space<vmem>>, vector<16xf32>,
          %get3A_469 = vector.shape_cast %get3A_468 : vector<16xf32> to vector<16xf32>
          %mul3A_470 = arith.mulf %get3A_43, %get3A_469 : vector<16xf32>
          %get3A_471 = arith.constant 720 : index
          %get3A_472 = tpu.vector_load %arg11[%get3A_471] {strides = array<i32>} : memref<2560xf32, #tpu.memory_space<vmem>>, vector<16xf32>,
          %get3A_473 = vector.shape_cast %get3A_472 : vector<16xf32> to vector<16xf32>
          %mul3A_474 = arith.mulf %get3A_46, %get3A_473 : vector<16xf32>
          %add3A_475 = arith.addf %mul3A_470, %mul3A_474 : vector<16xf32>
          %get3A_476 = arith.constant 1232 : index
          %get3A_477 = tpu.vector_load %arg11[%get3A_476] {strides = array<i32>} : memref<2560xf32, #tpu.memory_space<vmem>>, vector<16xf32>,
          %get3A_478 = vector.shape_cast %get3A_477 : vector<16xf32> to vector<16xf32>
          %mul3A_479 = arith.mulf %get3A_49, %get3A_478 : vector<16xf32>
          %add3A_480 = arith.addf %add3A_475, %mul3A_479 : vector<16xf32>
          %get3A_481 = arith.constant 1744 : index
          %get3A_482 = tpu.vector_load %arg11[%get3A_481] {strides = array<i32>} : memref<2560xf32, #tpu.memory_space<vmem>>, vector<16xf32>,
          %get3A_483 = vector.shape_cast %get3A_482 : vector<16xf32> to vector<16xf32>
          %add3A_484 = arith.addf %add3A_480, %get3A_483 : vector<16xf32>
          %mul3A_485 = arith.constant 6.000000e-01 : f32
          %mul3A_486 = vector.broadcast %mul3A_485 : f32 to vector<16xf32>
          %mul3A_487 = arith.mulf %mul3A_486, %add3A_484 : vector<16xf32>
          %abs3A_488 = math.absf %add3A_484 : vector<16xf32>
          %mul3A_489 = arith.constant 4.000000e-01 : f32
          %mul3A_490 = vector.broadcast %mul3A_489 : f32 to vector<16xf32>
          %mul3A_491 = arith.mulf %mul3A_490, %abs3A_488 : vector<16xf32>
          %add3A_492 = arith.addf %mul3A_487, %mul3A_491 : vector<16xf32>
          %get3A_493 = arith.constant 2256 : index
          %get3A_494 = tpu.vector_load %arg11[%get3A_493] {strides = array<i32>} : memref<2560xf32, #tpu.memory_space<vmem>>, vector<16xf32>,
          %get3A_495 = vector.shape_cast %get3A_494 : vector<16xf32> to vector<16xf32>
          %mul3A_496 = arith.mulf %get3A_495, %add3A_492 : vector<16xf32>
          %add3A_497 = arith.addf %add3A_466, %mul3A_496 : vector<16xf32>
          %get3A_498 = arith.constant 224 : index
          %get3A_499 = tpu.vector_load %arg11[%get3A_498] {strides = array<i32>} : memref<2560xf32, #tpu.memory_space<vmem>>, vector<16xf32>,
          %get3A_500 = vector.shape_cast %get3A_499 : vector<16xf32> to vector<16xf32>
          %mul3A_501 = arith.mulf %get3A_43, %get3A_500 : vector<16xf32>
          %get3A_502 = arith.constant 736 : index
          %get3A_503 = tpu.vector_load %arg11[%get3A_502] {strides = array<i32>} : memref<2560xf32, #tpu.memory_space<vmem>>, vector<16xf32>,
          %get3A_504 = vector.shape_cast %get3A_503 : vector<16xf32> to vector<16xf32>
          %mul3A_505 = arith.mulf %get3A_46, %get3A_504 : vector<16xf32>
          %add3A_506 = arith.addf %mul3A_501, %mul3A_505 : vector<16xf32>
          %get3A_507 = arith.constant 1248 : index
          %get3A_508 = tpu.vector_load %arg11[%get3A_507] {strides = array<i32>} : memref<2560xf32, #tpu.memory_space<vmem>>, vector<16xf32>,
          %get3A_509 = vector.shape_cast %get3A_508 : vector<16xf32> to vector<16xf32>
          %mul3A_510 = arith.mulf %get3A_49, %get3A_509 : vector<16xf32>
          %add3A_511 = arith.addf %add3A_506, %mul3A_510 : vector<16xf32>
          %get3A_512 = arith.constant 1760 : index
          %get3A_513 = tpu.vector_load %arg11[%get3A_512] {strides = array<i32>} : memref<2560xf32, #tpu.memory_space<vmem>>, vector<16xf32>,
          %get3A_514 = vector.shape_cast %get3A_513 : vector<16xf32> to vector<16xf32>
          %add3A_515 = arith.addf %add3A_511, %get3A_514 : vector<16xf32>
          %mul3A_516 = arith.constant 6.000000e-01 : f32
          %mul3A_517 = vector.broadcast %mul3A_516 : f32 to vector<16xf32>
          %mul3A_518 = arith.mulf %mul3A_517, %add3A_515 : vector<16xf32>
          %abs3A_519 = math.absf %add3A_515 : vector<16xf32>
          %mul3A_520 = arith.constant 4.000000e-01 : f32
          %mul3A_521 = vector.broadcast %mul3A_520 : f32 to vector<16xf32>
          %mul3A_522 = arith.mulf %mul3A_521, %abs3A_519 : vector<16xf32>
          %add3A_523 = arith.addf %mul3A_518, %mul3A_522 : vector<16xf32>
          %get3A_524 = arith.constant 2272 : index
          %get3A_525 = tpu.vector_load %arg11[%get3A_524] {strides = array<i32>} : memref<2560xf32, #tpu.memory_space<vmem>>, vector<16xf32>,
          %get3A_526 = vector.shape_cast %get3A_525 : vector<16xf32> to vector<16xf32>
          %mul3A_527 = arith.mulf %get3A_526, %add3A_523 : vector<16xf32>
          %add3A_528 = arith.addf %add3A_497, %mul3A_527 : vector<16xf32>
          %get3A_529 = arith.constant 240 : index
          %get3A_530 = tpu.vector_load %arg11[%get3A_529] {strides = array<i32>} : memref<2560xf32, #tpu.memory_space<vmem>>, vector<16xf32>,
          %get3A_531 = vector.shape_cast %get3A_530 : vector<16xf32> to vector<16xf32>
          %mul3A_532 = arith.mulf %get3A_43, %get3A_531 : vector<16xf32>
          %get3A_533 = arith.constant 752 : index
          %get3A_534 = tpu.vector_load %arg11[%get3A_533] {strides = array<i32>} : memref<2560xf32, #tpu.memory_space<vmem>>, vector<16xf32>,
          %get3A_535 = vector.shape_cast %get3A_534 : vector<16xf32> to vector<16xf32>
          %mul3A_536 = arith.mulf %get3A_46, %get3A_535 : vector<16xf32>
          %add3A_537 = arith.addf %mul3A_532, %mul3A_536 : vector<16xf32>
          %get3A_538 = arith.constant 1264 : index
          %get3A_539 = tpu.vector_load %arg11[%get3A_538] {strides = array<i32>} : memref<2560xf32, #tpu.memory_space<vmem>>, vector<16xf32>,
          %get3A_540 = vector.shape_cast %get3A_539 : vector<16xf32> to vector<16xf32>
          %mul3A_541 = arith.mulf %get3A_49, %get3A_540 : vector<16xf32>
          %add3A_542 = arith.addf %add3A_537, %mul3A_541 : vector<16xf32>
          %get3A_543 = arith.constant 1776 : index
          %get3A_544 = tpu.vector_load %arg11[%get3A_543] {strides = array<i32>} : memref<2560xf32, #tpu.memory_space<vmem>>, vector<16xf32>,
          %get3A_545 = vector.shape_cast %get3A_544 : vector<16xf32> to vector<16xf32>
          %add3A_546 = arith.addf %add3A_542, %get3A_545 : vector<16xf32>
          %mul3A_547 = arith.constant 6.000000e-01 : f32
          %mul3A_548 = vector.broadcast %mul3A_547 : f32 to vector<16xf32>
          %mul3A_549 = arith.mulf %mul3A_548, %add3A_546 : vector<16xf32>
          %abs3A_550 = math.absf %add3A_546 : vector<16xf32>
          %mul3A_551 = arith.constant 4.000000e-01 : f32
          %mul3A_552 = vector.broadcast %mul3A_551 : f32 to vector<16xf32>
          %mul3A_553 = arith.mulf %mul3A_552, %abs3A_550 : vector<16xf32>
          %add3A_554 = arith.addf %mul3A_549, %mul3A_553 : vector<16xf32>
          %get3A_555 = arith.constant 2288 : index
          %get3A_556 = tpu.vector_load %arg11[%get3A_555] {strides = array<i32>} : memref<2560xf32, #tpu.memory_space<vmem>>, vector<16xf32>,
          %get3A_557 = vector.shape_cast %get3A_556 : vector<16xf32> to vector<16xf32>
          %mul3A_558 = arith.mulf %get3A_557, %add3A_554 : vector<16xf32>
          %add3A_559 = arith.addf %add3A_528, %mul3A_558 : vector<16xf32>
          %exp3A_560 = math.exp %add3A_559 : vector<16xf32>
          %broadcast_in_dim3A_561 = arith.constant 0.000000e+00 : f32
          %broadcast_in_dim3A_562 = vector.broadcast %broadcast_in_dim3A_561 : f32 to vector<16xf32>
          %get3A_563 = arith.constant 256 : index
          %get3A_564 = tpu.vector_load %arg11[%get3A_563] {strides = array<i32>} : memref<2560xf32, #tpu.memory_space<vmem>>, vector<16xf32>,
          %get3A_565 = vector.shape_cast %get3A_564 : vector<16xf32> to vector<16xf32>
          %mul3A_566 = arith.mulf %get3A_43, %get3A_565 : vector<16xf32>
          %get3A_567 = arith.constant 768 : index
          %get3A_568 = tpu.vector_load %arg11[%get3A_567] {strides = array<i32>} : memref<2560xf32, #tpu.memory_space<vmem>>, vector<16xf32>,
          %get3A_569 = vector.shape_cast %get3A_568 : vector<16xf32> to vector<16xf32>
          %mul3A_570 = arith.mulf %get3A_46, %get3A_569 : vector<16xf32>
          %add3A_571 = arith.addf %mul3A_566, %mul3A_570 : vector<16xf32>
          %get3A_572 = arith.constant 1280 : index
          %get3A_573 = tpu.vector_load %arg11[%get3A_572] {strides = array<i32>} : memref<2560xf32, #tpu.memory_space<vmem>>, vector<16xf32>,
          %get3A_574 = vector.shape_cast %get3A_573 : vector<16xf32> to vector<16xf32>
          %mul3A_575 = arith.mulf %get3A_49, %get3A_574 : vector<16xf32>
          %add3A_576 = arith.addf %add3A_571, %mul3A_575 : vector<16xf32>
          %get3A_577 = arith.constant 1792 : index
          %get3A_578 = tpu.vector_load %arg11[%get3A_577] {strides = array<i32>} : memref<2560xf32, #tpu.memory_space<vmem>>, vector<16xf32>,
          %get3A_579 = vector.shape_cast %get3A_578 : vector<16xf32> to vector<16xf32>
          %add3A_580 = arith.addf %add3A_576, %get3A_579 : vector<16xf32>
          %mul3A_581 = arith.constant 6.000000e-01 : f32
          %mul3A_582 = vector.broadcast %mul3A_581 : f32 to vector<16xf32>
          %mul3A_583 = arith.mulf %mul3A_582, %add3A_580 : vector<16xf32>
          %abs3A_584 = math.absf %add3A_580 : vector<16xf32>
          %mul3A_585 = arith.constant 4.000000e-01 : f32
          %mul3A_586 = vector.broadcast %mul3A_585 : f32 to vector<16xf32>
          %mul3A_587 = arith.mulf %mul3A_586, %abs3A_584 : vector<16xf32>
          %add3A_588 = arith.addf %mul3A_583, %mul3A_587 : vector<16xf32>
          %get3A_589 = arith.constant 2304 : index
          %get3A_590 = tpu.vector_load %arg11[%get3A_589] {strides = array<i32>} : memref<2560xf32, #tpu.memory_space<vmem>>, vector<16xf32>,
          %get3A_591 = vector.shape_cast %get3A_590 : vector<16xf32> to vector<16xf32>
          %mul3A_592 = arith.mulf %get3A_591, %add3A_588 : vector<16xf32>
          %add3A_593 = arith.addf %broadcast_in_dim3A_562, %mul3A_592 : vector<16xf32>
          %get3A_594 = arith.constant 272 : index
          %get3A_595 = tpu.vector_load %arg11[%get3A_594] {strides = array<i32>} : memref<2560xf32, #tpu.memory_space<vmem>>, vector<16xf32>,
          %get3A_596 = vector.shape_cast %get3A_595 : vector<16xf32> to vector<16xf32>
          %mul3A_597 = arith.mulf %get3A_43, %get3A_596 : vector<16xf32>
          %get3A_598 = arith.constant 784 : index
          %get3A_599 = tpu.vector_load %arg11[%get3A_598] {strides = array<i32>} : memref<2560xf32, #tpu.memory_space<vmem>>, vector<16xf32>,
          %get3A_600 = vector.shape_cast %get3A_599 : vector<16xf32> to vector<16xf32>
          %mul3A_601 = arith.mulf %get3A_46, %get3A_600 : vector<16xf32>
          %add3A_602 = arith.addf %mul3A_597, %mul3A_601 : vector<16xf32>
          %get3A_603 = arith.constant 1296 : index
          %get3A_604 = tpu.vector_load %arg11[%get3A_603] {strides = array<i32>} : memref<2560xf32, #tpu.memory_space<vmem>>, vector<16xf32>,
          %get3A_605 = vector.shape_cast %get3A_604 : vector<16xf32> to vector<16xf32>
          %mul3A_606 = arith.mulf %get3A_49, %get3A_605 : vector<16xf32>
          %add3A_607 = arith.addf %add3A_602, %mul3A_606 : vector<16xf32>
          %get3A_608 = arith.constant 1808 : index
          %get3A_609 = tpu.vector_load %arg11[%get3A_608] {strides = array<i32>} : memref<2560xf32, #tpu.memory_space<vmem>>, vector<16xf32>,
          %get3A_610 = vector.shape_cast %get3A_609 : vector<16xf32> to vector<16xf32>
          %add3A_611 = arith.addf %add3A_607, %get3A_610 : vector<16xf32>
          %mul3A_612 = arith.constant 6.000000e-01 : f32
          %mul3A_613 = vector.broadcast %mul3A_612 : f32 to vector<16xf32>
          %mul3A_614 = arith.mulf %mul3A_613, %add3A_611 : vector<16xf32>
          %abs3A_615 = math.absf %add3A_611 : vector<16xf32>
          %mul3A_616 = arith.constant 4.000000e-01 : f32
          %mul3A_617 = vector.broadcast %mul3A_616 : f32 to vector<16xf32>
          %mul3A_618 = arith.mulf %mul3A_617, %abs3A_615 : vector<16xf32>
          %add3A_619 = arith.addf %mul3A_614, %mul3A_618 : vector<16xf32>
          %get3A_620 = arith.constant 2320 : index
          %get3A_621 = tpu.vector_load %arg11[%get3A_620] {strides = array<i32>} : memref<2560xf32, #tpu.memory_space<vmem>>, vector<16xf32>,
          %get3A_622 = vector.shape_cast %get3A_621 : vector<16xf32> to vector<16xf32>
          %mul3A_623 = arith.mulf %get3A_622, %add3A_619 : vector<16xf32>
          %add3A_624 = arith.addf %add3A_593, %mul3A_623 : vector<16xf32>
          %get3A_625 = arith.constant 288 : index
          %get3A_626 = tpu.vector_load %arg11[%get3A_625] {strides = array<i32>} : memref<2560xf32, #tpu.memory_space<vmem>>, vector<16xf32>,
          %get3A_627 = vector.shape_cast %get3A_626 : vector<16xf32> to vector<16xf32>
          %mul3A_628 = arith.mulf %get3A_43, %get3A_627 : vector<16xf32>
          %get3A_629 = arith.constant 800 : index
          %get3A_630 = tpu.vector_load %arg11[%get3A_629] {strides = array<i32>} : memref<2560xf32, #tpu.memory_space<vmem>>, vector<16xf32>,
          %get3A_631 = vector.shape_cast %get3A_630 : vector<16xf32> to vector<16xf32>
          %mul3A_632 = arith.mulf %get3A_46, %get3A_631 : vector<16xf32>
          %add3A_633 = arith.addf %mul3A_628, %mul3A_632 : vector<16xf32>
          %get3A_634 = arith.constant 1312 : index
          %get3A_635 = tpu.vector_load %arg11[%get3A_634] {strides = array<i32>} : memref<2560xf32, #tpu.memory_space<vmem>>, vector<16xf32>,
          %get3A_636 = vector.shape_cast %get3A_635 : vector<16xf32> to vector<16xf32>
          %mul3A_637 = arith.mulf %get3A_49, %get3A_636 : vector<16xf32>
          %add3A_638 = arith.addf %add3A_633, %mul3A_637 : vector<16xf32>
          %get3A_639 = arith.constant 1824 : index
          %get3A_640 = tpu.vector_load %arg11[%get3A_639] {strides = array<i32>} : memref<2560xf32, #tpu.memory_space<vmem>>, vector<16xf32>,
          %get3A_641 = vector.shape_cast %get3A_640 : vector<16xf32> to vector<16xf32>
          %add3A_642 = arith.addf %add3A_638, %get3A_641 : vector<16xf32>
          %mul3A_643 = arith.constant 6.000000e-01 : f32
          %mul3A_644 = vector.broadcast %mul3A_643 : f32 to vector<16xf32>
          %mul3A_645 = arith.mulf %mul3A_644, %add3A_642 : vector<16xf32>
          %abs3A_646 = math.absf %add3A_642 : vector<16xf32>
          %mul3A_647 = arith.constant 4.000000e-01 : f32
          %mul3A_648 = vector.broadcast %mul3A_647 : f32 to vector<16xf32>
          %mul3A_649 = arith.mulf %mul3A_648, %abs3A_646 : vector<16xf32>
          %add3A_650 = arith.addf %mul3A_645, %mul3A_649 : vector<16xf32>
          %get3A_651 = arith.constant 2336 : index
          %get3A_652 = tpu.vector_load %arg11[%get3A_651] {strides = array<i32>} : memref<2560xf32, #tpu.memory_space<vmem>>, vector<16xf32>,
          %get3A_653 = vector.shape_cast %get3A_652 : vector<16xf32> to vector<16xf32>
          %mul3A_654 = arith.mulf %get3A_653, %add3A_650 : vector<16xf32>
          %add3A_655 = arith.addf %add3A_624, %mul3A_654 : vector<16xf32>
          %get3A_656 = arith.constant 304 : index
          %get3A_657 = tpu.vector_load %arg11[%get3A_656] {strides = array<i32>} : memref<2560xf32, #tpu.memory_space<vmem>>, vector<16xf32>,
          %get3A_658 = vector.shape_cast %get3A_657 : vector<16xf32> to vector<16xf32>
          %mul3A_659 = arith.mulf %get3A_43, %get3A_658 : vector<16xf32>
          %get3A_660 = arith.constant 816 : index
          %get3A_661 = tpu.vector_load %arg11[%get3A_660] {strides = array<i32>} : memref<2560xf32, #tpu.memory_space<vmem>>, vector<16xf32>,
          %get3A_662 = vector.shape_cast %get3A_661 : vector<16xf32> to vector<16xf32>
          %mul3A_663 = arith.mulf %get3A_46, %get3A_662 : vector<16xf32>
          %add3A_664 = arith.addf %mul3A_659, %mul3A_663 : vector<16xf32>
          %get3A_665 = arith.constant 1328 : index
          %get3A_666 = tpu.vector_load %arg11[%get3A_665] {strides = array<i32>} : memref<2560xf32, #tpu.memory_space<vmem>>, vector<16xf32>,
          %get3A_667 = vector.shape_cast %get3A_666 : vector<16xf32> to vector<16xf32>
          %mul3A_668 = arith.mulf %get3A_49, %get3A_667 : vector<16xf32>
          %add3A_669 = arith.addf %add3A_664, %mul3A_668 : vector<16xf32>
          %get3A_670 = arith.constant 1840 : index
          %get3A_671 = tpu.vector_load %arg11[%get3A_670] {strides = array<i32>} : memref<2560xf32, #tpu.memory_space<vmem>>, vector<16xf32>,
          %get3A_672 = vector.shape_cast %get3A_671 : vector<16xf32> to vector<16xf32>
          %add3A_673 = arith.addf %add3A_669, %get3A_672 : vector<16xf32>
          %mul3A_674 = arith.constant 6.000000e-01 : f32
          %mul3A_675 = vector.broadcast %mul3A_674 : f32 to vector<16xf32>
          %mul3A_676 = arith.mulf %mul3A_675, %add3A_673 : vector<16xf32>
          %abs3A_677 = math.absf %add3A_673 : vector<16xf32>
          %mul3A_678 = arith.constant 4.000000e-01 : f32
          %mul3A_679 = vector.broadcast %mul3A_678 : f32 to vector<16xf32>
          %mul3A_680 = arith.mulf %mul3A_679, %abs3A_677 : vector<16xf32>
          %add3A_681 = arith.addf %mul3A_676, %mul3A_680 : vector<16xf32>
          %get3A_682 = arith.constant 2352 : index
          %get3A_683 = tpu.vector_load %arg11[%get3A_682] {strides = array<i32>} : memref<2560xf32, #tpu.memory_space<vmem>>, vector<16xf32>,
          %get3A_684 = vector.shape_cast %get3A_683 : vector<16xf32> to vector<16xf32>
          %mul3A_685 = arith.mulf %get3A_684, %add3A_681 : vector<16xf32>
          %add3A_686 = arith.addf %add3A_655, %mul3A_685 : vector<16xf32>
          %exp3A_687 = math.exp %add3A_686 : vector<16xf32>
          %broadcast_in_dim3A_688 = arith.constant 0.000000e+00 : f32
          %broadcast_in_dim3A_689 = vector.broadcast %broadcast_in_dim3A_688 : f32 to vector<16xf32>
          %get3A_690 = arith.constant 320 : index
          %get3A_691 = tpu.vector_load %arg11[%get3A_690] {strides = array<i32>} : memref<2560xf32, #tpu.memory_space<vmem>>, vector<16xf32>,
          %get3A_692 = vector.shape_cast %get3A_691 : vector<16xf32> to vector<16xf32>
          %mul3A_693 = arith.mulf %get3A_43, %get3A_692 : vector<16xf32>
          %get3A_694 = arith.constant 832 : index
          %get3A_695 = tpu.vector_load %arg11[%get3A_694] {strides = array<i32>} : memref<2560xf32, #tpu.memory_space<vmem>>, vector<16xf32>,
          %get3A_696 = vector.shape_cast %get3A_695 : vector<16xf32> to vector<16xf32>
          %mul3A_697 = arith.mulf %get3A_46, %get3A_696 : vector<16xf32>
          %add3A_698 = arith.addf %mul3A_693, %mul3A_697 : vector<16xf32>
          %get3A_699 = arith.constant 1344 : index
          %get3A_700 = tpu.vector_load %arg11[%get3A_699] {strides = array<i32>} : memref<2560xf32, #tpu.memory_space<vmem>>, vector<16xf32>,
          %get3A_701 = vector.shape_cast %get3A_700 : vector<16xf32> to vector<16xf32>
          %mul3A_702 = arith.mulf %get3A_49, %get3A_701 : vector<16xf32>
          %add3A_703 = arith.addf %add3A_698, %mul3A_702 : vector<16xf32>
          %get3A_704 = arith.constant 1856 : index
          %get3A_705 = tpu.vector_load %arg11[%get3A_704] {strides = array<i32>} : memref<2560xf32, #tpu.memory_space<vmem>>, vector<16xf32>,
          %get3A_706 = vector.shape_cast %get3A_705 : vector<16xf32> to vector<16xf32>
          %add3A_707 = arith.addf %add3A_703, %get3A_706 : vector<16xf32>
          %mul3A_708 = arith.constant 6.000000e-01 : f32
          %mul3A_709 = vector.broadcast %mul3A_708 : f32 to vector<16xf32>
          %mul3A_710 = arith.mulf %mul3A_709, %add3A_707 : vector<16xf32>
          %abs3A_711 = math.absf %add3A_707 : vector<16xf32>
          %mul3A_712 = arith.constant 4.000000e-01 : f32
          %mul3A_713 = vector.broadcast %mul3A_712 : f32 to vector<16xf32>
          %mul3A_714 = arith.mulf %mul3A_713, %abs3A_711 : vector<16xf32>
          %add3A_715 = arith.addf %mul3A_710, %mul3A_714 : vector<16xf32>
          %get3A_716 = arith.constant 2368 : index
          %get3A_717 = tpu.vector_load %arg11[%get3A_716] {strides = array<i32>} : memref<2560xf32, #tpu.memory_space<vmem>>, vector<16xf32>,
          %get3A_718 = vector.shape_cast %get3A_717 : vector<16xf32> to vector<16xf32>
          %mul3A_719 = arith.mulf %get3A_718, %add3A_715 : vector<16xf32>
          %add3A_720 = arith.addf %broadcast_in_dim3A_689, %mul3A_719 : vector<16xf32>
          %get3A_721 = arith.constant 336 : index
          %get3A_722 = tpu.vector_load %arg11[%get3A_721] {strides = array<i32>} : memref<2560xf32, #tpu.memory_space<vmem>>, vector<16xf32>,
          %get3A_723 = vector.shape_cast %get3A_722 : vector<16xf32> to vector<16xf32>
          %mul3A_724 = arith.mulf %get3A_43, %get3A_723 : vector<16xf32>
          %get3A_725 = arith.constant 848 : index
          %get3A_726 = tpu.vector_load %arg11[%get3A_725] {strides = array<i32>} : memref<2560xf32, #tpu.memory_space<vmem>>, vector<16xf32>,
          %get3A_727 = vector.shape_cast %get3A_726 : vector<16xf32> to vector<16xf32>
          %mul3A_728 = arith.mulf %get3A_46, %get3A_727 : vector<16xf32>
          %add3A_729 = arith.addf %mul3A_724, %mul3A_728 : vector<16xf32>
          %get3A_730 = arith.constant 1360 : index
          %get3A_731 = tpu.vector_load %arg11[%get3A_730] {strides = array<i32>} : memref<2560xf32, #tpu.memory_space<vmem>>, vector<16xf32>,
          %get3A_732 = vector.shape_cast %get3A_731 : vector<16xf32> to vector<16xf32>
          %mul3A_733 = arith.mulf %get3A_49, %get3A_732 : vector<16xf32>
          %add3A_734 = arith.addf %add3A_729, %mul3A_733 : vector<16xf32>
          %get3A_735 = arith.constant 1872 : index
          %get3A_736 = tpu.vector_load %arg11[%get3A_735] {strides = array<i32>} : memref<2560xf32, #tpu.memory_space<vmem>>, vector<16xf32>,
          %get3A_737 = vector.shape_cast %get3A_736 : vector<16xf32> to vector<16xf32>
          %add3A_738 = arith.addf %add3A_734, %get3A_737 : vector<16xf32>
          %mul3A_739 = arith.constant 6.000000e-01 : f32
          %mul3A_740 = vector.broadcast %mul3A_739 : f32 to vector<16xf32>
          %mul3A_741 = arith.mulf %mul3A_740, %add3A_738 : vector<16xf32>
          %abs3A_742 = math.absf %add3A_738 : vector<16xf32>
          %mul3A_743 = arith.constant 4.000000e-01 : f32
          %mul3A_744 = vector.broadcast %mul3A_743 : f32 to vector<16xf32>
          %mul3A_745 = arith.mulf %mul3A_744, %abs3A_742 : vector<16xf32>
          %add3A_746 = arith.addf %mul3A_741, %mul3A_745 : vector<16xf32>
          %get3A_747 = arith.constant 2384 : index
          %get3A_748 = tpu.vector_load %arg11[%get3A_747] {strides = array<i32>} : memref<2560xf32, #tpu.memory_space<vmem>>, vector<16xf32>,
          %get3A_749 = vector.shape_cast %get3A_748 : vector<16xf32> to vector<16xf32>
          %mul3A_750 = arith.mulf %get3A_749, %add3A_746 : vector<16xf32>
          %add3A_751 = arith.addf %add3A_720, %mul3A_750 : vector<16xf32>
          %get3A_752 = arith.constant 352 : index
          %get3A_753 = tpu.vector_load %arg11[%get3A_752] {strides = array<i32>} : memref<2560xf32, #tpu.memory_space<vmem>>, vector<16xf32>,
          %get3A_754 = vector.shape_cast %get3A_753 : vector<16xf32> to vector<16xf32>
          %mul3A_755 = arith.mulf %get3A_43, %get3A_754 : vector<16xf32>
          %get3A_756 = arith.constant 864 : index
          %get3A_757 = tpu.vector_load %arg11[%get3A_756] {strides = array<i32>} : memref<2560xf32, #tpu.memory_space<vmem>>, vector<16xf32>,
          %get3A_758 = vector.shape_cast %get3A_757 : vector<16xf32> to vector<16xf32>
          %mul3A_759 = arith.mulf %get3A_46, %get3A_758 : vector<16xf32>
          %add3A_760 = arith.addf %mul3A_755, %mul3A_759 : vector<16xf32>
          %get3A_761 = arith.constant 1376 : index
          %get3A_762 = tpu.vector_load %arg11[%get3A_761] {strides = array<i32>} : memref<2560xf32, #tpu.memory_space<vmem>>, vector<16xf32>,
          %get3A_763 = vector.shape_cast %get3A_762 : vector<16xf32> to vector<16xf32>
          %mul3A_764 = arith.mulf %get3A_49, %get3A_763 : vector<16xf32>
          %add3A_765 = arith.addf %add3A_760, %mul3A_764 : vector<16xf32>
          %get3A_766 = arith.constant 1888 : index
          %get3A_767 = tpu.vector_load %arg11[%get3A_766] {strides = array<i32>} : memref<2560xf32, #tpu.memory_space<vmem>>, vector<16xf32>,
          %get3A_768 = vector.shape_cast %get3A_767 : vector<16xf32> to vector<16xf32>
          %add3A_769 = arith.addf %add3A_765, %get3A_768 : vector<16xf32>
          %mul3A_770 = arith.constant 6.000000e-01 : f32
          %mul3A_771 = vector.broadcast %mul3A_770 : f32 to vector<16xf32>
          %mul3A_772 = arith.mulf %mul3A_771, %add3A_769 : vector<16xf32>
          %abs3A_773 = math.absf %add3A_769 : vector<16xf32>
          %mul3A_774 = arith.constant 4.000000e-01 : f32
          %mul3A_775 = vector.broadcast %mul3A_774 : f32 to vector<16xf32>
          %mul3A_776 = arith.mulf %mul3A_775, %abs3A_773 : vector<16xf32>
          %add3A_777 = arith.addf %mul3A_772, %mul3A_776 : vector<16xf32>
          %get3A_778 = arith.constant 2400 : index
          %get3A_779 = tpu.vector_load %arg11[%get3A_778] {strides = array<i32>} : memref<2560xf32, #tpu.memory_space<vmem>>, vector<16xf32>,
          %get3A_780 = vector.shape_cast %get3A_779 : vector<16xf32> to vector<16xf32>
          %mul3A_781 = arith.mulf %get3A_780, %add3A_777 : vector<16xf32>
          %add3A_782 = arith.addf %add3A_751, %mul3A_781 : vector<16xf32>
          %get3A_783 = arith.constant 368 : index
          %get3A_784 = tpu.vector_load %arg11[%get3A_783] {strides = array<i32>} : memref<2560xf32, #tpu.memory_space<vmem>>, vector<16xf32>,
          %get3A_785 = vector.shape_cast %get3A_784 : vector<16xf32> to vector<16xf32>
          %mul3A_786 = arith.mulf %get3A_43, %get3A_785 : vector<16xf32>
          %get3A_787 = arith.constant 880 : index
          %get3A_788 = tpu.vector_load %arg11[%get3A_787] {strides = array<i32>} : memref<2560xf32, #tpu.memory_space<vmem>>, vector<16xf32>,
          %get3A_789 = vector.shape_cast %get3A_788 : vector<16xf32> to vector<16xf32>
          %mul3A_790 = arith.mulf %get3A_46, %get3A_789 : vector<16xf32>
          %add3A_791 = arith.addf %mul3A_786, %mul3A_790 : vector<16xf32>
          %get3A_792 = arith.constant 1392 : index
          %get3A_793 = tpu.vector_load %arg11[%get3A_792] {strides = array<i32>} : memref<2560xf32, #tpu.memory_space<vmem>>, vector<16xf32>,
          %get3A_794 = vector.shape_cast %get3A_793 : vector<16xf32> to vector<16xf32>
          %mul3A_795 = arith.mulf %get3A_49, %get3A_794 : vector<16xf32>
          %add3A_796 = arith.addf %add3A_791, %mul3A_795 : vector<16xf32>
          %get3A_797 = arith.constant 1904 : index
          %get3A_798 = tpu.vector_load %arg11[%get3A_797] {strides = array<i32>} : memref<2560xf32, #tpu.memory_space<vmem>>, vector<16xf32>,
          %get3A_799 = vector.shape_cast %get3A_798 : vector<16xf32> to vector<16xf32>
          %add3A_800 = arith.addf %add3A_796, %get3A_799 : vector<16xf32>
          %mul3A_801 = arith.constant 6.000000e-01 : f32
          %mul3A_802 = vector.broadcast %mul3A_801 : f32 to vector<16xf32>
          %mul3A_803 = arith.mulf %mul3A_802, %add3A_800 : vector<16xf32>
          %abs3A_804 = math.absf %add3A_800 : vector<16xf32>
          %mul3A_805 = arith.constant 4.000000e-01 : f32
          %mul3A_806 = vector.broadcast %mul3A_805 : f32 to vector<16xf32>
          %mul3A_807 = arith.mulf %mul3A_806, %abs3A_804 : vector<16xf32>
          %add3A_808 = arith.addf %mul3A_803, %mul3A_807 : vector<16xf32>
          %get3A_809 = arith.constant 2416 : index
          %get3A_810 = tpu.vector_load %arg11[%get3A_809] {strides = array<i32>} : memref<2560xf32, #tpu.memory_space<vmem>>, vector<16xf32>,
          %get3A_811 = vector.shape_cast %get3A_810 : vector<16xf32> to vector<16xf32>
          %mul3A_812 = arith.mulf %get3A_811, %add3A_808 : vector<16xf32>
          %add3A_813 = arith.addf %add3A_782, %mul3A_812 : vector<16xf32>
          %exp3A_814 = math.exp %add3A_813 : vector<16xf32>
          %broadcast_in_dim3A_815 = arith.constant 0.000000e+00 : f32
          %broadcast_in_dim3A_816 = vector.broadcast %broadcast_in_dim3A_815 : f32 to vector<16xf32>
          %get3A_817 = arith.constant 384 : index
          %get3A_818 = tpu.vector_load %arg11[%get3A_817] {strides = array<i32>} : memref<2560xf32, #tpu.memory_space<vmem>>, vector<16xf32>,
          %get3A_819 = vector.shape_cast %get3A_818 : vector<16xf32> to vector<16xf32>
          %mul3A_820 = arith.mulf %get3A_43, %get3A_819 : vector<16xf32>
          %get3A_821 = arith.constant 896 : index
          %get3A_822 = tpu.vector_load %arg11[%get3A_821] {strides = array<i32>} : memref<2560xf32, #tpu.memory_space<vmem>>, vector<16xf32>,
          %get3A_823 = vector.shape_cast %get3A_822 : vector<16xf32> to vector<16xf32>
          %mul3A_824 = arith.mulf %get3A_46, %get3A_823 : vector<16xf32>
          %add3A_825 = arith.addf %mul3A_820, %mul3A_824 : vector<16xf32>
          %get3A_826 = arith.constant 1408 : index
          %get3A_827 = tpu.vector_load %arg11[%get3A_826] {strides = array<i32>} : memref<2560xf32, #tpu.memory_space<vmem>>, vector<16xf32>,
          %get3A_828 = vector.shape_cast %get3A_827 : vector<16xf32> to vector<16xf32>
          %mul3A_829 = arith.mulf %get3A_49, %get3A_828 : vector<16xf32>
          %add3A_830 = arith.addf %add3A_825, %mul3A_829 : vector<16xf32>
          %get3A_831 = arith.constant 1920 : index
          %get3A_832 = tpu.vector_load %arg11[%get3A_831] {strides = array<i32>} : memref<2560xf32, #tpu.memory_space<vmem>>, vector<16xf32>,
          %get3A_833 = vector.shape_cast %get3A_832 : vector<16xf32> to vector<16xf32>
          %add3A_834 = arith.addf %add3A_830, %get3A_833 : vector<16xf32>
          %mul3A_835 = arith.constant 6.000000e-01 : f32
          %mul3A_836 = vector.broadcast %mul3A_835 : f32 to vector<16xf32>
          %mul3A_837 = arith.mulf %mul3A_836, %add3A_834 : vector<16xf32>
          %abs3A_838 = math.absf %add3A_834 : vector<16xf32>
          %mul3A_839 = arith.constant 4.000000e-01 : f32
          %mul3A_840 = vector.broadcast %mul3A_839 : f32 to vector<16xf32>
          %mul3A_841 = arith.mulf %mul3A_840, %abs3A_838 : vector<16xf32>
          %add3A_842 = arith.addf %mul3A_837, %mul3A_841 : vector<16xf32>
          %get3A_843 = arith.constant 2432 : index
          %get3A_844 = tpu.vector_load %arg11[%get3A_843] {strides = array<i32>} : memref<2560xf32, #tpu.memory_space<vmem>>, vector<16xf32>,
          %get3A_845 = vector.shape_cast %get3A_844 : vector<16xf32> to vector<16xf32>
          %mul3A_846 = arith.mulf %get3A_845, %add3A_842 : vector<16xf32>
          %add3A_847 = arith.addf %broadcast_in_dim3A_816, %mul3A_846 : vector<16xf32>
          %get3A_848 = arith.constant 400 : index
          %get3A_849 = tpu.vector_load %arg11[%get3A_848] {strides = array<i32>} : memref<2560xf32, #tpu.memory_space<vmem>>, vector<16xf32>,
          %get3A_850 = vector.shape_cast %get3A_849 : vector<16xf32> to vector<16xf32>
          %mul3A_851 = arith.mulf %get3A_43, %get3A_850 : vector<16xf32>
          %get3A_852 = arith.constant 912 : index
          %get3A_853 = tpu.vector_load %arg11[%get3A_852] {strides = array<i32>} : memref<2560xf32, #tpu.memory_space<vmem>>, vector<16xf32>,
          %get3A_854 = vector.shape_cast %get3A_853 : vector<16xf32> to vector<16xf32>
          %mul3A_855 = arith.mulf %get3A_46, %get3A_854 : vector<16xf32>
          %add3A_856 = arith.addf %mul3A_851, %mul3A_855 : vector<16xf32>
          %get3A_857 = arith.constant 1424 : index
          %get3A_858 = tpu.vector_load %arg11[%get3A_857] {strides = array<i32>} : memref<2560xf32, #tpu.memory_space<vmem>>, vector<16xf32>,
          %get3A_859 = vector.shape_cast %get3A_858 : vector<16xf32> to vector<16xf32>
          %mul3A_860 = arith.mulf %get3A_49, %get3A_859 : vector<16xf32>
          %add3A_861 = arith.addf %add3A_856, %mul3A_860 : vector<16xf32>
          %get3A_862 = arith.constant 1936 : index
          %get3A_863 = tpu.vector_load %arg11[%get3A_862] {strides = array<i32>} : memref<2560xf32, #tpu.memory_space<vmem>>, vector<16xf32>,
          %get3A_864 = vector.shape_cast %get3A_863 : vector<16xf32> to vector<16xf32>
          %add3A_865 = arith.addf %add3A_861, %get3A_864 : vector<16xf32>
          %mul3A_866 = arith.constant 6.000000e-01 : f32
          %mul3A_867 = vector.broadcast %mul3A_866 : f32 to vector<16xf32>
          %mul3A_868 = arith.mulf %mul3A_867, %add3A_865 : vector<16xf32>
          %abs3A_869 = math.absf %add3A_865 : vector<16xf32>
          %mul3A_870 = arith.constant 4.000000e-01 : f32
          %mul3A_871 = vector.broadcast %mul3A_870 : f32 to vector<16xf32>
          %mul3A_872 = arith.mulf %mul3A_871, %abs3A_869 : vector<16xf32>
          %add3A_873 = arith.addf %mul3A_868, %mul3A_872 : vector<16xf32>
          %get3A_874 = arith.constant 2448 : index
          %get3A_875 = tpu.vector_load %arg11[%get3A_874] {strides = array<i32>} : memref<2560xf32, #tpu.memory_space<vmem>>, vector<16xf32>,
          %get3A_876 = vector.shape_cast %get3A_875 : vector<16xf32> to vector<16xf32>
          %mul3A_877 = arith.mulf %get3A_876, %add3A_873 : vector<16xf32>
          %add3A_878 = arith.addf %add3A_847, %mul3A_877 : vector<16xf32>
          %get3A_879 = arith.constant 416 : index
          %get3A_880 = tpu.vector_load %arg11[%get3A_879] {strides = array<i32>} : memref<2560xf32, #tpu.memory_space<vmem>>, vector<16xf32>,
          %get3A_881 = vector.shape_cast %get3A_880 : vector<16xf32> to vector<16xf32>
          %mul3A_882 = arith.mulf %get3A_43, %get3A_881 : vector<16xf32>
          %get3A_883 = arith.constant 928 : index
          %get3A_884 = tpu.vector_load %arg11[%get3A_883] {strides = array<i32>} : memref<2560xf32, #tpu.memory_space<vmem>>, vector<16xf32>,
          %get3A_885 = vector.shape_cast %get3A_884 : vector<16xf32> to vector<16xf32>
          %mul3A_886 = arith.mulf %get3A_46, %get3A_885 : vector<16xf32>
          %add3A_887 = arith.addf %mul3A_882, %mul3A_886 : vector<16xf32>
          %get3A_888 = arith.constant 1440 : index
          %get3A_889 = tpu.vector_load %arg11[%get3A_888] {strides = array<i32>} : memref<2560xf32, #tpu.memory_space<vmem>>, vector<16xf32>,
          %get3A_890 = vector.shape_cast %get3A_889 : vector<16xf32> to vector<16xf32>
          %mul3A_891 = arith.mulf %get3A_49, %get3A_890 : vector<16xf32>
          %add3A_892 = arith.addf %add3A_887, %mul3A_891 : vector<16xf32>
          %get3A_893 = arith.constant 1952 : index
          %get3A_894 = tpu.vector_load %arg11[%get3A_893] {strides = array<i32>} : memref<2560xf32, #tpu.memory_space<vmem>>, vector<16xf32>,
          %get3A_895 = vector.shape_cast %get3A_894 : vector<16xf32> to vector<16xf32>
          %add3A_896 = arith.addf %add3A_892, %get3A_895 : vector<16xf32>
          %mul3A_897 = arith.constant 6.000000e-01 : f32
          %mul3A_898 = vector.broadcast %mul3A_897 : f32 to vector<16xf32>
          %mul3A_899 = arith.mulf %mul3A_898, %add3A_896 : vector<16xf32>
          %abs3A_900 = math.absf %add3A_896 : vector<16xf32>
          %mul3A_901 = arith.constant 4.000000e-01 : f32
          %mul3A_902 = vector.broadcast %mul3A_901 : f32 to vector<16xf32>
          %mul3A_903 = arith.mulf %mul3A_902, %abs3A_900 : vector<16xf32>
          %add3A_904 = arith.addf %mul3A_899, %mul3A_903 : vector<16xf32>
          %get3A_905 = arith.constant 2464 : index
          %get3A_906 = tpu.vector_load %arg11[%get3A_905] {strides = array<i32>} : memref<2560xf32, #tpu.memory_space<vmem>>, vector<16xf32>,
          %get3A_907 = vector.shape_cast %get3A_906 : vector<16xf32> to vector<16xf32>
          %mul3A_908 = arith.mulf %get3A_907, %add3A_904 : vector<16xf32>
          %add3A_909 = arith.addf %add3A_878, %mul3A_908 : vector<16xf32>
          %get3A_910 = arith.constant 432 : index
          %get3A_911 = tpu.vector_load %arg11[%get3A_910] {strides = array<i32>} : memref<2560xf32, #tpu.memory_space<vmem>>, vector<16xf32>,
          %get3A_912 = vector.shape_cast %get3A_911 : vector<16xf32> to vector<16xf32>
          %mul3A_913 = arith.mulf %get3A_43, %get3A_912 : vector<16xf32>
          %get3A_914 = arith.constant 944 : index
          %get3A_915 = tpu.vector_load %arg11[%get3A_914] {strides = array<i32>} : memref<2560xf32, #tpu.memory_space<vmem>>, vector<16xf32>,
          %get3A_916 = vector.shape_cast %get3A_915 : vector<16xf32> to vector<16xf32>
          %mul3A_917 = arith.mulf %get3A_46, %get3A_916 : vector<16xf32>
          %add3A_918 = arith.addf %mul3A_913, %mul3A_917 : vector<16xf32>
          %get3A_919 = arith.constant 1456 : index
          %get3A_920 = tpu.vector_load %arg11[%get3A_919] {strides = array<i32>} : memref<2560xf32, #tpu.memory_space<vmem>>, vector<16xf32>,
          %get3A_921 = vector.shape_cast %get3A_920 : vector<16xf32> to vector<16xf32>
          %mul3A_922 = arith.mulf %get3A_49, %get3A_921 : vector<16xf32>
          %add3A_923 = arith.addf %add3A_918, %mul3A_922 : vector<16xf32>
          %get3A_924 = arith.constant 1968 : index
          %get3A_925 = tpu.vector_load %arg11[%get3A_924] {strides = array<i32>} : memref<2560xf32, #tpu.memory_space<vmem>>, vector<16xf32>,
          %get3A_926 = vector.shape_cast %get3A_925 : vector<16xf32> to vector<16xf32>
          %add3A_927 = arith.addf %add3A_923, %get3A_926 : vector<16xf32>
          %mul3A_928 = arith.constant 6.000000e-01 : f32
          %mul3A_929 = vector.broadcast %mul3A_928 : f32 to vector<16xf32>
          %mul3A_930 = arith.mulf %mul3A_929, %add3A_927 : vector<16xf32>
          %abs3A_931 = math.absf %add3A_927 : vector<16xf32>
          %mul3A_932 = arith.constant 4.000000e-01 : f32
          %mul3A_933 = vector.broadcast %mul3A_932 : f32 to vector<16xf32>
          %mul3A_934 = arith.mulf %mul3A_933, %abs3A_931 : vector<16xf32>
          %add3A_935 = arith.addf %mul3A_930, %mul3A_934 : vector<16xf32>
          %get3A_936 = arith.constant 2480 : index
          %get3A_937 = tpu.vector_load %arg11[%get3A_936] {strides = array<i32>} : memref<2560xf32, #tpu.memory_space<vmem>>, vector<16xf32>,
          %get3A_938 = vector.shape_cast %get3A_937 : vector<16xf32> to vector<16xf32>
          %mul3A_939 = arith.mulf %get3A_938, %add3A_935 : vector<16xf32>
          %add3A_940 = arith.addf %add3A_909, %mul3A_939 : vector<16xf32>
          %exp3A_941 = math.exp %add3A_940 : vector<16xf32>
          %broadcast_in_dim3A_942 = arith.constant 0.000000e+00 : f32
          %broadcast_in_dim3A_943 = vector.broadcast %broadcast_in_dim3A_942 : f32 to vector<16xf32>
          %get3A_944 = arith.constant 448 : index
          %get3A_945 = tpu.vector_load %arg11[%get3A_944] {strides = array<i32>} : memref<2560xf32, #tpu.memory_space<vmem>>, vector<16xf32>,
          %get3A_946 = vector.shape_cast %get3A_945 : vector<16xf32> to vector<16xf32>
          %mul3A_947 = arith.mulf %get3A_43, %get3A_946 : vector<16xf32>
          %get3A_948 = arith.constant 960 : index
          %get3A_949 = tpu.vector_load %arg11[%get3A_948] {strides = array<i32>} : memref<2560xf32, #tpu.memory_space<vmem>>, vector<16xf32>,
          %get3A_950 = vector.shape_cast %get3A_949 : vector<16xf32> to vector<16xf32>
          %mul3A_951 = arith.mulf %get3A_46, %get3A_950 : vector<16xf32>
          %add3A_952 = arith.addf %mul3A_947, %mul3A_951 : vector<16xf32>
          %get3A_953 = arith.constant 1472 : index
          %get3A_954 = tpu.vector_load %arg11[%get3A_953] {strides = array<i32>} : memref<2560xf32, #tpu.memory_space<vmem>>, vector<16xf32>,
          %get3A_955 = vector.shape_cast %get3A_954 : vector<16xf32> to vector<16xf32>
          %mul3A_956 = arith.mulf %get3A_49, %get3A_955 : vector<16xf32>
          %add3A_957 = arith.addf %add3A_952, %mul3A_956 : vector<16xf32>
          %get3A_958 = arith.constant 1984 : index
          %get3A_959 = tpu.vector_load %arg11[%get3A_958] {strides = array<i32>} : memref<2560xf32, #tpu.memory_space<vmem>>, vector<16xf32>,
          %get3A_960 = vector.shape_cast %get3A_959 : vector<16xf32> to vector<16xf32>
          %add3A_961 = arith.addf %add3A_957, %get3A_960 : vector<16xf32>
          %mul3A_962 = arith.constant 6.000000e-01 : f32
          %mul3A_963 = vector.broadcast %mul3A_962 : f32 to vector<16xf32>
          %mul3A_964 = arith.mulf %mul3A_963, %add3A_961 : vector<16xf32>
          %abs3A_965 = math.absf %add3A_961 : vector<16xf32>
          %mul3A_966 = arith.constant 4.000000e-01 : f32
          %mul3A_967 = vector.broadcast %mul3A_966 : f32 to vector<16xf32>
          %mul3A_968 = arith.mulf %mul3A_967, %abs3A_965 : vector<16xf32>
          %add3A_969 = arith.addf %mul3A_964, %mul3A_968 : vector<16xf32>
          %get3A_970 = arith.constant 2496 : index
          %get3A_971 = tpu.vector_load %arg11[%get3A_970] {strides = array<i32>} : memref<2560xf32, #tpu.memory_space<vmem>>, vector<16xf32>,
          %get3A_972 = vector.shape_cast %get3A_971 : vector<16xf32> to vector<16xf32>
          %mul3A_973 = arith.mulf %get3A_972, %add3A_969 : vector<16xf32>
          %add3A_974 = arith.addf %broadcast_in_dim3A_943, %mul3A_973 : vector<16xf32>
          %get3A_975 = arith.constant 464 : index
          %get3A_976 = tpu.vector_load %arg11[%get3A_975] {strides = array<i32>} : memref<2560xf32, #tpu.memory_space<vmem>>, vector<16xf32>,
          %get3A_977 = vector.shape_cast %get3A_976 : vector<16xf32> to vector<16xf32>
          %mul3A_978 = arith.mulf %get3A_43, %get3A_977 : vector<16xf32>
          %get3A_979 = arith.constant 976 : index
          %get3A_980 = tpu.vector_load %arg11[%get3A_979] {strides = array<i32>} : memref<2560xf32, #tpu.memory_space<vmem>>, vector<16xf32>,
          %get3A_981 = vector.shape_cast %get3A_980 : vector<16xf32> to vector<16xf32>
          %mul3A_982 = arith.mulf %get3A_46, %get3A_981 : vector<16xf32>
          %add3A_983 = arith.addf %mul3A_978, %mul3A_982 : vector<16xf32>
          %get3A_984 = arith.constant 1488 : index
          %get3A_985 = tpu.vector_load %arg11[%get3A_984] {strides = array<i32>} : memref<2560xf32, #tpu.memory_space<vmem>>, vector<16xf32>,
          %get3A_986 = vector.shape_cast %get3A_985 : vector<16xf32> to vector<16xf32>
          %mul3A_987 = arith.mulf %get3A_49, %get3A_986 : vector<16xf32>
          %add3A_988 = arith.addf %add3A_983, %mul3A_987 : vector<16xf32>
          %get3A_989 = arith.constant 2000 : index
          %get3A_990 = tpu.vector_load %arg11[%get3A_989] {strides = array<i32>} : memref<2560xf32, #tpu.memory_space<vmem>>, vector<16xf32>,
          %get3A_991 = vector.shape_cast %get3A_990 : vector<16xf32> to vector<16xf32>
          %add3A_992 = arith.addf %add3A_988, %get3A_991 : vector<16xf32>
          %mul3A_993 = arith.constant 6.000000e-01 : f32
          %mul3A_994 = vector.broadcast %mul3A_993 : f32 to vector<16xf32>
          %mul3A_995 = arith.mulf %mul3A_994, %add3A_992 : vector<16xf32>
          %abs3A_996 = math.absf %add3A_992 : vector<16xf32>
          %mul3A_997 = arith.constant 4.000000e-01 : f32
          %mul3A_998 = vector.broadcast %mul3A_997 : f32 to vector<16xf32>
          %mul3A_999 = arith.mulf %mul3A_998, %abs3A_996 : vector<16xf32>
          %add3A_1000 = arith.addf %mul3A_995, %mul3A_999 : vector<16xf32>
          %get3A_1001 = arith.constant 2512 : index
          %get3A_1002 = tpu.vector_load %arg11[%get3A_1001] {strides = array<i32>} : memref<2560xf32, #tpu.memory_space<vmem>>, vector<16xf32>,
          %get3A_1003 = vector.shape_cast %get3A_1002 : vector<16xf32> to vector<16xf32>
          %mul3A_1004 = arith.mulf %get3A_1003, %add3A_1000 : vector<16xf32>
          %add3A_1005 = arith.addf %add3A_974, %mul3A_1004 : vector<16xf32>
          %get3A_1006 = arith.constant 480 : index
          %get3A_1007 = tpu.vector_load %arg11[%get3A_1006] {strides = array<i32>} : memref<2560xf32, #tpu.memory_space<vmem>>, vector<16xf32>,
          %get3A_1008 = vector.shape_cast %get3A_1007 : vector<16xf32> to vector<16xf32>
          %mul3A_1009 = arith.mulf %get3A_43, %get3A_1008 : vector<16xf32>
          %get3A_1010 = arith.constant 992 : index
          %get3A_1011 = tpu.vector_load %arg11[%get3A_1010] {strides = array<i32>} : memref<2560xf32, #tpu.memory_space<vmem>>, vector<16xf32>,
          %get3A_1012 = vector.shape_cast %get3A_1011 : vector<16xf32> to vector<16xf32>
          %mul3A_1013 = arith.mulf %get3A_46, %get3A_1012 : vector<16xf32>
          %add3A_1014 = arith.addf %mul3A_1009, %mul3A_1013 : vector<16xf32>
          %get3A_1015 = arith.constant 1504 : index
          %get3A_1016 = tpu.vector_load %arg11[%get3A_1015] {strides = array<i32>} : memref<2560xf32, #tpu.memory_space<vmem>>, vector<16xf32>,
          %get3A_1017 = vector.shape_cast %get3A_1016 : vector<16xf32> to vector<16xf32>
          %mul3A_1018 = arith.mulf %get3A_49, %get3A_1017 : vector<16xf32>
          %add3A_1019 = arith.addf %add3A_1014, %mul3A_1018 : vector<16xf32>
          %get3A_1020 = arith.constant 2016 : index
          %get3A_1021 = tpu.vector_load %arg11[%get3A_1020] {strides = array<i32>} : memref<2560xf32, #tpu.memory_space<vmem>>, vector<16xf32>,
          %get3A_1022 = vector.shape_cast %get3A_1021 : vector<16xf32> to vector<16xf32>
          %add3A_1023 = arith.addf %add3A_1019, %get3A_1022 : vector<16xf32>
          %mul3A_1024 = arith.constant 6.000000e-01 : f32
          %mul3A_1025 = vector.broadcast %mul3A_1024 : f32 to vector<16xf32>
          %mul3A_1026 = arith.mulf %mul3A_1025, %add3A_1023 : vector<16xf32>
          %abs3A_1027 = math.absf %add3A_1023 : vector<16xf32>
          %mul3A_1028 = arith.constant 4.000000e-01 : f32
          %mul3A_1029 = vector.broadcast %mul3A_1028 : f32 to vector<16xf32>
          %mul3A_1030 = arith.mulf %mul3A_1029, %abs3A_1027 : vector<16xf32>
          %add3A_1031 = arith.addf %mul3A_1026, %mul3A_1030 : vector<16xf32>
          %get3A_1032 = arith.constant 2528 : index
          %get3A_1033 = tpu.vector_load %arg11[%get3A_1032] {strides = array<i32>} : memref<2560xf32, #tpu.memory_space<vmem>>, vector<16xf32>,
          %get3A_1034 = vector.shape_cast %get3A_1033 : vector<16xf32> to vector<16xf32>
          %mul3A_1035 = arith.mulf %get3A_1034, %add3A_1031 : vector<16xf32>
          %add3A_1036 = arith.addf %add3A_1005, %mul3A_1035 : vector<16xf32>
          %get3A_1037 = arith.constant 496 : index
          %get3A_1038 = tpu.vector_load %arg11[%get3A_1037] {strides = array<i32>} : memref<2560xf32, #tpu.memory_space<vmem>>, vector<16xf32>,
          %get3A_1039 = vector.shape_cast %get3A_1038 : vector<16xf32> to vector<16xf32>
          %mul3A_1040 = arith.mulf %get3A_43, %get3A_1039 : vector<16xf32>
          %get3A_1041 = arith.constant 1008 : index
          %get3A_1042 = tpu.vector_load %arg11[%get3A_1041] {strides = array<i32>} : memref<2560xf32, #tpu.memory_space<vmem>>, vector<16xf32>,
          %get3A_1043 = vector.shape_cast %get3A_1042 : vector<16xf32> to vector<16xf32>
          %mul3A_1044 = arith.mulf %get3A_46, %get3A_1043 : vector<16xf32>
          %add3A_1045 = arith.addf %mul3A_1040, %mul3A_1044 : vector<16xf32>
          %get3A_1046 = arith.constant 1520 : index
          %get3A_1047 = tpu.vector_load %arg11[%get3A_1046] {strides = array<i32>} : memref<2560xf32, #tpu.memory_space<vmem>>, vector<16xf32>,
          %get3A_1048 = vector.shape_cast %get3A_1047 : vector<16xf32> to vector<16xf32>
          %mul3A_1049 = arith.mulf %get3A_49, %get3A_1048 : vector<16xf32>
          %add3A_1050 = arith.addf %add3A_1045, %mul3A_1049 : vector<16xf32>
          %get3A_1051 = arith.constant 2032 : index
          %get3A_1052 = tpu.vector_load %arg11[%get3A_1051] {strides = array<i32>} : memref<2560xf32, #tpu.memory_space<vmem>>, vector<16xf32>,
          %get3A_1053 = vector.shape_cast %get3A_1052 : vector<16xf32> to vector<16xf32>
          %add3A_1054 = arith.addf %add3A_1050, %get3A_1053 : vector<16xf32>
          %mul3A_1055 = arith.constant 6.000000e-01 : f32
          %mul3A_1056 = vector.broadcast %mul3A_1055 : f32 to vector<16xf32>
          %mul3A_1057 = arith.mulf %mul3A_1056, %add3A_1054 : vector<16xf32>
          %abs3A_1058 = math.absf %add3A_1054 : vector<16xf32>
          %mul3A_1059 = arith.constant 4.000000e-01 : f32
          %mul3A_1060 = vector.broadcast %mul3A_1059 : f32 to vector<16xf32>
          %mul3A_1061 = arith.mulf %mul3A_1060, %abs3A_1058 : vector<16xf32>
          %add3A_1062 = arith.addf %mul3A_1057, %mul3A_1061 : vector<16xf32>
          %get3A_1063 = arith.constant 2544 : index
          %get3A_1064 = tpu.vector_load %arg11[%get3A_1063] {strides = array<i32>} : memref<2560xf32, #tpu.memory_space<vmem>>, vector<16xf32>,
          %get3A_1065 = vector.shape_cast %get3A_1064 : vector<16xf32> to vector<16xf32>
          %mul3A_1066 = arith.mulf %get3A_1065, %add3A_1062 : vector<16xf32>
          %add3A_1067 = arith.addf %add3A_1036, %mul3A_1066 : vector<16xf32>
          %exp3A_1068 = math.exp %add3A_1067 : vector<16xf32>
          %mul3A_1069 = arith.mulf %exp3A, %get3A_43 : vector<16xf32>
          %mul3A_1070 = arith.mulf %exp3A_306, %get3A_43 : vector<16xf32>
          %mul3A_1071 = arith.mulf %exp3A_433, %get3A_43 : vector<16xf32>
          %mul3A_1072 = arith.mulf %exp3A_560, %get3A_43 : vector<16xf32>
          %mul3A_1073 = arith.mulf %exp3A_687, %get3A_43 : vector<16xf32>
          %mul3A_1074 = arith.mulf %exp3A_814, %get3A_43 : vector<16xf32>
          %mul3A_1075 = arith.mulf %exp3A_941, %get3A_43 : vector<16xf32>
          %mul3A_1076 = arith.mulf %exp3A_1068, %get3A_43 : vector<16xf32>
          %mul3A_1077 = arith.constant 16 : i32
          %mul3A_1078 = arith.muli %scan3A_39, %mul3A_1077 : i32
          %add3A_1079 = arith.constant 0 : i32
          %add3A_1080 = arith.addi %add3A_1079, %mul3A_1078 : i32
          %swap3A = arith.index_cast %add3A_1080 : i32 to index
          %swap3A_1081 = tpu.vector_load %arg17[%swap3A] {strides = array<i32>} : memref<18000xf32, #tpu.memory_space<vmem>>, vector<16xf32>,
          %swap3A_1082 = vector.shape_cast %swap3A_1081 : vector<16xf32> to vector<16xf32>
          %swap3A_1083 = vector.shape_cast %exp3A_1068 : vector<16xf32> to vector<16xf32>
          tpu.vector_store %arg17[%swap3A], %swap3A_1083 {strides = array<i32>} : memref<18000xf32, #tpu.memory_space<vmem>>, vector<16xf32>,
          %add3A_1084 = arith.constant 0 : i32
          %add3A_1085 = vector.broadcast %add3A_1084 : i32 to vector<16xi32>
          %add3A_1086 = arith.addi %mul3A_55, %add3A_1085 : vector<16xi32>
          %mul3A_1087 = arith.constant 16 : i32
          %mul3A_1088 = arith.muli %scan3A_39, %mul3A_1087 : i32
          %add3A_1089 = arith.constant 0 : i32
          %add3A_1090 = arith.addi %add3A_1089, %mul3A_1088 : i32
          %swap3A_1091 = arith.index_cast %add3A_1090 : i32 to index
          %swap3A_1092 = tpu.vector_load %arg18[%swap3A_1091] {strides = array<i32>} : memref<18000xi32, #tpu.memory_space<vmem>>, vector<16xi32>,
          %swap3A_1093 = vector.shape_cast %swap3A_1092 : vector<16xi32> to vector<16xi32>
          %swap3A_1094 = vector.shape_cast %add3A_1086 : vector<16xi32> to vector<16xi32>
          tpu.vector_store %arg18[%swap3A_1091], %swap3A_1094 {strides = array<i32>} : memref<18000xi32, #tpu.memory_space<vmem>>, vector<16xi32>,
          %mul3A_1095 = arith.constant 16 : i32
          %mul3A_1096 = arith.muli %scan3A_39, %mul3A_1095 : i32
          %add3A_1097 = arith.constant 2000 : i32
          %add3A_1098 = arith.addi %add3A_1097, %mul3A_1096 : i32
          %swap3A_1099 = arith.index_cast %add3A_1098 : i32 to index
          %swap3A_1100 = tpu.vector_load %arg17[%swap3A_1099] {strides = array<i32>} : memref<18000xf32, #tpu.memory_space<vmem>>, vector<16xf32>,
          %swap3A_1101 = vector.shape_cast %swap3A_1100 : vector<16xf32> to vector<16xf32>
          %swap3A_1102 = vector.shape_cast %mul3A_1069 : vector<16xf32> to vector<16xf32>
          tpu.vector_store %arg17[%swap3A_1099], %swap3A_1102 {strides = array<i32>} : memref<18000xf32, #tpu.memory_space<vmem>>, vector<16xf32>,
          %add3A_1103 = arith.constant 1 : i32
          %add3A_1104 = vector.broadcast %add3A_1103 : i32 to vector<16xi32>
          %add3A_1105 = arith.addi %mul3A_55, %add3A_1104 : vector<16xi32>
          %mul3A_1106 = arith.constant 16 : i32
          %mul3A_1107 = arith.muli %scan3A_39, %mul3A_1106 : i32
          %add3A_1108 = arith.constant 2000 : i32
          %add3A_1109 = arith.addi %add3A_1108, %mul3A_1107 : i32
          %swap3A_1110 = arith.index_cast %add3A_1109 : i32 to index
          %swap3A_1111 = tpu.vector_load %arg18[%swap3A_1110] {strides = array<i32>} : memref<18000xi32, #tpu.memory_space<vmem>>, vector<16xi32>,
          %swap3A_1112 = vector.shape_cast %swap3A_1111 : vector<16xi32> to vector<16xi32>
          %swap3A_1113 = vector.shape_cast %add3A_1105 : vector<16xi32> to vector<16xi32>
          tpu.vector_store %arg18[%swap3A_1110], %swap3A_1113 {strides = array<i32>} : memref<18000xi32, #tpu.memory_space<vmem>>, vector<16xi32>,
          %mul3A_1114 = arith.constant 16 : i32
          %mul3A_1115 = arith.muli %scan3A_39, %mul3A_1114 : i32
          %add3A_1116 = arith.constant 4000 : i32
          %add3A_1117 = arith.addi %add3A_1116, %mul3A_1115 : i32
          %swap3A_1118 = arith.index_cast %add3A_1117 : i32 to index
          %swap3A_1119 = tpu.vector_load %arg17[%swap3A_1118] {strides = array<i32>} : memref<18000xf32, #tpu.memory_space<vmem>>, vector<16xf32>,
          %swap3A_1120 = vector.shape_cast %swap3A_1119 : vector<16xf32> to vector<16xf32>
          %swap3A_1121 = vector.shape_cast %mul3A_1070 : vector<16xf32> to vector<16xf32>
          tpu.vector_store %arg17[%swap3A_1118], %swap3A_1121 {strides = array<i32>} : memref<18000xf32, #tpu.memory_space<vmem>>, vector<16xf32>,
          %add3A_1122 = arith.constant 2 : i32
          %add3A_1123 = vector.broadcast %add3A_1122 : i32 to vector<16xi32>
          %add3A_1124 = arith.addi %mul3A_55, %add3A_1123 : vector<16xi32>
          %mul3A_1125 = arith.constant 16 : i32
          %mul3A_1126 = arith.muli %scan3A_39, %mul3A_1125 : i32
          %add3A_1127 = arith.constant 4000 : i32
          %add3A_1128 = arith.addi %add3A_1127, %mul3A_1126 : i32
          %swap3A_1129 = arith.index_cast %add3A_1128 : i32 to index
          %swap3A_1130 = tpu.vector_load %arg18[%swap3A_1129] {strides = array<i32>} : memref<18000xi32, #tpu.memory_space<vmem>>, vector<16xi32>,
          %swap3A_1131 = vector.shape_cast %swap3A_1130 : vector<16xi32> to vector<16xi32>
          %swap3A_1132 = vector.shape_cast %add3A_1124 : vector<16xi32> to vector<16xi32>
          tpu.vector_store %arg18[%swap3A_1129], %swap3A_1132 {strides = array<i32>} : memref<18000xi32, #tpu.memory_space<vmem>>, vector<16xi32>,
          %mul3A_1133 = arith.constant 16 : i32
          %mul3A_1134 = arith.muli %scan3A_39, %mul3A_1133 : i32
          %add3A_1135 = arith.constant 6000 : i32
          %add3A_1136 = arith.addi %add3A_1135, %mul3A_1134 : i32
          %swap3A_1137 = arith.index_cast %add3A_1136 : i32 to index
          %swap3A_1138 = tpu.vector_load %arg17[%swap3A_1137] {strides = array<i32>} : memref<18000xf32, #tpu.memory_space<vmem>>, vector<16xf32>,
          %swap3A_1139 = vector.shape_cast %swap3A_1138 : vector<16xf32> to vector<16xf32>
          %swap3A_1140 = vector.shape_cast %mul3A_1071 : vector<16xf32> to vector<16xf32>
          tpu.vector_store %arg17[%swap3A_1137], %swap3A_1140 {strides = array<i32>} : memref<18000xf32, #tpu.memory_space<vmem>>, vector<16xf32>,
          %add3A_1141 = arith.constant 3 : i32
          %add3A_1142 = vector.broadcast %add3A_1141 : i32 to vector<16xi32>
          %add3A_1143 = arith.addi %mul3A_55, %add3A_1142 : vector<16xi32>
          %mul3A_1144 = arith.constant 16 : i32
          %mul3A_1145 = arith.muli %scan3A_39, %mul3A_1144 : i32
          %add3A_1146 = arith.constant 6000 : i32
          %add3A_1147 = arith.addi %add3A_1146, %mul3A_1145 : i32
          %swap3A_1148 = arith.index_cast %add3A_1147 : i32 to index
          %swap3A_1149 = tpu.vector_load %arg18[%swap3A_1148] {strides = array<i32>} : memref<18000xi32, #tpu.memory_space<vmem>>, vector<16xi32>,
          %swap3A_1150 = vector.shape_cast %swap3A_1149 : vector<16xi32> to vector<16xi32>
          %swap3A_1151 = vector.shape_cast %add3A_1143 : vector<16xi32> to vector<16xi32>
          tpu.vector_store %arg18[%swap3A_1148], %swap3A_1151 {strides = array<i32>} : memref<18000xi32, #tpu.memory_space<vmem>>, vector<16xi32>,
          %mul3A_1152 = arith.constant 16 : i32
          %mul3A_1153 = arith.muli %scan3A_39, %mul3A_1152 : i32
          %add3A_1154 = arith.constant 8000 : i32
          %add3A_1155 = arith.addi %add3A_1154, %mul3A_1153 : i32
          %swap3A_1156 = arith.index_cast %add3A_1155 : i32 to index
          %swap3A_1157 = tpu.vector_load %arg17[%swap3A_1156] {strides = array<i32>} : memref<18000xf32, #tpu.memory_space<vmem>>, vector<16xf32>,
          %swap3A_1158 = vector.shape_cast %swap3A_1157 : vector<16xf32> to vector<16xf32>
          %swap3A_1159 = vector.shape_cast %mul3A_1072 : vector<16xf32> to vector<16xf32>
          tpu.vector_store %arg17[%swap3A_1156], %swap3A_1159 {strides = array<i32>} : memref<18000xf32, #tpu.memory_space<vmem>>, vector<16xf32>,
          %add3A_1160 = arith.constant 4 : i32
          %add3A_1161 = vector.broadcast %add3A_1160 : i32 to vector<16xi32>
          %add3A_1162 = arith.addi %mul3A_55, %add3A_1161 : vector<16xi32>
          %mul3A_1163 = arith.constant 16 : i32
          %mul3A_1164 = arith.muli %scan3A_39, %mul3A_1163 : i32
          %add3A_1165 = arith.constant 8000 : i32
          %add3A_1166 = arith.addi %add3A_1165, %mul3A_1164 : i32
          %swap3A_1167 = arith.index_cast %add3A_1166 : i32 to index
          %swap3A_1168 = tpu.vector_load %arg18[%swap3A_1167] {strides = array<i32>} : memref<18000xi32, #tpu.memory_space<vmem>>, vector<16xi32>,
          %swap3A_1169 = vector.shape_cast %swap3A_1168 : vector<16xi32> to vector<16xi32>
          %swap3A_1170 = vector.shape_cast %add3A_1162 : vector<16xi32> to vector<16xi32>
          tpu.vector_store %arg18[%swap3A_1167], %swap3A_1170 {strides = array<i32>} : memref<18000xi32, #tpu.memory_space<vmem>>, vector<16xi32>,
          %mul3A_1171 = arith.constant 16 : i32
          %mul3A_1172 = arith.muli %scan3A_39, %mul3A_1171 : i32
          %add3A_1173 = arith.constant 10000 : i32
          %add3A_1174 = arith.addi %add3A_1173, %mul3A_1172 : i32
          %swap3A_1175 = arith.index_cast %add3A_1174 : i32 to index
          %swap3A_1176 = tpu.vector_load %arg17[%swap3A_1175] {strides = array<i32>} : memref<18000xf32, #tpu.memory_space<vmem>>, vector<16xf32>,
          %swap3A_1177 = vector.shape_cast %swap3A_1176 : vector<16xf32> to vector<16xf32>
          %swap3A_1178 = vector.shape_cast %mul3A_1073 : vector<16xf32> to vector<16xf32>
          tpu.vector_store %arg17[%swap3A_1175], %swap3A_1178 {strides = array<i32>} : memref<18000xf32, #tpu.memory_space<vmem>>, vector<16xf32>,
          %add3A_1179 = arith.constant 5 : i32
          %add3A_1180 = vector.broadcast %add3A_1179 : i32 to vector<16xi32>
          %add3A_1181 = arith.addi %mul3A_55, %add3A_1180 : vector<16xi32>
          %mul3A_1182 = arith.constant 16 : i32
          %mul3A_1183 = arith.muli %scan3A_39, %mul3A_1182 : i32
          %add3A_1184 = arith.constant 10000 : i32
          %add3A_1185 = arith.addi %add3A_1184, %mul3A_1183 : i32
          %swap3A_1186 = arith.index_cast %add3A_1185 : i32 to index
          %swap3A_1187 = tpu.vector_load %arg18[%swap3A_1186] {strides = array<i32>} : memref<18000xi32, #tpu.memory_space<vmem>>, vector<16xi32>,
          %swap3A_1188 = vector.shape_cast %swap3A_1187 : vector<16xi32> to vector<16xi32>
          %swap3A_1189 = vector.shape_cast %add3A_1181 : vector<16xi32> to vector<16xi32>
          tpu.vector_store %arg18[%swap3A_1186], %swap3A_1189 {strides = array<i32>} : memref<18000xi32, #tpu.memory_space<vmem>>, vector<16xi32>,
          %mul3A_1190 = arith.constant 16 : i32
          %mul3A_1191 = arith.muli %scan3A_39, %mul3A_1190 : i32
          %add3A_1192 = arith.constant 12000 : i32
          %add3A_1193 = arith.addi %add3A_1192, %mul3A_1191 : i32
          %swap3A_1194 = arith.index_cast %add3A_1193 : i32 to index
          %swap3A_1195 = tpu.vector_load %arg17[%swap3A_1194] {strides = array<i32>} : memref<18000xf32, #tpu.memory_space<vmem>>, vector<16xf32>,
          %swap3A_1196 = vector.shape_cast %swap3A_1195 : vector<16xf32> to vector<16xf32>
          %swap3A_1197 = vector.shape_cast %mul3A_1074 : vector<16xf32> to vector<16xf32>
          tpu.vector_store %arg17[%swap3A_1194], %swap3A_1197 {strides = array<i32>} : memref<18000xf32, #tpu.memory_space<vmem>>, vector<16xf32>,
          %add3A_1198 = arith.constant 6 : i32
          %add3A_1199 = vector.broadcast %add3A_1198 : i32 to vector<16xi32>
          %add3A_1200 = arith.addi %mul3A_55, %add3A_1199 : vector<16xi32>
          %mul3A_1201 = arith.constant 16 : i32
          %mul3A_1202 = arith.muli %scan3A_39, %mul3A_1201 : i32
          %add3A_1203 = arith.constant 12000 : i32
          %add3A_1204 = arith.addi %add3A_1203, %mul3A_1202 : i32
          %swap3A_1205 = arith.index_cast %add3A_1204 : i32 to index
          %swap3A_1206 = tpu.vector_load %arg18[%swap3A_1205] {strides = array<i32>} : memref<18000xi32, #tpu.memory_space<vmem>>, vector<16xi32>,
          %swap3A_1207 = vector.shape_cast %swap3A_1206 : vector<16xi32> to vector<16xi32>
          %swap3A_1208 = vector.shape_cast %add3A_1200 : vector<16xi32> to vector<16xi32>
          tpu.vector_store %arg18[%swap3A_1205], %swap3A_1208 {strides = array<i32>} : memref<18000xi32, #tpu.memory_space<vmem>>, vector<16xi32>,
          %mul3A_1209 = arith.constant 16 : i32
          %mul3A_1210 = arith.muli %scan3A_39, %mul3A_1209 : i32
          %add3A_1211 = arith.constant 14000 : i32
          %add3A_1212 = arith.addi %add3A_1211, %mul3A_1210 : i32
          %swap3A_1213 = arith.index_cast %add3A_1212 : i32 to index
          %swap3A_1214 = tpu.vector_load %arg17[%swap3A_1213] {strides = array<i32>} : memref<18000xf32, #tpu.memory_space<vmem>>, vector<16xf32>,
          %swap3A_1215 = vector.shape_cast %swap3A_1214 : vector<16xf32> to vector<16xf32>
          %swap3A_1216 = vector.shape_cast %mul3A_1075 : vector<16xf32> to vector<16xf32>
          tpu.vector_store %arg17[%swap3A_1213], %swap3A_1216 {strides = array<i32>} : memref<18000xf32, #tpu.memory_space<vmem>>, vector<16xf32>,
          %add3A_1217 = arith.constant 7 : i32
          %add3A_1218 = vector.broadcast %add3A_1217 : i32 to vector<16xi32>
          %add3A_1219 = arith.addi %mul3A_55, %add3A_1218 : vector<16xi32>
          %mul3A_1220 = arith.constant 16 : i32
          %mul3A_1221 = arith.muli %scan3A_39, %mul3A_1220 : i32
          %add3A_1222 = arith.constant 14000 : i32
          %add3A_1223 = arith.addi %add3A_1222, %mul3A_1221 : i32
          %swap3A_1224 = arith.index_cast %add3A_1223 : i32 to index
          %swap3A_1225 = tpu.vector_load %arg18[%swap3A_1224] {strides = array<i32>} : memref<18000xi32, #tpu.memory_space<vmem>>, vector<16xi32>,
          %swap3A_1226 = vector.shape_cast %swap3A_1225 : vector<16xi32> to vector<16xi32>
          %swap3A_1227 = vector.shape_cast %add3A_1219 : vector<16xi32> to vector<16xi32>
          tpu.vector_store %arg18[%swap3A_1224], %swap3A_1227 {strides = array<i32>} : memref<18000xi32, #tpu.memory_space<vmem>>, vector<16xi32>,
          %mul3A_1228 = arith.constant 16 : i32
          %mul3A_1229 = arith.muli %scan3A_39, %mul3A_1228 : i32
          %add3A_1230 = arith.constant 16000 : i32
          %add3A_1231 = arith.addi %add3A_1230, %mul3A_1229 : i32
          %swap3A_1232 = arith.index_cast %add3A_1231 : i32 to index
          %swap3A_1233 = tpu.vector_load %arg17[%swap3A_1232] {strides = array<i32>} : memref<18000xf32, #tpu.memory_space<vmem>>, vector<16xf32>,
          %swap3A_1234 = vector.shape_cast %swap3A_1233 : vector<16xf32> to vector<16xf32>
          %swap3A_1235 = vector.shape_cast %mul3A_1076 : vector<16xf32> to vector<16xf32>
          tpu.vector_store %arg17[%swap3A_1232], %swap3A_1235 {strides = array<i32>} : memref<18000xf32, #tpu.memory_space<vmem>>, vector<16xf32>,
          %add3A_1236 = arith.constant 8 : i32
          %add3A_1237 = vector.broadcast %add3A_1236 : i32 to vector<16xi32>
          %add3A_1238 = arith.addi %mul3A_55, %add3A_1237 : vector<16xi32>
          %mul3A_1239 = arith.constant 16 : i32
          %mul3A_1240 = arith.muli %scan3A_39, %mul3A_1239 : i32
          %add3A_1241 = arith.constant 16000 : i32
          %add3A_1242 = arith.addi %add3A_1241, %mul3A_1240 : i32
          %swap3A_1243 = arith.index_cast %add3A_1242 : i32 to index
          %swap3A_1244 = tpu.vector_load %arg18[%swap3A_1243] {strides = array<i32>} : memref<18000xi32, #tpu.memory_space<vmem>>, vector<16xi32>,
          %swap3A_1245 = vector.shape_cast %swap3A_1244 : vector<16xi32> to vector<16xi32>
          %swap3A_1246 = vector.shape_cast %add3A_1238 : vector<16xi32> to vector<16xi32>
          tpu.vector_store %arg18[%swap3A_1243], %swap3A_1246 {strides = array<i32>} : memref<18000xi32, #tpu.memory_space<vmem>>, vector<16xi32>,
        }
        %scan3A_38 = arith.constant 125 : i32
        "tpu.region"() ({
          %run_scoped3A = tpu.sem_alloc : memref<!tpu.dma_semaphore, #tpu.memory_space<semaphore_mem>>
          %dma_start3A_39 = arith.constant 0 : i32
          %dma_start3A_40 = tpu.memref_slice %arg9[%dma_start3A_39] : memref<900000xf32, #tpu.memory_space<vmem_shared>> -> memref<900000xf32, #tpu.memory_space<vmem_shared>>
          tpu.enqueue_indirect_dma source(%arg17 : memref<18000xf32, #tpu.memory_space<vmem>>) target(%dma_start3A_40 : memref<900000xf32, #tpu.memory_space<vmem_shared>>) offsets(%arg18 : memref<18000xi32, #tpu.memory_space<vmem>>) semaphore(%run_scoped3A : memref<!tpu.dma_semaphore, #tpu.memory_space<semaphore_mem>>) {add = true}
          %dma_wait3A_41 = arith.constant 0 : i32
          %dma_wait3A_42 = tpu.memref_slice %arg9[%dma_wait3A_41] : memref<900000xf32, #tpu.memory_space<vmem_shared>> -> memref<900000xf32, #tpu.memory_space<vmem_shared>>
          tpu.wait_indirect_dma semaphore(%run_scoped3A : memref<!tpu.dma_semaphore, #tpu.memory_space<semaphore_mem>>) src(%arg17 : memref<18000xf32, #tpu.memory_space<vmem>>) dst(%dma_wait3A_42 : memref<900000xf32, #tpu.memory_space<vmem_shared>>)
          tpu.yield
        }) : () -> ()
      }
      %scan3A_22 = arith.constant 50 : i32
    } else {
    }
    %barrier3A_12 = arith.constant 0 : index
    tpu.barrier barrier_id(%barrier3A_12)
    %eq3A_13 = arith.constant 0 : i32
    %eq3A_14 = arith.cmpi eq, %arg1, %eq3A_13 : i32
    %convert_element_type3A_15 = arith.extui %eq3A_14 : i1 to i32
    %cond3A_16 = arith.constant 0 : i32
    %cond3A_17 = arith.cmpi ne, %convert_element_type3A_15, %cond3A_16 : i32
    scf.if %cond3A_17 {
      "tpu.region"() ({
        %run_scoped3A = tpu.sem_alloc : memref<!tpu.dma_semaphore, #tpu.memory_space<semaphore_mem>>
        %dma_start3A = arith.constant 0 : i32
        %dma_start3A_18 = tpu.memref_slice %arg8[%arg0, %dma_start3A] : memref<2x900000xf32, #tpu.memory_space<hbm>> -> memref<1x900000xf32, #tpu.memory_space<hbm>>
        %dma_start3A_19 = tpu.memref_squeeze %dma_start3A_18 : memref<1x900000xf32, #tpu.memory_space<hbm>> -> memref<900000xf32, #tpu.memory_space<hbm>>
        tpu.enqueue_dma source(%arg9 : memref<900000xf32, #tpu.memory_space<vmem_shared>>) target(%dma_start3A_19 : memref<900000xf32, #tpu.memory_space<hbm>>) target_semaphore(%run_scoped3A : memref<!tpu.dma_semaphore, #tpu.memory_space<semaphore_mem>>)
        %dma_wait3A = arith.constant 0 : i32
        %dma_wait3A_20 = tpu.memref_slice %arg8[%arg0, %dma_wait3A] : memref<2x900000xf32, #tpu.memory_space<hbm>> -> memref<1x900000xf32, #tpu.memory_space<hbm>>
        %dma_wait3A_21 = tpu.memref_squeeze %dma_wait3A_20 : memref<1x900000xf32, #tpu.memory_space<hbm>> -> memref<900000xf32, #tpu.memory_space<hbm>>
        tpu.wait_dma2 semaphore(%run_scoped3A : memref<!tpu.dma_semaphore, #tpu.memory_space<semaphore_mem>>) src(%arg9 : memref<900000xf32, #tpu.memory_space<vmem_shared>>) dst(%dma_wait3A_21 : memref<900000xf32, #tpu.memory_space<hbm>>)
        tpu.yield
      }) : () -> ()
    } else {
    }
    return
  }
}

#map = affine_map<(d0, d1) -> (0)>
#map1 = affine_map<(d0, d1) -> (0, 0)>
#map2 = affine_map<(d0, d1) -> (0, 0, 0)>
module attributes {stable_mosaic.version = 14 : i64} {
  func.func @_sc_sage_edges_body(%arg0: i32, %arg1: i32, %arg2: memref<1600000xi32, #tpu.memory_space<hbm>>, %arg3: memref<1600000xi32, #tpu.memory_space<hbm>>, %arg4: memref<100000x16xf32, #tpu.memory_space<hbm>>, %arg5: memref<100000x16xf32, #tpu.memory_space<hbm>>, %arg6: memref<100000x16xf32, #tpu.memory_space<hbm>>, %arg7: memref<2x100000x16xf32, #tpu.memory_space<hbm>>, %arg8: memref<100000x16xf32, #tpu.memory_space<vmem_shared>>, %arg9: memref<200xi32, #tpu.memory_space<vmem>>, %arg10: memref<200xi32, #tpu.memory_space<vmem>>, %arg11: memref<200x16xf32, #tpu.memory_space<vmem>>, %arg12: memref<!tpu.dma_semaphore, #tpu.memory_space<semaphore_mem>>) attributes {dimension_semantics = [#tpu.dimension_semantics<core_parallel>, #tpu.dimension_semantics<subcore_parallel>], iteration_bounds = array<i64: 2, 16>, scalar_prefetch = 0 : i64, scratch_operands = 5 : i64, tpu.core_type = #tpu.core_type<sc_vector_subcore>, window_params = [{transform_indices = #map}, {transform_indices = #map}, {transform_indices = #map1}, {transform_indices = #map1}, {transform_indices = #map1}, {transform_indices = #map2}]} {
    %eq3A = arith.constant 0 : i32
    %eq3A_0 = arith.cmpi eq, %arg1, %eq3A : i32
    %convert_element_type3A = arith.extui %eq3A_0 : i1 to i32
    %cond3A = arith.constant 0 : i32
    %cond3A_1 = arith.cmpi ne, %convert_element_type3A, %cond3A : i32
    scf.if %cond3A_1 {
      "tpu.region"() ({
        %run_scoped3A = tpu.sem_alloc : memref<!tpu.dma_semaphore, #tpu.memory_space<semaphore_mem>>
        tpu.enqueue_dma source(%arg6 : memref<100000x16xf32, #tpu.memory_space<hbm>>) target(%arg8 : memref<100000x16xf32, #tpu.memory_space<vmem_shared>>) target_semaphore(%run_scoped3A : memref<!tpu.dma_semaphore, #tpu.memory_space<semaphore_mem>>)
        tpu.wait_dma2 semaphore(%run_scoped3A : memref<!tpu.dma_semaphore, #tpu.memory_space<semaphore_mem>>) src(%arg6 : memref<100000x16xf32, #tpu.memory_space<hbm>>) dst(%arg8 : memref<100000x16xf32, #tpu.memory_space<vmem_shared>>)
        tpu.yield
      }) : () -> ()
    } else {
    }
    %barrier3A = arith.constant 0 : index
    tpu.barrier barrier_id(%barrier3A)
    %eq3A_2 = arith.constant 0 : i32
    %eq3A_3 = arith.cmpi eq, %arg0, %eq3A_2 : i32
    %convert_element_type3A_4 = arith.extui %eq3A_3 : i1 to i32
    %cond3A_5 = arith.constant 0 : i32
    %cond3A_6 = arith.cmpi ne, %convert_element_type3A_4, %cond3A_5 : i32
    scf.if %cond3A_6 {
      %scan3A = arith.constant 0 : i32
      %scan3A_18 = arith.constant 0 : i32
      %scan3A_19 = arith.constant 500 : i32
      %scan3A_20 = arith.addi %scan3A_18, %scan3A_19 : i32
      %scan3A_21 = arith.constant 1 : i32
      scf.for %scan3A_23 = %scan3A_18 to %scan3A_20 step %scan3A_21  : i32 {
        %mul3A = arith.constant 100000 : i32
        %mul3A_24 = arith.muli %arg1, %mul3A : i32
        %mul3A_25 = arith.constant 200 : i32
        %mul3A_26 = arith.muli %scan3A_23, %mul3A_25 : i32
        %add3A = arith.addi %mul3A_24, %mul3A_26 : i32
        "tpu.region"() ({
          %run_scoped3A = tpu.sem_alloc : memref<!tpu.dma_semaphore, #tpu.memory_space<semaphore_mem>>
          %dma_start3A_31 = tpu.memref_slice %arg2[%add3A] : memref<1600000xi32, #tpu.memory_space<hbm>> -> memref<200xi32, #tpu.memory_space<hbm>>
          %dma_start3A_32 = tpu.memref_slice %arg2[%add3A] : memref<1600000xi32, #tpu.memory_space<hbm>> -> memref<200xi32, #tpu.memory_space<hbm>>
          tpu.enqueue_dma source(%dma_start3A_32 : memref<200xi32, #tpu.memory_space<hbm>>) target(%arg9 : memref<200xi32, #tpu.memory_space<vmem>>) target_semaphore(%run_scoped3A : memref<!tpu.dma_semaphore, #tpu.memory_space<semaphore_mem>>)
          %dma_wait3A_33 = tpu.memref_slice %arg2[%add3A] : memref<1600000xi32, #tpu.memory_space<hbm>> -> memref<200xi32, #tpu.memory_space<hbm>>
          %dma_wait3A_34 = tpu.memref_slice %arg2[%add3A] : memref<1600000xi32, #tpu.memory_space<hbm>> -> memref<200xi32, #tpu.memory_space<hbm>>
          tpu.wait_dma2 semaphore(%run_scoped3A : memref<!tpu.dma_semaphore, #tpu.memory_space<semaphore_mem>>) src(%dma_wait3A_34 : memref<200xi32, #tpu.memory_space<hbm>>) dst(%arg9 : memref<200xi32, #tpu.memory_space<vmem>>)
          tpu.yield
        }) : () -> ()
        "tpu.region"() ({
          %run_scoped3A = tpu.sem_alloc : memref<!tpu.dma_semaphore, #tpu.memory_space<semaphore_mem>>
          %dma_start3A_31 = tpu.memref_slice %arg3[%add3A] : memref<1600000xi32, #tpu.memory_space<hbm>> -> memref<200xi32, #tpu.memory_space<hbm>>
          %dma_start3A_32 = tpu.memref_slice %arg3[%add3A] : memref<1600000xi32, #tpu.memory_space<hbm>> -> memref<200xi32, #tpu.memory_space<hbm>>
          tpu.enqueue_dma source(%dma_start3A_32 : memref<200xi32, #tpu.memory_space<hbm>>) target(%arg10 : memref<200xi32, #tpu.memory_space<vmem>>) target_semaphore(%run_scoped3A : memref<!tpu.dma_semaphore, #tpu.memory_space<semaphore_mem>>)
          %dma_wait3A_33 = tpu.memref_slice %arg3[%add3A] : memref<1600000xi32, #tpu.memory_space<hbm>> -> memref<200xi32, #tpu.memory_space<hbm>>
          %dma_wait3A_34 = tpu.memref_slice %arg3[%add3A] : memref<1600000xi32, #tpu.memory_space<hbm>> -> memref<200xi32, #tpu.memory_space<hbm>>
          tpu.wait_dma2 semaphore(%run_scoped3A : memref<!tpu.dma_semaphore, #tpu.memory_space<semaphore_mem>>) src(%dma_wait3A_34 : memref<200xi32, #tpu.memory_space<hbm>>) dst(%arg10 : memref<200xi32, #tpu.memory_space<vmem>>)
          tpu.yield
        }) : () -> ()
        %dma_start3A = arith.constant 0 : i32
        %dma_start3A_27 = arith.constant 0 : i32
        %dma_start3A_28 = tpu.memref_slice %arg4[%dma_start3A, %dma_start3A_27] : memref<100000x16xf32, #tpu.memory_space<hbm>> -> memref<100000x16xf32, #tpu.memory_space<hbm>>
        tpu.enqueue_indirect_dma source(%dma_start3A_28 : memref<100000x16xf32, #tpu.memory_space<hbm>>) target(%arg11 : memref<200x16xf32, #tpu.memory_space<vmem>>) offsets(%arg9 : memref<200xi32, #tpu.memory_space<vmem>>) semaphore(%arg12 : memref<!tpu.dma_semaphore, #tpu.memory_space<semaphore_mem>>)
        %dma_wait3A = arith.constant 0 : i32
        %dma_wait3A_29 = arith.constant 0 : i32
        %dma_wait3A_30 = tpu.memref_slice %arg4[%dma_wait3A, %dma_wait3A_29] : memref<100000x16xf32, #tpu.memory_space<hbm>> -> memref<100000x16xf32, #tpu.memory_space<hbm>>
        tpu.wait_indirect_dma semaphore(%arg12 : memref<!tpu.dma_semaphore, #tpu.memory_space<semaphore_mem>>) src(%dma_wait3A_30 : memref<100000x16xf32, #tpu.memory_space<hbm>>) dst(%arg11 : memref<200x16xf32, #tpu.memory_space<vmem>>)
        "tpu.region"() ({
          %run_scoped3A = tpu.sem_alloc : memref<!tpu.dma_semaphore, #tpu.memory_space<semaphore_mem>>
          %dma_start3A_31 = arith.constant 0 : i32
          %dma_start3A_32 = arith.constant 0 : i32
          %dma_start3A_33 = tpu.memref_slice %arg8[%dma_start3A_31, %dma_start3A_32] : memref<100000x16xf32, #tpu.memory_space<vmem_shared>> -> memref<100000x16xf32, #tpu.memory_space<vmem_shared>>
          tpu.enqueue_indirect_dma source(%arg11 : memref<200x16xf32, #tpu.memory_space<vmem>>) target(%dma_start3A_33 : memref<100000x16xf32, #tpu.memory_space<vmem_shared>>) offsets(%arg10 : memref<200xi32, #tpu.memory_space<vmem>>) semaphore(%run_scoped3A : memref<!tpu.dma_semaphore, #tpu.memory_space<semaphore_mem>>) {add = true}
          %dma_wait3A_34 = arith.constant 0 : i32
          %dma_wait3A_35 = arith.constant 0 : i32
          %dma_wait3A_36 = tpu.memref_slice %arg8[%dma_wait3A_34, %dma_wait3A_35] : memref<100000x16xf32, #tpu.memory_space<vmem_shared>> -> memref<100000x16xf32, #tpu.memory_space<vmem_shared>>
          tpu.wait_indirect_dma semaphore(%run_scoped3A : memref<!tpu.dma_semaphore, #tpu.memory_space<semaphore_mem>>) src(%arg11 : memref<200x16xf32, #tpu.memory_space<vmem>>) dst(%dma_wait3A_36 : memref<100000x16xf32, #tpu.memory_space<vmem_shared>>)
          tpu.yield
        }) : () -> ()
      }
      %scan3A_22 = arith.constant 500 : i32
    } else {
    }
    %eq3A_7 = arith.constant 1 : i32
    %eq3A_8 = arith.cmpi eq, %arg0, %eq3A_7 : i32
    %convert_element_type3A_9 = arith.extui %eq3A_8 : i1 to i32
    %cond3A_10 = arith.constant 0 : i32
    %cond3A_11 = arith.cmpi ne, %convert_element_type3A_9, %cond3A_10 : i32
    scf.if %cond3A_11 {
      %scan3A = arith.constant 0 : i32
      %scan3A_18 = arith.constant 0 : i32
      %scan3A_19 = arith.constant 500 : i32
      %scan3A_20 = arith.addi %scan3A_18, %scan3A_19 : i32
      %scan3A_21 = arith.constant 1 : i32
      scf.for %scan3A_23 = %scan3A_18 to %scan3A_20 step %scan3A_21  : i32 {
        %mul3A = arith.constant 100000 : i32
        %mul3A_24 = arith.muli %arg1, %mul3A : i32
        %mul3A_25 = arith.constant 200 : i32
        %mul3A_26 = arith.muli %scan3A_23, %mul3A_25 : i32
        %add3A = arith.addi %mul3A_24, %mul3A_26 : i32
        "tpu.region"() ({
          %run_scoped3A = tpu.sem_alloc : memref<!tpu.dma_semaphore, #tpu.memory_space<semaphore_mem>>
          %dma_start3A_31 = tpu.memref_slice %arg2[%add3A] : memref<1600000xi32, #tpu.memory_space<hbm>> -> memref<200xi32, #tpu.memory_space<hbm>>
          %dma_start3A_32 = tpu.memref_slice %arg2[%add3A] : memref<1600000xi32, #tpu.memory_space<hbm>> -> memref<200xi32, #tpu.memory_space<hbm>>
          tpu.enqueue_dma source(%dma_start3A_32 : memref<200xi32, #tpu.memory_space<hbm>>) target(%arg9 : memref<200xi32, #tpu.memory_space<vmem>>) target_semaphore(%run_scoped3A : memref<!tpu.dma_semaphore, #tpu.memory_space<semaphore_mem>>)
          %dma_wait3A_33 = tpu.memref_slice %arg2[%add3A] : memref<1600000xi32, #tpu.memory_space<hbm>> -> memref<200xi32, #tpu.memory_space<hbm>>
          %dma_wait3A_34 = tpu.memref_slice %arg2[%add3A] : memref<1600000xi32, #tpu.memory_space<hbm>> -> memref<200xi32, #tpu.memory_space<hbm>>
          tpu.wait_dma2 semaphore(%run_scoped3A : memref<!tpu.dma_semaphore, #tpu.memory_space<semaphore_mem>>) src(%dma_wait3A_34 : memref<200xi32, #tpu.memory_space<hbm>>) dst(%arg9 : memref<200xi32, #tpu.memory_space<vmem>>)
          tpu.yield
        }) : () -> ()
        "tpu.region"() ({
          %run_scoped3A = tpu.sem_alloc : memref<!tpu.dma_semaphore, #tpu.memory_space<semaphore_mem>>
          %dma_start3A_31 = tpu.memref_slice %arg3[%add3A] : memref<1600000xi32, #tpu.memory_space<hbm>> -> memref<200xi32, #tpu.memory_space<hbm>>
          %dma_start3A_32 = tpu.memref_slice %arg3[%add3A] : memref<1600000xi32, #tpu.memory_space<hbm>> -> memref<200xi32, #tpu.memory_space<hbm>>
          tpu.enqueue_dma source(%dma_start3A_32 : memref<200xi32, #tpu.memory_space<hbm>>) target(%arg10 : memref<200xi32, #tpu.memory_space<vmem>>) target_semaphore(%run_scoped3A : memref<!tpu.dma_semaphore, #tpu.memory_space<semaphore_mem>>)
          %dma_wait3A_33 = tpu.memref_slice %arg3[%add3A] : memref<1600000xi32, #tpu.memory_space<hbm>> -> memref<200xi32, #tpu.memory_space<hbm>>
          %dma_wait3A_34 = tpu.memref_slice %arg3[%add3A] : memref<1600000xi32, #tpu.memory_space<hbm>> -> memref<200xi32, #tpu.memory_space<hbm>>
          tpu.wait_dma2 semaphore(%run_scoped3A : memref<!tpu.dma_semaphore, #tpu.memory_space<semaphore_mem>>) src(%dma_wait3A_34 : memref<200xi32, #tpu.memory_space<hbm>>) dst(%arg10 : memref<200xi32, #tpu.memory_space<vmem>>)
          tpu.yield
        }) : () -> ()
        %dma_start3A = arith.constant 0 : i32
        %dma_start3A_27 = arith.constant 0 : i32
        %dma_start3A_28 = tpu.memref_slice %arg5[%dma_start3A, %dma_start3A_27] : memref<100000x16xf32, #tpu.memory_space<hbm>> -> memref<100000x16xf32, #tpu.memory_space<hbm>>
        tpu.enqueue_indirect_dma source(%dma_start3A_28 : memref<100000x16xf32, #tpu.memory_space<hbm>>) target(%arg11 : memref<200x16xf32, #tpu.memory_space<vmem>>) offsets(%arg9 : memref<200xi32, #tpu.memory_space<vmem>>) semaphore(%arg12 : memref<!tpu.dma_semaphore, #tpu.memory_space<semaphore_mem>>)
        %dma_wait3A = arith.constant 0 : i32
        %dma_wait3A_29 = arith.constant 0 : i32
        %dma_wait3A_30 = tpu.memref_slice %arg5[%dma_wait3A, %dma_wait3A_29] : memref<100000x16xf32, #tpu.memory_space<hbm>> -> memref<100000x16xf32, #tpu.memory_space<hbm>>
        tpu.wait_indirect_dma semaphore(%arg12 : memref<!tpu.dma_semaphore, #tpu.memory_space<semaphore_mem>>) src(%dma_wait3A_30 : memref<100000x16xf32, #tpu.memory_space<hbm>>) dst(%arg11 : memref<200x16xf32, #tpu.memory_space<vmem>>)
        "tpu.region"() ({
          %run_scoped3A = tpu.sem_alloc : memref<!tpu.dma_semaphore, #tpu.memory_space<semaphore_mem>>
          %dma_start3A_31 = arith.constant 0 : i32
          %dma_start3A_32 = arith.constant 0 : i32
          %dma_start3A_33 = tpu.memref_slice %arg8[%dma_start3A_31, %dma_start3A_32] : memref<100000x16xf32, #tpu.memory_space<vmem_shared>> -> memref<100000x16xf32, #tpu.memory_space<vmem_shared>>
          tpu.enqueue_indirect_dma source(%arg11 : memref<200x16xf32, #tpu.memory_space<vmem>>) target(%dma_start3A_33 : memref<100000x16xf32, #tpu.memory_space<vmem_shared>>) offsets(%arg10 : memref<200xi32, #tpu.memory_space<vmem>>) semaphore(%run_scoped3A : memref<!tpu.dma_semaphore, #tpu.memory_space<semaphore_mem>>) {add = true}
          %dma_wait3A_34 = arith.constant 0 : i32
          %dma_wait3A_35 = arith.constant 0 : i32
          %dma_wait3A_36 = tpu.memref_slice %arg8[%dma_wait3A_34, %dma_wait3A_35] : memref<100000x16xf32, #tpu.memory_space<vmem_shared>> -> memref<100000x16xf32, #tpu.memory_space<vmem_shared>>
          tpu.wait_indirect_dma semaphore(%run_scoped3A : memref<!tpu.dma_semaphore, #tpu.memory_space<semaphore_mem>>) src(%arg11 : memref<200x16xf32, #tpu.memory_space<vmem>>) dst(%dma_wait3A_36 : memref<100000x16xf32, #tpu.memory_space<vmem_shared>>)
          tpu.yield
        }) : () -> ()
      }
      %scan3A_22 = arith.constant 500 : i32
    } else {
    }
    %barrier3A_12 = arith.constant 0 : index
    tpu.barrier barrier_id(%barrier3A_12)
    %eq3A_13 = arith.constant 0 : i32
    %eq3A_14 = arith.cmpi eq, %arg1, %eq3A_13 : i32
    %convert_element_type3A_15 = arith.extui %eq3A_14 : i1 to i32
    %cond3A_16 = arith.constant 0 : i32
    %cond3A_17 = arith.cmpi ne, %convert_element_type3A_15, %cond3A_16 : i32
    scf.if %cond3A_17 {
      "tpu.region"() ({
        %run_scoped3A = tpu.sem_alloc : memref<!tpu.dma_semaphore, #tpu.memory_space<semaphore_mem>>
        %dma_start3A = arith.constant 0 : i32
        %dma_start3A_18 = arith.constant 0 : i32
        %dma_start3A_19 = tpu.memref_slice %arg7[%arg0, %dma_start3A, %dma_start3A_18] : memref<2x100000x16xf32, #tpu.memory_space<hbm>> -> memref<1x100000x16xf32, #tpu.memory_space<hbm>>
        %dma_start3A_20 = tpu.memref_squeeze %dma_start3A_19 : memref<1x100000x16xf32, #tpu.memory_space<hbm>> -> memref<100000x16xf32, #tpu.memory_space<hbm>>
        tpu.enqueue_dma source(%arg8 : memref<100000x16xf32, #tpu.memory_space<vmem_shared>>) target(%dma_start3A_20 : memref<100000x16xf32, #tpu.memory_space<hbm>>) target_semaphore(%run_scoped3A : memref<!tpu.dma_semaphore, #tpu.memory_space<semaphore_mem>>)
        %dma_wait3A = arith.constant 0 : i32
        %dma_wait3A_21 = arith.constant 0 : i32
        %dma_wait3A_22 = tpu.memref_slice %arg7[%arg0, %dma_wait3A, %dma_wait3A_21] : memref<2x100000x16xf32, #tpu.memory_space<hbm>> -> memref<1x100000x16xf32, #tpu.memory_space<hbm>>
        %dma_wait3A_23 = tpu.memref_squeeze %dma_wait3A_22 : memref<1x100000x16xf32, #tpu.memory_space<hbm>> -> memref<100000x16xf32, #tpu.memory_space<hbm>>
        tpu.wait_dma2 semaphore(%run_scoped3A : memref<!tpu.dma_semaphore, #tpu.memory_space<semaphore_mem>>) src(%arg8 : memref<100000x16xf32, #tpu.memory_space<vmem_shared>>) dst(%dma_wait3A_23 : memref<100000x16xf32, #tpu.memory_space<hbm>>)
        tpu.yield
      }) : () -> ()
    } else {
    }
    return
  }
}

module attributes {stable_mosaic.version = 14 : i64} {
  func.func @_tca_body(%arg0: i32, %arg1: memref<2000x18xf32, #tpu.memory_space<vmem>>, %arg2: memref<2000x1xf32, #tpu.memory_space<vmem>>, %arg3: memref<1x1x2000xi32, #tpu.memory_space<vmem>>, %arg4: memref<6x32xf32, #tpu.memory_space<vmem>>, %arg5: memref<32x8xf32, #tpu.memory_space<vmem>>, %arg6: memref<8x32xf32, #tpu.memory_space<vmem>>, %arg7: memref<2000x32xf32, #tpu.memory_space<vmem>>, %arg8: memref<2000x1xf32, #tpu.memory_space<vmem>>, %arg9: memref<64x32xf32, #tpu.memory_space<vmem>>, %arg10: memref<64x32xf32, #tpu.memory_space<vmem>>, %arg11: memref<64x1xf32, #tpu.memory_space<vmem>>) attributes {dimension_semantics = [#tpu.dimension_semantics<arbitrary>], iteration_bounds = array<i64: 50>, scalar_prefetch = 0 : i64, scratch_operands = 0 : i64, tpu.core_type = #tpu.core_type<tc>, window_params = [{transform_indices = @transform_0, window_bounds = array<i64: 2000, 18>}, {transform_indices = @transform_1, window_bounds = array<i64: 2000, 1>}, {transform_indices = @transform_2, window_bounds = array<i64: 1, 1, 2000>}, {pipeline_mode = #tpu.pipeline_mode<synchronous>, transform_indices = @transform_3, window_bounds = array<i64: 6, 32>}, {pipeline_mode = #tpu.pipeline_mode<synchronous>, transform_indices = @transform_4, window_bounds = array<i64: 32, 8>}, {pipeline_mode = #tpu.pipeline_mode<synchronous>, transform_indices = @transform_5, window_bounds = array<i64: 8, 32>}, {transform_indices = @transform_6, window_bounds = array<i64: 2000, 32>}, {transform_indices = @transform_7, window_bounds = array<i64: 2000, 1>}, {pipeline_mode = #tpu.pipeline_mode<synchronous>, transform_indices = @transform_8, window_bounds = array<i64: 64, 32>}, {pipeline_mode = #tpu.pipeline_mode<synchronous>, transform_indices = @transform_9, window_bounds = array<i64: 64, 32>}, {pipeline_mode = #tpu.pipeline_mode<synchronous>, transform_indices = @transform_10, window_bounds = array<i64: 64, 1>}]} {
    %eq3A = arith.constant 0 : i32
    %eq3A_0 = arith.cmpi eq, %arg0, %eq3A : i32
    %convert_element_type3A = arith.extui %eq3A_0 : i1 to i32
    %cond3A = arith.constant 0 : i32
    %cond3A_1 = arith.cmpi ne, %convert_element_type3A, %cond3A : i32
    scf.if %cond3A_1 {
      %broadcast_in_dim3A_112 = arith.constant 0.000000e+00 : f32
      %broadcast_in_dim3A_113 = vector.broadcast %broadcast_in_dim3A_112 : f32 to vector<64x32xf32>
      %swap3A_114 = arith.constant 0 : index
      %swap3A_115 = arith.constant 0 : index
      %swap3A_116 = vector.load %arg9[%swap3A_114, %swap3A_115] : memref<64x32xf32, #tpu.memory_space<vmem>>, vector<64x32xf32>
      tpu.vector_store %arg9[%swap3A_114, %swap3A_115], %broadcast_in_dim3A_113 {strides = array<i32>} : memref<64x32xf32, #tpu.memory_space<vmem>>, vector<64x32xf32>,
      %broadcast_in_dim3A_117 = arith.constant 0.000000e+00 : f32
      %broadcast_in_dim3A_118 = vector.broadcast %broadcast_in_dim3A_117 : f32 to vector<64x32xf32>
      %swap3A_119 = arith.constant 0 : index
      %swap3A_120 = arith.constant 0 : index
      %swap3A_121 = vector.load %arg10[%swap3A_119, %swap3A_120] : memref<64x32xf32, #tpu.memory_space<vmem>>, vector<64x32xf32>
      tpu.vector_store %arg10[%swap3A_119, %swap3A_120], %broadcast_in_dim3A_118 {strides = array<i32>} : memref<64x32xf32, #tpu.memory_space<vmem>>, vector<64x32xf32>,
      %broadcast_in_dim3A_122 = arith.constant 0.000000e+00 : f32
      %broadcast_in_dim3A_123 = vector.broadcast %broadcast_in_dim3A_122 : f32 to vector<64x1xf32>
      %swap3A_124 = arith.constant 0 : index
      %swap3A_125 = arith.constant 0 : index
      %swap3A_126 = vector.load %arg11[%swap3A_124, %swap3A_125] : memref<64x1xf32, #tpu.memory_space<vmem>>, vector<64x1xf32>
      tpu.vector_store %arg11[%swap3A_124, %swap3A_125], %broadcast_in_dim3A_123 {strides = array<i32>} : memref<64x1xf32, #tpu.memory_space<vmem>>, vector<64x1xf32>,
    } else {
    }
    %get3A = arith.constant 0 : index
    %get3A_2 = arith.constant 0 : index
    %get3A_3 = vector.load %arg1[%get3A, %get3A_2] : memref<2000x18xf32, #tpu.memory_space<vmem>>, vector<2000x18xf32>
    %slice3A = vector.extract_strided_slice %get3A_3 {offsets = [0, 1], sizes = [2000, 1], strides = [1, 1]} : vector<2000x18xf32> to vector<2000x1xf32>
    %max3A = arith.constant 1.000000e+00 : f32
    %max3A_4 = vector.broadcast %max3A : f32 to vector<2000x1xf32>
    %max3A_5 = arith.maximumf %slice3A, %max3A_4 : vector<2000x1xf32>
    %slice3A_6 = vector.extract_strided_slice %get3A_3 {offsets = [0, 0], sizes = [2000, 1], strides = [1, 1]} : vector<2000x18xf32> to vector<2000x1xf32>
    %div3A = arith.divf %slice3A_6, %max3A_5 : vector<2000x1xf32>
    %slice3A_7 = vector.extract_strided_slice %get3A_3 {offsets = [0, 2], sizes = [2000, 8], strides = [1, 1]} : vector<2000x18xf32> to vector<2000x8xf32>
    %slice3A_8 = vector.extract_strided_slice %get3A_3 {offsets = [0, 10], sizes = [2000, 8], strides = [1, 1]} : vector<2000x18xf32> to vector<2000x8xf32>
    %get3A_9 = arith.constant 0 : index
    %get3A_10 = arith.constant 0 : index
    %get3A_11 = vector.load %arg2[%get3A_9, %get3A_10] : memref<2000x1xf32, #tpu.memory_space<vmem>>, vector<2000x1xf32>
    %get3A_12 = arith.constant 0 : index
    %get3A_13 = arith.constant 0 : index
    %get3A_14 = vector.load %arg4[%get3A_12, %get3A_13] : memref<6x32xf32, #tpu.memory_space<vmem>>, vector<1x32xf32>
    %get3A_15 = arith.constant 1 : index
    %get3A_16 = arith.constant 0 : index
    %get3A_17 = vector.load %arg4[%get3A_15, %get3A_16] : memref<6x32xf32, #tpu.memory_space<vmem>>, vector<1x32xf32>
    %get3A_18 = arith.constant 2 : index
    %get3A_19 = arith.constant 0 : index
    %get3A_20 = vector.load %arg4[%get3A_18, %get3A_19] : memref<6x32xf32, #tpu.memory_space<vmem>>, vector<1x32xf32>
    %get3A_21 = arith.constant 3 : index
    %get3A_22 = arith.constant 0 : index
    %get3A_23 = vector.load %arg4[%get3A_21, %get3A_22] : memref<6x32xf32, #tpu.memory_space<vmem>>, vector<1x32xf32>
    %get3A_24 = arith.constant 4 : index
    %get3A_25 = arith.constant 0 : index
    %get3A_26 = vector.load %arg4[%get3A_24, %get3A_25] : memref<6x32xf32, #tpu.memory_space<vmem>>, vector<1x32xf32>
    %get3A_27 = arith.constant 5 : index
    %get3A_28 = arith.constant 0 : index
    %get3A_29 = vector.load %arg4[%get3A_27, %get3A_28] : memref<6x32xf32, #tpu.memory_space<vmem>>, vector<1x32xf32>
    %add3A = arith.addf %get3A_14, %get3A_17 : vector<1x32xf32>
    %mul3A = vector.broadcast %get3A_11 : vector<2000x1xf32> to vector<2000x32xf32>
    %mul3A_30 = vector.broadcast %add3A : vector<1x32xf32> to vector<2000x32xf32>
    %mul3A_31 = arith.mulf %mul3A, %mul3A_30 : vector<2000x32xf32>
    %mul3A_32 = vector.broadcast %div3A : vector<2000x1xf32> to vector<2000x32xf32>
    %mul3A_33 = vector.broadcast %get3A_20 : vector<1x32xf32> to vector<2000x32xf32>
    %mul3A_34 = arith.mulf %mul3A_32, %mul3A_33 : vector<2000x32xf32>
    %add3A_35 = arith.addf %mul3A_31, %mul3A_34 : vector<2000x32xf32>
    %add3A_36 = vector.broadcast %get3A_23 : vector<1x32xf32> to vector<2000x32xf32>
    %add3A_37 = arith.addf %add3A_35, %add3A_36 : vector<2000x32xf32>
    %mul3A_38 = arith.constant 6.000000e-01 : f32
    %mul3A_39 = vector.broadcast %mul3A_38 : f32 to vector<2000x32xf32>
    %mul3A_40 = arith.mulf %mul3A_39, %add3A_37 : vector<2000x32xf32>
    %abs3A = math.absf %add3A_37 : vector<2000x32xf32>
    %mul3A_41 = arith.constant 4.000000e-01 : f32
    %mul3A_42 = vector.broadcast %mul3A_41 : f32 to vector<2000x32xf32>
    %mul3A_43 = arith.mulf %mul3A_42, %abs3A : vector<2000x32xf32>
    %add3A_44 = arith.addf %mul3A_40, %mul3A_43 : vector<2000x32xf32>
    %mul3A_45 = vector.broadcast %get3A_26 : vector<1x32xf32> to vector<2000x32xf32>
    %mul3A_46 = arith.mulf %add3A_44, %mul3A_45 : vector<2000x32xf32>
    %get3A_47 = arith.constant 0 : index
    %get3A_48 = arith.constant 0 : index
    %get3A_49 = vector.load %arg5[%get3A_47, %get3A_48] : memref<32x8xf32, #tpu.memory_space<vmem>>, vector<32x8xf32>
    %dot_general3A = arith.constant dense<0.000000e+00> : vector<2000x8xf32>
    %dot_general3A_50 = tpu.matmul %mul3A_46, %get3A_49, %dot_general3A {dimension_numbers = #tpu.dot_dimension_numbers<[1], [0], [0], [1], [0, 0, 1, 1], [], []>, precision = #tpu.contract_precision<fp32>, transpose_lhs_hint = false} : vector<2000x32xf32>, vector<32x8xf32>, vector<2000x8xf32> -> vector<2000x8xf32>
    %exp3A = math.exp %dot_general3A_50 : vector<2000x8xf32>
    %add3A_51 = arith.addf %slice3A_7, %exp3A : vector<2000x8xf32>
    %mul3A_52 = vector.broadcast %get3A_11 : vector<2000x1xf32> to vector<2000x8xf32>
    %mul3A_53 = arith.mulf %exp3A, %mul3A_52 : vector<2000x8xf32>
    %add3A_54 = arith.addf %slice3A_8, %mul3A_53 : vector<2000x8xf32>
    %add3A_55 = arith.constant 1.000000e-16 : f32
    %add3A_56 = vector.broadcast %add3A_55 : f32 to vector<2000x8xf32>
    %add3A_57 = arith.addf %add3A_51, %add3A_56 : vector<2000x8xf32>
    %div3A_58 = arith.divf %add3A_54, %add3A_57 : vector<2000x8xf32>
    %get3A_59 = arith.constant 0 : index
    %get3A_60 = arith.constant 0 : index
    %get3A_61 = vector.load %arg6[%get3A_59, %get3A_60] : memref<8x32xf32, #tpu.memory_space<vmem>>, vector<8x32xf32>
    %dot_general3A_62 = arith.constant dense<0.000000e+00> : vector<2000x32xf32>
    %dot_general3A_63 = tpu.matmul %div3A_58, %get3A_61, %dot_general3A_62 {dimension_numbers = #tpu.dot_dimension_numbers<[1], [0], [0], [1], [0, 0, 1, 1], [], []>, precision = #tpu.contract_precision<fp32>, transpose_lhs_hint = false} : vector<2000x8xf32>, vector<8x32xf32>, vector<2000x32xf32> -> vector<2000x32xf32>
    %mul3A_64 = vector.broadcast %get3A_14 : vector<1x32xf32> to vector<2000x32xf32>
    %mul3A_65 = arith.mulf %dot_general3A_63, %mul3A_64 : vector<2000x32xf32>
    %add3A_66 = vector.broadcast %get3A_29 : vector<1x32xf32> to vector<2000x32xf32>
    %add3A_67 = arith.addf %mul3A_65, %add3A_66 : vector<2000x32xf32>
    %max3A_68 = arith.constant 0.000000e+00 : f32
    %max3A_69 = vector.broadcast %max3A_68 : f32 to vector<2000x32xf32>
    %max3A_70 = arith.maximumf %add3A_67, %max3A_69 : vector<2000x32xf32>
    %swap3A = arith.constant 0 : index
    %swap3A_71 = arith.constant 0 : index
    %swap3A_72 = vector.load %arg7[%swap3A, %swap3A_71] : memref<2000x32xf32, #tpu.memory_space<vmem>>, vector<2000x32xf32>
    tpu.vector_store %arg7[%swap3A, %swap3A_71], %max3A_70 {strides = array<i32>} : memref<2000x32xf32, #tpu.memory_space<vmem>>, vector<2000x32xf32>,
    %swap3A_73 = arith.constant 0 : index
    %swap3A_74 = arith.constant 0 : index
    %swap3A_75 = vector.load %arg8[%swap3A_73, %swap3A_74] : memref<2000x1xf32, #tpu.memory_space<vmem>>, vector<2000x1xf32>
    tpu.vector_store %arg8[%swap3A_73, %swap3A_74], %max3A_5 {strides = array<i32>} : memref<2000x1xf32, #tpu.memory_space<vmem>>, vector<2000x1xf32>,
    %get3A_76 = arith.constant 0 : index
    %get3A_77 = arith.constant 0 : index
    %get3A_78 = arith.constant 0 : index
    %get3A_79 = vector.load %arg3[%get3A_76, %get3A_77, %get3A_78] : memref<1x1x2000xi32, #tpu.memory_space<vmem>>, vector<1x1x2000xi32>
    %get3A_80 = vector.shape_cast %get3A_79 : vector<1x1x2000xi32> to vector<1x2000xi32>
    %iota3A = tpu.iota {dimensions = array<i32: 0>} : vector<64x2000xi32>
    %eq3A_81 = vector.broadcast %get3A_80 : vector<1x2000xi32> to vector<64x2000xi32>
    %eq3A_82 = arith.cmpi eq, %iota3A, %eq3A_81 : vector<64x2000xi32>
    %convert_element_type3A_83 = arith.extui %eq3A_82 : vector<64x2000xi1> to vector<64x2000xi32>
    %convert_element_type3A_84 = arith.sitofp %convert_element_type3A_83 : vector<64x2000xi32> to vector<64x2000xf32>
    %get3A_85 = arith.constant 0 : index
    %get3A_86 = arith.constant 0 : index
    %get3A_87 = vector.load %arg9[%get3A_85, %get3A_86] : memref<64x32xf32, #tpu.memory_space<vmem>>, vector<64x32xf32>
    %dot_general3A_88 = arith.constant dense<0.000000e+00> : vector<64x32xf32>
    %dot_general3A_89 = tpu.matmul %convert_element_type3A_84, %max3A_70, %dot_general3A_88 {dimension_numbers = #tpu.dot_dimension_numbers<[1], [0], [0], [1], [0, 0, 1, 1], [], []>, precision = #tpu.contract_precision<fp32>, transpose_lhs_hint = false} : vector<64x2000xf32>, vector<2000x32xf32>, vector<64x32xf32> -> vector<64x32xf32>
    %add3A_90 = arith.addf %get3A_87, %dot_general3A_89 : vector<64x32xf32>
    %swap3A_91 = arith.constant 0 : index
    %swap3A_92 = arith.constant 0 : index
    %swap3A_93 = vector.load %arg9[%swap3A_91, %swap3A_92] : memref<64x32xf32, #tpu.memory_space<vmem>>, vector<64x32xf32>
    tpu.vector_store %arg9[%swap3A_91, %swap3A_92], %add3A_90 {strides = array<i32>} : memref<64x32xf32, #tpu.memory_space<vmem>>, vector<64x32xf32>,
    %get3A_94 = arith.constant 0 : index
    %get3A_95 = arith.constant 0 : index
    %get3A_96 = vector.load %arg10[%get3A_94, %get3A_95] : memref<64x32xf32, #tpu.memory_space<vmem>>, vector<64x32xf32>
    %mul3A_97 = arith.mulf %max3A_70, %max3A_70 : vector<2000x32xf32>
    %dot_general3A_98 = arith.constant dense<0.000000e+00> : vector<64x32xf32>
    %dot_general3A_99 = tpu.matmul %convert_element_type3A_84, %mul3A_97, %dot_general3A_98 {dimension_numbers = #tpu.dot_dimension_numbers<[1], [0], [0], [1], [0, 0, 1, 1], [], []>, precision = #tpu.contract_precision<fp32>, transpose_lhs_hint = false} : vector<64x2000xf32>, vector<2000x32xf32>, vector<64x32xf32> -> vector<64x32xf32>
    %add3A_100 = arith.addf %get3A_96, %dot_general3A_99 : vector<64x32xf32>
    %swap3A_101 = arith.constant 0 : index
    %swap3A_102 = arith.constant 0 : index
    %swap3A_103 = vector.load %arg10[%swap3A_101, %swap3A_102] : memref<64x32xf32, #tpu.memory_space<vmem>>, vector<64x32xf32>
    tpu.vector_store %arg10[%swap3A_101, %swap3A_102], %add3A_100 {strides = array<i32>} : memref<64x32xf32, #tpu.memory_space<vmem>>, vector<64x32xf32>,
    %get3A_104 = arith.constant 0 : index
    %get3A_105 = arith.constant 0 : index
    %get3A_106 = vector.load %arg11[%get3A_104, %get3A_105] : memref<64x1xf32, #tpu.memory_space<vmem>>, vector<64x1xf32>
    %reduce_sum3A = arith.constant dense<0.000000e+00> : vector<64xf32>
    %reduce_sum3A_107 = vector.multi_reduction <add>, %convert_element_type3A_84, %reduce_sum3A [1] : vector<64x2000xf32> to vector<64xf32>
    %broadcast_in_dim3A = vector.shape_cast %reduce_sum3A_107 : vector<64xf32> to vector<64x1xf32>
    %add3A_108 = arith.addf %get3A_106, %broadcast_in_dim3A : vector<64x1xf32>
    %swap3A_109 = arith.constant 0 : index
    %swap3A_110 = arith.constant 0 : index
    %swap3A_111 = vector.load %arg11[%swap3A_109, %swap3A_110] : memref<64x1xf32, #tpu.memory_space<vmem>>, vector<64x1xf32>
    tpu.vector_store %arg11[%swap3A_109, %swap3A_110], %add3A_108 {strides = array<i32>} : memref<64x1xf32, #tpu.memory_space<vmem>>, vector<64x1xf32>,
    return
  }
  func.func @transform_0(%arg0: i32) -> (i32, i32) {
    %c0_i32 = arith.constant 0 : i32
    %c0_i32_0 = arith.constant 0 : i32
    return %arg0, %c0_i32 : i32, i32
  }
  func.func @transform_1(%arg0: i32) -> (i32, i32) {
    %c0_i32 = arith.constant 0 : i32
    %c0_i32_0 = arith.constant 0 : i32
    return %arg0, %c0_i32 : i32, i32
  }
  func.func @transform_2(%arg0: i32) -> (i32, i32, i32) {
    %c0_i32 = arith.constant 0 : i32
    %c0_i32_0 = arith.constant 0 : i32
    %c0_i32_1 = arith.constant 0 : i32
    return %arg0, %c0_i32, %c0_i32_0 : i32, i32, i32
  }
  func.func @transform_3(%arg0: i32) -> (i32, i32) {
    %c0_i32 = arith.constant 0 : i32
    %c0_i32_0 = arith.constant 0 : i32
    %c0_i32_1 = arith.constant 0 : i32
    return %c0_i32, %c0_i32_0 : i32, i32
  }
  func.func @transform_4(%arg0: i32) -> (i32, i32) {
    %c0_i32 = arith.constant 0 : i32
    %c0_i32_0 = arith.constant 0 : i32
    %c0_i32_1 = arith.constant 0 : i32
    return %c0_i32, %c0_i32_0 : i32, i32
  }
  func.func @transform_5(%arg0: i32) -> (i32, i32) {
    %c0_i32 = arith.constant 0 : i32
    %c0_i32_0 = arith.constant 0 : i32
    %c0_i32_1 = arith.constant 0 : i32
    return %c0_i32, %c0_i32_0 : i32, i32
  }
  func.func @transform_6(%arg0: i32) -> (i32, i32) {
    %c0_i32 = arith.constant 0 : i32
    %c0_i32_0 = arith.constant 0 : i32
    return %arg0, %c0_i32 : i32, i32
  }
  func.func @transform_7(%arg0: i32) -> (i32, i32) {
    %c0_i32 = arith.constant 0 : i32
    %c0_i32_0 = arith.constant 0 : i32
    return %arg0, %c0_i32 : i32, i32
  }
  func.func @transform_8(%arg0: i32) -> (i32, i32) {
    %c0_i32 = arith.constant 0 : i32
    %c0_i32_0 = arith.constant 0 : i32
    %c0_i32_1 = arith.constant 0 : i32
    return %c0_i32, %c0_i32_0 : i32, i32
  }
  func.func @transform_9(%arg0: i32) -> (i32, i32) {
    %c0_i32 = arith.constant 0 : i32
    %c0_i32_0 = arith.constant 0 : i32
    %c0_i32_1 = arith.constant 0 : i32
    return %c0_i32, %c0_i32_0 : i32, i32
  }
  func.func @transform_10(%arg0: i32) -> (i32, i32) {
    %c0_i32 = arith.constant 0 : i32
    %c0_i32_0 = arith.constant 0 : i32
    %c0_i32_1 = arith.constant 0 : i32
    return %c0_i32, %c0_i32_0 : i32, i32
  }
}

module attributes {stable_mosaic.version = 14 : i64} {
  func.func @_tcb_body(%arg0: i32, %arg1: memref<2000x32xf32, #tpu.memory_space<vmem>>, %arg2: memref<1x1x2000xi32, #tpu.memory_space<vmem>>, %arg3: memref<64x32xf32, #tpu.memory_space<vmem>>, %arg4: memref<64x32xf32, #tpu.memory_space<vmem>>, %arg5: memref<64x1xf32, #tpu.memory_space<vmem>>, %arg6: memref<3x32xf32, #tpu.memory_space<vmem>>, %arg7: memref<2000x16xf32, #tpu.memory_space<vmem>>, %arg8: memref<2000x16xf32, #tpu.memory_space<vmem>>) attributes {dimension_semantics = [#tpu.dimension_semantics<arbitrary>], iteration_bounds = array<i64: 50>, scalar_prefetch = 0 : i64, scratch_operands = 0 : i64, tpu.core_type = #tpu.core_type<tc>, window_params = [{transform_indices = @transform_0, window_bounds = array<i64: 2000, 32>}, {transform_indices = @transform_1, window_bounds = array<i64: 1, 1, 2000>}, {pipeline_mode = #tpu.pipeline_mode<synchronous>, transform_indices = @transform_2, window_bounds = array<i64: 64, 32>}, {pipeline_mode = #tpu.pipeline_mode<synchronous>, transform_indices = @transform_3, window_bounds = array<i64: 64, 32>}, {pipeline_mode = #tpu.pipeline_mode<synchronous>, transform_indices = @transform_4, window_bounds = array<i64: 64, 1>}, {pipeline_mode = #tpu.pipeline_mode<synchronous>, transform_indices = @transform_5, window_bounds = array<i64: 3, 32>}, {transform_indices = @transform_6, window_bounds = array<i64: 2000, 16>}, {transform_indices = @transform_7, window_bounds = array<i64: 2000, 16>}]} {
    %get3A = arith.constant 0 : index
    %get3A_0 = arith.constant 0 : index
    %get3A_1 = vector.load %arg5[%get3A, %get3A_0] : memref<64x1xf32, #tpu.memory_space<vmem>>, vector<64x1xf32>
    %max3A = arith.constant 1.000000e+00 : f32
    %max3A_2 = vector.broadcast %max3A : f32 to vector<64x1xf32>
    %max3A_3 = arith.maximumf %get3A_1, %max3A_2 : vector<64x1xf32>
    %get3A_4 = arith.constant 0 : index
    %get3A_5 = arith.constant 0 : index
    %get3A_6 = vector.load %arg3[%get3A_4, %get3A_5] : memref<64x32xf32, #tpu.memory_space<vmem>>, vector<64x32xf32>
    %div3A = vector.broadcast %max3A_3 : vector<64x1xf32> to vector<64x32xf32>
    %div3A_7 = arith.divf %get3A_6, %div3A : vector<64x32xf32>
    %get3A_8 = arith.constant 2 : index
    %get3A_9 = arith.constant 0 : index
    %get3A_10 = vector.load %arg6[%get3A_8, %get3A_9] : memref<3x32xf32, #tpu.memory_space<vmem>>, vector<1x32xf32>
    %get3A_11 = arith.constant 0 : index
    %get3A_12 = arith.constant 0 : index
    %get3A_13 = vector.load %arg4[%get3A_11, %get3A_12] : memref<64x32xf32, #tpu.memory_space<vmem>>, vector<64x32xf32>
    %div3A_14 = vector.broadcast %max3A_3 : vector<64x1xf32> to vector<64x32xf32>
    %div3A_15 = arith.divf %get3A_13, %div3A_14 : vector<64x32xf32>
    %mul3A = vector.broadcast %get3A_10 : vector<1x32xf32> to vector<64x32xf32>
    %mul3A_16 = arith.mulf %mul3A, %div3A_7 : vector<64x32xf32>
    %get3A_17 = arith.constant 0 : index
    %get3A_18 = arith.constant 0 : index
    %get3A_19 = vector.load %arg3[%get3A_17, %get3A_18] : memref<64x32xf32, #tpu.memory_space<vmem>>, vector<64x32xf32>
    %mul3A_20 = arith.constant 2.000000e+00 : f32
    %mul3A_21 = vector.broadcast %mul3A_20 : f32 to vector<64x32xf32>
    %mul3A_22 = arith.mulf %mul3A_21, %get3A_19 : vector<64x32xf32>
    %div3A_23 = vector.broadcast %max3A_3 : vector<64x1xf32> to vector<64x32xf32>
    %div3A_24 = arith.divf %mul3A_22, %div3A_23 : vector<64x32xf32>
    %mul3A_25 = vector.broadcast %get3A_10 : vector<1x32xf32> to vector<64x32xf32>
    %mul3A_26 = arith.mulf %mul3A_25, %div3A_7 : vector<64x32xf32>
    %sub3A = arith.subf %div3A_24, %mul3A_26 : vector<64x32xf32>
    %mul3A_27 = arith.mulf %mul3A_16, %sub3A : vector<64x32xf32>
    %sub3A_28 = arith.subf %div3A_15, %mul3A_27 : vector<64x32xf32>
    %get3A_29 = arith.constant 0 : index
    %get3A_30 = arith.constant 0 : index
    %get3A_31 = arith.constant 0 : index
    %get3A_32 = vector.load %arg2[%get3A_29, %get3A_30, %get3A_31] : memref<1x1x2000xi32, #tpu.memory_space<vmem>>, vector<1x1x2000xi32>
    %get3A_33 = vector.shape_cast %get3A_32 : vector<1x1x2000xi32> to vector<1x2000xi32>
    %iota3A = tpu.iota {dimensions = array<i32: 0>} : vector<64x2000xi32>
    %eq3A = vector.broadcast %get3A_33 : vector<1x2000xi32> to vector<64x2000xi32>
    %eq3A_34 = arith.cmpi eq, %iota3A, %eq3A : vector<64x2000xi32>
    %convert_element_type3A = arith.extui %eq3A_34 : vector<64x2000xi1> to vector<64x2000xi32>
    %convert_element_type3A_35 = arith.sitofp %convert_element_type3A : vector<64x2000xi32> to vector<64x2000xf32>
    %dot_general3A = arith.constant dense<0.000000e+00> : vector<2000x32xf32>
    %dot_general3A_36 = tpu.matmul %convert_element_type3A_35, %div3A_7, %dot_general3A {dimension_numbers = #tpu.dot_dimension_numbers<[0], [0], [1], [1], [0, 1, 1, 1], [], []>, precision = #tpu.contract_precision<fp32>, transpose_lhs_hint = false} : vector<64x2000xf32>, vector<64x32xf32>, vector<2000x32xf32> -> vector<2000x32xf32>
    %dot_general3A_37 = arith.constant dense<0.000000e+00> : vector<2000x32xf32>
    %dot_general3A_38 = tpu.matmul %convert_element_type3A_35, %sub3A_28, %dot_general3A_37 {dimension_numbers = #tpu.dot_dimension_numbers<[0], [0], [1], [1], [0, 1, 1, 1], [], []>, precision = #tpu.contract_precision<fp32>, transpose_lhs_hint = false} : vector<64x2000xf32>, vector<64x32xf32>, vector<2000x32xf32> -> vector<2000x32xf32>
    %get3A_39 = arith.constant 0 : index
    %get3A_40 = arith.constant 0 : index
    %get3A_41 = vector.load %arg1[%get3A_39, %get3A_40] : memref<2000x32xf32, #tpu.memory_space<vmem>>, vector<2000x32xf32>
    %get3A_42 = arith.constant 0 : index
    %get3A_43 = arith.constant 0 : index
    %get3A_44 = vector.load %arg6[%get3A_42, %get3A_43] : memref<3x32xf32, #tpu.memory_space<vmem>>, vector<1x32xf32>
    %mul3A_45 = vector.broadcast %get3A_10 : vector<1x32xf32> to vector<2000x32xf32>
    %mul3A_46 = arith.mulf %mul3A_45, %dot_general3A_36 : vector<2000x32xf32>
    %sub3A_47 = arith.subf %get3A_41, %mul3A_46 : vector<2000x32xf32>
    %mul3A_48 = vector.broadcast %get3A_44 : vector<1x32xf32> to vector<2000x32xf32>
    %mul3A_49 = arith.mulf %mul3A_48, %sub3A_47 : vector<2000x32xf32>
    %add3A = arith.constant 9.99999974E-6 : f32
    %add3A_50 = vector.broadcast %add3A : f32 to vector<2000x32xf32>
    %add3A_51 = arith.addf %dot_general3A_38, %add3A_50 : vector<2000x32xf32>
    %rsqrt3A = math.rsqrt %add3A_51 : vector<2000x32xf32>
    %mul3A_52 = arith.mulf %mul3A_49, %rsqrt3A : vector<2000x32xf32>
    %get3A_53 = arith.constant 1 : index
    %get3A_54 = arith.constant 0 : index
    %get3A_55 = vector.load %arg6[%get3A_53, %get3A_54] : memref<3x32xf32, #tpu.memory_space<vmem>>, vector<1x32xf32>
    %add3A_56 = vector.broadcast %get3A_55 : vector<1x32xf32> to vector<2000x32xf32>
    %add3A_57 = arith.addf %mul3A_52, %add3A_56 : vector<2000x32xf32>
    %slice3A = vector.extract_strided_slice %add3A_57 {offsets = [0, 0], sizes = [2000, 16], strides = [1, 1]} : vector<2000x32xf32> to vector<2000x16xf32>
    %swap3A = arith.constant 0 : index
    %swap3A_58 = arith.constant 0 : index
    %swap3A_59 = vector.load %arg7[%swap3A, %swap3A_58] : memref<2000x16xf32, #tpu.memory_space<vmem>>, vector<2000x16xf32>
    tpu.vector_store %arg7[%swap3A, %swap3A_58], %slice3A {strides = array<i32>} : memref<2000x16xf32, #tpu.memory_space<vmem>>, vector<2000x16xf32>,
    %slice3A_60 = vector.extract_strided_slice %add3A_57 {offsets = [0, 16], sizes = [2000, 16], strides = [1, 1]} : vector<2000x32xf32> to vector<2000x16xf32>
    %swap3A_61 = arith.constant 0 : index
    %swap3A_62 = arith.constant 0 : index
    %swap3A_63 = vector.load %arg8[%swap3A_61, %swap3A_62] : memref<2000x16xf32, #tpu.memory_space<vmem>>, vector<2000x16xf32>
    tpu.vector_store %arg8[%swap3A_61, %swap3A_62], %slice3A_60 {strides = array<i32>} : memref<2000x16xf32, #tpu.memory_space<vmem>>, vector<2000x16xf32>,
    return
  }
  func.func @transform_0(%arg0: i32) -> (i32, i32) {
    %c0_i32 = arith.constant 0 : i32
    %c0_i32_0 = arith.constant 0 : i32
    return %arg0, %c0_i32 : i32, i32
  }
  func.func @transform_1(%arg0: i32) -> (i32, i32, i32) {
    %c0_i32 = arith.constant 0 : i32
    %c0_i32_0 = arith.constant 0 : i32
    %c0_i32_1 = arith.constant 0 : i32
    return %arg0, %c0_i32, %c0_i32_0 : i32, i32, i32
  }
  func.func @transform_2(%arg0: i32) -> (i32, i32) {
    %c0_i32 = arith.constant 0 : i32
    %c0_i32_0 = arith.constant 0 : i32
    %c0_i32_1 = arith.constant 0 : i32
    return %c0_i32, %c0_i32_0 : i32, i32
  }
  func.func @transform_3(%arg0: i32) -> (i32, i32) {
    %c0_i32 = arith.constant 0 : i32
    %c0_i32_0 = arith.constant 0 : i32
    %c0_i32_1 = arith.constant 0 : i32
    return %c0_i32, %c0_i32_0 : i32, i32
  }
  func.func @transform_4(%arg0: i32) -> (i32, i32) {
    %c0_i32 = arith.constant 0 : i32
    %c0_i32_0 = arith.constant 0 : i32
    %c0_i32_1 = arith.constant 0 : i32
    return %c0_i32, %c0_i32_0 : i32, i32
  }
  func.func @transform_5(%arg0: i32) -> (i32, i32) {
    %c0_i32 = arith.constant 0 : i32
    %c0_i32_0 = arith.constant 0 : i32
    %c0_i32_1 = arith.constant 0 : i32
    return %c0_i32, %c0_i32_0 : i32, i32
  }
  func.func @transform_6(%arg0: i32) -> (i32, i32) {
    %c0_i32 = arith.constant 0 : i32
    %c0_i32_0 = arith.constant 0 : i32
    return %arg0, %c0_i32 : i32, i32
  }
  func.func @transform_7(%arg0: i32) -> (i32, i32) {
    %c0_i32 = arith.constant 0 : i32
    %c0_i32_0 = arith.constant 0 : i32
    return %arg0, %c0_i32 : i32, i32
  }
}

module attributes {stable_mosaic.version = 14 : i64} {
  func.func @_tcc_body(%arg0: i32, %arg1: memref<2000x16xf32, #tpu.memory_space<vmem>>, %arg2: memref<2000x16xf32, #tpu.memory_space<vmem>>, %arg3: memref<2000x1xf32, #tpu.memory_space<vmem>>, %arg4: memref<2000x16xf32, #tpu.memory_space<vmem>>, %arg5: memref<2000x16xf32, #tpu.memory_space<vmem>>, %arg6: memref<1x1x2000xi32, #tpu.memory_space<vmem>>, %arg7: memref<2000x1xi32, #tpu.memory_space<vmem>>, %arg8: memref<64x1xf32, #tpu.memory_space<vmem>>, %arg9: memref<32x64xf32, #tpu.memory_space<vmem>>, %arg10: memref<1x64xf32, #tpu.memory_space<vmem>>, %arg11: memref<32x64xf32, #tpu.memory_space<vmem>>, %arg12: memref<128x1024xf32, #tpu.memory_space<vmem>>, %arg13: memref<1x1024xf32, #tpu.memory_space<vmem>>, %arg14: memref<1024x512xf32, #tpu.memory_space<vmem>>, %arg15: memref<1x512xf32, #tpu.memory_space<vmem>>, %arg16: memref<512x3xf32, #tpu.memory_space<vmem>>, %arg17: memref<1x3xf32, #tpu.memory_space<vmem>>, %arg18: memref<64x3xf32, #tpu.memory_space<vmem>>, %arg19: memref<64x64xf32, #tpu.memory_space<vmem>>, %arg20: memref<64x64xf32, #tpu.memory_space<vmem>>) attributes {dimension_semantics = [#tpu.dimension_semantics<arbitrary>], iteration_bounds = array<i64: 50>, scalar_prefetch = 0 : i64, scratch_operands = 2 : i64, tpu.core_type = #tpu.core_type<tc>, window_params = [{transform_indices = @transform_0, window_bounds = array<i64: 2000, 16>}, {transform_indices = @transform_1, window_bounds = array<i64: 2000, 16>}, {transform_indices = @transform_2, window_bounds = array<i64: 2000, 1>}, {transform_indices = @transform_3, window_bounds = array<i64: 2000, 16>}, {transform_indices = @transform_4, window_bounds = array<i64: 2000, 16>}, {transform_indices = @transform_5, window_bounds = array<i64: 1, 1, 2000>}, {transform_indices = @transform_6, window_bounds = array<i64: 2000, 1>}, {pipeline_mode = #tpu.pipeline_mode<synchronous>, transform_indices = @transform_7, window_bounds = array<i64: 64, 1>}, {pipeline_mode = #tpu.pipeline_mode<synchronous>, transform_indices = @transform_8, window_bounds = array<i64: 32, 64>}, {pipeline_mode = #tpu.pipeline_mode<synchronous>, transform_indices = @transform_9, window_bounds = array<i64: 1, 64>}, {pipeline_mode = #tpu.pipeline_mode<synchronous>, transform_indices = @transform_10, window_bounds = array<i64: 32, 64>}, {pipeline_mode = #tpu.pipeline_mode<synchronous>, transform_indices = @transform_11, window_bounds = array<i64: 128, 1024>}, {pipeline_mode = #tpu.pipeline_mode<synchronous>, transform_indices = @transform_12, window_bounds = array<i64: 1, 1024>}, {pipeline_mode = #tpu.pipeline_mode<synchronous>, transform_indices = @transform_13, window_bounds = array<i64: 1024, 512>}, {pipeline_mode = #tpu.pipeline_mode<synchronous>, transform_indices = @transform_14, window_bounds = array<i64: 1, 512>}, {pipeline_mode = #tpu.pipeline_mode<synchronous>, transform_indices = @transform_15, window_bounds = array<i64: 512, 3>}, {pipeline_mode = #tpu.pipeline_mode<synchronous>, transform_indices = @transform_16, window_bounds = array<i64: 1, 3>}, {pipeline_mode = #tpu.pipeline_mode<synchronous>, transform_indices = @transform_17, window_bounds = array<i64: 64, 3>}]} {
    %eq3A = arith.constant 0 : i32
    %eq3A_0 = arith.cmpi eq, %arg0, %eq3A : i32
    %convert_element_type3A = arith.extui %eq3A_0 : i1 to i32
    %cond3A = arith.constant 0 : i32
    %cond3A_1 = arith.cmpi ne, %convert_element_type3A, %cond3A : i32
    scf.if %cond3A_1 {
      %broadcast_in_dim3A_1207 = arith.constant 0xFF800000 : f32
      %broadcast_in_dim3A_1208 = vector.broadcast %broadcast_in_dim3A_1207 : f32 to vector<64x64xf32>
      %swap3A_1209 = arith.constant 0 : index
      %swap3A_1210 = arith.constant 0 : index
      %swap3A_1211 = vector.load %arg19[%swap3A_1209, %swap3A_1210] : memref<64x64xf32, #tpu.memory_space<vmem>>, vector<64x64xf32>
      tpu.vector_store %arg19[%swap3A_1209, %swap3A_1210], %broadcast_in_dim3A_1208 {strides = array<i32>} : memref<64x64xf32, #tpu.memory_space<vmem>>, vector<64x64xf32>,
      %broadcast_in_dim3A_1212 = arith.constant 0.000000e+00 : f32
      %broadcast_in_dim3A_1213 = vector.broadcast %broadcast_in_dim3A_1212 : f32 to vector<64x64xf32>
      %swap3A_1214 = arith.constant 0 : index
      %swap3A_1215 = arith.constant 0 : index
      %swap3A_1216 = vector.load %arg20[%swap3A_1214, %swap3A_1215] : memref<64x64xf32, #tpu.memory_space<vmem>>, vector<64x64xf32>
      tpu.vector_store %arg20[%swap3A_1214, %swap3A_1215], %broadcast_in_dim3A_1213 {strides = array<i32>} : memref<64x64xf32, #tpu.memory_space<vmem>>, vector<64x64xf32>,
    } else {
    }
    %get3A = arith.constant 0 : index
    %get3A_2 = arith.constant 0 : index
    %get3A_3 = vector.load %arg1[%get3A, %get3A_2] : memref<2000x16xf32, #tpu.memory_space<vmem>>, vector<2000x16xf32>
    %get3A_4 = arith.constant 0 : index
    %get3A_5 = arith.constant 0 : index
    %get3A_6 = vector.load %arg2[%get3A_4, %get3A_5] : memref<2000x16xf32, #tpu.memory_space<vmem>>, vector<2000x16xf32>
    %concatenate3A = tpu.concatenate %get3A_3, %get3A_6 in 1 : vector<2000x16xf32>, vector<2000x16xf32> -> vector<2000x32xf32>
    %get3A_7 = arith.constant 0 : index
    %get3A_8 = arith.constant 0 : index
    %get3A_9 = vector.load %arg3[%get3A_7, %get3A_8] : memref<2000x1xf32, #tpu.memory_space<vmem>>, vector<2000x1xf32>
    %div3A = vector.broadcast %get3A_9 : vector<2000x1xf32> to vector<2000x32xf32>
    %div3A_10 = arith.divf %concatenate3A, %div3A : vector<2000x32xf32>
    %get3A_11 = arith.constant 0 : index
    %get3A_12 = arith.constant 0 : index
    %get3A_13 = vector.load %arg4[%get3A_11, %get3A_12] : memref<2000x16xf32, #tpu.memory_space<vmem>>, vector<2000x16xf32>
    %get3A_14 = arith.constant 0 : index
    %get3A_15 = arith.constant 0 : index
    %get3A_16 = vector.load %arg5[%get3A_14, %get3A_15] : memref<2000x16xf32, #tpu.memory_space<vmem>>, vector<2000x16xf32>
    %concatenate3A_17 = tpu.concatenate %get3A_13, %get3A_16 in 1 : vector<2000x16xf32>, vector<2000x16xf32> -> vector<2000x32xf32>
    %get3A_18 = arith.constant 0 : index
    %get3A_19 = arith.constant 0 : index
    %get3A_20 = vector.load %arg9[%get3A_18, %get3A_19] : memref<32x64xf32, #tpu.memory_space<vmem>>, vector<32x64xf32>
    %dot_general3A = arith.constant dense<0.000000e+00> : vector<2000x64xf32>
    %dot_general3A_21 = tpu.matmul %div3A_10, %get3A_20, %dot_general3A {dimension_numbers = #tpu.dot_dimension_numbers<[1], [0], [0], [1], [0, 0, 1, 1], [], []>, transpose_lhs_hint = false} : vector<2000x32xf32>, vector<32x64xf32>, vector<2000x64xf32> -> vector<2000x64xf32>
    %get3A_22 = arith.constant 0 : index
    %get3A_23 = arith.constant 0 : index
    %get3A_24 = vector.load %arg10[%get3A_22, %get3A_23] : memref<1x64xf32, #tpu.memory_space<vmem>>, vector<1x64xf32>
    %add3A = vector.broadcast %get3A_24 : vector<1x64xf32> to vector<2000x64xf32>
    %add3A_25 = arith.addf %dot_general3A_21, %add3A : vector<2000x64xf32>
    %get3A_26 = arith.constant 0 : index
    %get3A_27 = arith.constant 0 : index
    %get3A_28 = vector.load %arg11[%get3A_26, %get3A_27] : memref<32x64xf32, #tpu.memory_space<vmem>>, vector<32x64xf32>
    %dot_general3A_29 = arith.constant dense<0.000000e+00> : vector<2000x64xf32>
    %dot_general3A_30 = tpu.matmul %concatenate3A_17, %get3A_28, %dot_general3A_29 {dimension_numbers = #tpu.dot_dimension_numbers<[1], [0], [0], [1], [0, 0, 1, 1], [], []>, transpose_lhs_hint = false} : vector<2000x32xf32>, vector<32x64xf32>, vector<2000x64xf32> -> vector<2000x64xf32>
    %add3A_31 = arith.addf %add3A_25, %dot_general3A_30 : vector<2000x64xf32>
    %max3A = arith.constant 0.000000e+00 : f32
    %max3A_32 = vector.broadcast %max3A : f32 to vector<2000x64xf32>
    %max3A_33 = arith.maximumf %add3A_31, %max3A_32 : vector<2000x64xf32>
    %get3A_34 = arith.constant 0 : index
    %get3A_35 = arith.constant 0 : index
    %get3A_36 = arith.constant 0 : index
    %get3A_37 = vector.load %arg6[%get3A_34, %get3A_35, %get3A_36] : memref<1x1x2000xi32, #tpu.memory_space<vmem>>, vector<1x1x2000xi32>
    %get3A_38 = vector.shape_cast %get3A_37 : vector<1x1x2000xi32> to vector<1x2000xi32>
    %iota3A = tpu.iota {dimensions = array<i32: 0>} : vector<64x2000xi32>
    %eq3A_39 = vector.broadcast %get3A_38 : vector<1x2000xi32> to vector<64x2000xi32>
    %eq3A_40 = arith.cmpi eq, %iota3A, %eq3A_39 : vector<64x2000xi32>
    %convert_element_type3A_41 = arith.extui %eq3A_40 : vector<64x2000xi1> to vector<64x2000xi32>
    %convert_element_type3A_42 = arith.sitofp %convert_element_type3A_41 : vector<64x2000xi32> to vector<64x2000xf32>
    %get3A_43 = arith.constant 0 : index
    %get3A_44 = arith.constant 0 : index
    %get3A_45 = vector.load %arg20[%get3A_43, %get3A_44] : memref<64x64xf32, #tpu.memory_space<vmem>>, vector<64x64xf32>
    %dot_general3A_46 = arith.constant dense<0.000000e+00> : vector<64x64xf32>
    %dot_general3A_47 = tpu.matmul %convert_element_type3A_42, %max3A_33, %dot_general3A_46 {dimension_numbers = #tpu.dot_dimension_numbers<[1], [0], [0], [1], [0, 0, 1, 1], [], []>, precision = #tpu.contract_precision<fp32>, transpose_lhs_hint = false} : vector<64x2000xf32>, vector<2000x64xf32>, vector<64x64xf32> -> vector<64x64xf32>
    %add3A_48 = arith.addf %get3A_45, %dot_general3A_47 : vector<64x64xf32>
    %swap3A = arith.constant 0 : index
    %swap3A_49 = arith.constant 0 : index
    %swap3A_50 = vector.load %arg20[%swap3A, %swap3A_49] : memref<64x64xf32, #tpu.memory_space<vmem>>, vector<64x64xf32>
    tpu.vector_store %arg20[%swap3A, %swap3A_49], %add3A_48 {strides = array<i32>} : memref<64x64xf32, #tpu.memory_space<vmem>>, vector<64x64xf32>,
    %get3A_51 = arith.constant 0 : index
    %get3A_52 = arith.constant 0 : index
    %get3A_53 = vector.load %arg7[%get3A_51, %get3A_52] : memref<2000x1xi32, #tpu.memory_space<vmem>>, vector<2000x1xi32>
    %eq3A_54 = arith.constant 0 : i32
    %eq3A_55 = vector.broadcast %eq3A_54 : i32 to vector<2000x1xi32>
    %eq3A_56 = arith.cmpi eq, %get3A_53, %eq3A_55 : vector<2000x1xi32>
    %jit3A = arith.constant 0xFF800000 : f32
    %broadcast_in_dim3A = vector.shape_cast %eq3A_56 : vector<2000x1xi1> to vector<2000x1xi1>
    %broadcast_in_dim3A_57 = vector.broadcast %broadcast_in_dim3A : vector<2000x1xi1> to vector<2000x64xi1>
    %broadcast_in_dim3A_58 = vector.broadcast %jit3A : f32 to vector<2000x64xf32>
    %select_n3A = arith.select %broadcast_in_dim3A_57, %max3A_33, %broadcast_in_dim3A_58 : vector<2000x64xi1>, vector<2000x64xf32>
    %reduce_max3A = arith.constant dense<0xFF800000> : vector<64xf32>
    %reduce_max3A_59 = vector.multi_reduction <maximumf>, %select_n3A, %reduce_max3A [0] : vector<2000x64xf32> to vector<64xf32>
    %broadcast_in_dim3A_60 = vector.shape_cast %reduce_max3A_59 : vector<64xf32> to vector<1x64xf32>
    %get3A_61 = arith.constant 0 : index
    %get3A_62 = arith.constant 0 : index
    %get3A_63 = vector.load %arg19[%get3A_61, %get3A_62] : memref<64x64xf32, #tpu.memory_space<vmem>>, vector<1x64xf32>
    %max3A_64 = arith.maximumf %get3A_63, %broadcast_in_dim3A_60 : vector<1x64xf32>
    %swap3A_65 = arith.constant 0 : index
    %swap3A_66 = arith.constant 0 : index
    %swap3A_67 = vector.load %arg19[%swap3A_65, %swap3A_66] : memref<64x64xf32, #tpu.memory_space<vmem>>, vector<1x64xf32>
    tpu.vector_store %arg19[%swap3A_65, %swap3A_66], %max3A_64 {strides = array<i32>} : memref<64x64xf32, #tpu.memory_space<vmem>>, vector<1x64xf32>,
    %eq3A_68 = arith.constant 1 : i32
    %eq3A_69 = vector.broadcast %eq3A_68 : i32 to vector<2000x1xi32>
    %eq3A_70 = arith.cmpi eq, %get3A_53, %eq3A_69 : vector<2000x1xi32>
    %jit3A_71 = arith.constant 0xFF800000 : f32
    %broadcast_in_dim3A_72 = vector.shape_cast %eq3A_70 : vector<2000x1xi1> to vector<2000x1xi1>
    %broadcast_in_dim3A_73 = vector.broadcast %broadcast_in_dim3A_72 : vector<2000x1xi1> to vector<2000x64xi1>
    %broadcast_in_dim3A_74 = vector.broadcast %jit3A_71 : f32 to vector<2000x64xf32>
    %select_n3A_75 = arith.select %broadcast_in_dim3A_73, %max3A_33, %broadcast_in_dim3A_74 : vector<2000x64xi1>, vector<2000x64xf32>
    %reduce_max3A_76 = arith.constant dense<0xFF800000> : vector<64xf32>
    %reduce_max3A_77 = vector.multi_reduction <maximumf>, %select_n3A_75, %reduce_max3A_76 [0] : vector<2000x64xf32> to vector<64xf32>
    %broadcast_in_dim3A_78 = vector.shape_cast %reduce_max3A_77 : vector<64xf32> to vector<1x64xf32>
    %get3A_79 = arith.constant 1 : index
    %get3A_80 = arith.constant 0 : index
    %get3A_81 = vector.load %arg19[%get3A_79, %get3A_80] : memref<64x64xf32, #tpu.memory_space<vmem>>, vector<1x64xf32>
    %max3A_82 = arith.maximumf %get3A_81, %broadcast_in_dim3A_78 : vector<1x64xf32>
    %swap3A_83 = arith.constant 1 : index
    %swap3A_84 = arith.constant 0 : index
    %swap3A_85 = vector.load %arg19[%swap3A_83, %swap3A_84] : memref<64x64xf32, #tpu.memory_space<vmem>>, vector<1x64xf32>
    tpu.vector_store %arg19[%swap3A_83, %swap3A_84], %max3A_82 {strides = array<i32>} : memref<64x64xf32, #tpu.memory_space<vmem>>, vector<1x64xf32>,
    %eq3A_86 = arith.constant 2 : i32
    %eq3A_87 = vector.broadcast %eq3A_86 : i32 to vector<2000x1xi32>
    %eq3A_88 = arith.cmpi eq, %get3A_53, %eq3A_87 : vector<2000x1xi32>
    %jit3A_89 = arith.constant 0xFF800000 : f32
    %broadcast_in_dim3A_90 = vector.shape_cast %eq3A_88 : vector<2000x1xi1> to vector<2000x1xi1>
    %broadcast_in_dim3A_91 = vector.broadcast %broadcast_in_dim3A_90 : vector<2000x1xi1> to vector<2000x64xi1>
    %broadcast_in_dim3A_92 = vector.broadcast %jit3A_89 : f32 to vector<2000x64xf32>
    %select_n3A_93 = arith.select %broadcast_in_dim3A_91, %max3A_33, %broadcast_in_dim3A_92 : vector<2000x64xi1>, vector<2000x64xf32>
    %reduce_max3A_94 = arith.constant dense<0xFF800000> : vector<64xf32>
    %reduce_max3A_95 = vector.multi_reduction <maximumf>, %select_n3A_93, %reduce_max3A_94 [0] : vector<2000x64xf32> to vector<64xf32>
    %broadcast_in_dim3A_96 = vector.shape_cast %reduce_max3A_95 : vector<64xf32> to vector<1x64xf32>
    %get3A_97 = arith.constant 2 : index
    %get3A_98 = arith.constant 0 : index
    %get3A_99 = vector.load %arg19[%get3A_97, %get3A_98] : memref<64x64xf32, #tpu.memory_space<vmem>>, vector<1x64xf32>
    %max3A_100 = arith.maximumf %get3A_99, %broadcast_in_dim3A_96 : vector<1x64xf32>
    %swap3A_101 = arith.constant 2 : index
    %swap3A_102 = arith.constant 0 : index
    %swap3A_103 = vector.load %arg19[%swap3A_101, %swap3A_102] : memref<64x64xf32, #tpu.memory_space<vmem>>, vector<1x64xf32>
    tpu.vector_store %arg19[%swap3A_101, %swap3A_102], %max3A_100 {strides = array<i32>} : memref<64x64xf32, #tpu.memory_space<vmem>>, vector<1x64xf32>,
    %eq3A_104 = arith.constant 3 : i32
    %eq3A_105 = vector.broadcast %eq3A_104 : i32 to vector<2000x1xi32>
    %eq3A_106 = arith.cmpi eq, %get3A_53, %eq3A_105 : vector<2000x1xi32>
    %jit3A_107 = arith.constant 0xFF800000 : f32
    %broadcast_in_dim3A_108 = vector.shape_cast %eq3A_106 : vector<2000x1xi1> to vector<2000x1xi1>
    %broadcast_in_dim3A_109 = vector.broadcast %broadcast_in_dim3A_108 : vector<2000x1xi1> to vector<2000x64xi1>
    %broadcast_in_dim3A_110 = vector.broadcast %jit3A_107 : f32 to vector<2000x64xf32>
    %select_n3A_111 = arith.select %broadcast_in_dim3A_109, %max3A_33, %broadcast_in_dim3A_110 : vector<2000x64xi1>, vector<2000x64xf32>
    %reduce_max3A_112 = arith.constant dense<0xFF800000> : vector<64xf32>
    %reduce_max3A_113 = vector.multi_reduction <maximumf>, %select_n3A_111, %reduce_max3A_112 [0] : vector<2000x64xf32> to vector<64xf32>
    %broadcast_in_dim3A_114 = vector.shape_cast %reduce_max3A_113 : vector<64xf32> to vector<1x64xf32>
    %get3A_115 = arith.constant 3 : index
    %get3A_116 = arith.constant 0 : index
    %get3A_117 = vector.load %arg19[%get3A_115, %get3A_116] : memref<64x64xf32, #tpu.memory_space<vmem>>, vector<1x64xf32>
    %max3A_118 = arith.maximumf %get3A_117, %broadcast_in_dim3A_114 : vector<1x64xf32>
    %swap3A_119 = arith.constant 3 : index
    %swap3A_120 = arith.constant 0 : index
    %swap3A_121 = vector.load %arg19[%swap3A_119, %swap3A_120] : memref<64x64xf32, #tpu.memory_space<vmem>>, vector<1x64xf32>
    tpu.vector_store %arg19[%swap3A_119, %swap3A_120], %max3A_118 {strides = array<i32>} : memref<64x64xf32, #tpu.memory_space<vmem>>, vector<1x64xf32>,
    %eq3A_122 = arith.constant 4 : i32
    %eq3A_123 = vector.broadcast %eq3A_122 : i32 to vector<2000x1xi32>
    %eq3A_124 = arith.cmpi eq, %get3A_53, %eq3A_123 : vector<2000x1xi32>
    %jit3A_125 = arith.constant 0xFF800000 : f32
    %broadcast_in_dim3A_126 = vector.shape_cast %eq3A_124 : vector<2000x1xi1> to vector<2000x1xi1>
    %broadcast_in_dim3A_127 = vector.broadcast %broadcast_in_dim3A_126 : vector<2000x1xi1> to vector<2000x64xi1>
    %broadcast_in_dim3A_128 = vector.broadcast %jit3A_125 : f32 to vector<2000x64xf32>
    %select_n3A_129 = arith.select %broadcast_in_dim3A_127, %max3A_33, %broadcast_in_dim3A_128 : vector<2000x64xi1>, vector<2000x64xf32>
    %reduce_max3A_130 = arith.constant dense<0xFF800000> : vector<64xf32>
    %reduce_max3A_131 = vector.multi_reduction <maximumf>, %select_n3A_129, %reduce_max3A_130 [0] : vector<2000x64xf32> to vector<64xf32>
    %broadcast_in_dim3A_132 = vector.shape_cast %reduce_max3A_131 : vector<64xf32> to vector<1x64xf32>
    %get3A_133 = arith.constant 4 : index
    %get3A_134 = arith.constant 0 : index
    %get3A_135 = vector.load %arg19[%get3A_133, %get3A_134] : memref<64x64xf32, #tpu.memory_space<vmem>>, vector<1x64xf32>
    %max3A_136 = arith.maximumf %get3A_135, %broadcast_in_dim3A_132 : vector<1x64xf32>
    %swap3A_137 = arith.constant 4 : index
    %swap3A_138 = arith.constant 0 : index
    %swap3A_139 = vector.load %arg19[%swap3A_137, %swap3A_138] : memref<64x64xf32, #tpu.memory_space<vmem>>, vector<1x64xf32>
    tpu.vector_store %arg19[%swap3A_137, %swap3A_138], %max3A_136 {strides = array<i32>} : memref<64x64xf32, #tpu.memory_space<vmem>>, vector<1x64xf32>,
    %eq3A_140 = arith.constant 5 : i32
    %eq3A_141 = vector.broadcast %eq3A_140 : i32 to vector<2000x1xi32>
    %eq3A_142 = arith.cmpi eq, %get3A_53, %eq3A_141 : vector<2000x1xi32>
    %jit3A_143 = arith.constant 0xFF800000 : f32
    %broadcast_in_dim3A_144 = vector.shape_cast %eq3A_142 : vector<2000x1xi1> to vector<2000x1xi1>
    %broadcast_in_dim3A_145 = vector.broadcast %broadcast_in_dim3A_144 : vector<2000x1xi1> to vector<2000x64xi1>
    %broadcast_in_dim3A_146 = vector.broadcast %jit3A_143 : f32 to vector<2000x64xf32>
    %select_n3A_147 = arith.select %broadcast_in_dim3A_145, %max3A_33, %broadcast_in_dim3A_146 : vector<2000x64xi1>, vector<2000x64xf32>
    %reduce_max3A_148 = arith.constant dense<0xFF800000> : vector<64xf32>
    %reduce_max3A_149 = vector.multi_reduction <maximumf>, %select_n3A_147, %reduce_max3A_148 [0] : vector<2000x64xf32> to vector<64xf32>
    %broadcast_in_dim3A_150 = vector.shape_cast %reduce_max3A_149 : vector<64xf32> to vector<1x64xf32>
    %get3A_151 = arith.constant 5 : index
    %get3A_152 = arith.constant 0 : index
    %get3A_153 = vector.load %arg19[%get3A_151, %get3A_152] : memref<64x64xf32, #tpu.memory_space<vmem>>, vector<1x64xf32>
    %max3A_154 = arith.maximumf %get3A_153, %broadcast_in_dim3A_150 : vector<1x64xf32>
    %swap3A_155 = arith.constant 5 : index
    %swap3A_156 = arith.constant 0 : index
    %swap3A_157 = vector.load %arg19[%swap3A_155, %swap3A_156] : memref<64x64xf32, #tpu.memory_space<vmem>>, vector<1x64xf32>
    tpu.vector_store %arg19[%swap3A_155, %swap3A_156], %max3A_154 {strides = array<i32>} : memref<64x64xf32, #tpu.memory_space<vmem>>, vector<1x64xf32>,
    %eq3A_158 = arith.constant 6 : i32
    %eq3A_159 = vector.broadcast %eq3A_158 : i32 to vector<2000x1xi32>
    %eq3A_160 = arith.cmpi eq, %get3A_53, %eq3A_159 : vector<2000x1xi32>
    %jit3A_161 = arith.constant 0xFF800000 : f32
    %broadcast_in_dim3A_162 = vector.shape_cast %eq3A_160 : vector<2000x1xi1> to vector<2000x1xi1>
    %broadcast_in_dim3A_163 = vector.broadcast %broadcast_in_dim3A_162 : vector<2000x1xi1> to vector<2000x64xi1>
    %broadcast_in_dim3A_164 = vector.broadcast %jit3A_161 : f32 to vector<2000x64xf32>
    %select_n3A_165 = arith.select %broadcast_in_dim3A_163, %max3A_33, %broadcast_in_dim3A_164 : vector<2000x64xi1>, vector<2000x64xf32>
    %reduce_max3A_166 = arith.constant dense<0xFF800000> : vector<64xf32>
    %reduce_max3A_167 = vector.multi_reduction <maximumf>, %select_n3A_165, %reduce_max3A_166 [0] : vector<2000x64xf32> to vector<64xf32>
    %broadcast_in_dim3A_168 = vector.shape_cast %reduce_max3A_167 : vector<64xf32> to vector<1x64xf32>
    %get3A_169 = arith.constant 6 : index
    %get3A_170 = arith.constant 0 : index
    %get3A_171 = vector.load %arg19[%get3A_169, %get3A_170] : memref<64x64xf32, #tpu.memory_space<vmem>>, vector<1x64xf32>
    %max3A_172 = arith.maximumf %get3A_171, %broadcast_in_dim3A_168 : vector<1x64xf32>
    %swap3A_173 = arith.constant 6 : index
    %swap3A_174 = arith.constant 0 : index
    %swap3A_175 = vector.load %arg19[%swap3A_173, %swap3A_174] : memref<64x64xf32, #tpu.memory_space<vmem>>, vector<1x64xf32>
    tpu.vector_store %arg19[%swap3A_173, %swap3A_174], %max3A_172 {strides = array<i32>} : memref<64x64xf32, #tpu.memory_space<vmem>>, vector<1x64xf32>,
    %eq3A_176 = arith.constant 7 : i32
    %eq3A_177 = vector.broadcast %eq3A_176 : i32 to vector<2000x1xi32>
    %eq3A_178 = arith.cmpi eq, %get3A_53, %eq3A_177 : vector<2000x1xi32>
    %jit3A_179 = arith.constant 0xFF800000 : f32
    %broadcast_in_dim3A_180 = vector.shape_cast %eq3A_178 : vector<2000x1xi1> to vector<2000x1xi1>
    %broadcast_in_dim3A_181 = vector.broadcast %broadcast_in_dim3A_180 : vector<2000x1xi1> to vector<2000x64xi1>
    %broadcast_in_dim3A_182 = vector.broadcast %jit3A_179 : f32 to vector<2000x64xf32>
    %select_n3A_183 = arith.select %broadcast_in_dim3A_181, %max3A_33, %broadcast_in_dim3A_182 : vector<2000x64xi1>, vector<2000x64xf32>
    %reduce_max3A_184 = arith.constant dense<0xFF800000> : vector<64xf32>
    %reduce_max3A_185 = vector.multi_reduction <maximumf>, %select_n3A_183, %reduce_max3A_184 [0] : vector<2000x64xf32> to vector<64xf32>
    %broadcast_in_dim3A_186 = vector.shape_cast %reduce_max3A_185 : vector<64xf32> to vector<1x64xf32>
    %get3A_187 = arith.constant 7 : index
    %get3A_188 = arith.constant 0 : index
    %get3A_189 = vector.load %arg19[%get3A_187, %get3A_188] : memref<64x64xf32, #tpu.memory_space<vmem>>, vector<1x64xf32>
    %max3A_190 = arith.maximumf %get3A_189, %broadcast_in_dim3A_186 : vector<1x64xf32>
    %swap3A_191 = arith.constant 7 : index
    %swap3A_192 = arith.constant 0 : index
    %swap3A_193 = vector.load %arg19[%swap3A_191, %swap3A_192] : memref<64x64xf32, #tpu.memory_space<vmem>>, vector<1x64xf32>
    tpu.vector_store %arg19[%swap3A_191, %swap3A_192], %max3A_190 {strides = array<i32>} : memref<64x64xf32, #tpu.memory_space<vmem>>, vector<1x64xf32>,
    %eq3A_194 = arith.constant 8 : i32
    %eq3A_195 = vector.broadcast %eq3A_194 : i32 to vector<2000x1xi32>
    %eq3A_196 = arith.cmpi eq, %get3A_53, %eq3A_195 : vector<2000x1xi32>
    %jit3A_197 = arith.constant 0xFF800000 : f32
    %broadcast_in_dim3A_198 = vector.shape_cast %eq3A_196 : vector<2000x1xi1> to vector<2000x1xi1>
    %broadcast_in_dim3A_199 = vector.broadcast %broadcast_in_dim3A_198 : vector<2000x1xi1> to vector<2000x64xi1>
    %broadcast_in_dim3A_200 = vector.broadcast %jit3A_197 : f32 to vector<2000x64xf32>
    %select_n3A_201 = arith.select %broadcast_in_dim3A_199, %max3A_33, %broadcast_in_dim3A_200 : vector<2000x64xi1>, vector<2000x64xf32>
    %reduce_max3A_202 = arith.constant dense<0xFF800000> : vector<64xf32>
    %reduce_max3A_203 = vector.multi_reduction <maximumf>, %select_n3A_201, %reduce_max3A_202 [0] : vector<2000x64xf32> to vector<64xf32>
    %broadcast_in_dim3A_204 = vector.shape_cast %reduce_max3A_203 : vector<64xf32> to vector<1x64xf32>
    %get3A_205 = arith.constant 8 : index
    %get3A_206 = arith.constant 0 : index
    %get3A_207 = vector.load %arg19[%get3A_205, %get3A_206] : memref<64x64xf32, #tpu.memory_space<vmem>>, vector<1x64xf32>
    %max3A_208 = arith.maximumf %get3A_207, %broadcast_in_dim3A_204 : vector<1x64xf32>
    %swap3A_209 = arith.constant 8 : index
    %swap3A_210 = arith.constant 0 : index
    %swap3A_211 = vector.load %arg19[%swap3A_209, %swap3A_210] : memref<64x64xf32, #tpu.memory_space<vmem>>, vector<1x64xf32>
    tpu.vector_store %arg19[%swap3A_209, %swap3A_210], %max3A_208 {strides = array<i32>} : memref<64x64xf32, #tpu.memory_space<vmem>>, vector<1x64xf32>,
    %eq3A_212 = arith.constant 9 : i32
    %eq3A_213 = vector.broadcast %eq3A_212 : i32 to vector<2000x1xi32>
    %eq3A_214 = arith.cmpi eq, %get3A_53, %eq3A_213 : vector<2000x1xi32>
    %jit3A_215 = arith.constant 0xFF800000 : f32
    %broadcast_in_dim3A_216 = vector.shape_cast %eq3A_214 : vector<2000x1xi1> to vector<2000x1xi1>
    %broadcast_in_dim3A_217 = vector.broadcast %broadcast_in_dim3A_216 : vector<2000x1xi1> to vector<2000x64xi1>
    %broadcast_in_dim3A_218 = vector.broadcast %jit3A_215 : f32 to vector<2000x64xf32>
    %select_n3A_219 = arith.select %broadcast_in_dim3A_217, %max3A_33, %broadcast_in_dim3A_218 : vector<2000x64xi1>, vector<2000x64xf32>
    %reduce_max3A_220 = arith.constant dense<0xFF800000> : vector<64xf32>
    %reduce_max3A_221 = vector.multi_reduction <maximumf>, %select_n3A_219, %reduce_max3A_220 [0] : vector<2000x64xf32> to vector<64xf32>
    %broadcast_in_dim3A_222 = vector.shape_cast %reduce_max3A_221 : vector<64xf32> to vector<1x64xf32>
    %get3A_223 = arith.constant 9 : index
    %get3A_224 = arith.constant 0 : index
    %get3A_225 = vector.load %arg19[%get3A_223, %get3A_224] : memref<64x64xf32, #tpu.memory_space<vmem>>, vector<1x64xf32>
    %max3A_226 = arith.maximumf %get3A_225, %broadcast_in_dim3A_222 : vector<1x64xf32>
    %swap3A_227 = arith.constant 9 : index
    %swap3A_228 = arith.constant 0 : index
    %swap3A_229 = vector.load %arg19[%swap3A_227, %swap3A_228] : memref<64x64xf32, #tpu.memory_space<vmem>>, vector<1x64xf32>
    tpu.vector_store %arg19[%swap3A_227, %swap3A_228], %max3A_226 {strides = array<i32>} : memref<64x64xf32, #tpu.memory_space<vmem>>, vector<1x64xf32>,
    %eq3A_230 = arith.constant 10 : i32
    %eq3A_231 = vector.broadcast %eq3A_230 : i32 to vector<2000x1xi32>
    %eq3A_232 = arith.cmpi eq, %get3A_53, %eq3A_231 : vector<2000x1xi32>
    %jit3A_233 = arith.constant 0xFF800000 : f32
    %broadcast_in_dim3A_234 = vector.shape_cast %eq3A_232 : vector<2000x1xi1> to vector<2000x1xi1>
    %broadcast_in_dim3A_235 = vector.broadcast %broadcast_in_dim3A_234 : vector<2000x1xi1> to vector<2000x64xi1>
    %broadcast_in_dim3A_236 = vector.broadcast %jit3A_233 : f32 to vector<2000x64xf32>
    %select_n3A_237 = arith.select %broadcast_in_dim3A_235, %max3A_33, %broadcast_in_dim3A_236 : vector<2000x64xi1>, vector<2000x64xf32>
    %reduce_max3A_238 = arith.constant dense<0xFF800000> : vector<64xf32>
    %reduce_max3A_239 = vector.multi_reduction <maximumf>, %select_n3A_237, %reduce_max3A_238 [0] : vector<2000x64xf32> to vector<64xf32>
    %broadcast_in_dim3A_240 = vector.shape_cast %reduce_max3A_239 : vector<64xf32> to vector<1x64xf32>
    %get3A_241 = arith.constant 10 : index
    %get3A_242 = arith.constant 0 : index
    %get3A_243 = vector.load %arg19[%get3A_241, %get3A_242] : memref<64x64xf32, #tpu.memory_space<vmem>>, vector<1x64xf32>
    %max3A_244 = arith.maximumf %get3A_243, %broadcast_in_dim3A_240 : vector<1x64xf32>
    %swap3A_245 = arith.constant 10 : index
    %swap3A_246 = arith.constant 0 : index
    %swap3A_247 = vector.load %arg19[%swap3A_245, %swap3A_246] : memref<64x64xf32, #tpu.memory_space<vmem>>, vector<1x64xf32>
    tpu.vector_store %arg19[%swap3A_245, %swap3A_246], %max3A_244 {strides = array<i32>} : memref<64x64xf32, #tpu.memory_space<vmem>>, vector<1x64xf32>,
    %eq3A_248 = arith.constant 11 : i32
    %eq3A_249 = vector.broadcast %eq3A_248 : i32 to vector<2000x1xi32>
    %eq3A_250 = arith.cmpi eq, %get3A_53, %eq3A_249 : vector<2000x1xi32>
    %jit3A_251 = arith.constant 0xFF800000 : f32
    %broadcast_in_dim3A_252 = vector.shape_cast %eq3A_250 : vector<2000x1xi1> to vector<2000x1xi1>
    %broadcast_in_dim3A_253 = vector.broadcast %broadcast_in_dim3A_252 : vector<2000x1xi1> to vector<2000x64xi1>
    %broadcast_in_dim3A_254 = vector.broadcast %jit3A_251 : f32 to vector<2000x64xf32>
    %select_n3A_255 = arith.select %broadcast_in_dim3A_253, %max3A_33, %broadcast_in_dim3A_254 : vector<2000x64xi1>, vector<2000x64xf32>
    %reduce_max3A_256 = arith.constant dense<0xFF800000> : vector<64xf32>
    %reduce_max3A_257 = vector.multi_reduction <maximumf>, %select_n3A_255, %reduce_max3A_256 [0] : vector<2000x64xf32> to vector<64xf32>
    %broadcast_in_dim3A_258 = vector.shape_cast %reduce_max3A_257 : vector<64xf32> to vector<1x64xf32>
    %get3A_259 = arith.constant 11 : index
    %get3A_260 = arith.constant 0 : index
    %get3A_261 = vector.load %arg19[%get3A_259, %get3A_260] : memref<64x64xf32, #tpu.memory_space<vmem>>, vector<1x64xf32>
    %max3A_262 = arith.maximumf %get3A_261, %broadcast_in_dim3A_258 : vector<1x64xf32>
    %swap3A_263 = arith.constant 11 : index
    %swap3A_264 = arith.constant 0 : index
    %swap3A_265 = vector.load %arg19[%swap3A_263, %swap3A_264] : memref<64x64xf32, #tpu.memory_space<vmem>>, vector<1x64xf32>
    tpu.vector_store %arg19[%swap3A_263, %swap3A_264], %max3A_262 {strides = array<i32>} : memref<64x64xf32, #tpu.memory_space<vmem>>, vector<1x64xf32>,
    %eq3A_266 = arith.constant 12 : i32
    %eq3A_267 = vector.broadcast %eq3A_266 : i32 to vector<2000x1xi32>
    %eq3A_268 = arith.cmpi eq, %get3A_53, %eq3A_267 : vector<2000x1xi32>
    %jit3A_269 = arith.constant 0xFF800000 : f32
    %broadcast_in_dim3A_270 = vector.shape_cast %eq3A_268 : vector<2000x1xi1> to vector<2000x1xi1>
    %broadcast_in_dim3A_271 = vector.broadcast %broadcast_in_dim3A_270 : vector<2000x1xi1> to vector<2000x64xi1>
    %broadcast_in_dim3A_272 = vector.broadcast %jit3A_269 : f32 to vector<2000x64xf32>
    %select_n3A_273 = arith.select %broadcast_in_dim3A_271, %max3A_33, %broadcast_in_dim3A_272 : vector<2000x64xi1>, vector<2000x64xf32>
    %reduce_max3A_274 = arith.constant dense<0xFF800000> : vector<64xf32>
    %reduce_max3A_275 = vector.multi_reduction <maximumf>, %select_n3A_273, %reduce_max3A_274 [0] : vector<2000x64xf32> to vector<64xf32>
    %broadcast_in_dim3A_276 = vector.shape_cast %reduce_max3A_275 : vector<64xf32> to vector<1x64xf32>
    %get3A_277 = arith.constant 12 : index
    %get3A_278 = arith.constant 0 : index
    %get3A_279 = vector.load %arg19[%get3A_277, %get3A_278] : memref<64x64xf32, #tpu.memory_space<vmem>>, vector<1x64xf32>
    %max3A_280 = arith.maximumf %get3A_279, %broadcast_in_dim3A_276 : vector<1x64xf32>
    %swap3A_281 = arith.constant 12 : index
    %swap3A_282 = arith.constant 0 : index
    %swap3A_283 = vector.load %arg19[%swap3A_281, %swap3A_282] : memref<64x64xf32, #tpu.memory_space<vmem>>, vector<1x64xf32>
    tpu.vector_store %arg19[%swap3A_281, %swap3A_282], %max3A_280 {strides = array<i32>} : memref<64x64xf32, #tpu.memory_space<vmem>>, vector<1x64xf32>,
    %eq3A_284 = arith.constant 13 : i32
    %eq3A_285 = vector.broadcast %eq3A_284 : i32 to vector<2000x1xi32>
    %eq3A_286 = arith.cmpi eq, %get3A_53, %eq3A_285 : vector<2000x1xi32>
    %jit3A_287 = arith.constant 0xFF800000 : f32
    %broadcast_in_dim3A_288 = vector.shape_cast %eq3A_286 : vector<2000x1xi1> to vector<2000x1xi1>
    %broadcast_in_dim3A_289 = vector.broadcast %broadcast_in_dim3A_288 : vector<2000x1xi1> to vector<2000x64xi1>
    %broadcast_in_dim3A_290 = vector.broadcast %jit3A_287 : f32 to vector<2000x64xf32>
    %select_n3A_291 = arith.select %broadcast_in_dim3A_289, %max3A_33, %broadcast_in_dim3A_290 : vector<2000x64xi1>, vector<2000x64xf32>
    %reduce_max3A_292 = arith.constant dense<0xFF800000> : vector<64xf32>
    %reduce_max3A_293 = vector.multi_reduction <maximumf>, %select_n3A_291, %reduce_max3A_292 [0] : vector<2000x64xf32> to vector<64xf32>
    %broadcast_in_dim3A_294 = vector.shape_cast %reduce_max3A_293 : vector<64xf32> to vector<1x64xf32>
    %get3A_295 = arith.constant 13 : index
    %get3A_296 = arith.constant 0 : index
    %get3A_297 = vector.load %arg19[%get3A_295, %get3A_296] : memref<64x64xf32, #tpu.memory_space<vmem>>, vector<1x64xf32>
    %max3A_298 = arith.maximumf %get3A_297, %broadcast_in_dim3A_294 : vector<1x64xf32>
    %swap3A_299 = arith.constant 13 : index
    %swap3A_300 = arith.constant 0 : index
    %swap3A_301 = vector.load %arg19[%swap3A_299, %swap3A_300] : memref<64x64xf32, #tpu.memory_space<vmem>>, vector<1x64xf32>
    tpu.vector_store %arg19[%swap3A_299, %swap3A_300], %max3A_298 {strides = array<i32>} : memref<64x64xf32, #tpu.memory_space<vmem>>, vector<1x64xf32>,
    %eq3A_302 = arith.constant 14 : i32
    %eq3A_303 = vector.broadcast %eq3A_302 : i32 to vector<2000x1xi32>
    %eq3A_304 = arith.cmpi eq, %get3A_53, %eq3A_303 : vector<2000x1xi32>
    %jit3A_305 = arith.constant 0xFF800000 : f32
    %broadcast_in_dim3A_306 = vector.shape_cast %eq3A_304 : vector<2000x1xi1> to vector<2000x1xi1>
    %broadcast_in_dim3A_307 = vector.broadcast %broadcast_in_dim3A_306 : vector<2000x1xi1> to vector<2000x64xi1>
    %broadcast_in_dim3A_308 = vector.broadcast %jit3A_305 : f32 to vector<2000x64xf32>
    %select_n3A_309 = arith.select %broadcast_in_dim3A_307, %max3A_33, %broadcast_in_dim3A_308 : vector<2000x64xi1>, vector<2000x64xf32>
    %reduce_max3A_310 = arith.constant dense<0xFF800000> : vector<64xf32>
    %reduce_max3A_311 = vector.multi_reduction <maximumf>, %select_n3A_309, %reduce_max3A_310 [0] : vector<2000x64xf32> to vector<64xf32>
    %broadcast_in_dim3A_312 = vector.shape_cast %reduce_max3A_311 : vector<64xf32> to vector<1x64xf32>
    %get3A_313 = arith.constant 14 : index
    %get3A_314 = arith.constant 0 : index
    %get3A_315 = vector.load %arg19[%get3A_313, %get3A_314] : memref<64x64xf32, #tpu.memory_space<vmem>>, vector<1x64xf32>
    %max3A_316 = arith.maximumf %get3A_315, %broadcast_in_dim3A_312 : vector<1x64xf32>
    %swap3A_317 = arith.constant 14 : index
    %swap3A_318 = arith.constant 0 : index
    %swap3A_319 = vector.load %arg19[%swap3A_317, %swap3A_318] : memref<64x64xf32, #tpu.memory_space<vmem>>, vector<1x64xf32>
    tpu.vector_store %arg19[%swap3A_317, %swap3A_318], %max3A_316 {strides = array<i32>} : memref<64x64xf32, #tpu.memory_space<vmem>>, vector<1x64xf32>,
    %eq3A_320 = arith.constant 15 : i32
    %eq3A_321 = vector.broadcast %eq3A_320 : i32 to vector<2000x1xi32>
    %eq3A_322 = arith.cmpi eq, %get3A_53, %eq3A_321 : vector<2000x1xi32>
    %jit3A_323 = arith.constant 0xFF800000 : f32
    %broadcast_in_dim3A_324 = vector.shape_cast %eq3A_322 : vector<2000x1xi1> to vector<2000x1xi1>
    %broadcast_in_dim3A_325 = vector.broadcast %broadcast_in_dim3A_324 : vector<2000x1xi1> to vector<2000x64xi1>
    %broadcast_in_dim3A_326 = vector.broadcast %jit3A_323 : f32 to vector<2000x64xf32>
    %select_n3A_327 = arith.select %broadcast_in_dim3A_325, %max3A_33, %broadcast_in_dim3A_326 : vector<2000x64xi1>, vector<2000x64xf32>
    %reduce_max3A_328 = arith.constant dense<0xFF800000> : vector<64xf32>
    %reduce_max3A_329 = vector.multi_reduction <maximumf>, %select_n3A_327, %reduce_max3A_328 [0] : vector<2000x64xf32> to vector<64xf32>
    %broadcast_in_dim3A_330 = vector.shape_cast %reduce_max3A_329 : vector<64xf32> to vector<1x64xf32>
    %get3A_331 = arith.constant 15 : index
    %get3A_332 = arith.constant 0 : index
    %get3A_333 = vector.load %arg19[%get3A_331, %get3A_332] : memref<64x64xf32, #tpu.memory_space<vmem>>, vector<1x64xf32>
    %max3A_334 = arith.maximumf %get3A_333, %broadcast_in_dim3A_330 : vector<1x64xf32>
    %swap3A_335 = arith.constant 15 : index
    %swap3A_336 = arith.constant 0 : index
    %swap3A_337 = vector.load %arg19[%swap3A_335, %swap3A_336] : memref<64x64xf32, #tpu.memory_space<vmem>>, vector<1x64xf32>
    tpu.vector_store %arg19[%swap3A_335, %swap3A_336], %max3A_334 {strides = array<i32>} : memref<64x64xf32, #tpu.memory_space<vmem>>, vector<1x64xf32>,
    %eq3A_338 = arith.constant 16 : i32
    %eq3A_339 = vector.broadcast %eq3A_338 : i32 to vector<2000x1xi32>
    %eq3A_340 = arith.cmpi eq, %get3A_53, %eq3A_339 : vector<2000x1xi32>
    %jit3A_341 = arith.constant 0xFF800000 : f32
    %broadcast_in_dim3A_342 = vector.shape_cast %eq3A_340 : vector<2000x1xi1> to vector<2000x1xi1>
    %broadcast_in_dim3A_343 = vector.broadcast %broadcast_in_dim3A_342 : vector<2000x1xi1> to vector<2000x64xi1>
    %broadcast_in_dim3A_344 = vector.broadcast %jit3A_341 : f32 to vector<2000x64xf32>
    %select_n3A_345 = arith.select %broadcast_in_dim3A_343, %max3A_33, %broadcast_in_dim3A_344 : vector<2000x64xi1>, vector<2000x64xf32>
    %reduce_max3A_346 = arith.constant dense<0xFF800000> : vector<64xf32>
    %reduce_max3A_347 = vector.multi_reduction <maximumf>, %select_n3A_345, %reduce_max3A_346 [0] : vector<2000x64xf32> to vector<64xf32>
    %broadcast_in_dim3A_348 = vector.shape_cast %reduce_max3A_347 : vector<64xf32> to vector<1x64xf32>
    %get3A_349 = arith.constant 16 : index
    %get3A_350 = arith.constant 0 : index
    %get3A_351 = vector.load %arg19[%get3A_349, %get3A_350] : memref<64x64xf32, #tpu.memory_space<vmem>>, vector<1x64xf32>
    %max3A_352 = arith.maximumf %get3A_351, %broadcast_in_dim3A_348 : vector<1x64xf32>
    %swap3A_353 = arith.constant 16 : index
    %swap3A_354 = arith.constant 0 : index
    %swap3A_355 = vector.load %arg19[%swap3A_353, %swap3A_354] : memref<64x64xf32, #tpu.memory_space<vmem>>, vector<1x64xf32>
    tpu.vector_store %arg19[%swap3A_353, %swap3A_354], %max3A_352 {strides = array<i32>} : memref<64x64xf32, #tpu.memory_space<vmem>>, vector<1x64xf32>,
    %eq3A_356 = arith.constant 17 : i32
    %eq3A_357 = vector.broadcast %eq3A_356 : i32 to vector<2000x1xi32>
    %eq3A_358 = arith.cmpi eq, %get3A_53, %eq3A_357 : vector<2000x1xi32>
    %jit3A_359 = arith.constant 0xFF800000 : f32
    %broadcast_in_dim3A_360 = vector.shape_cast %eq3A_358 : vector<2000x1xi1> to vector<2000x1xi1>
    %broadcast_in_dim3A_361 = vector.broadcast %broadcast_in_dim3A_360 : vector<2000x1xi1> to vector<2000x64xi1>
    %broadcast_in_dim3A_362 = vector.broadcast %jit3A_359 : f32 to vector<2000x64xf32>
    %select_n3A_363 = arith.select %broadcast_in_dim3A_361, %max3A_33, %broadcast_in_dim3A_362 : vector<2000x64xi1>, vector<2000x64xf32>
    %reduce_max3A_364 = arith.constant dense<0xFF800000> : vector<64xf32>
    %reduce_max3A_365 = vector.multi_reduction <maximumf>, %select_n3A_363, %reduce_max3A_364 [0] : vector<2000x64xf32> to vector<64xf32>
    %broadcast_in_dim3A_366 = vector.shape_cast %reduce_max3A_365 : vector<64xf32> to vector<1x64xf32>
    %get3A_367 = arith.constant 17 : index
    %get3A_368 = arith.constant 0 : index
    %get3A_369 = vector.load %arg19[%get3A_367, %get3A_368] : memref<64x64xf32, #tpu.memory_space<vmem>>, vector<1x64xf32>
    %max3A_370 = arith.maximumf %get3A_369, %broadcast_in_dim3A_366 : vector<1x64xf32>
    %swap3A_371 = arith.constant 17 : index
    %swap3A_372 = arith.constant 0 : index
    %swap3A_373 = vector.load %arg19[%swap3A_371, %swap3A_372] : memref<64x64xf32, #tpu.memory_space<vmem>>, vector<1x64xf32>
    tpu.vector_store %arg19[%swap3A_371, %swap3A_372], %max3A_370 {strides = array<i32>} : memref<64x64xf32, #tpu.memory_space<vmem>>, vector<1x64xf32>,
    %eq3A_374 = arith.constant 18 : i32
    %eq3A_375 = vector.broadcast %eq3A_374 : i32 to vector<2000x1xi32>
    %eq3A_376 = arith.cmpi eq, %get3A_53, %eq3A_375 : vector<2000x1xi32>
    %jit3A_377 = arith.constant 0xFF800000 : f32
    %broadcast_in_dim3A_378 = vector.shape_cast %eq3A_376 : vector<2000x1xi1> to vector<2000x1xi1>
    %broadcast_in_dim3A_379 = vector.broadcast %broadcast_in_dim3A_378 : vector<2000x1xi1> to vector<2000x64xi1>
    %broadcast_in_dim3A_380 = vector.broadcast %jit3A_377 : f32 to vector<2000x64xf32>
    %select_n3A_381 = arith.select %broadcast_in_dim3A_379, %max3A_33, %broadcast_in_dim3A_380 : vector<2000x64xi1>, vector<2000x64xf32>
    %reduce_max3A_382 = arith.constant dense<0xFF800000> : vector<64xf32>
    %reduce_max3A_383 = vector.multi_reduction <maximumf>, %select_n3A_381, %reduce_max3A_382 [0] : vector<2000x64xf32> to vector<64xf32>
    %broadcast_in_dim3A_384 = vector.shape_cast %reduce_max3A_383 : vector<64xf32> to vector<1x64xf32>
    %get3A_385 = arith.constant 18 : index
    %get3A_386 = arith.constant 0 : index
    %get3A_387 = vector.load %arg19[%get3A_385, %get3A_386] : memref<64x64xf32, #tpu.memory_space<vmem>>, vector<1x64xf32>
    %max3A_388 = arith.maximumf %get3A_387, %broadcast_in_dim3A_384 : vector<1x64xf32>
    %swap3A_389 = arith.constant 18 : index
    %swap3A_390 = arith.constant 0 : index
    %swap3A_391 = vector.load %arg19[%swap3A_389, %swap3A_390] : memref<64x64xf32, #tpu.memory_space<vmem>>, vector<1x64xf32>
    tpu.vector_store %arg19[%swap3A_389, %swap3A_390], %max3A_388 {strides = array<i32>} : memref<64x64xf32, #tpu.memory_space<vmem>>, vector<1x64xf32>,
    %eq3A_392 = arith.constant 19 : i32
    %eq3A_393 = vector.broadcast %eq3A_392 : i32 to vector<2000x1xi32>
    %eq3A_394 = arith.cmpi eq, %get3A_53, %eq3A_393 : vector<2000x1xi32>
    %jit3A_395 = arith.constant 0xFF800000 : f32
    %broadcast_in_dim3A_396 = vector.shape_cast %eq3A_394 : vector<2000x1xi1> to vector<2000x1xi1>
    %broadcast_in_dim3A_397 = vector.broadcast %broadcast_in_dim3A_396 : vector<2000x1xi1> to vector<2000x64xi1>
    %broadcast_in_dim3A_398 = vector.broadcast %jit3A_395 : f32 to vector<2000x64xf32>
    %select_n3A_399 = arith.select %broadcast_in_dim3A_397, %max3A_33, %broadcast_in_dim3A_398 : vector<2000x64xi1>, vector<2000x64xf32>
    %reduce_max3A_400 = arith.constant dense<0xFF800000> : vector<64xf32>
    %reduce_max3A_401 = vector.multi_reduction <maximumf>, %select_n3A_399, %reduce_max3A_400 [0] : vector<2000x64xf32> to vector<64xf32>
    %broadcast_in_dim3A_402 = vector.shape_cast %reduce_max3A_401 : vector<64xf32> to vector<1x64xf32>
    %get3A_403 = arith.constant 19 : index
    %get3A_404 = arith.constant 0 : index
    %get3A_405 = vector.load %arg19[%get3A_403, %get3A_404] : memref<64x64xf32, #tpu.memory_space<vmem>>, vector<1x64xf32>
    %max3A_406 = arith.maximumf %get3A_405, %broadcast_in_dim3A_402 : vector<1x64xf32>
    %swap3A_407 = arith.constant 19 : index
    %swap3A_408 = arith.constant 0 : index
    %swap3A_409 = vector.load %arg19[%swap3A_407, %swap3A_408] : memref<64x64xf32, #tpu.memory_space<vmem>>, vector<1x64xf32>
    tpu.vector_store %arg19[%swap3A_407, %swap3A_408], %max3A_406 {strides = array<i32>} : memref<64x64xf32, #tpu.memory_space<vmem>>, vector<1x64xf32>,
    %eq3A_410 = arith.constant 20 : i32
    %eq3A_411 = vector.broadcast %eq3A_410 : i32 to vector<2000x1xi32>
    %eq3A_412 = arith.cmpi eq, %get3A_53, %eq3A_411 : vector<2000x1xi32>
    %jit3A_413 = arith.constant 0xFF800000 : f32
    %broadcast_in_dim3A_414 = vector.shape_cast %eq3A_412 : vector<2000x1xi1> to vector<2000x1xi1>
    %broadcast_in_dim3A_415 = vector.broadcast %broadcast_in_dim3A_414 : vector<2000x1xi1> to vector<2000x64xi1>
    %broadcast_in_dim3A_416 = vector.broadcast %jit3A_413 : f32 to vector<2000x64xf32>
    %select_n3A_417 = arith.select %broadcast_in_dim3A_415, %max3A_33, %broadcast_in_dim3A_416 : vector<2000x64xi1>, vector<2000x64xf32>
    %reduce_max3A_418 = arith.constant dense<0xFF800000> : vector<64xf32>
    %reduce_max3A_419 = vector.multi_reduction <maximumf>, %select_n3A_417, %reduce_max3A_418 [0] : vector<2000x64xf32> to vector<64xf32>
    %broadcast_in_dim3A_420 = vector.shape_cast %reduce_max3A_419 : vector<64xf32> to vector<1x64xf32>
    %get3A_421 = arith.constant 20 : index
    %get3A_422 = arith.constant 0 : index
    %get3A_423 = vector.load %arg19[%get3A_421, %get3A_422] : memref<64x64xf32, #tpu.memory_space<vmem>>, vector<1x64xf32>
    %max3A_424 = arith.maximumf %get3A_423, %broadcast_in_dim3A_420 : vector<1x64xf32>
    %swap3A_425 = arith.constant 20 : index
    %swap3A_426 = arith.constant 0 : index
    %swap3A_427 = vector.load %arg19[%swap3A_425, %swap3A_426] : memref<64x64xf32, #tpu.memory_space<vmem>>, vector<1x64xf32>
    tpu.vector_store %arg19[%swap3A_425, %swap3A_426], %max3A_424 {strides = array<i32>} : memref<64x64xf32, #tpu.memory_space<vmem>>, vector<1x64xf32>,
    %eq3A_428 = arith.constant 21 : i32
    %eq3A_429 = vector.broadcast %eq3A_428 : i32 to vector<2000x1xi32>
    %eq3A_430 = arith.cmpi eq, %get3A_53, %eq3A_429 : vector<2000x1xi32>
    %jit3A_431 = arith.constant 0xFF800000 : f32
    %broadcast_in_dim3A_432 = vector.shape_cast %eq3A_430 : vector<2000x1xi1> to vector<2000x1xi1>
    %broadcast_in_dim3A_433 = vector.broadcast %broadcast_in_dim3A_432 : vector<2000x1xi1> to vector<2000x64xi1>
    %broadcast_in_dim3A_434 = vector.broadcast %jit3A_431 : f32 to vector<2000x64xf32>
    %select_n3A_435 = arith.select %broadcast_in_dim3A_433, %max3A_33, %broadcast_in_dim3A_434 : vector<2000x64xi1>, vector<2000x64xf32>
    %reduce_max3A_436 = arith.constant dense<0xFF800000> : vector<64xf32>
    %reduce_max3A_437 = vector.multi_reduction <maximumf>, %select_n3A_435, %reduce_max3A_436 [0] : vector<2000x64xf32> to vector<64xf32>
    %broadcast_in_dim3A_438 = vector.shape_cast %reduce_max3A_437 : vector<64xf32> to vector<1x64xf32>
    %get3A_439 = arith.constant 21 : index
    %get3A_440 = arith.constant 0 : index
    %get3A_441 = vector.load %arg19[%get3A_439, %get3A_440] : memref<64x64xf32, #tpu.memory_space<vmem>>, vector<1x64xf32>
    %max3A_442 = arith.maximumf %get3A_441, %broadcast_in_dim3A_438 : vector<1x64xf32>
    %swap3A_443 = arith.constant 21 : index
    %swap3A_444 = arith.constant 0 : index
    %swap3A_445 = vector.load %arg19[%swap3A_443, %swap3A_444] : memref<64x64xf32, #tpu.memory_space<vmem>>, vector<1x64xf32>
    tpu.vector_store %arg19[%swap3A_443, %swap3A_444], %max3A_442 {strides = array<i32>} : memref<64x64xf32, #tpu.memory_space<vmem>>, vector<1x64xf32>,
    %eq3A_446 = arith.constant 22 : i32
    %eq3A_447 = vector.broadcast %eq3A_446 : i32 to vector<2000x1xi32>
    %eq3A_448 = arith.cmpi eq, %get3A_53, %eq3A_447 : vector<2000x1xi32>
    %jit3A_449 = arith.constant 0xFF800000 : f32
    %broadcast_in_dim3A_450 = vector.shape_cast %eq3A_448 : vector<2000x1xi1> to vector<2000x1xi1>
    %broadcast_in_dim3A_451 = vector.broadcast %broadcast_in_dim3A_450 : vector<2000x1xi1> to vector<2000x64xi1>
    %broadcast_in_dim3A_452 = vector.broadcast %jit3A_449 : f32 to vector<2000x64xf32>
    %select_n3A_453 = arith.select %broadcast_in_dim3A_451, %max3A_33, %broadcast_in_dim3A_452 : vector<2000x64xi1>, vector<2000x64xf32>
    %reduce_max3A_454 = arith.constant dense<0xFF800000> : vector<64xf32>
    %reduce_max3A_455 = vector.multi_reduction <maximumf>, %select_n3A_453, %reduce_max3A_454 [0] : vector<2000x64xf32> to vector<64xf32>
    %broadcast_in_dim3A_456 = vector.shape_cast %reduce_max3A_455 : vector<64xf32> to vector<1x64xf32>
    %get3A_457 = arith.constant 22 : index
    %get3A_458 = arith.constant 0 : index
    %get3A_459 = vector.load %arg19[%get3A_457, %get3A_458] : memref<64x64xf32, #tpu.memory_space<vmem>>, vector<1x64xf32>
    %max3A_460 = arith.maximumf %get3A_459, %broadcast_in_dim3A_456 : vector<1x64xf32>
    %swap3A_461 = arith.constant 22 : index
    %swap3A_462 = arith.constant 0 : index
    %swap3A_463 = vector.load %arg19[%swap3A_461, %swap3A_462] : memref<64x64xf32, #tpu.memory_space<vmem>>, vector<1x64xf32>
    tpu.vector_store %arg19[%swap3A_461, %swap3A_462], %max3A_460 {strides = array<i32>} : memref<64x64xf32, #tpu.memory_space<vmem>>, vector<1x64xf32>,
    %eq3A_464 = arith.constant 23 : i32
    %eq3A_465 = vector.broadcast %eq3A_464 : i32 to vector<2000x1xi32>
    %eq3A_466 = arith.cmpi eq, %get3A_53, %eq3A_465 : vector<2000x1xi32>
    %jit3A_467 = arith.constant 0xFF800000 : f32
    %broadcast_in_dim3A_468 = vector.shape_cast %eq3A_466 : vector<2000x1xi1> to vector<2000x1xi1>
    %broadcast_in_dim3A_469 = vector.broadcast %broadcast_in_dim3A_468 : vector<2000x1xi1> to vector<2000x64xi1>
    %broadcast_in_dim3A_470 = vector.broadcast %jit3A_467 : f32 to vector<2000x64xf32>
    %select_n3A_471 = arith.select %broadcast_in_dim3A_469, %max3A_33, %broadcast_in_dim3A_470 : vector<2000x64xi1>, vector<2000x64xf32>
    %reduce_max3A_472 = arith.constant dense<0xFF800000> : vector<64xf32>
    %reduce_max3A_473 = vector.multi_reduction <maximumf>, %select_n3A_471, %reduce_max3A_472 [0] : vector<2000x64xf32> to vector<64xf32>
    %broadcast_in_dim3A_474 = vector.shape_cast %reduce_max3A_473 : vector<64xf32> to vector<1x64xf32>
    %get3A_475 = arith.constant 23 : index
    %get3A_476 = arith.constant 0 : index
    %get3A_477 = vector.load %arg19[%get3A_475, %get3A_476] : memref<64x64xf32, #tpu.memory_space<vmem>>, vector<1x64xf32>
    %max3A_478 = arith.maximumf %get3A_477, %broadcast_in_dim3A_474 : vector<1x64xf32>
    %swap3A_479 = arith.constant 23 : index
    %swap3A_480 = arith.constant 0 : index
    %swap3A_481 = vector.load %arg19[%swap3A_479, %swap3A_480] : memref<64x64xf32, #tpu.memory_space<vmem>>, vector<1x64xf32>
    tpu.vector_store %arg19[%swap3A_479, %swap3A_480], %max3A_478 {strides = array<i32>} : memref<64x64xf32, #tpu.memory_space<vmem>>, vector<1x64xf32>,
    %eq3A_482 = arith.constant 24 : i32
    %eq3A_483 = vector.broadcast %eq3A_482 : i32 to vector<2000x1xi32>
    %eq3A_484 = arith.cmpi eq, %get3A_53, %eq3A_483 : vector<2000x1xi32>
    %jit3A_485 = arith.constant 0xFF800000 : f32
    %broadcast_in_dim3A_486 = vector.shape_cast %eq3A_484 : vector<2000x1xi1> to vector<2000x1xi1>
    %broadcast_in_dim3A_487 = vector.broadcast %broadcast_in_dim3A_486 : vector<2000x1xi1> to vector<2000x64xi1>
    %broadcast_in_dim3A_488 = vector.broadcast %jit3A_485 : f32 to vector<2000x64xf32>
    %select_n3A_489 = arith.select %broadcast_in_dim3A_487, %max3A_33, %broadcast_in_dim3A_488 : vector<2000x64xi1>, vector<2000x64xf32>
    %reduce_max3A_490 = arith.constant dense<0xFF800000> : vector<64xf32>
    %reduce_max3A_491 = vector.multi_reduction <maximumf>, %select_n3A_489, %reduce_max3A_490 [0] : vector<2000x64xf32> to vector<64xf32>
    %broadcast_in_dim3A_492 = vector.shape_cast %reduce_max3A_491 : vector<64xf32> to vector<1x64xf32>
    %get3A_493 = arith.constant 24 : index
    %get3A_494 = arith.constant 0 : index
    %get3A_495 = vector.load %arg19[%get3A_493, %get3A_494] : memref<64x64xf32, #tpu.memory_space<vmem>>, vector<1x64xf32>
    %max3A_496 = arith.maximumf %get3A_495, %broadcast_in_dim3A_492 : vector<1x64xf32>
    %swap3A_497 = arith.constant 24 : index
    %swap3A_498 = arith.constant 0 : index
    %swap3A_499 = vector.load %arg19[%swap3A_497, %swap3A_498] : memref<64x64xf32, #tpu.memory_space<vmem>>, vector<1x64xf32>
    tpu.vector_store %arg19[%swap3A_497, %swap3A_498], %max3A_496 {strides = array<i32>} : memref<64x64xf32, #tpu.memory_space<vmem>>, vector<1x64xf32>,
    %eq3A_500 = arith.constant 25 : i32
    %eq3A_501 = vector.broadcast %eq3A_500 : i32 to vector<2000x1xi32>
    %eq3A_502 = arith.cmpi eq, %get3A_53, %eq3A_501 : vector<2000x1xi32>
    %jit3A_503 = arith.constant 0xFF800000 : f32
    %broadcast_in_dim3A_504 = vector.shape_cast %eq3A_502 : vector<2000x1xi1> to vector<2000x1xi1>
    %broadcast_in_dim3A_505 = vector.broadcast %broadcast_in_dim3A_504 : vector<2000x1xi1> to vector<2000x64xi1>
    %broadcast_in_dim3A_506 = vector.broadcast %jit3A_503 : f32 to vector<2000x64xf32>
    %select_n3A_507 = arith.select %broadcast_in_dim3A_505, %max3A_33, %broadcast_in_dim3A_506 : vector<2000x64xi1>, vector<2000x64xf32>
    %reduce_max3A_508 = arith.constant dense<0xFF800000> : vector<64xf32>
    %reduce_max3A_509 = vector.multi_reduction <maximumf>, %select_n3A_507, %reduce_max3A_508 [0] : vector<2000x64xf32> to vector<64xf32>
    %broadcast_in_dim3A_510 = vector.shape_cast %reduce_max3A_509 : vector<64xf32> to vector<1x64xf32>
    %get3A_511 = arith.constant 25 : index
    %get3A_512 = arith.constant 0 : index
    %get3A_513 = vector.load %arg19[%get3A_511, %get3A_512] : memref<64x64xf32, #tpu.memory_space<vmem>>, vector<1x64xf32>
    %max3A_514 = arith.maximumf %get3A_513, %broadcast_in_dim3A_510 : vector<1x64xf32>
    %swap3A_515 = arith.constant 25 : index
    %swap3A_516 = arith.constant 0 : index
    %swap3A_517 = vector.load %arg19[%swap3A_515, %swap3A_516] : memref<64x64xf32, #tpu.memory_space<vmem>>, vector<1x64xf32>
    tpu.vector_store %arg19[%swap3A_515, %swap3A_516], %max3A_514 {strides = array<i32>} : memref<64x64xf32, #tpu.memory_space<vmem>>, vector<1x64xf32>,
    %eq3A_518 = arith.constant 26 : i32
    %eq3A_519 = vector.broadcast %eq3A_518 : i32 to vector<2000x1xi32>
    %eq3A_520 = arith.cmpi eq, %get3A_53, %eq3A_519 : vector<2000x1xi32>
    %jit3A_521 = arith.constant 0xFF800000 : f32
    %broadcast_in_dim3A_522 = vector.shape_cast %eq3A_520 : vector<2000x1xi1> to vector<2000x1xi1>
    %broadcast_in_dim3A_523 = vector.broadcast %broadcast_in_dim3A_522 : vector<2000x1xi1> to vector<2000x64xi1>
    %broadcast_in_dim3A_524 = vector.broadcast %jit3A_521 : f32 to vector<2000x64xf32>
    %select_n3A_525 = arith.select %broadcast_in_dim3A_523, %max3A_33, %broadcast_in_dim3A_524 : vector<2000x64xi1>, vector<2000x64xf32>
    %reduce_max3A_526 = arith.constant dense<0xFF800000> : vector<64xf32>
    %reduce_max3A_527 = vector.multi_reduction <maximumf>, %select_n3A_525, %reduce_max3A_526 [0] : vector<2000x64xf32> to vector<64xf32>
    %broadcast_in_dim3A_528 = vector.shape_cast %reduce_max3A_527 : vector<64xf32> to vector<1x64xf32>
    %get3A_529 = arith.constant 26 : index
    %get3A_530 = arith.constant 0 : index
    %get3A_531 = vector.load %arg19[%get3A_529, %get3A_530] : memref<64x64xf32, #tpu.memory_space<vmem>>, vector<1x64xf32>
    %max3A_532 = arith.maximumf %get3A_531, %broadcast_in_dim3A_528 : vector<1x64xf32>
    %swap3A_533 = arith.constant 26 : index
    %swap3A_534 = arith.constant 0 : index
    %swap3A_535 = vector.load %arg19[%swap3A_533, %swap3A_534] : memref<64x64xf32, #tpu.memory_space<vmem>>, vector<1x64xf32>
    tpu.vector_store %arg19[%swap3A_533, %swap3A_534], %max3A_532 {strides = array<i32>} : memref<64x64xf32, #tpu.memory_space<vmem>>, vector<1x64xf32>,
    %eq3A_536 = arith.constant 27 : i32
    %eq3A_537 = vector.broadcast %eq3A_536 : i32 to vector<2000x1xi32>
    %eq3A_538 = arith.cmpi eq, %get3A_53, %eq3A_537 : vector<2000x1xi32>
    %jit3A_539 = arith.constant 0xFF800000 : f32
    %broadcast_in_dim3A_540 = vector.shape_cast %eq3A_538 : vector<2000x1xi1> to vector<2000x1xi1>
    %broadcast_in_dim3A_541 = vector.broadcast %broadcast_in_dim3A_540 : vector<2000x1xi1> to vector<2000x64xi1>
    %broadcast_in_dim3A_542 = vector.broadcast %jit3A_539 : f32 to vector<2000x64xf32>
    %select_n3A_543 = arith.select %broadcast_in_dim3A_541, %max3A_33, %broadcast_in_dim3A_542 : vector<2000x64xi1>, vector<2000x64xf32>
    %reduce_max3A_544 = arith.constant dense<0xFF800000> : vector<64xf32>
    %reduce_max3A_545 = vector.multi_reduction <maximumf>, %select_n3A_543, %reduce_max3A_544 [0] : vector<2000x64xf32> to vector<64xf32>
    %broadcast_in_dim3A_546 = vector.shape_cast %reduce_max3A_545 : vector<64xf32> to vector<1x64xf32>
    %get3A_547 = arith.constant 27 : index
    %get3A_548 = arith.constant 0 : index
    %get3A_549 = vector.load %arg19[%get3A_547, %get3A_548] : memref<64x64xf32, #tpu.memory_space<vmem>>, vector<1x64xf32>
    %max3A_550 = arith.maximumf %get3A_549, %broadcast_in_dim3A_546 : vector<1x64xf32>
    %swap3A_551 = arith.constant 27 : index
    %swap3A_552 = arith.constant 0 : index
    %swap3A_553 = vector.load %arg19[%swap3A_551, %swap3A_552] : memref<64x64xf32, #tpu.memory_space<vmem>>, vector<1x64xf32>
    tpu.vector_store %arg19[%swap3A_551, %swap3A_552], %max3A_550 {strides = array<i32>} : memref<64x64xf32, #tpu.memory_space<vmem>>, vector<1x64xf32>,
    %eq3A_554 = arith.constant 28 : i32
    %eq3A_555 = vector.broadcast %eq3A_554 : i32 to vector<2000x1xi32>
    %eq3A_556 = arith.cmpi eq, %get3A_53, %eq3A_555 : vector<2000x1xi32>
    %jit3A_557 = arith.constant 0xFF800000 : f32
    %broadcast_in_dim3A_558 = vector.shape_cast %eq3A_556 : vector<2000x1xi1> to vector<2000x1xi1>
    %broadcast_in_dim3A_559 = vector.broadcast %broadcast_in_dim3A_558 : vector<2000x1xi1> to vector<2000x64xi1>
    %broadcast_in_dim3A_560 = vector.broadcast %jit3A_557 : f32 to vector<2000x64xf32>
    %select_n3A_561 = arith.select %broadcast_in_dim3A_559, %max3A_33, %broadcast_in_dim3A_560 : vector<2000x64xi1>, vector<2000x64xf32>
    %reduce_max3A_562 = arith.constant dense<0xFF800000> : vector<64xf32>
    %reduce_max3A_563 = vector.multi_reduction <maximumf>, %select_n3A_561, %reduce_max3A_562 [0] : vector<2000x64xf32> to vector<64xf32>
    %broadcast_in_dim3A_564 = vector.shape_cast %reduce_max3A_563 : vector<64xf32> to vector<1x64xf32>
    %get3A_565 = arith.constant 28 : index
    %get3A_566 = arith.constant 0 : index
    %get3A_567 = vector.load %arg19[%get3A_565, %get3A_566] : memref<64x64xf32, #tpu.memory_space<vmem>>, vector<1x64xf32>
    %max3A_568 = arith.maximumf %get3A_567, %broadcast_in_dim3A_564 : vector<1x64xf32>
    %swap3A_569 = arith.constant 28 : index
    %swap3A_570 = arith.constant 0 : index
    %swap3A_571 = vector.load %arg19[%swap3A_569, %swap3A_570] : memref<64x64xf32, #tpu.memory_space<vmem>>, vector<1x64xf32>
    tpu.vector_store %arg19[%swap3A_569, %swap3A_570], %max3A_568 {strides = array<i32>} : memref<64x64xf32, #tpu.memory_space<vmem>>, vector<1x64xf32>,
    %eq3A_572 = arith.constant 29 : i32
    %eq3A_573 = vector.broadcast %eq3A_572 : i32 to vector<2000x1xi32>
    %eq3A_574 = arith.cmpi eq, %get3A_53, %eq3A_573 : vector<2000x1xi32>
    %jit3A_575 = arith.constant 0xFF800000 : f32
    %broadcast_in_dim3A_576 = vector.shape_cast %eq3A_574 : vector<2000x1xi1> to vector<2000x1xi1>
    %broadcast_in_dim3A_577 = vector.broadcast %broadcast_in_dim3A_576 : vector<2000x1xi1> to vector<2000x64xi1>
    %broadcast_in_dim3A_578 = vector.broadcast %jit3A_575 : f32 to vector<2000x64xf32>
    %select_n3A_579 = arith.select %broadcast_in_dim3A_577, %max3A_33, %broadcast_in_dim3A_578 : vector<2000x64xi1>, vector<2000x64xf32>
    %reduce_max3A_580 = arith.constant dense<0xFF800000> : vector<64xf32>
    %reduce_max3A_581 = vector.multi_reduction <maximumf>, %select_n3A_579, %reduce_max3A_580 [0] : vector<2000x64xf32> to vector<64xf32>
    %broadcast_in_dim3A_582 = vector.shape_cast %reduce_max3A_581 : vector<64xf32> to vector<1x64xf32>
    %get3A_583 = arith.constant 29 : index
    %get3A_584 = arith.constant 0 : index
    %get3A_585 = vector.load %arg19[%get3A_583, %get3A_584] : memref<64x64xf32, #tpu.memory_space<vmem>>, vector<1x64xf32>
    %max3A_586 = arith.maximumf %get3A_585, %broadcast_in_dim3A_582 : vector<1x64xf32>
    %swap3A_587 = arith.constant 29 : index
    %swap3A_588 = arith.constant 0 : index
    %swap3A_589 = vector.load %arg19[%swap3A_587, %swap3A_588] : memref<64x64xf32, #tpu.memory_space<vmem>>, vector<1x64xf32>
    tpu.vector_store %arg19[%swap3A_587, %swap3A_588], %max3A_586 {strides = array<i32>} : memref<64x64xf32, #tpu.memory_space<vmem>>, vector<1x64xf32>,
    %eq3A_590 = arith.constant 30 : i32
    %eq3A_591 = vector.broadcast %eq3A_590 : i32 to vector<2000x1xi32>
    %eq3A_592 = arith.cmpi eq, %get3A_53, %eq3A_591 : vector<2000x1xi32>
    %jit3A_593 = arith.constant 0xFF800000 : f32
    %broadcast_in_dim3A_594 = vector.shape_cast %eq3A_592 : vector<2000x1xi1> to vector<2000x1xi1>
    %broadcast_in_dim3A_595 = vector.broadcast %broadcast_in_dim3A_594 : vector<2000x1xi1> to vector<2000x64xi1>
    %broadcast_in_dim3A_596 = vector.broadcast %jit3A_593 : f32 to vector<2000x64xf32>
    %select_n3A_597 = arith.select %broadcast_in_dim3A_595, %max3A_33, %broadcast_in_dim3A_596 : vector<2000x64xi1>, vector<2000x64xf32>
    %reduce_max3A_598 = arith.constant dense<0xFF800000> : vector<64xf32>
    %reduce_max3A_599 = vector.multi_reduction <maximumf>, %select_n3A_597, %reduce_max3A_598 [0] : vector<2000x64xf32> to vector<64xf32>
    %broadcast_in_dim3A_600 = vector.shape_cast %reduce_max3A_599 : vector<64xf32> to vector<1x64xf32>
    %get3A_601 = arith.constant 30 : index
    %get3A_602 = arith.constant 0 : index
    %get3A_603 = vector.load %arg19[%get3A_601, %get3A_602] : memref<64x64xf32, #tpu.memory_space<vmem>>, vector<1x64xf32>
    %max3A_604 = arith.maximumf %get3A_603, %broadcast_in_dim3A_600 : vector<1x64xf32>
    %swap3A_605 = arith.constant 30 : index
    %swap3A_606 = arith.constant 0 : index
    %swap3A_607 = vector.load %arg19[%swap3A_605, %swap3A_606] : memref<64x64xf32, #tpu.memory_space<vmem>>, vector<1x64xf32>
    tpu.vector_store %arg19[%swap3A_605, %swap3A_606], %max3A_604 {strides = array<i32>} : memref<64x64xf32, #tpu.memory_space<vmem>>, vector<1x64xf32>,
    %eq3A_608 = arith.constant 31 : i32
    %eq3A_609 = vector.broadcast %eq3A_608 : i32 to vector<2000x1xi32>
    %eq3A_610 = arith.cmpi eq, %get3A_53, %eq3A_609 : vector<2000x1xi32>
    %jit3A_611 = arith.constant 0xFF800000 : f32
    %broadcast_in_dim3A_612 = vector.shape_cast %eq3A_610 : vector<2000x1xi1> to vector<2000x1xi1>
    %broadcast_in_dim3A_613 = vector.broadcast %broadcast_in_dim3A_612 : vector<2000x1xi1> to vector<2000x64xi1>
    %broadcast_in_dim3A_614 = vector.broadcast %jit3A_611 : f32 to vector<2000x64xf32>
    %select_n3A_615 = arith.select %broadcast_in_dim3A_613, %max3A_33, %broadcast_in_dim3A_614 : vector<2000x64xi1>, vector<2000x64xf32>
    %reduce_max3A_616 = arith.constant dense<0xFF800000> : vector<64xf32>
    %reduce_max3A_617 = vector.multi_reduction <maximumf>, %select_n3A_615, %reduce_max3A_616 [0] : vector<2000x64xf32> to vector<64xf32>
    %broadcast_in_dim3A_618 = vector.shape_cast %reduce_max3A_617 : vector<64xf32> to vector<1x64xf32>
    %get3A_619 = arith.constant 31 : index
    %get3A_620 = arith.constant 0 : index
    %get3A_621 = vector.load %arg19[%get3A_619, %get3A_620] : memref<64x64xf32, #tpu.memory_space<vmem>>, vector<1x64xf32>
    %max3A_622 = arith.maximumf %get3A_621, %broadcast_in_dim3A_618 : vector<1x64xf32>
    %swap3A_623 = arith.constant 31 : index
    %swap3A_624 = arith.constant 0 : index
    %swap3A_625 = vector.load %arg19[%swap3A_623, %swap3A_624] : memref<64x64xf32, #tpu.memory_space<vmem>>, vector<1x64xf32>
    tpu.vector_store %arg19[%swap3A_623, %swap3A_624], %max3A_622 {strides = array<i32>} : memref<64x64xf32, #tpu.memory_space<vmem>>, vector<1x64xf32>,
    %eq3A_626 = arith.constant 32 : i32
    %eq3A_627 = vector.broadcast %eq3A_626 : i32 to vector<2000x1xi32>
    %eq3A_628 = arith.cmpi eq, %get3A_53, %eq3A_627 : vector<2000x1xi32>
    %jit3A_629 = arith.constant 0xFF800000 : f32
    %broadcast_in_dim3A_630 = vector.shape_cast %eq3A_628 : vector<2000x1xi1> to vector<2000x1xi1>
    %broadcast_in_dim3A_631 = vector.broadcast %broadcast_in_dim3A_630 : vector<2000x1xi1> to vector<2000x64xi1>
    %broadcast_in_dim3A_632 = vector.broadcast %jit3A_629 : f32 to vector<2000x64xf32>
    %select_n3A_633 = arith.select %broadcast_in_dim3A_631, %max3A_33, %broadcast_in_dim3A_632 : vector<2000x64xi1>, vector<2000x64xf32>
    %reduce_max3A_634 = arith.constant dense<0xFF800000> : vector<64xf32>
    %reduce_max3A_635 = vector.multi_reduction <maximumf>, %select_n3A_633, %reduce_max3A_634 [0] : vector<2000x64xf32> to vector<64xf32>
    %broadcast_in_dim3A_636 = vector.shape_cast %reduce_max3A_635 : vector<64xf32> to vector<1x64xf32>
    %get3A_637 = arith.constant 32 : index
    %get3A_638 = arith.constant 0 : index
    %get3A_639 = vector.load %arg19[%get3A_637, %get3A_638] : memref<64x64xf32, #tpu.memory_space<vmem>>, vector<1x64xf32>
    %max3A_640 = arith.maximumf %get3A_639, %broadcast_in_dim3A_636 : vector<1x64xf32>
    %swap3A_641 = arith.constant 32 : index
    %swap3A_642 = arith.constant 0 : index
    %swap3A_643 = vector.load %arg19[%swap3A_641, %swap3A_642] : memref<64x64xf32, #tpu.memory_space<vmem>>, vector<1x64xf32>
    tpu.vector_store %arg19[%swap3A_641, %swap3A_642], %max3A_640 {strides = array<i32>} : memref<64x64xf32, #tpu.memory_space<vmem>>, vector<1x64xf32>,
    %eq3A_644 = arith.constant 33 : i32
    %eq3A_645 = vector.broadcast %eq3A_644 : i32 to vector<2000x1xi32>
    %eq3A_646 = arith.cmpi eq, %get3A_53, %eq3A_645 : vector<2000x1xi32>
    %jit3A_647 = arith.constant 0xFF800000 : f32
    %broadcast_in_dim3A_648 = vector.shape_cast %eq3A_646 : vector<2000x1xi1> to vector<2000x1xi1>
    %broadcast_in_dim3A_649 = vector.broadcast %broadcast_in_dim3A_648 : vector<2000x1xi1> to vector<2000x64xi1>
    %broadcast_in_dim3A_650 = vector.broadcast %jit3A_647 : f32 to vector<2000x64xf32>
    %select_n3A_651 = arith.select %broadcast_in_dim3A_649, %max3A_33, %broadcast_in_dim3A_650 : vector<2000x64xi1>, vector<2000x64xf32>
    %reduce_max3A_652 = arith.constant dense<0xFF800000> : vector<64xf32>
    %reduce_max3A_653 = vector.multi_reduction <maximumf>, %select_n3A_651, %reduce_max3A_652 [0] : vector<2000x64xf32> to vector<64xf32>
    %broadcast_in_dim3A_654 = vector.shape_cast %reduce_max3A_653 : vector<64xf32> to vector<1x64xf32>
    %get3A_655 = arith.constant 33 : index
    %get3A_656 = arith.constant 0 : index
    %get3A_657 = vector.load %arg19[%get3A_655, %get3A_656] : memref<64x64xf32, #tpu.memory_space<vmem>>, vector<1x64xf32>
    %max3A_658 = arith.maximumf %get3A_657, %broadcast_in_dim3A_654 : vector<1x64xf32>
    %swap3A_659 = arith.constant 33 : index
    %swap3A_660 = arith.constant 0 : index
    %swap3A_661 = vector.load %arg19[%swap3A_659, %swap3A_660] : memref<64x64xf32, #tpu.memory_space<vmem>>, vector<1x64xf32>
    tpu.vector_store %arg19[%swap3A_659, %swap3A_660], %max3A_658 {strides = array<i32>} : memref<64x64xf32, #tpu.memory_space<vmem>>, vector<1x64xf32>,
    %eq3A_662 = arith.constant 34 : i32
    %eq3A_663 = vector.broadcast %eq3A_662 : i32 to vector<2000x1xi32>
    %eq3A_664 = arith.cmpi eq, %get3A_53, %eq3A_663 : vector<2000x1xi32>
    %jit3A_665 = arith.constant 0xFF800000 : f32
    %broadcast_in_dim3A_666 = vector.shape_cast %eq3A_664 : vector<2000x1xi1> to vector<2000x1xi1>
    %broadcast_in_dim3A_667 = vector.broadcast %broadcast_in_dim3A_666 : vector<2000x1xi1> to vector<2000x64xi1>
    %broadcast_in_dim3A_668 = vector.broadcast %jit3A_665 : f32 to vector<2000x64xf32>
    %select_n3A_669 = arith.select %broadcast_in_dim3A_667, %max3A_33, %broadcast_in_dim3A_668 : vector<2000x64xi1>, vector<2000x64xf32>
    %reduce_max3A_670 = arith.constant dense<0xFF800000> : vector<64xf32>
    %reduce_max3A_671 = vector.multi_reduction <maximumf>, %select_n3A_669, %reduce_max3A_670 [0] : vector<2000x64xf32> to vector<64xf32>
    %broadcast_in_dim3A_672 = vector.shape_cast %reduce_max3A_671 : vector<64xf32> to vector<1x64xf32>
    %get3A_673 = arith.constant 34 : index
    %get3A_674 = arith.constant 0 : index
    %get3A_675 = vector.load %arg19[%get3A_673, %get3A_674] : memref<64x64xf32, #tpu.memory_space<vmem>>, vector<1x64xf32>
    %max3A_676 = arith.maximumf %get3A_675, %broadcast_in_dim3A_672 : vector<1x64xf32>
    %swap3A_677 = arith.constant 34 : index
    %swap3A_678 = arith.constant 0 : index
    %swap3A_679 = vector.load %arg19[%swap3A_677, %swap3A_678] : memref<64x64xf32, #tpu.memory_space<vmem>>, vector<1x64xf32>
    tpu.vector_store %arg19[%swap3A_677, %swap3A_678], %max3A_676 {strides = array<i32>} : memref<64x64xf32, #tpu.memory_space<vmem>>, vector<1x64xf32>,
    %eq3A_680 = arith.constant 35 : i32
    %eq3A_681 = vector.broadcast %eq3A_680 : i32 to vector<2000x1xi32>
    %eq3A_682 = arith.cmpi eq, %get3A_53, %eq3A_681 : vector<2000x1xi32>
    %jit3A_683 = arith.constant 0xFF800000 : f32
    %broadcast_in_dim3A_684 = vector.shape_cast %eq3A_682 : vector<2000x1xi1> to vector<2000x1xi1>
    %broadcast_in_dim3A_685 = vector.broadcast %broadcast_in_dim3A_684 : vector<2000x1xi1> to vector<2000x64xi1>
    %broadcast_in_dim3A_686 = vector.broadcast %jit3A_683 : f32 to vector<2000x64xf32>
    %select_n3A_687 = arith.select %broadcast_in_dim3A_685, %max3A_33, %broadcast_in_dim3A_686 : vector<2000x64xi1>, vector<2000x64xf32>
    %reduce_max3A_688 = arith.constant dense<0xFF800000> : vector<64xf32>
    %reduce_max3A_689 = vector.multi_reduction <maximumf>, %select_n3A_687, %reduce_max3A_688 [0] : vector<2000x64xf32> to vector<64xf32>
    %broadcast_in_dim3A_690 = vector.shape_cast %reduce_max3A_689 : vector<64xf32> to vector<1x64xf32>
    %get3A_691 = arith.constant 35 : index
    %get3A_692 = arith.constant 0 : index
    %get3A_693 = vector.load %arg19[%get3A_691, %get3A_692] : memref<64x64xf32, #tpu.memory_space<vmem>>, vector<1x64xf32>
    %max3A_694 = arith.maximumf %get3A_693, %broadcast_in_dim3A_690 : vector<1x64xf32>
    %swap3A_695 = arith.constant 35 : index
    %swap3A_696 = arith.constant 0 : index
    %swap3A_697 = vector.load %arg19[%swap3A_695, %swap3A_696] : memref<64x64xf32, #tpu.memory_space<vmem>>, vector<1x64xf32>
    tpu.vector_store %arg19[%swap3A_695, %swap3A_696], %max3A_694 {strides = array<i32>} : memref<64x64xf32, #tpu.memory_space<vmem>>, vector<1x64xf32>,
    %eq3A_698 = arith.constant 36 : i32
    %eq3A_699 = vector.broadcast %eq3A_698 : i32 to vector<2000x1xi32>
    %eq3A_700 = arith.cmpi eq, %get3A_53, %eq3A_699 : vector<2000x1xi32>
    %jit3A_701 = arith.constant 0xFF800000 : f32
    %broadcast_in_dim3A_702 = vector.shape_cast %eq3A_700 : vector<2000x1xi1> to vector<2000x1xi1>
    %broadcast_in_dim3A_703 = vector.broadcast %broadcast_in_dim3A_702 : vector<2000x1xi1> to vector<2000x64xi1>
    %broadcast_in_dim3A_704 = vector.broadcast %jit3A_701 : f32 to vector<2000x64xf32>
    %select_n3A_705 = arith.select %broadcast_in_dim3A_703, %max3A_33, %broadcast_in_dim3A_704 : vector<2000x64xi1>, vector<2000x64xf32>
    %reduce_max3A_706 = arith.constant dense<0xFF800000> : vector<64xf32>
    %reduce_max3A_707 = vector.multi_reduction <maximumf>, %select_n3A_705, %reduce_max3A_706 [0] : vector<2000x64xf32> to vector<64xf32>
    %broadcast_in_dim3A_708 = vector.shape_cast %reduce_max3A_707 : vector<64xf32> to vector<1x64xf32>
    %get3A_709 = arith.constant 36 : index
    %get3A_710 = arith.constant 0 : index
    %get3A_711 = vector.load %arg19[%get3A_709, %get3A_710] : memref<64x64xf32, #tpu.memory_space<vmem>>, vector<1x64xf32>
    %max3A_712 = arith.maximumf %get3A_711, %broadcast_in_dim3A_708 : vector<1x64xf32>
    %swap3A_713 = arith.constant 36 : index
    %swap3A_714 = arith.constant 0 : index
    %swap3A_715 = vector.load %arg19[%swap3A_713, %swap3A_714] : memref<64x64xf32, #tpu.memory_space<vmem>>, vector<1x64xf32>
    tpu.vector_store %arg19[%swap3A_713, %swap3A_714], %max3A_712 {strides = array<i32>} : memref<64x64xf32, #tpu.memory_space<vmem>>, vector<1x64xf32>,
    %eq3A_716 = arith.constant 37 : i32
    %eq3A_717 = vector.broadcast %eq3A_716 : i32 to vector<2000x1xi32>
    %eq3A_718 = arith.cmpi eq, %get3A_53, %eq3A_717 : vector<2000x1xi32>
    %jit3A_719 = arith.constant 0xFF800000 : f32
    %broadcast_in_dim3A_720 = vector.shape_cast %eq3A_718 : vector<2000x1xi1> to vector<2000x1xi1>
    %broadcast_in_dim3A_721 = vector.broadcast %broadcast_in_dim3A_720 : vector<2000x1xi1> to vector<2000x64xi1>
    %broadcast_in_dim3A_722 = vector.broadcast %jit3A_719 : f32 to vector<2000x64xf32>
    %select_n3A_723 = arith.select %broadcast_in_dim3A_721, %max3A_33, %broadcast_in_dim3A_722 : vector<2000x64xi1>, vector<2000x64xf32>
    %reduce_max3A_724 = arith.constant dense<0xFF800000> : vector<64xf32>
    %reduce_max3A_725 = vector.multi_reduction <maximumf>, %select_n3A_723, %reduce_max3A_724 [0] : vector<2000x64xf32> to vector<64xf32>
    %broadcast_in_dim3A_726 = vector.shape_cast %reduce_max3A_725 : vector<64xf32> to vector<1x64xf32>
    %get3A_727 = arith.constant 37 : index
    %get3A_728 = arith.constant 0 : index
    %get3A_729 = vector.load %arg19[%get3A_727, %get3A_728] : memref<64x64xf32, #tpu.memory_space<vmem>>, vector<1x64xf32>
    %max3A_730 = arith.maximumf %get3A_729, %broadcast_in_dim3A_726 : vector<1x64xf32>
    %swap3A_731 = arith.constant 37 : index
    %swap3A_732 = arith.constant 0 : index
    %swap3A_733 = vector.load %arg19[%swap3A_731, %swap3A_732] : memref<64x64xf32, #tpu.memory_space<vmem>>, vector<1x64xf32>
    tpu.vector_store %arg19[%swap3A_731, %swap3A_732], %max3A_730 {strides = array<i32>} : memref<64x64xf32, #tpu.memory_space<vmem>>, vector<1x64xf32>,
    %eq3A_734 = arith.constant 38 : i32
    %eq3A_735 = vector.broadcast %eq3A_734 : i32 to vector<2000x1xi32>
    %eq3A_736 = arith.cmpi eq, %get3A_53, %eq3A_735 : vector<2000x1xi32>
    %jit3A_737 = arith.constant 0xFF800000 : f32
    %broadcast_in_dim3A_738 = vector.shape_cast %eq3A_736 : vector<2000x1xi1> to vector<2000x1xi1>
    %broadcast_in_dim3A_739 = vector.broadcast %broadcast_in_dim3A_738 : vector<2000x1xi1> to vector<2000x64xi1>
    %broadcast_in_dim3A_740 = vector.broadcast %jit3A_737 : f32 to vector<2000x64xf32>
    %select_n3A_741 = arith.select %broadcast_in_dim3A_739, %max3A_33, %broadcast_in_dim3A_740 : vector<2000x64xi1>, vector<2000x64xf32>
    %reduce_max3A_742 = arith.constant dense<0xFF800000> : vector<64xf32>
    %reduce_max3A_743 = vector.multi_reduction <maximumf>, %select_n3A_741, %reduce_max3A_742 [0] : vector<2000x64xf32> to vector<64xf32>
    %broadcast_in_dim3A_744 = vector.shape_cast %reduce_max3A_743 : vector<64xf32> to vector<1x64xf32>
    %get3A_745 = arith.constant 38 : index
    %get3A_746 = arith.constant 0 : index
    %get3A_747 = vector.load %arg19[%get3A_745, %get3A_746] : memref<64x64xf32, #tpu.memory_space<vmem>>, vector<1x64xf32>
    %max3A_748 = arith.maximumf %get3A_747, %broadcast_in_dim3A_744 : vector<1x64xf32>
    %swap3A_749 = arith.constant 38 : index
    %swap3A_750 = arith.constant 0 : index
    %swap3A_751 = vector.load %arg19[%swap3A_749, %swap3A_750] : memref<64x64xf32, #tpu.memory_space<vmem>>, vector<1x64xf32>
    tpu.vector_store %arg19[%swap3A_749, %swap3A_750], %max3A_748 {strides = array<i32>} : memref<64x64xf32, #tpu.memory_space<vmem>>, vector<1x64xf32>,
    %eq3A_752 = arith.constant 39 : i32
    %eq3A_753 = vector.broadcast %eq3A_752 : i32 to vector<2000x1xi32>
    %eq3A_754 = arith.cmpi eq, %get3A_53, %eq3A_753 : vector<2000x1xi32>
    %jit3A_755 = arith.constant 0xFF800000 : f32
    %broadcast_in_dim3A_756 = vector.shape_cast %eq3A_754 : vector<2000x1xi1> to vector<2000x1xi1>
    %broadcast_in_dim3A_757 = vector.broadcast %broadcast_in_dim3A_756 : vector<2000x1xi1> to vector<2000x64xi1>
    %broadcast_in_dim3A_758 = vector.broadcast %jit3A_755 : f32 to vector<2000x64xf32>
    %select_n3A_759 = arith.select %broadcast_in_dim3A_757, %max3A_33, %broadcast_in_dim3A_758 : vector<2000x64xi1>, vector<2000x64xf32>
    %reduce_max3A_760 = arith.constant dense<0xFF800000> : vector<64xf32>
    %reduce_max3A_761 = vector.multi_reduction <maximumf>, %select_n3A_759, %reduce_max3A_760 [0] : vector<2000x64xf32> to vector<64xf32>
    %broadcast_in_dim3A_762 = vector.shape_cast %reduce_max3A_761 : vector<64xf32> to vector<1x64xf32>
    %get3A_763 = arith.constant 39 : index
    %get3A_764 = arith.constant 0 : index
    %get3A_765 = vector.load %arg19[%get3A_763, %get3A_764] : memref<64x64xf32, #tpu.memory_space<vmem>>, vector<1x64xf32>
    %max3A_766 = arith.maximumf %get3A_765, %broadcast_in_dim3A_762 : vector<1x64xf32>
    %swap3A_767 = arith.constant 39 : index
    %swap3A_768 = arith.constant 0 : index
    %swap3A_769 = vector.load %arg19[%swap3A_767, %swap3A_768] : memref<64x64xf32, #tpu.memory_space<vmem>>, vector<1x64xf32>
    tpu.vector_store %arg19[%swap3A_767, %swap3A_768], %max3A_766 {strides = array<i32>} : memref<64x64xf32, #tpu.memory_space<vmem>>, vector<1x64xf32>,
    %eq3A_770 = arith.constant 40 : i32
    %eq3A_771 = vector.broadcast %eq3A_770 : i32 to vector<2000x1xi32>
    %eq3A_772 = arith.cmpi eq, %get3A_53, %eq3A_771 : vector<2000x1xi32>
    %jit3A_773 = arith.constant 0xFF800000 : f32
    %broadcast_in_dim3A_774 = vector.shape_cast %eq3A_772 : vector<2000x1xi1> to vector<2000x1xi1>
    %broadcast_in_dim3A_775 = vector.broadcast %broadcast_in_dim3A_774 : vector<2000x1xi1> to vector<2000x64xi1>
    %broadcast_in_dim3A_776 = vector.broadcast %jit3A_773 : f32 to vector<2000x64xf32>
    %select_n3A_777 = arith.select %broadcast_in_dim3A_775, %max3A_33, %broadcast_in_dim3A_776 : vector<2000x64xi1>, vector<2000x64xf32>
    %reduce_max3A_778 = arith.constant dense<0xFF800000> : vector<64xf32>
    %reduce_max3A_779 = vector.multi_reduction <maximumf>, %select_n3A_777, %reduce_max3A_778 [0] : vector<2000x64xf32> to vector<64xf32>
    %broadcast_in_dim3A_780 = vector.shape_cast %reduce_max3A_779 : vector<64xf32> to vector<1x64xf32>
    %get3A_781 = arith.constant 40 : index
    %get3A_782 = arith.constant 0 : index
    %get3A_783 = vector.load %arg19[%get3A_781, %get3A_782] : memref<64x64xf32, #tpu.memory_space<vmem>>, vector<1x64xf32>
    %max3A_784 = arith.maximumf %get3A_783, %broadcast_in_dim3A_780 : vector<1x64xf32>
    %swap3A_785 = arith.constant 40 : index
    %swap3A_786 = arith.constant 0 : index
    %swap3A_787 = vector.load %arg19[%swap3A_785, %swap3A_786] : memref<64x64xf32, #tpu.memory_space<vmem>>, vector<1x64xf32>
    tpu.vector_store %arg19[%swap3A_785, %swap3A_786], %max3A_784 {strides = array<i32>} : memref<64x64xf32, #tpu.memory_space<vmem>>, vector<1x64xf32>,
    %eq3A_788 = arith.constant 41 : i32
    %eq3A_789 = vector.broadcast %eq3A_788 : i32 to vector<2000x1xi32>
    %eq3A_790 = arith.cmpi eq, %get3A_53, %eq3A_789 : vector<2000x1xi32>
    %jit3A_791 = arith.constant 0xFF800000 : f32
    %broadcast_in_dim3A_792 = vector.shape_cast %eq3A_790 : vector<2000x1xi1> to vector<2000x1xi1>
    %broadcast_in_dim3A_793 = vector.broadcast %broadcast_in_dim3A_792 : vector<2000x1xi1> to vector<2000x64xi1>
    %broadcast_in_dim3A_794 = vector.broadcast %jit3A_791 : f32 to vector<2000x64xf32>
    %select_n3A_795 = arith.select %broadcast_in_dim3A_793, %max3A_33, %broadcast_in_dim3A_794 : vector<2000x64xi1>, vector<2000x64xf32>
    %reduce_max3A_796 = arith.constant dense<0xFF800000> : vector<64xf32>
    %reduce_max3A_797 = vector.multi_reduction <maximumf>, %select_n3A_795, %reduce_max3A_796 [0] : vector<2000x64xf32> to vector<64xf32>
    %broadcast_in_dim3A_798 = vector.shape_cast %reduce_max3A_797 : vector<64xf32> to vector<1x64xf32>
    %get3A_799 = arith.constant 41 : index
    %get3A_800 = arith.constant 0 : index
    %get3A_801 = vector.load %arg19[%get3A_799, %get3A_800] : memref<64x64xf32, #tpu.memory_space<vmem>>, vector<1x64xf32>
    %max3A_802 = arith.maximumf %get3A_801, %broadcast_in_dim3A_798 : vector<1x64xf32>
    %swap3A_803 = arith.constant 41 : index
    %swap3A_804 = arith.constant 0 : index
    %swap3A_805 = vector.load %arg19[%swap3A_803, %swap3A_804] : memref<64x64xf32, #tpu.memory_space<vmem>>, vector<1x64xf32>
    tpu.vector_store %arg19[%swap3A_803, %swap3A_804], %max3A_802 {strides = array<i32>} : memref<64x64xf32, #tpu.memory_space<vmem>>, vector<1x64xf32>,
    %eq3A_806 = arith.constant 42 : i32
    %eq3A_807 = vector.broadcast %eq3A_806 : i32 to vector<2000x1xi32>
    %eq3A_808 = arith.cmpi eq, %get3A_53, %eq3A_807 : vector<2000x1xi32>
    %jit3A_809 = arith.constant 0xFF800000 : f32
    %broadcast_in_dim3A_810 = vector.shape_cast %eq3A_808 : vector<2000x1xi1> to vector<2000x1xi1>
    %broadcast_in_dim3A_811 = vector.broadcast %broadcast_in_dim3A_810 : vector<2000x1xi1> to vector<2000x64xi1>
    %broadcast_in_dim3A_812 = vector.broadcast %jit3A_809 : f32 to vector<2000x64xf32>
    %select_n3A_813 = arith.select %broadcast_in_dim3A_811, %max3A_33, %broadcast_in_dim3A_812 : vector<2000x64xi1>, vector<2000x64xf32>
    %reduce_max3A_814 = arith.constant dense<0xFF800000> : vector<64xf32>
    %reduce_max3A_815 = vector.multi_reduction <maximumf>, %select_n3A_813, %reduce_max3A_814 [0] : vector<2000x64xf32> to vector<64xf32>
    %broadcast_in_dim3A_816 = vector.shape_cast %reduce_max3A_815 : vector<64xf32> to vector<1x64xf32>
    %get3A_817 = arith.constant 42 : index
    %get3A_818 = arith.constant 0 : index
    %get3A_819 = vector.load %arg19[%get3A_817, %get3A_818] : memref<64x64xf32, #tpu.memory_space<vmem>>, vector<1x64xf32>
    %max3A_820 = arith.maximumf %get3A_819, %broadcast_in_dim3A_816 : vector<1x64xf32>
    %swap3A_821 = arith.constant 42 : index
    %swap3A_822 = arith.constant 0 : index
    %swap3A_823 = vector.load %arg19[%swap3A_821, %swap3A_822] : memref<64x64xf32, #tpu.memory_space<vmem>>, vector<1x64xf32>
    tpu.vector_store %arg19[%swap3A_821, %swap3A_822], %max3A_820 {strides = array<i32>} : memref<64x64xf32, #tpu.memory_space<vmem>>, vector<1x64xf32>,
    %eq3A_824 = arith.constant 43 : i32
    %eq3A_825 = vector.broadcast %eq3A_824 : i32 to vector<2000x1xi32>
    %eq3A_826 = arith.cmpi eq, %get3A_53, %eq3A_825 : vector<2000x1xi32>
    %jit3A_827 = arith.constant 0xFF800000 : f32
    %broadcast_in_dim3A_828 = vector.shape_cast %eq3A_826 : vector<2000x1xi1> to vector<2000x1xi1>
    %broadcast_in_dim3A_829 = vector.broadcast %broadcast_in_dim3A_828 : vector<2000x1xi1> to vector<2000x64xi1>
    %broadcast_in_dim3A_830 = vector.broadcast %jit3A_827 : f32 to vector<2000x64xf32>
    %select_n3A_831 = arith.select %broadcast_in_dim3A_829, %max3A_33, %broadcast_in_dim3A_830 : vector<2000x64xi1>, vector<2000x64xf32>
    %reduce_max3A_832 = arith.constant dense<0xFF800000> : vector<64xf32>
    %reduce_max3A_833 = vector.multi_reduction <maximumf>, %select_n3A_831, %reduce_max3A_832 [0] : vector<2000x64xf32> to vector<64xf32>
    %broadcast_in_dim3A_834 = vector.shape_cast %reduce_max3A_833 : vector<64xf32> to vector<1x64xf32>
    %get3A_835 = arith.constant 43 : index
    %get3A_836 = arith.constant 0 : index
    %get3A_837 = vector.load %arg19[%get3A_835, %get3A_836] : memref<64x64xf32, #tpu.memory_space<vmem>>, vector<1x64xf32>
    %max3A_838 = arith.maximumf %get3A_837, %broadcast_in_dim3A_834 : vector<1x64xf32>
    %swap3A_839 = arith.constant 43 : index
    %swap3A_840 = arith.constant 0 : index
    %swap3A_841 = vector.load %arg19[%swap3A_839, %swap3A_840] : memref<64x64xf32, #tpu.memory_space<vmem>>, vector<1x64xf32>
    tpu.vector_store %arg19[%swap3A_839, %swap3A_840], %max3A_838 {strides = array<i32>} : memref<64x64xf32, #tpu.memory_space<vmem>>, vector<1x64xf32>,
    %eq3A_842 = arith.constant 44 : i32
    %eq3A_843 = vector.broadcast %eq3A_842 : i32 to vector<2000x1xi32>
    %eq3A_844 = arith.cmpi eq, %get3A_53, %eq3A_843 : vector<2000x1xi32>
    %jit3A_845 = arith.constant 0xFF800000 : f32
    %broadcast_in_dim3A_846 = vector.shape_cast %eq3A_844 : vector<2000x1xi1> to vector<2000x1xi1>
    %broadcast_in_dim3A_847 = vector.broadcast %broadcast_in_dim3A_846 : vector<2000x1xi1> to vector<2000x64xi1>
    %broadcast_in_dim3A_848 = vector.broadcast %jit3A_845 : f32 to vector<2000x64xf32>
    %select_n3A_849 = arith.select %broadcast_in_dim3A_847, %max3A_33, %broadcast_in_dim3A_848 : vector<2000x64xi1>, vector<2000x64xf32>
    %reduce_max3A_850 = arith.constant dense<0xFF800000> : vector<64xf32>
    %reduce_max3A_851 = vector.multi_reduction <maximumf>, %select_n3A_849, %reduce_max3A_850 [0] : vector<2000x64xf32> to vector<64xf32>
    %broadcast_in_dim3A_852 = vector.shape_cast %reduce_max3A_851 : vector<64xf32> to vector<1x64xf32>
    %get3A_853 = arith.constant 44 : index
    %get3A_854 = arith.constant 0 : index
    %get3A_855 = vector.load %arg19[%get3A_853, %get3A_854] : memref<64x64xf32, #tpu.memory_space<vmem>>, vector<1x64xf32>
    %max3A_856 = arith.maximumf %get3A_855, %broadcast_in_dim3A_852 : vector<1x64xf32>
    %swap3A_857 = arith.constant 44 : index
    %swap3A_858 = arith.constant 0 : index
    %swap3A_859 = vector.load %arg19[%swap3A_857, %swap3A_858] : memref<64x64xf32, #tpu.memory_space<vmem>>, vector<1x64xf32>
    tpu.vector_store %arg19[%swap3A_857, %swap3A_858], %max3A_856 {strides = array<i32>} : memref<64x64xf32, #tpu.memory_space<vmem>>, vector<1x64xf32>,
    %eq3A_860 = arith.constant 45 : i32
    %eq3A_861 = vector.broadcast %eq3A_860 : i32 to vector<2000x1xi32>
    %eq3A_862 = arith.cmpi eq, %get3A_53, %eq3A_861 : vector<2000x1xi32>
    %jit3A_863 = arith.constant 0xFF800000 : f32
    %broadcast_in_dim3A_864 = vector.shape_cast %eq3A_862 : vector<2000x1xi1> to vector<2000x1xi1>
    %broadcast_in_dim3A_865 = vector.broadcast %broadcast_in_dim3A_864 : vector<2000x1xi1> to vector<2000x64xi1>
    %broadcast_in_dim3A_866 = vector.broadcast %jit3A_863 : f32 to vector<2000x64xf32>
    %select_n3A_867 = arith.select %broadcast_in_dim3A_865, %max3A_33, %broadcast_in_dim3A_866 : vector<2000x64xi1>, vector<2000x64xf32>
    %reduce_max3A_868 = arith.constant dense<0xFF800000> : vector<64xf32>
    %reduce_max3A_869 = vector.multi_reduction <maximumf>, %select_n3A_867, %reduce_max3A_868 [0] : vector<2000x64xf32> to vector<64xf32>
    %broadcast_in_dim3A_870 = vector.shape_cast %reduce_max3A_869 : vector<64xf32> to vector<1x64xf32>
    %get3A_871 = arith.constant 45 : index
    %get3A_872 = arith.constant 0 : index
    %get3A_873 = vector.load %arg19[%get3A_871, %get3A_872] : memref<64x64xf32, #tpu.memory_space<vmem>>, vector<1x64xf32>
    %max3A_874 = arith.maximumf %get3A_873, %broadcast_in_dim3A_870 : vector<1x64xf32>
    %swap3A_875 = arith.constant 45 : index
    %swap3A_876 = arith.constant 0 : index
    %swap3A_877 = vector.load %arg19[%swap3A_875, %swap3A_876] : memref<64x64xf32, #tpu.memory_space<vmem>>, vector<1x64xf32>
    tpu.vector_store %arg19[%swap3A_875, %swap3A_876], %max3A_874 {strides = array<i32>} : memref<64x64xf32, #tpu.memory_space<vmem>>, vector<1x64xf32>,
    %eq3A_878 = arith.constant 46 : i32
    %eq3A_879 = vector.broadcast %eq3A_878 : i32 to vector<2000x1xi32>
    %eq3A_880 = arith.cmpi eq, %get3A_53, %eq3A_879 : vector<2000x1xi32>
    %jit3A_881 = arith.constant 0xFF800000 : f32
    %broadcast_in_dim3A_882 = vector.shape_cast %eq3A_880 : vector<2000x1xi1> to vector<2000x1xi1>
    %broadcast_in_dim3A_883 = vector.broadcast %broadcast_in_dim3A_882 : vector<2000x1xi1> to vector<2000x64xi1>
    %broadcast_in_dim3A_884 = vector.broadcast %jit3A_881 : f32 to vector<2000x64xf32>
    %select_n3A_885 = arith.select %broadcast_in_dim3A_883, %max3A_33, %broadcast_in_dim3A_884 : vector<2000x64xi1>, vector<2000x64xf32>
    %reduce_max3A_886 = arith.constant dense<0xFF800000> : vector<64xf32>
    %reduce_max3A_887 = vector.multi_reduction <maximumf>, %select_n3A_885, %reduce_max3A_886 [0] : vector<2000x64xf32> to vector<64xf32>
    %broadcast_in_dim3A_888 = vector.shape_cast %reduce_max3A_887 : vector<64xf32> to vector<1x64xf32>
    %get3A_889 = arith.constant 46 : index
    %get3A_890 = arith.constant 0 : index
    %get3A_891 = vector.load %arg19[%get3A_889, %get3A_890] : memref<64x64xf32, #tpu.memory_space<vmem>>, vector<1x64xf32>
    %max3A_892 = arith.maximumf %get3A_891, %broadcast_in_dim3A_888 : vector<1x64xf32>
    %swap3A_893 = arith.constant 46 : index
    %swap3A_894 = arith.constant 0 : index
    %swap3A_895 = vector.load %arg19[%swap3A_893, %swap3A_894] : memref<64x64xf32, #tpu.memory_space<vmem>>, vector<1x64xf32>
    tpu.vector_store %arg19[%swap3A_893, %swap3A_894], %max3A_892 {strides = array<i32>} : memref<64x64xf32, #tpu.memory_space<vmem>>, vector<1x64xf32>,
    %eq3A_896 = arith.constant 47 : i32
    %eq3A_897 = vector.broadcast %eq3A_896 : i32 to vector<2000x1xi32>
    %eq3A_898 = arith.cmpi eq, %get3A_53, %eq3A_897 : vector<2000x1xi32>
    %jit3A_899 = arith.constant 0xFF800000 : f32
    %broadcast_in_dim3A_900 = vector.shape_cast %eq3A_898 : vector<2000x1xi1> to vector<2000x1xi1>
    %broadcast_in_dim3A_901 = vector.broadcast %broadcast_in_dim3A_900 : vector<2000x1xi1> to vector<2000x64xi1>
    %broadcast_in_dim3A_902 = vector.broadcast %jit3A_899 : f32 to vector<2000x64xf32>
    %select_n3A_903 = arith.select %broadcast_in_dim3A_901, %max3A_33, %broadcast_in_dim3A_902 : vector<2000x64xi1>, vector<2000x64xf32>
    %reduce_max3A_904 = arith.constant dense<0xFF800000> : vector<64xf32>
    %reduce_max3A_905 = vector.multi_reduction <maximumf>, %select_n3A_903, %reduce_max3A_904 [0] : vector<2000x64xf32> to vector<64xf32>
    %broadcast_in_dim3A_906 = vector.shape_cast %reduce_max3A_905 : vector<64xf32> to vector<1x64xf32>
    %get3A_907 = arith.constant 47 : index
    %get3A_908 = arith.constant 0 : index
    %get3A_909 = vector.load %arg19[%get3A_907, %get3A_908] : memref<64x64xf32, #tpu.memory_space<vmem>>, vector<1x64xf32>
    %max3A_910 = arith.maximumf %get3A_909, %broadcast_in_dim3A_906 : vector<1x64xf32>
    %swap3A_911 = arith.constant 47 : index
    %swap3A_912 = arith.constant 0 : index
    %swap3A_913 = vector.load %arg19[%swap3A_911, %swap3A_912] : memref<64x64xf32, #tpu.memory_space<vmem>>, vector<1x64xf32>
    tpu.vector_store %arg19[%swap3A_911, %swap3A_912], %max3A_910 {strides = array<i32>} : memref<64x64xf32, #tpu.memory_space<vmem>>, vector<1x64xf32>,
    %eq3A_914 = arith.constant 48 : i32
    %eq3A_915 = vector.broadcast %eq3A_914 : i32 to vector<2000x1xi32>
    %eq3A_916 = arith.cmpi eq, %get3A_53, %eq3A_915 : vector<2000x1xi32>
    %jit3A_917 = arith.constant 0xFF800000 : f32
    %broadcast_in_dim3A_918 = vector.shape_cast %eq3A_916 : vector<2000x1xi1> to vector<2000x1xi1>
    %broadcast_in_dim3A_919 = vector.broadcast %broadcast_in_dim3A_918 : vector<2000x1xi1> to vector<2000x64xi1>
    %broadcast_in_dim3A_920 = vector.broadcast %jit3A_917 : f32 to vector<2000x64xf32>
    %select_n3A_921 = arith.select %broadcast_in_dim3A_919, %max3A_33, %broadcast_in_dim3A_920 : vector<2000x64xi1>, vector<2000x64xf32>
    %reduce_max3A_922 = arith.constant dense<0xFF800000> : vector<64xf32>
    %reduce_max3A_923 = vector.multi_reduction <maximumf>, %select_n3A_921, %reduce_max3A_922 [0] : vector<2000x64xf32> to vector<64xf32>
    %broadcast_in_dim3A_924 = vector.shape_cast %reduce_max3A_923 : vector<64xf32> to vector<1x64xf32>
    %get3A_925 = arith.constant 48 : index
    %get3A_926 = arith.constant 0 : index
    %get3A_927 = vector.load %arg19[%get3A_925, %get3A_926] : memref<64x64xf32, #tpu.memory_space<vmem>>, vector<1x64xf32>
    %max3A_928 = arith.maximumf %get3A_927, %broadcast_in_dim3A_924 : vector<1x64xf32>
    %swap3A_929 = arith.constant 48 : index
    %swap3A_930 = arith.constant 0 : index
    %swap3A_931 = vector.load %arg19[%swap3A_929, %swap3A_930] : memref<64x64xf32, #tpu.memory_space<vmem>>, vector<1x64xf32>
    tpu.vector_store %arg19[%swap3A_929, %swap3A_930], %max3A_928 {strides = array<i32>} : memref<64x64xf32, #tpu.memory_space<vmem>>, vector<1x64xf32>,
    %eq3A_932 = arith.constant 49 : i32
    %eq3A_933 = vector.broadcast %eq3A_932 : i32 to vector<2000x1xi32>
    %eq3A_934 = arith.cmpi eq, %get3A_53, %eq3A_933 : vector<2000x1xi32>
    %jit3A_935 = arith.constant 0xFF800000 : f32
    %broadcast_in_dim3A_936 = vector.shape_cast %eq3A_934 : vector<2000x1xi1> to vector<2000x1xi1>
    %broadcast_in_dim3A_937 = vector.broadcast %broadcast_in_dim3A_936 : vector<2000x1xi1> to vector<2000x64xi1>
    %broadcast_in_dim3A_938 = vector.broadcast %jit3A_935 : f32 to vector<2000x64xf32>
    %select_n3A_939 = arith.select %broadcast_in_dim3A_937, %max3A_33, %broadcast_in_dim3A_938 : vector<2000x64xi1>, vector<2000x64xf32>
    %reduce_max3A_940 = arith.constant dense<0xFF800000> : vector<64xf32>
    %reduce_max3A_941 = vector.multi_reduction <maximumf>, %select_n3A_939, %reduce_max3A_940 [0] : vector<2000x64xf32> to vector<64xf32>
    %broadcast_in_dim3A_942 = vector.shape_cast %reduce_max3A_941 : vector<64xf32> to vector<1x64xf32>
    %get3A_943 = arith.constant 49 : index
    %get3A_944 = arith.constant 0 : index
    %get3A_945 = vector.load %arg19[%get3A_943, %get3A_944] : memref<64x64xf32, #tpu.memory_space<vmem>>, vector<1x64xf32>
    %max3A_946 = arith.maximumf %get3A_945, %broadcast_in_dim3A_942 : vector<1x64xf32>
    %swap3A_947 = arith.constant 49 : index
    %swap3A_948 = arith.constant 0 : index
    %swap3A_949 = vector.load %arg19[%swap3A_947, %swap3A_948] : memref<64x64xf32, #tpu.memory_space<vmem>>, vector<1x64xf32>
    tpu.vector_store %arg19[%swap3A_947, %swap3A_948], %max3A_946 {strides = array<i32>} : memref<64x64xf32, #tpu.memory_space<vmem>>, vector<1x64xf32>,
    %eq3A_950 = arith.constant 50 : i32
    %eq3A_951 = vector.broadcast %eq3A_950 : i32 to vector<2000x1xi32>
    %eq3A_952 = arith.cmpi eq, %get3A_53, %eq3A_951 : vector<2000x1xi32>
    %jit3A_953 = arith.constant 0xFF800000 : f32
    %broadcast_in_dim3A_954 = vector.shape_cast %eq3A_952 : vector<2000x1xi1> to vector<2000x1xi1>
    %broadcast_in_dim3A_955 = vector.broadcast %broadcast_in_dim3A_954 : vector<2000x1xi1> to vector<2000x64xi1>
    %broadcast_in_dim3A_956 = vector.broadcast %jit3A_953 : f32 to vector<2000x64xf32>
    %select_n3A_957 = arith.select %broadcast_in_dim3A_955, %max3A_33, %broadcast_in_dim3A_956 : vector<2000x64xi1>, vector<2000x64xf32>
    %reduce_max3A_958 = arith.constant dense<0xFF800000> : vector<64xf32>
    %reduce_max3A_959 = vector.multi_reduction <maximumf>, %select_n3A_957, %reduce_max3A_958 [0] : vector<2000x64xf32> to vector<64xf32>
    %broadcast_in_dim3A_960 = vector.shape_cast %reduce_max3A_959 : vector<64xf32> to vector<1x64xf32>
    %get3A_961 = arith.constant 50 : index
    %get3A_962 = arith.constant 0 : index
    %get3A_963 = vector.load %arg19[%get3A_961, %get3A_962] : memref<64x64xf32, #tpu.memory_space<vmem>>, vector<1x64xf32>
    %max3A_964 = arith.maximumf %get3A_963, %broadcast_in_dim3A_960 : vector<1x64xf32>
    %swap3A_965 = arith.constant 50 : index
    %swap3A_966 = arith.constant 0 : index
    %swap3A_967 = vector.load %arg19[%swap3A_965, %swap3A_966] : memref<64x64xf32, #tpu.memory_space<vmem>>, vector<1x64xf32>
    tpu.vector_store %arg19[%swap3A_965, %swap3A_966], %max3A_964 {strides = array<i32>} : memref<64x64xf32, #tpu.memory_space<vmem>>, vector<1x64xf32>,
    %eq3A_968 = arith.constant 51 : i32
    %eq3A_969 = vector.broadcast %eq3A_968 : i32 to vector<2000x1xi32>
    %eq3A_970 = arith.cmpi eq, %get3A_53, %eq3A_969 : vector<2000x1xi32>
    %jit3A_971 = arith.constant 0xFF800000 : f32
    %broadcast_in_dim3A_972 = vector.shape_cast %eq3A_970 : vector<2000x1xi1> to vector<2000x1xi1>
    %broadcast_in_dim3A_973 = vector.broadcast %broadcast_in_dim3A_972 : vector<2000x1xi1> to vector<2000x64xi1>
    %broadcast_in_dim3A_974 = vector.broadcast %jit3A_971 : f32 to vector<2000x64xf32>
    %select_n3A_975 = arith.select %broadcast_in_dim3A_973, %max3A_33, %broadcast_in_dim3A_974 : vector<2000x64xi1>, vector<2000x64xf32>
    %reduce_max3A_976 = arith.constant dense<0xFF800000> : vector<64xf32>
    %reduce_max3A_977 = vector.multi_reduction <maximumf>, %select_n3A_975, %reduce_max3A_976 [0] : vector<2000x64xf32> to vector<64xf32>
    %broadcast_in_dim3A_978 = vector.shape_cast %reduce_max3A_977 : vector<64xf32> to vector<1x64xf32>
    %get3A_979 = arith.constant 51 : index
    %get3A_980 = arith.constant 0 : index
    %get3A_981 = vector.load %arg19[%get3A_979, %get3A_980] : memref<64x64xf32, #tpu.memory_space<vmem>>, vector<1x64xf32>
    %max3A_982 = arith.maximumf %get3A_981, %broadcast_in_dim3A_978 : vector<1x64xf32>
    %swap3A_983 = arith.constant 51 : index
    %swap3A_984 = arith.constant 0 : index
    %swap3A_985 = vector.load %arg19[%swap3A_983, %swap3A_984] : memref<64x64xf32, #tpu.memory_space<vmem>>, vector<1x64xf32>
    tpu.vector_store %arg19[%swap3A_983, %swap3A_984], %max3A_982 {strides = array<i32>} : memref<64x64xf32, #tpu.memory_space<vmem>>, vector<1x64xf32>,
    %eq3A_986 = arith.constant 52 : i32
    %eq3A_987 = vector.broadcast %eq3A_986 : i32 to vector<2000x1xi32>
    %eq3A_988 = arith.cmpi eq, %get3A_53, %eq3A_987 : vector<2000x1xi32>
    %jit3A_989 = arith.constant 0xFF800000 : f32
    %broadcast_in_dim3A_990 = vector.shape_cast %eq3A_988 : vector<2000x1xi1> to vector<2000x1xi1>
    %broadcast_in_dim3A_991 = vector.broadcast %broadcast_in_dim3A_990 : vector<2000x1xi1> to vector<2000x64xi1>
    %broadcast_in_dim3A_992 = vector.broadcast %jit3A_989 : f32 to vector<2000x64xf32>
    %select_n3A_993 = arith.select %broadcast_in_dim3A_991, %max3A_33, %broadcast_in_dim3A_992 : vector<2000x64xi1>, vector<2000x64xf32>
    %reduce_max3A_994 = arith.constant dense<0xFF800000> : vector<64xf32>
    %reduce_max3A_995 = vector.multi_reduction <maximumf>, %select_n3A_993, %reduce_max3A_994 [0] : vector<2000x64xf32> to vector<64xf32>
    %broadcast_in_dim3A_996 = vector.shape_cast %reduce_max3A_995 : vector<64xf32> to vector<1x64xf32>
    %get3A_997 = arith.constant 52 : index
    %get3A_998 = arith.constant 0 : index
    %get3A_999 = vector.load %arg19[%get3A_997, %get3A_998] : memref<64x64xf32, #tpu.memory_space<vmem>>, vector<1x64xf32>
    %max3A_1000 = arith.maximumf %get3A_999, %broadcast_in_dim3A_996 : vector<1x64xf32>
    %swap3A_1001 = arith.constant 52 : index
    %swap3A_1002 = arith.constant 0 : index
    %swap3A_1003 = vector.load %arg19[%swap3A_1001, %swap3A_1002] : memref<64x64xf32, #tpu.memory_space<vmem>>, vector<1x64xf32>
    tpu.vector_store %arg19[%swap3A_1001, %swap3A_1002], %max3A_1000 {strides = array<i32>} : memref<64x64xf32, #tpu.memory_space<vmem>>, vector<1x64xf32>,
    %eq3A_1004 = arith.constant 53 : i32
    %eq3A_1005 = vector.broadcast %eq3A_1004 : i32 to vector<2000x1xi32>
    %eq3A_1006 = arith.cmpi eq, %get3A_53, %eq3A_1005 : vector<2000x1xi32>
    %jit3A_1007 = arith.constant 0xFF800000 : f32
    %broadcast_in_dim3A_1008 = vector.shape_cast %eq3A_1006 : vector<2000x1xi1> to vector<2000x1xi1>
    %broadcast_in_dim3A_1009 = vector.broadcast %broadcast_in_dim3A_1008 : vector<2000x1xi1> to vector<2000x64xi1>
    %broadcast_in_dim3A_1010 = vector.broadcast %jit3A_1007 : f32 to vector<2000x64xf32>
    %select_n3A_1011 = arith.select %broadcast_in_dim3A_1009, %max3A_33, %broadcast_in_dim3A_1010 : vector<2000x64xi1>, vector<2000x64xf32>
    %reduce_max3A_1012 = arith.constant dense<0xFF800000> : vector<64xf32>
    %reduce_max3A_1013 = vector.multi_reduction <maximumf>, %select_n3A_1011, %reduce_max3A_1012 [0] : vector<2000x64xf32> to vector<64xf32>
    %broadcast_in_dim3A_1014 = vector.shape_cast %reduce_max3A_1013 : vector<64xf32> to vector<1x64xf32>
    %get3A_1015 = arith.constant 53 : index
    %get3A_1016 = arith.constant 0 : index
    %get3A_1017 = vector.load %arg19[%get3A_1015, %get3A_1016] : memref<64x64xf32, #tpu.memory_space<vmem>>, vector<1x64xf32>
    %max3A_1018 = arith.maximumf %get3A_1017, %broadcast_in_dim3A_1014 : vector<1x64xf32>
    %swap3A_1019 = arith.constant 53 : index
    %swap3A_1020 = arith.constant 0 : index
    %swap3A_1021 = vector.load %arg19[%swap3A_1019, %swap3A_1020] : memref<64x64xf32, #tpu.memory_space<vmem>>, vector<1x64xf32>
    tpu.vector_store %arg19[%swap3A_1019, %swap3A_1020], %max3A_1018 {strides = array<i32>} : memref<64x64xf32, #tpu.memory_space<vmem>>, vector<1x64xf32>,
    %eq3A_1022 = arith.constant 54 : i32
    %eq3A_1023 = vector.broadcast %eq3A_1022 : i32 to vector<2000x1xi32>
    %eq3A_1024 = arith.cmpi eq, %get3A_53, %eq3A_1023 : vector<2000x1xi32>
    %jit3A_1025 = arith.constant 0xFF800000 : f32
    %broadcast_in_dim3A_1026 = vector.shape_cast %eq3A_1024 : vector<2000x1xi1> to vector<2000x1xi1>
    %broadcast_in_dim3A_1027 = vector.broadcast %broadcast_in_dim3A_1026 : vector<2000x1xi1> to vector<2000x64xi1>
    %broadcast_in_dim3A_1028 = vector.broadcast %jit3A_1025 : f32 to vector<2000x64xf32>
    %select_n3A_1029 = arith.select %broadcast_in_dim3A_1027, %max3A_33, %broadcast_in_dim3A_1028 : vector<2000x64xi1>, vector<2000x64xf32>
    %reduce_max3A_1030 = arith.constant dense<0xFF800000> : vector<64xf32>
    %reduce_max3A_1031 = vector.multi_reduction <maximumf>, %select_n3A_1029, %reduce_max3A_1030 [0] : vector<2000x64xf32> to vector<64xf32>
    %broadcast_in_dim3A_1032 = vector.shape_cast %reduce_max3A_1031 : vector<64xf32> to vector<1x64xf32>
    %get3A_1033 = arith.constant 54 : index
    %get3A_1034 = arith.constant 0 : index
    %get3A_1035 = vector.load %arg19[%get3A_1033, %get3A_1034] : memref<64x64xf32, #tpu.memory_space<vmem>>, vector<1x64xf32>
    %max3A_1036 = arith.maximumf %get3A_1035, %broadcast_in_dim3A_1032 : vector<1x64xf32>
    %swap3A_1037 = arith.constant 54 : index
    %swap3A_1038 = arith.constant 0 : index
    %swap3A_1039 = vector.load %arg19[%swap3A_1037, %swap3A_1038] : memref<64x64xf32, #tpu.memory_space<vmem>>, vector<1x64xf32>
    tpu.vector_store %arg19[%swap3A_1037, %swap3A_1038], %max3A_1036 {strides = array<i32>} : memref<64x64xf32, #tpu.memory_space<vmem>>, vector<1x64xf32>,
    %eq3A_1040 = arith.constant 55 : i32
    %eq3A_1041 = vector.broadcast %eq3A_1040 : i32 to vector<2000x1xi32>
    %eq3A_1042 = arith.cmpi eq, %get3A_53, %eq3A_1041 : vector<2000x1xi32>
    %jit3A_1043 = arith.constant 0xFF800000 : f32
    %broadcast_in_dim3A_1044 = vector.shape_cast %eq3A_1042 : vector<2000x1xi1> to vector<2000x1xi1>
    %broadcast_in_dim3A_1045 = vector.broadcast %broadcast_in_dim3A_1044 : vector<2000x1xi1> to vector<2000x64xi1>
    %broadcast_in_dim3A_1046 = vector.broadcast %jit3A_1043 : f32 to vector<2000x64xf32>
    %select_n3A_1047 = arith.select %broadcast_in_dim3A_1045, %max3A_33, %broadcast_in_dim3A_1046 : vector<2000x64xi1>, vector<2000x64xf32>
    %reduce_max3A_1048 = arith.constant dense<0xFF800000> : vector<64xf32>
    %reduce_max3A_1049 = vector.multi_reduction <maximumf>, %select_n3A_1047, %reduce_max3A_1048 [0] : vector<2000x64xf32> to vector<64xf32>
    %broadcast_in_dim3A_1050 = vector.shape_cast %reduce_max3A_1049 : vector<64xf32> to vector<1x64xf32>
    %get3A_1051 = arith.constant 55 : index
    %get3A_1052 = arith.constant 0 : index
    %get3A_1053 = vector.load %arg19[%get3A_1051, %get3A_1052] : memref<64x64xf32, #tpu.memory_space<vmem>>, vector<1x64xf32>
    %max3A_1054 = arith.maximumf %get3A_1053, %broadcast_in_dim3A_1050 : vector<1x64xf32>
    %swap3A_1055 = arith.constant 55 : index
    %swap3A_1056 = arith.constant 0 : index
    %swap3A_1057 = vector.load %arg19[%swap3A_1055, %swap3A_1056] : memref<64x64xf32, #tpu.memory_space<vmem>>, vector<1x64xf32>
    tpu.vector_store %arg19[%swap3A_1055, %swap3A_1056], %max3A_1054 {strides = array<i32>} : memref<64x64xf32, #tpu.memory_space<vmem>>, vector<1x64xf32>,
    %eq3A_1058 = arith.constant 56 : i32
    %eq3A_1059 = vector.broadcast %eq3A_1058 : i32 to vector<2000x1xi32>
    %eq3A_1060 = arith.cmpi eq, %get3A_53, %eq3A_1059 : vector<2000x1xi32>
    %jit3A_1061 = arith.constant 0xFF800000 : f32
    %broadcast_in_dim3A_1062 = vector.shape_cast %eq3A_1060 : vector<2000x1xi1> to vector<2000x1xi1>
    %broadcast_in_dim3A_1063 = vector.broadcast %broadcast_in_dim3A_1062 : vector<2000x1xi1> to vector<2000x64xi1>
    %broadcast_in_dim3A_1064 = vector.broadcast %jit3A_1061 : f32 to vector<2000x64xf32>
    %select_n3A_1065 = arith.select %broadcast_in_dim3A_1063, %max3A_33, %broadcast_in_dim3A_1064 : vector<2000x64xi1>, vector<2000x64xf32>
    %reduce_max3A_1066 = arith.constant dense<0xFF800000> : vector<64xf32>
    %reduce_max3A_1067 = vector.multi_reduction <maximumf>, %select_n3A_1065, %reduce_max3A_1066 [0] : vector<2000x64xf32> to vector<64xf32>
    %broadcast_in_dim3A_1068 = vector.shape_cast %reduce_max3A_1067 : vector<64xf32> to vector<1x64xf32>
    %get3A_1069 = arith.constant 56 : index
    %get3A_1070 = arith.constant 0 : index
    %get3A_1071 = vector.load %arg19[%get3A_1069, %get3A_1070] : memref<64x64xf32, #tpu.memory_space<vmem>>, vector<1x64xf32>
    %max3A_1072 = arith.maximumf %get3A_1071, %broadcast_in_dim3A_1068 : vector<1x64xf32>
    %swap3A_1073 = arith.constant 56 : index
    %swap3A_1074 = arith.constant 0 : index
    %swap3A_1075 = vector.load %arg19[%swap3A_1073, %swap3A_1074] : memref<64x64xf32, #tpu.memory_space<vmem>>, vector<1x64xf32>
    tpu.vector_store %arg19[%swap3A_1073, %swap3A_1074], %max3A_1072 {strides = array<i32>} : memref<64x64xf32, #tpu.memory_space<vmem>>, vector<1x64xf32>,
    %eq3A_1076 = arith.constant 57 : i32
    %eq3A_1077 = vector.broadcast %eq3A_1076 : i32 to vector<2000x1xi32>
    %eq3A_1078 = arith.cmpi eq, %get3A_53, %eq3A_1077 : vector<2000x1xi32>
    %jit3A_1079 = arith.constant 0xFF800000 : f32
    %broadcast_in_dim3A_1080 = vector.shape_cast %eq3A_1078 : vector<2000x1xi1> to vector<2000x1xi1>
    %broadcast_in_dim3A_1081 = vector.broadcast %broadcast_in_dim3A_1080 : vector<2000x1xi1> to vector<2000x64xi1>
    %broadcast_in_dim3A_1082 = vector.broadcast %jit3A_1079 : f32 to vector<2000x64xf32>
    %select_n3A_1083 = arith.select %broadcast_in_dim3A_1081, %max3A_33, %broadcast_in_dim3A_1082 : vector<2000x64xi1>, vector<2000x64xf32>
    %reduce_max3A_1084 = arith.constant dense<0xFF800000> : vector<64xf32>
    %reduce_max3A_1085 = vector.multi_reduction <maximumf>, %select_n3A_1083, %reduce_max3A_1084 [0] : vector<2000x64xf32> to vector<64xf32>
    %broadcast_in_dim3A_1086 = vector.shape_cast %reduce_max3A_1085 : vector<64xf32> to vector<1x64xf32>
    %get3A_1087 = arith.constant 57 : index
    %get3A_1088 = arith.constant 0 : index
    %get3A_1089 = vector.load %arg19[%get3A_1087, %get3A_1088] : memref<64x64xf32, #tpu.memory_space<vmem>>, vector<1x64xf32>
    %max3A_1090 = arith.maximumf %get3A_1089, %broadcast_in_dim3A_1086 : vector<1x64xf32>
    %swap3A_1091 = arith.constant 57 : index
    %swap3A_1092 = arith.constant 0 : index
    %swap3A_1093 = vector.load %arg19[%swap3A_1091, %swap3A_1092] : memref<64x64xf32, #tpu.memory_space<vmem>>, vector<1x64xf32>
    tpu.vector_store %arg19[%swap3A_1091, %swap3A_1092], %max3A_1090 {strides = array<i32>} : memref<64x64xf32, #tpu.memory_space<vmem>>, vector<1x64xf32>,
    %eq3A_1094 = arith.constant 58 : i32
    %eq3A_1095 = vector.broadcast %eq3A_1094 : i32 to vector<2000x1xi32>
    %eq3A_1096 = arith.cmpi eq, %get3A_53, %eq3A_1095 : vector<2000x1xi32>
    %jit3A_1097 = arith.constant 0xFF800000 : f32
    %broadcast_in_dim3A_1098 = vector.shape_cast %eq3A_1096 : vector<2000x1xi1> to vector<2000x1xi1>
    %broadcast_in_dim3A_1099 = vector.broadcast %broadcast_in_dim3A_1098 : vector<2000x1xi1> to vector<2000x64xi1>
    %broadcast_in_dim3A_1100 = vector.broadcast %jit3A_1097 : f32 to vector<2000x64xf32>
    %select_n3A_1101 = arith.select %broadcast_in_dim3A_1099, %max3A_33, %broadcast_in_dim3A_1100 : vector<2000x64xi1>, vector<2000x64xf32>
    %reduce_max3A_1102 = arith.constant dense<0xFF800000> : vector<64xf32>
    %reduce_max3A_1103 = vector.multi_reduction <maximumf>, %select_n3A_1101, %reduce_max3A_1102 [0] : vector<2000x64xf32> to vector<64xf32>
    %broadcast_in_dim3A_1104 = vector.shape_cast %reduce_max3A_1103 : vector<64xf32> to vector<1x64xf32>
    %get3A_1105 = arith.constant 58 : index
    %get3A_1106 = arith.constant 0 : index
    %get3A_1107 = vector.load %arg19[%get3A_1105, %get3A_1106] : memref<64x64xf32, #tpu.memory_space<vmem>>, vector<1x64xf32>
    %max3A_1108 = arith.maximumf %get3A_1107, %broadcast_in_dim3A_1104 : vector<1x64xf32>
    %swap3A_1109 = arith.constant 58 : index
    %swap3A_1110 = arith.constant 0 : index
    %swap3A_1111 = vector.load %arg19[%swap3A_1109, %swap3A_1110] : memref<64x64xf32, #tpu.memory_space<vmem>>, vector<1x64xf32>
    tpu.vector_store %arg19[%swap3A_1109, %swap3A_1110], %max3A_1108 {strides = array<i32>} : memref<64x64xf32, #tpu.memory_space<vmem>>, vector<1x64xf32>,
    %eq3A_1112 = arith.constant 59 : i32
    %eq3A_1113 = vector.broadcast %eq3A_1112 : i32 to vector<2000x1xi32>
    %eq3A_1114 = arith.cmpi eq, %get3A_53, %eq3A_1113 : vector<2000x1xi32>
    %jit3A_1115 = arith.constant 0xFF800000 : f32
    %broadcast_in_dim3A_1116 = vector.shape_cast %eq3A_1114 : vector<2000x1xi1> to vector<2000x1xi1>
    %broadcast_in_dim3A_1117 = vector.broadcast %broadcast_in_dim3A_1116 : vector<2000x1xi1> to vector<2000x64xi1>
    %broadcast_in_dim3A_1118 = vector.broadcast %jit3A_1115 : f32 to vector<2000x64xf32>
    %select_n3A_1119 = arith.select %broadcast_in_dim3A_1117, %max3A_33, %broadcast_in_dim3A_1118 : vector<2000x64xi1>, vector<2000x64xf32>
    %reduce_max3A_1120 = arith.constant dense<0xFF800000> : vector<64xf32>
    %reduce_max3A_1121 = vector.multi_reduction <maximumf>, %select_n3A_1119, %reduce_max3A_1120 [0] : vector<2000x64xf32> to vector<64xf32>
    %broadcast_in_dim3A_1122 = vector.shape_cast %reduce_max3A_1121 : vector<64xf32> to vector<1x64xf32>
    %get3A_1123 = arith.constant 59 : index
    %get3A_1124 = arith.constant 0 : index
    %get3A_1125 = vector.load %arg19[%get3A_1123, %get3A_1124] : memref<64x64xf32, #tpu.memory_space<vmem>>, vector<1x64xf32>
    %max3A_1126 = arith.maximumf %get3A_1125, %broadcast_in_dim3A_1122 : vector<1x64xf32>
    %swap3A_1127 = arith.constant 59 : index
    %swap3A_1128 = arith.constant 0 : index
    %swap3A_1129 = vector.load %arg19[%swap3A_1127, %swap3A_1128] : memref<64x64xf32, #tpu.memory_space<vmem>>, vector<1x64xf32>
    tpu.vector_store %arg19[%swap3A_1127, %swap3A_1128], %max3A_1126 {strides = array<i32>} : memref<64x64xf32, #tpu.memory_space<vmem>>, vector<1x64xf32>,
    %eq3A_1130 = arith.constant 60 : i32
    %eq3A_1131 = vector.broadcast %eq3A_1130 : i32 to vector<2000x1xi32>
    %eq3A_1132 = arith.cmpi eq, %get3A_53, %eq3A_1131 : vector<2000x1xi32>
    %jit3A_1133 = arith.constant 0xFF800000 : f32
    %broadcast_in_dim3A_1134 = vector.shape_cast %eq3A_1132 : vector<2000x1xi1> to vector<2000x1xi1>
    %broadcast_in_dim3A_1135 = vector.broadcast %broadcast_in_dim3A_1134 : vector<2000x1xi1> to vector<2000x64xi1>
    %broadcast_in_dim3A_1136 = vector.broadcast %jit3A_1133 : f32 to vector<2000x64xf32>
    %select_n3A_1137 = arith.select %broadcast_in_dim3A_1135, %max3A_33, %broadcast_in_dim3A_1136 : vector<2000x64xi1>, vector<2000x64xf32>
    %reduce_max3A_1138 = arith.constant dense<0xFF800000> : vector<64xf32>
    %reduce_max3A_1139 = vector.multi_reduction <maximumf>, %select_n3A_1137, %reduce_max3A_1138 [0] : vector<2000x64xf32> to vector<64xf32>
    %broadcast_in_dim3A_1140 = vector.shape_cast %reduce_max3A_1139 : vector<64xf32> to vector<1x64xf32>
    %get3A_1141 = arith.constant 60 : index
    %get3A_1142 = arith.constant 0 : index
    %get3A_1143 = vector.load %arg19[%get3A_1141, %get3A_1142] : memref<64x64xf32, #tpu.memory_space<vmem>>, vector<1x64xf32>
    %max3A_1144 = arith.maximumf %get3A_1143, %broadcast_in_dim3A_1140 : vector<1x64xf32>
    %swap3A_1145 = arith.constant 60 : index
    %swap3A_1146 = arith.constant 0 : index
    %swap3A_1147 = vector.load %arg19[%swap3A_1145, %swap3A_1146] : memref<64x64xf32, #tpu.memory_space<vmem>>, vector<1x64xf32>
    tpu.vector_store %arg19[%swap3A_1145, %swap3A_1146], %max3A_1144 {strides = array<i32>} : memref<64x64xf32, #tpu.memory_space<vmem>>, vector<1x64xf32>,
    %eq3A_1148 = arith.constant 61 : i32
    %eq3A_1149 = vector.broadcast %eq3A_1148 : i32 to vector<2000x1xi32>
    %eq3A_1150 = arith.cmpi eq, %get3A_53, %eq3A_1149 : vector<2000x1xi32>
    %jit3A_1151 = arith.constant 0xFF800000 : f32
    %broadcast_in_dim3A_1152 = vector.shape_cast %eq3A_1150 : vector<2000x1xi1> to vector<2000x1xi1>
    %broadcast_in_dim3A_1153 = vector.broadcast %broadcast_in_dim3A_1152 : vector<2000x1xi1> to vector<2000x64xi1>
    %broadcast_in_dim3A_1154 = vector.broadcast %jit3A_1151 : f32 to vector<2000x64xf32>
    %select_n3A_1155 = arith.select %broadcast_in_dim3A_1153, %max3A_33, %broadcast_in_dim3A_1154 : vector<2000x64xi1>, vector<2000x64xf32>
    %reduce_max3A_1156 = arith.constant dense<0xFF800000> : vector<64xf32>
    %reduce_max3A_1157 = vector.multi_reduction <maximumf>, %select_n3A_1155, %reduce_max3A_1156 [0] : vector<2000x64xf32> to vector<64xf32>
    %broadcast_in_dim3A_1158 = vector.shape_cast %reduce_max3A_1157 : vector<64xf32> to vector<1x64xf32>
    %get3A_1159 = arith.constant 61 : index
    %get3A_1160 = arith.constant 0 : index
    %get3A_1161 = vector.load %arg19[%get3A_1159, %get3A_1160] : memref<64x64xf32, #tpu.memory_space<vmem>>, vector<1x64xf32>
    %max3A_1162 = arith.maximumf %get3A_1161, %broadcast_in_dim3A_1158 : vector<1x64xf32>
    %swap3A_1163 = arith.constant 61 : index
    %swap3A_1164 = arith.constant 0 : index
    %swap3A_1165 = vector.load %arg19[%swap3A_1163, %swap3A_1164] : memref<64x64xf32, #tpu.memory_space<vmem>>, vector<1x64xf32>
    tpu.vector_store %arg19[%swap3A_1163, %swap3A_1164], %max3A_1162 {strides = array<i32>} : memref<64x64xf32, #tpu.memory_space<vmem>>, vector<1x64xf32>,
    %eq3A_1166 = arith.constant 62 : i32
    %eq3A_1167 = vector.broadcast %eq3A_1166 : i32 to vector<2000x1xi32>
    %eq3A_1168 = arith.cmpi eq, %get3A_53, %eq3A_1167 : vector<2000x1xi32>
    %jit3A_1169 = arith.constant 0xFF800000 : f32
    %broadcast_in_dim3A_1170 = vector.shape_cast %eq3A_1168 : vector<2000x1xi1> to vector<2000x1xi1>
    %broadcast_in_dim3A_1171 = vector.broadcast %broadcast_in_dim3A_1170 : vector<2000x1xi1> to vector<2000x64xi1>
    %broadcast_in_dim3A_1172 = vector.broadcast %jit3A_1169 : f32 to vector<2000x64xf32>
    %select_n3A_1173 = arith.select %broadcast_in_dim3A_1171, %max3A_33, %broadcast_in_dim3A_1172 : vector<2000x64xi1>, vector<2000x64xf32>
    %reduce_max3A_1174 = arith.constant dense<0xFF800000> : vector<64xf32>
    %reduce_max3A_1175 = vector.multi_reduction <maximumf>, %select_n3A_1173, %reduce_max3A_1174 [0] : vector<2000x64xf32> to vector<64xf32>
    %broadcast_in_dim3A_1176 = vector.shape_cast %reduce_max3A_1175 : vector<64xf32> to vector<1x64xf32>
    %get3A_1177 = arith.constant 62 : index
    %get3A_1178 = arith.constant 0 : index
    %get3A_1179 = vector.load %arg19[%get3A_1177, %get3A_1178] : memref<64x64xf32, #tpu.memory_space<vmem>>, vector<1x64xf32>
    %max3A_1180 = arith.maximumf %get3A_1179, %broadcast_in_dim3A_1176 : vector<1x64xf32>
    %swap3A_1181 = arith.constant 62 : index
    %swap3A_1182 = arith.constant 0 : index
    %swap3A_1183 = vector.load %arg19[%swap3A_1181, %swap3A_1182] : memref<64x64xf32, #tpu.memory_space<vmem>>, vector<1x64xf32>
    tpu.vector_store %arg19[%swap3A_1181, %swap3A_1182], %max3A_1180 {strides = array<i32>} : memref<64x64xf32, #tpu.memory_space<vmem>>, vector<1x64xf32>,
    %eq3A_1184 = arith.constant 63 : i32
    %eq3A_1185 = vector.broadcast %eq3A_1184 : i32 to vector<2000x1xi32>
    %eq3A_1186 = arith.cmpi eq, %get3A_53, %eq3A_1185 : vector<2000x1xi32>
    %jit3A_1187 = arith.constant 0xFF800000 : f32
    %broadcast_in_dim3A_1188 = vector.shape_cast %eq3A_1186 : vector<2000x1xi1> to vector<2000x1xi1>
    %broadcast_in_dim3A_1189 = vector.broadcast %broadcast_in_dim3A_1188 : vector<2000x1xi1> to vector<2000x64xi1>
    %broadcast_in_dim3A_1190 = vector.broadcast %jit3A_1187 : f32 to vector<2000x64xf32>
    %select_n3A_1191 = arith.select %broadcast_in_dim3A_1189, %max3A_33, %broadcast_in_dim3A_1190 : vector<2000x64xi1>, vector<2000x64xf32>
    %reduce_max3A_1192 = arith.constant dense<0xFF800000> : vector<64xf32>
    %reduce_max3A_1193 = vector.multi_reduction <maximumf>, %select_n3A_1191, %reduce_max3A_1192 [0] : vector<2000x64xf32> to vector<64xf32>
    %broadcast_in_dim3A_1194 = vector.shape_cast %reduce_max3A_1193 : vector<64xf32> to vector<1x64xf32>
    %get3A_1195 = arith.constant 63 : index
    %get3A_1196 = arith.constant 0 : index
    %get3A_1197 = vector.load %arg19[%get3A_1195, %get3A_1196] : memref<64x64xf32, #tpu.memory_space<vmem>>, vector<1x64xf32>
    %max3A_1198 = arith.maximumf %get3A_1197, %broadcast_in_dim3A_1194 : vector<1x64xf32>
    %swap3A_1199 = arith.constant 63 : index
    %swap3A_1200 = arith.constant 0 : index
    %swap3A_1201 = vector.load %arg19[%swap3A_1199, %swap3A_1200] : memref<64x64xf32, #tpu.memory_space<vmem>>, vector<1x64xf32>
    tpu.vector_store %arg19[%swap3A_1199, %swap3A_1200], %max3A_1198 {strides = array<i32>} : memref<64x64xf32, #tpu.memory_space<vmem>>, vector<1x64xf32>,
    %eq3A_1202 = arith.constant 49 : i32
    %eq3A_1203 = arith.cmpi eq, %arg0, %eq3A_1202 : i32
    %convert_element_type3A_1204 = arith.extui %eq3A_1203 : i1 to i32
    %cond3A_1205 = arith.constant 0 : i32
    %cond3A_1206 = arith.cmpi ne, %convert_element_type3A_1204, %cond3A_1205 : i32
    scf.if %cond3A_1206 {
      %get3A_1207 = arith.constant 0 : index
      %get3A_1208 = arith.constant 0 : index
      %get3A_1209 = vector.load %arg19[%get3A_1207, %get3A_1208] : memref<64x64xf32, #tpu.memory_space<vmem>>, vector<64x64xf32>
      %eq3A_1210 = arith.constant 0xFF800000 : f32
      %eq3A_1211 = vector.broadcast %eq3A_1210 : f32 to vector<64x64xf32>
      %eq3A_1212 = arith.cmpf oeq, %get3A_1209, %eq3A_1211 : vector<64x64xf32>
      %jit3A_1213 = arith.constant 0.000000e+00 : f32
      %broadcast_in_dim3A_1214 = vector.broadcast %jit3A_1213 : f32 to vector<64x64xf32>
      %select_n3A_1215 = arith.select %eq3A_1212, %broadcast_in_dim3A_1214, %get3A_1209 : vector<64x64xi1>, vector<64x64xf32>
      %get3A_1216 = arith.constant 0 : index
      %get3A_1217 = arith.constant 0 : index
      %get3A_1218 = vector.load %arg20[%get3A_1216, %get3A_1217] : memref<64x64xf32, #tpu.memory_space<vmem>>, vector<64x64xf32>
      %get3A_1219 = arith.constant 0 : index
      %get3A_1220 = arith.constant 0 : index
      %get3A_1221 = vector.load %arg8[%get3A_1219, %get3A_1220] : memref<64x1xf32, #tpu.memory_space<vmem>>, vector<64x1xf32>
      %max3A_1222 = arith.constant 1.000000e+00 : f32
      %max3A_1223 = vector.broadcast %max3A_1222 : f32 to vector<64x1xf32>
      %max3A_1224 = arith.maximumf %get3A_1221, %max3A_1223 : vector<64x1xf32>
      %div3A_1225 = vector.broadcast %max3A_1224 : vector<64x1xf32> to vector<64x64xf32>
      %div3A_1226 = arith.divf %get3A_1218, %div3A_1225 : vector<64x64xf32>
      %concatenate3A_1227 = tpu.concatenate %select_n3A_1215, %div3A_1226 in 1 : vector<64x64xf32>, vector<64x64xf32> -> vector<64x128xf32>
      %get3A_1228 = arith.constant 0 : index
      %get3A_1229 = arith.constant 0 : index
      %get3A_1230 = vector.load %arg12[%get3A_1228, %get3A_1229] : memref<128x1024xf32, #tpu.memory_space<vmem>>, vector<128x1024xf32>
      %dot_general3A_1231 = arith.constant dense<0.000000e+00> : vector<64x1024xf32>
      %dot_general3A_1232 = tpu.matmul %concatenate3A_1227, %get3A_1230, %dot_general3A_1231 {dimension_numbers = #tpu.dot_dimension_numbers<[1], [0], [0], [1], [0, 0, 1, 1], [], []>, transpose_lhs_hint = false} : vector<64x128xf32>, vector<128x1024xf32>, vector<64x1024xf32> -> vector<64x1024xf32>
      %get3A_1233 = arith.constant 0 : index
      %get3A_1234 = arith.constant 0 : index
      %get3A_1235 = vector.load %arg13[%get3A_1233, %get3A_1234] : memref<1x1024xf32, #tpu.memory_space<vmem>>, vector<1x1024xf32>
      %add3A_1236 = vector.broadcast %get3A_1235 : vector<1x1024xf32> to vector<64x1024xf32>
      %add3A_1237 = arith.addf %dot_general3A_1232, %add3A_1236 : vector<64x1024xf32>
      %max3A_1238 = arith.constant 0.000000e+00 : f32
      %max3A_1239 = vector.broadcast %max3A_1238 : f32 to vector<64x1024xf32>
      %max3A_1240 = arith.maximumf %add3A_1237, %max3A_1239 : vector<64x1024xf32>
      %get3A_1241 = arith.constant 0 : index
      %get3A_1242 = arith.constant 0 : index
      %get3A_1243 = vector.load %arg14[%get3A_1241, %get3A_1242] : memref<1024x512xf32, #tpu.memory_space<vmem>>, vector<1024x512xf32>
      %dot_general3A_1244 = arith.constant dense<0.000000e+00> : vector<64x512xf32>
      %dot_general3A_1245 = tpu.matmul %max3A_1240, %get3A_1243, %dot_general3A_1244 {dimension_numbers = #tpu.dot_dimension_numbers<[1], [0], [0], [1], [0, 0, 1, 1], [], []>, transpose_lhs_hint = false} : vector<64x1024xf32>, vector<1024x512xf32>, vector<64x512xf32> -> vector<64x512xf32>
      %get3A_1246 = arith.constant 0 : index
      %get3A_1247 = arith.constant 0 : index
      %get3A_1248 = vector.load %arg15[%get3A_1246, %get3A_1247] : memref<1x512xf32, #tpu.memory_space<vmem>>, vector<1x512xf32>
      %add3A_1249 = vector.broadcast %get3A_1248 : vector<1x512xf32> to vector<64x512xf32>
      %add3A_1250 = arith.addf %dot_general3A_1245, %add3A_1249 : vector<64x512xf32>
      %max3A_1251 = arith.constant 0.000000e+00 : f32
      %max3A_1252 = vector.broadcast %max3A_1251 : f32 to vector<64x512xf32>
      %max3A_1253 = arith.maximumf %add3A_1250, %max3A_1252 : vector<64x512xf32>
      %get3A_1254 = arith.constant 0 : index
      %get3A_1255 = arith.constant 0 : index
      %get3A_1256 = vector.load %arg16[%get3A_1254, %get3A_1255] : memref<512x3xf32, #tpu.memory_space<vmem>>, vector<512x3xf32>
      %dot_general3A_1257 = arith.constant dense<0.000000e+00> : vector<64x3xf32>
      %dot_general3A_1258 = tpu.matmul %max3A_1253, %get3A_1256, %dot_general3A_1257 {dimension_numbers = #tpu.dot_dimension_numbers<[1], [0], [0], [1], [0, 0, 1, 1], [], []>, transpose_lhs_hint = false} : vector<64x512xf32>, vector<512x3xf32>, vector<64x3xf32> -> vector<64x3xf32>
      %get3A_1259 = arith.constant 0 : index
      %get3A_1260 = arith.constant 0 : index
      %get3A_1261 = vector.load %arg17[%get3A_1259, %get3A_1260] : memref<1x3xf32, #tpu.memory_space<vmem>>, vector<1x3xf32>
      %add3A_1262 = vector.broadcast %get3A_1261 : vector<1x3xf32> to vector<64x3xf32>
      %add3A_1263 = arith.addf %dot_general3A_1258, %add3A_1262 : vector<64x3xf32>
      %swap3A_1264 = arith.constant 0 : index
      %swap3A_1265 = arith.constant 0 : index
      %swap3A_1266 = vector.load %arg18[%swap3A_1264, %swap3A_1265] : memref<64x3xf32, #tpu.memory_space<vmem>>, vector<64x3xf32>
      tpu.vector_store %arg18[%swap3A_1264, %swap3A_1265], %add3A_1263 {strides = array<i32>} : memref<64x3xf32, #tpu.memory_space<vmem>>, vector<64x3xf32>,
    } else {
    }
    return
  }
  func.func @transform_0(%arg0: i32) -> (i32, i32) {
    %c0_i32 = arith.constant 0 : i32
    %c0_i32_0 = arith.constant 0 : i32
    return %arg0, %c0_i32 : i32, i32
  }
  func.func @transform_1(%arg0: i32) -> (i32, i32) {
    %c0_i32 = arith.constant 0 : i32
    %c0_i32_0 = arith.constant 0 : i32
    return %arg0, %c0_i32 : i32, i32
  }
  func.func @transform_2(%arg0: i32) -> (i32, i32) {
    %c0_i32 = arith.constant 0 : i32
    %c0_i32_0 = arith.constant 0 : i32
    return %arg0, %c0_i32 : i32, i32
  }
  func.func @transform_3(%arg0: i32) -> (i32, i32) {
    %c0_i32 = arith.constant 0 : i32
    %c0_i32_0 = arith.constant 0 : i32
    return %arg0, %c0_i32 : i32, i32
  }
  func.func @transform_4(%arg0: i32) -> (i32, i32) {
    %c0_i32 = arith.constant 0 : i32
    %c0_i32_0 = arith.constant 0 : i32
    return %arg0, %c0_i32 : i32, i32
  }
  func.func @transform_5(%arg0: i32) -> (i32, i32, i32) {
    %c0_i32 = arith.constant 0 : i32
    %c0_i32_0 = arith.constant 0 : i32
    %c0_i32_1 = arith.constant 0 : i32
    return %arg0, %c0_i32, %c0_i32_0 : i32, i32, i32
  }
  func.func @transform_6(%arg0: i32) -> (i32, i32) {
    %c0_i32 = arith.constant 0 : i32
    %c0_i32_0 = arith.constant 0 : i32
    return %arg0, %c0_i32 : i32, i32
  }
  func.func @transform_7(%arg0: i32) -> (i32, i32) {
    %c0_i32 = arith.constant 0 : i32
    %c0_i32_0 = arith.constant 0 : i32
    %c0_i32_1 = arith.constant 0 : i32
    return %c0_i32, %c0_i32_0 : i32, i32
  }
  func.func @transform_8(%arg0: i32) -> (i32, i32) {
    %c0_i32 = arith.constant 0 : i32
    %c0_i32_0 = arith.constant 0 : i32
    %c0_i32_1 = arith.constant 0 : i32
    return %c0_i32, %c0_i32_0 : i32, i32
  }
  func.func @transform_9(%arg0: i32) -> (i32, i32) {
    %c0_i32 = arith.constant 0 : i32
    %c0_i32_0 = arith.constant 0 : i32
    %c0_i32_1 = arith.constant 0 : i32
    return %c0_i32, %c0_i32_0 : i32, i32
  }
  func.func @transform_10(%arg0: i32) -> (i32, i32) {
    %c0_i32 = arith.constant 0 : i32
    %c0_i32_0 = arith.constant 0 : i32
    %c0_i32_1 = arith.constant 0 : i32
    return %c0_i32, %c0_i32_0 : i32, i32
  }
  func.func @transform_11(%arg0: i32) -> (i32, i32) {
    %c0_i32 = arith.constant 0 : i32
    %c0_i32_0 = arith.constant 0 : i32
    %c0_i32_1 = arith.constant 0 : i32
    return %c0_i32, %c0_i32_0 : i32, i32
  }
  func.func @transform_12(%arg0: i32) -> (i32, i32) {
    %c0_i32 = arith.constant 0 : i32
    %c0_i32_0 = arith.constant 0 : i32
    %c0_i32_1 = arith.constant 0 : i32
    return %c0_i32, %c0_i32_0 : i32, i32
  }
  func.func @transform_13(%arg0: i32) -> (i32, i32) {
    %c0_i32 = arith.constant 0 : i32
    %c0_i32_0 = arith.constant 0 : i32
    %c0_i32_1 = arith.constant 0 : i32
    return %c0_i32, %c0_i32_0 : i32, i32
  }
  func.func @transform_14(%arg0: i32) -> (i32, i32) {
    %c0_i32 = arith.constant 0 : i32
    %c0_i32_0 = arith.constant 0 : i32
    %c0_i32_1 = arith.constant 0 : i32
    return %c0_i32, %c0_i32_0 : i32, i32
  }
  func.func @transform_15(%arg0: i32) -> (i32, i32) {
    %c0_i32 = arith.constant 0 : i32
    %c0_i32_0 = arith.constant 0 : i32
    %c0_i32_1 = arith.constant 0 : i32
    return %c0_i32, %c0_i32_0 : i32, i32
  }
  func.func @transform_16(%arg0: i32) -> (i32, i32) {
    %c0_i32 = arith.constant 0 : i32
    %c0_i32_0 = arith.constant 0 : i32
    %c0_i32_1 = arith.constant 0 : i32
    return %c0_i32, %c0_i32_0 : i32, i32
  }
  func.func @transform_17(%arg0: i32) -> (i32, i32) {
    %c0_i32 = arith.constant 0 : i32
    %c0_i32_0 = arith.constant 0 : i32
    %c0_i32_1 = arith.constant 0 : i32
    return %c0_i32, %c0_i32_0 : i32, i32
  }
}

</mosaic_0001>

<sc_bundles>
// kernel: kernel.10.cloned.1.call-start
scs
__scs_entry_jumppad:
0x0: {  	(pc) =	sbr.rel $0x88, $3  }
0x1: {  	(tag) =	ssettag $0x0;
	lr =	simm.s32 $0x1  }
0x2: {  	[smem:$0x3F8A] =	sst lr;
	_ =	strace $0xD0000000  }
0x3: {  	_ = 	snop  }
0x4: {  	_ = 	snop  }
0x5: {  	_ = 	snop  }
0x6: {  	_ = 	snop  }
0x7: {  	_ = 	snop  }
__scs_overlays_trampoline_lowered:
0x8: {  	[smem:$0x3F99] =	sst s0  }
0x9: {  	[smem:$0x3F9A] =	sst s1  }
0xa: {  	[smem:$0x3F9B] =	sst s2  }
0xb: {  	[smem:$0x3F9C] =	sst s3  }
0xc: {  	[smem:$0x3F9D] =	sst s4  }
0xd: {  	[smem:$0x3F9E] =	sst s5  }
0xe: {  	[smem:$0x3F9F] =	sst s6  }
0xf: {  	[smem:$0x3FA0] =	sst s7  }
0x10: {  	[smem:$0x3FA1] =	sst s8  }
0x11: {  	[smem:$0x3FA2] =	sst s9;
	s0 =	simm.s32 @!p0 $0x0  }
0x12: {  	s1 =	sld [smem:$0x3F88];
	s0 =	simm.s32 @p0 $0x1  }
0x13: {  	[smem:$0x3FA3] =	sst s0;
	s0 =	simm.s32 @!p1 $0x0  }
0x14: {  	s2 =	sld [smem:$0x3F87];
	s0 =	simm.s32 @p1 $0x1  }
0x15: {  	[smem:$0x3FA4] =	sst s0;
	s0 =	simm.s32 @!p2 $0x0  }
0x16: {  	s3 =	sld [smem:$0x3FDB];
	s0 =	simm.s32 @p2 $0x1  }
0x17: {  	s4 =	simm.s32 $0x1BF5;
	[smem:$0x3FA6] =	sst s0  }
0x18: {  	s0 =	sld [smem:$0x3F89];
	_ =	swait.ge [sflag:s4], $0x0  }
0x19: {  	s7 =	sld [smem:$0x3F8A]  }
0x1a: {  	s8 =	sadd.s32 $0xFFFFE003, lr  }
0x1b: {  	s9 =	sadd.s32 $0xFFFFFEF7, lr;
	s5 =	simm.s32 $0xFFFFFFFF;
	p2 =	slt.u32 s8, $0xFFFFF086  }
0x1c: {  	p1 =	slt.u32 s9, $0xF7A;
	s5 =	simm.s32 @!p2 $0x0  }
0x1d: {  	s5 =	simm.s32 @p1 $0x1;
	p0 =	seq.s32 s7, s2  }
0x1e: {  	s7 =	smul.u32 @!p0 $0xF7A, s2;
	p2 =	seq.s32 @!p0 s5, $0x0  }
0x1f: {  	s9 =	smul.u32 $0xF7A, s1;
	s8 =	simm.s32 @!p0 $0x1BF5;
	p2 =	por !p2, p0  }
0x20: {  	[sflag:s8] =	ssyncset.s32 @!p0 $0xFFFFF086;
	s6 =	sadd.s32 @!p0 s3, s7;
	s7 =	simm.s32 @!p0 $0x108  }
0x21: {  	s3 =	sadd.s32 s3, s9;
	s6 =	sadd.s32 @!p0 $0x88, s6;
	s7 =	simm.s32 @p2 $0x1082  }
0x22: {  	[simem:s7], [sflag:s8] =	dma.local @!p0 [hbm:s6], $0xF7A  }
0x23: {  	s9 =	sor.u32 $0xD0000000, s2;
	s6 =	simm.s32 $0x108;
	_ =	swait.ge @!p0 [sflag:s8], $0x0  }
0x24: {  	s3 =	sadd.s32 $0x88, s3;
	s6 =	simm.s32 @!p1 $0x1082;
	[sflag:s4] =	ssyncset.s32 $0xFFFFF086  }
0x25: {  	[simem:s6], [sflag:s4] =	dma.local [hbm:s3], $0xF7A  }
0x26: {  	[smem:$0x3F8A] =	sst s1;
	(tag) =	ssettag s2;
	_ =	strace s9  }
0x27: {  	s1 =	sld [smem:$0x3F9A]  }
0x28: {  	s2 =	sld [smem:$0x3F9B]  }
0x29: {  	s4 =	sld [smem:$0x3F9D]  }
0x2a: {  	p0 =	seq.s32 s5, $0x0;
	s5 =	sld [smem:$0x3F9E]  }
0x2b: {  	s6 =	sld [smem:$0x3F9F]  }
0x2c: {  	s7 =	sld [smem:$0x3FA0]  }
0x2d: {  	s3 =	simm.s32 $0x108;
	s8 =	sld [smem:$0x3FA1]  }
0x2e: {  	s3 =	simm.s32 @!p0 $0x1082;
	s9 =	sld [smem:$0x3FA2]  }
0x2f: {  	lr =	sadd.s32 s0, s3;
	s0 =	sld [smem:$0x3F99]  }
0x30: {  	s3 =	sld [smem:$0x3F9C]  }
0x31: {  	[smem:$0x3FA5] =	sst s10  }
0x32: {  	s10 =	sld [smem:$0x3FA3];
	_ =	sdelay $0x3  }
0x33: {  	p0 =	seq.s32 s10, $0x1;
	s10 =	sld [smem:$0x3FA5];
	_ =	sdelay $0x3  }
0x34: {  	[smem:$0x3FA5] =	sst s10  }
0x35: {  	s10 =	sld [smem:$0x3FA4];
	_ =	sdelay $0x3  }
0x36: {  	p1 =	seq.s32 s10, $0x1;
	s10 =	sld [smem:$0x3FA5];
	_ =	sdelay $0x3  }
0x37: {  	[smem:$0x3FA5] =	sst s10  }
0x38: {  	s10 =	sld [smem:$0x3FA6]  }
0x39: {  	_ = 	snop;
	(pc) =	sbr.ind lr, $3  }
0x3a: {  	_ = 	snop  }
0x3b: {  	_ = 	snop  }
0x3c: {  	p2 =	seq.s32 s10, $0x1;
	s10 =	sld [smem:$0x3FA5]  }
0x3d: {  	_ =	shalt  }
0x3e: {  	_ =	shalt  }
0x3f: {  	_ =	shalt  }
0x40: {  	_ =	shalt  }
0x41: {  	_ =	shalt  }
0x42: {  	_ =	shalt  }
0x43: {  	_ =	shalt  }
0x44: {  	_ =	shalt  }
0x45: {  	_ =	shalt  }
0x46: {  	_ =	shalt  }
0x47: {  	_ =	shalt  }
0x48: {  	_ =	shalt  }
0x49: {  	_ =	shalt  }
0x4a: {  	_ =	shalt  }
0x4b: {  	_ =	shalt  }
0x4c: {  	_ =	shalt  }
0x4d: {  	_ =	shalt  }
0x4e: {  	_ =	shalt  }
0x4f: {  	_ =	shalt  }
0x50: {  	_ =	shalt  }
0x51: {  	_ =	shalt  }
0x52: {  	_ =	shalt  }
0x53: {  	_ =	shalt  }
0x54: {  	_ =	shalt  }
0x55: {  	_ =	shalt  }
0x56: {  	_ =	shalt  }
0x57: {  	_ =	shalt  }
0x58: {  	_ =	shalt  }
0x59: {  	_ =	shalt  }
0x5a: {  	_ =	shalt  }
0x5b: {  	_ =	shalt  }
0x5c: {  	_ =	shalt  }
0x5d: {  	_ =	shalt  }
0x5e: {  	_ =	shalt  }
0x5f: {  	_ =	shalt  }
0x60: {  	_ =	shalt  }
0x61: {  	_ =	shalt  }
0x62: {  	_ =	shalt  }
0x63: {  	_ =	shalt  }
0x64: {  	_ =	shalt  }
0x65: {  	_ =	shalt  }
0x66: {  	_ =	shalt  }
0x67: {  	_ =	shalt  }
0x68: {  	_ =	shalt  }
0x69: {  	_ =	shalt  }
0x6a: {  	_ =	shalt  }
0x6b: {  	_ =	shalt  }
0x6c: {  	_ =	shalt  }
0x6d: {  	_ =	shalt  }
0x6e: {  	_ =	shalt  }
0x6f: {  	_ =	shalt  }
0x70: {  	_ =	shalt  }
0x71: {  	_ =	shalt  }
0x72: {  	_ =	shalt  }
0x73: {  	_ =	shalt  }
0x74: {  	_ =	shalt  }
0x75: {  	_ =	shalt  }
0x76: {  	_ =	shalt  }
0x77: {  	_ =	shalt  }
0x78: {  	_ =	shalt  }
0x79: {  	_ =	shalt  }
0x7a: {  	_ =	shalt  }
0x7b: {  	_ =	shalt  }
0x7c: {  	_ =	shalt  }
0x7d: {  	_ =	shalt  }
0x7e: {  	_ =	shalt  }
0x7f: {  	_ =	shalt  }
0x80: {  	_ =	shalt  }
0x81: {  	_ =	shalt  }
0x82: {  	_ =	shalt  }
0x83: {  	_ =	shalt  }
0x84: {  	_ =	shalt  }
0x85: {  	_ =	shalt  }
0x86: {  	_ =	shalt  }
0x87: {  	_ =	shalt  }
.Lfunc_end0:
.L_simem_size_0:
called_computation.1_lowered:
.L_overlay_start_0:
0x88: {  	s2 =	sld [smem:$0x3FD9]  }
0x89: {  	s3 =	sld [smem:$0x3FFE];
	_ =	sdelay $0x1  }
0x8a: {  	s1 =	srdreg.scid  }
0x8b: {  	s0 =	sand.u32 $0x1, s1  }
0x8c: {  	s16 =	sshll.u32 s0, $0xA;
	s2 =	sadd.s32 s3, s2  }
0x8d: {  	s2 =	sadd.s32 s2, s16  }
0x8e: {  	[smem:$0x3FB1] =	sst s2  }
0x8f: {  	_ = 	snop  }
0x90: {  	(tm) =	ssettm $0x1  }
0x91: {  	s17 =	sld [smem:$0x3FFB];
	_ =	sdelay $0x3  }
0x92: {  	_ =	strace s17  }
0x93: {  	s2 =	sld [smem:$0x3FFC];
	_ =	sdelay $0x3  }
0x94: {  	_ =	strace s2  }
0x95: {  	s2 =	sld [smem:$0x3FFD];
	_ =	sdelay $0x3  }
0x96: {  	_ =	strace s2  }
0x97: {  	_ =	strace $0x8FFFFFFF  }
0x98: {  	s18 =	sld [smem:$0x3FDB];
	_ =	sdelay $0x1  }
0x99: {  	s19 =	simm.s32 $_scs_section_size  }
0x9a: {  	s4 =	simm.s32 $_size__tile_overlayer_lowered;
	s5 =	simm.s32 $_tile_overlayer_lowered  }
0x9b: {  	s22 =	simm.s32 $0x1BFF;
	s21 =	sshll.u32 s5, $0x1;
	s2 =	sadd.s32 s19, s18  }
0x9c: {  	s6 =	simm.s32 $0x0;
	s20 =	sshll.u32 s4, $0x1;
	s4 =	sadd.s32 s21, s2  }
0x9d: {  	[timem:s6], [sflag:s22] =	dma.local [hbm:s4], s20  }
0x9e: {  	_ =	swait.ge [sflag:s22], s20  }
0x9f: {  	s3 =	ssub.s32 $0x0, s20;
	[sflag:s22] =	ssyncset.done $0x0  }
0xa0: {  	[sflag:s22] =	ssyncadd.s32 s3;
	_ =	sdelay $0x1  }
0xa1: {  	s23 =	simm.s32 $0x1B8B  }
0xa2: {  	_ =	swait.ge [sflag:s23], $0x1  }
0xa3: {  	[sflag:s23] =	ssyncset.done $0x0  }
0xa4: {  	s25 =	simm.s32 $0x1B8E;
	s24 =	sld [smem:$0x3FFE];
	[sflag:s23] =	ssyncadd.s32 $0xFFFFFFFF  }
0xa5: {  	s26 =	simm.s32 $execute0_lowered;
	[smem:$0x3FD2] =	sst s25  }
0xa6: {  	s4 =	sshll.u32 s26, $0x1;
	_ =	strace $0x80000049;
	[dreg:$0x1] =	wrdreg $0xFFFFFFFF  }
0xa7: {  	s28 =	simm.s32 $_size_execute0_lowered;
	s2 =	sadd.s32 s2, s4;
	[dreg:$0x0] =	wrdreg $0x0  }
0xa8: {  	s4 =	sshll.u32 s28, $0x1;
	[dreg:$0x2] =	wrdreg s2  }
0xa9: {  	[dreg:$0x3] =	wrdreg s4  }
0xaa: {  	[dreg:$0x4] =	wrdreg $0xC0  }
0xab: {  	_ =	task [dreg:s6], $0x5FFFF  }
0xac: {  	[dreg:$0x1] =	wrdreg $0xFFFFFFFF  }
0xad: {  	[dreg:$0x0] =	wrdreg $0x60  }
0xae: {  	[dreg:$0x2] =	wrdreg s24  }
0xaf: {  	[dreg:$0x3] =	wrdreg $0x0  }
0xb0: {  	[dreg:$0x4] =	wrdreg $0x9  }
0xb1: {  	_ =	task.clear_ibuf [dreg:s6], $0x5FFFF;
	_ =	strace $0x90000049  }
0xb2: {  	s29 =	simm.s32 $0x9;
	_ =	strace $0x8000004B  }
0xb3: {  	_ =	swait.ge [sflag:s29], $0x1  }
0xb4: {  	[sflag:s29] =	ssyncadd.s32 $0xFFFFFFFF  }
0xb5: {  	_ =	strace $0x9000004B  }
0xb6: {  	_ =	sfence  }
0xb7: {  	s30 =	sld [smem:$0x0];
	_ =	sdelay $0x2  }
0xb8: {  	s31 =	sshll.u32 s1, $0xD;
	s1 =	sshrl.u32 s1, $0x2  }
0xb9: {  	s3 =	sand.u32 $0x4000, s31;
	s1 =	sadd.s32 s1, s30  }
0xba: {  	s0 =	sor.u32 s3, s0;
	s1 =	sshll.u32 s1, $0x11  }
0xbb: {  	s0 =	sor.u32 s1, s0  }
0xbc: {  	s0 =	sadd.s32 $0x8F2B, s0  }
0xbd: {  	[sflag:s0] =	ssyncadd.remote.s32 $0x1  }
0xbe: {  	_ =	sfence.sel $0xFFFF  }
0xbf: {  	[dreg:$0x0] =	wrdreg $0xFFFFFFFF;
	(pc) =	sbr.abs _section_cstart, $3  }
0xc0: {  	[dreg:$0x1] =	wrdreg $0xFFFFFFFF  }
0xc1: {  	_ =	task.clear_ibuf [dreg:s6], $0x2FFFF;
	_ =	strace $0x9FFFFFFF  }
0xc2: {  	(tm) =	ssettm $0x7FFFFFFF  }
0xc3: {  	_ =	shalt  }
tec
execute0_lowered:
.L_overlay_start_1:
0x0: {  	(tag) =	ssettag $0x1  }
0x1: {  	s6 =	rddreg [dreg:$0x0]  }
0x2: {  	s1 =	rddreg [dreg:$0x1]  }
0x3: {  	s0 =	rddreg [dreg:$0x2];
	s9 =	stileid.u32  }
0x4: {  	s2 =	simm.s32 $0x0;
	s4 =	srdreg.scid;
	s12 =	simm.s32 $0x2  }
0x5: {  	s13 =	simm.s32 $0x18768;
	s14 =	simm.s32 $0xC8;
	s15 =	simm.s32 $0x18830  }
0x6: {  	s16 =	simm.s32 $0x1;
	s17 =	simm.s32 $0x0;
	s3 =	smul.u32 $0x30D4, s9  }
0x7: {  	[smem:$0x7FF] =	sst s2;
	s7 =	sand.u32 $0x1, s4;
	s4 =	sadd.s32 $0x1EB800, s6  }
0x8: {  	s5 =	sadd.s32 $0x3F8E00, s6;
	p0 =	sne.s32 s9, $0x0;
	s8 =	smul.u32 $0x30D40, s7  }
.Ltmp0:
0x9: {  	_ =	strace $0x8000004A;
	s11 =	ssub.s32 $0x2, s7;
	(pc) =	sbr.rel .LBB2_1-.Ltmp0, $4  }
0xa: {  	p1 =	seq.s32 s7, $0x1;
	s10 =	sadd.s32 s3, s6;
	s31 =	sshrl.u32 s11, $0x1  }
0xb: {  	s3 =	sadd.s32 $0x3C8000, s6;
	s6 =	sadd.s32 s8, s6;
	s8 =	ssub.s32 s11, s31  }
0xc: {  	s9 =	sadd.s32 $0x34000, s10;
	s11 =	simm.s32 $0x186A0;
	s6 =	sadd.s32 $0x429C00, s6  }
0xd: {  	s7 =	smax.u32 s8, $0x1;
	s8 =	sadd.s32 $0x3200, s10;
	s10 =	sshrl.u32 @!p0 s1, $0x3  }
.LBB2_7:
0xe: {  	s19 =	sadd.s32 s18, s9;
	[sflag:s12] =	ssyncadd.s32 $0xFFFFF380  }
0xf: {  	[tilespmem:s11], [sflag:$0x2] =	stream.linear.gather [hbm4b:s19+s2], $0xC8, $0x38;
	[tilespmem:$0x194B0] =	vst v63  }
0x10: {  	_ =	swait.ge [sflag:s12], $0xC8  }
0x11: {  	[sflag:s12] =	ssyncset.done $0x0  }
0x12: {  	s31 =	sadd.s32 s18, s8;
	[sflag:s12] =	ssyncadd.s32 $0xFFFFFF38  }
0x13: {  	[tilespmem:s13], [sflag:$0x2] =	stream.linear.gather [hbm4b:s31+s2], $0xC8, $0x38;
	[tilespmem:$0x194B0] =	vst v63  }
0x14: {  	_ =	swait.ge [sflag:s12], $0xC8  }
0x15: {  	[sflag:s12] =	ssyncset.done $0x0  }
0x16: {  	[sflag:s12] =	ssyncadd.s32 $0xFFFFFF38  }
0x17: {  	[tilespmem:s15], [sflag:$0x1] =	stream.indirect.gather [hbm4b:s4+s14], $0x10, s11, s14, $0xb8;
	[tilespmem:$0x194B0] =	vst v63  }
0x18: {  	_ =	swait.ge [sflag:s16], $0xC80  }
0x19: {  	[sflag:s16] =	ssyncset.done $0x0  }
0x1a: {  	[sflag:s16] =	ssyncadd.s32 $0xFFFFF380  }
0x1b: {  	[spmem:s1] =	stream.indirect.scatter.add.f32 [tilespmem:s15], [sflag:$0x2], $0x10, s13, s14, $0xb8;
	[tilespmem:$0x194B0] =	vst v63  }
0x1c: {  	_ =	swait.ge [sflag:s12], $0xC80  }
0x1d: {  	[sflag:s12] =	ssyncset.done $0x0  }
0x1e: {  	[sflag:s12] =	ssyncadd.s32 $0xFFFFF380  }
.LBB2_8:
0x1f: {  	[bflag:$0x0] =	sbarrier.arrive $0xFFFF;
	s18 =	simm.s32 @!p0 $0x1C02;
	s17 =	sadd.s32 $0x1, s17  }
0x20: {  	[hbm:s6], [sflag:s18] =	dma.local @!p0 [spmem:s10], $0x30D40  }
0x21: {  	p2 =	sne.s32 s17, s7  }
.Ltmp1:
0x22: {  	_ = 	snop;
	(pc) =	sbr.rel @!p2 .LBB2_9-.Ltmp1, $4  }
0x23: {  	s18 =	simm.s32 @!p0 $0x2  }
0x24: {  	_ =	swait.ge @!p0 [sflag:s18], $0x30D40  }
0x25: {  	[sflag:s18] =	ssyncset.done @!p0 $0x0  }
0x26: {  	[sflag:s18] =	ssyncadd.s32 @!p0 $0xFFFCF2C0  }
.LBB2_1:
0x27: {  	s18 =	simm.s32 @!p0 $0x1C02  }
0x28: {  	[spmem:s10], [sflag:s18] =	dma.local @!p0 [hbm:s5], $0x30D40  }
0x29: {  	s18 =	simm.s32 @!p0 $0x2  }
.Ltmp2:
0x2a: {  	_ =	swait.ge @!p0 [sflag:s18], $0x30D40;
	(pc) =	sbr.rel @!p1 .LBB2_2-.Ltmp2, $4  }
0x2b: {  	[sflag:s18] =	ssyncset.done @!p0 $0x0  }
0x2c: {  	[sflag:s18] =	ssyncadd.s32 @!p0 $0xFFFCF2C0  }
0x2d: {  	[bflag:$0x0] =	sbarrier.arrive $0xFFFF  }
0x2e: {  	s18 =	sadd.s32 $0x0, s9  }
0x2f: {  	[tilespmem:s11], [sflag:$0x2] =	stream.linear.gather [hbm4b:s18+s2], $0xC8, $0x38;
	[tilespmem:$0x194B0] =	vst v63  }
0x30: {  	_ =	swait.ge [sflag:s12], $0xC8  }
0x31: {  	[sflag:s12] =	ssyncset.done $0x0  }
0x32: {  	s31 =	sadd.s32 $0x0, s8;
	[sflag:s12] =	ssyncadd.s32 $0xFFFFFF38  }
0x33: {  	[tilespmem:s13], [sflag:$0x2] =	stream.linear.gather [hbm4b:s31+s2], $0xC8, $0x38;
	[tilespmem:$0x194B0] =	vst v63  }
0x34: {  	_ =	swait.ge [sflag:s12], $0xC8  }
0x35: {  	[sflag:s12] =	ssyncset.done $0x0  }
0x36: {  	[sflag:s12] =	ssyncadd.s32 $0xFFFFFF38  }
0x37: {  	[tilespmem:s15], [sflag:$0x1] =	stream.indirect.gather [hbm4b:s4+s14], $0x10, s11, s14, $0xb8;
	[tilespmem:$0x194B0] =	vst v63  }
0x38: {  	_ =	swait.ge [sflag:s16], $0xC80  }
0x39: {  	[sflag:s16] =	ssyncset.done $0x0  }
0x3a: {  	[sflag:s16] =	ssyncadd.s32 $0xFFFFF380  }
0x3b: {  	[spmem:s1] =	stream.indirect.scatter.add.f32 [tilespmem:s15], [sflag:$0x2], $0x10, s13, s14, $0xb8;
	[tilespmem:$0x194B0] =	vst v63  }
0x3c: {  	_ =	swait.ge [sflag:s12], $0xC80  }
0x3d: {  	s18 =	simm.s32 $0x19;
	s19 =	simm.s32 $0x32;
	[sflag:s12] =	ssyncset.done $0x0  }
.LBB2_6:
0x3e: {  	s20 =	sadd.s32 s18, s9  }
0x3f: {  	[sflag:s12] =	ssyncadd.s32 $0xFFFFF380;
	s21 =	smov.u32 s19;
	s22 =	sadd.s32 $0x19, s19  }
0x40: {  	[tilespmem:s11], [sflag:$0x2] =	stream.linear.gather [hbm4b:s20+s2], $0xC8, $0x38;
	[tilespmem:$0x194B0] =	vst v63  }
0x41: {  	p2 =	sne.s32 s19, $0x30BB;
	_ =	swait.ge [sflag:s12], $0xC8  }
0x42: {  	[sflag:s12] =	ssyncset.done $0x0  }
0x43: {  	s19 =	sadd.s32 s18, s8;
	s18 =	smov.u32 s21;
	[sflag:s12] =	ssyncadd.s32 $0xFFFFFF38  }
0x44: {  	[tilespmem:s13], [sflag:$0x2] =	stream.linear.gather [hbm4b:s19+s2], $0xC8, $0x38;
	[tilespmem:$0x194B0] =	vst v63  }
0x45: {  	_ =	swait.ge [sflag:s12], $0xC8  }
0x46: {  	[sflag:s12] =	ssyncset.done $0x0  }
0x47: {  	[sflag:s12] =	ssyncadd.s32 $0xFFFFFF38  }
0x48: {  	[tilespmem:s15], [sflag:$0x1] =	stream.indirect.gather [hbm4b:s4+s14], $0x10, s11, s14, $0xb8;
	[tilespmem:$0x194B0] =	vst v63  }
0x49: {  	_ =	swait.ge [sflag:s16], $0xC80  }
.Ltmp3:
0x4a: {  	[sflag:s16] =	ssyncset.done $0x0;
	(pc) =	sbr.rel @p2 .LBB2_6-.Ltmp3, $4  }
0x4b: {  	[sflag:s16] =	ssyncadd.s32 $0xFFFFF380  }
0x4c: {  	[spmem:s1] =	stream.indirect.scatter.add.f32 [tilespmem:s15], [sflag:$0x2], $0x10, s13, s14, $0xb8;
	[tilespmem:$0x194B0] =	vst v63  }
0x4d: {  	_ =	swait.ge [sflag:s12], $0xC80  }
0x4e: {  	s19 =	smov.u32 s22;
	[sflag:s12] =	ssyncset.done $0x0  }
.Ltmp4:
0x4f: {  	_ = 	snop;
	(pc) =	sbr.rel .LBB2_7-.Ltmp4, $1  }
0x50: {  	_ =	sdelay $0x3  }
.LBB2_2:
0x51: {  	[tilespmem:s11], [sflag:$0x2] =	stream.linear.gather [hbm4b:s18+s2], $0xC8, $0x38;
	[tilespmem:$0x194B0] =	vst v63  }
0x52: {  	_ =	swait.ge [sflag:s12], $0xC8  }
0x53: {  	[sflag:s12] =	ssyncset.done $0x0  }
0x54: {  	s31 =	sadd.s32 $0x0, s8;
	[sflag:s12] =	ssyncadd.s32 $0xFFFFFF38  }
0x55: {  	[tilespmem:s13], [sflag:$0x2] =	stream.linear.gather [hbm4b:s31+s2], $0xC8, $0x38;
	[tilespmem:$0x194B0] =	vst v63  }
0x56: {  	_ =	swait.ge [sflag:s12], $0xC8  }
0x57: {  	[sflag:s12] =	ssyncset.done $0x0  }
0x58: {  	[sflag:s12] =	ssyncadd.s32 $0xFFFFFF38  }
0x59: {  	[tilespmem:s15], [sflag:$0x1] =	stream.indirect.gather [hbm4b:s3+s14], $0x10, s11, s14, $0xb8;
	[tilespmem:$0x194B0] =	vst v63  }
0x5a: {  	_ =	swait.ge [sflag:s16], $0xC80  }
0x5b: {  	[sflag:s16] =	ssyncset.done $0x0  }
0x5c: {  	[sflag:s16] =	ssyncadd.s32 $0xFFFFF380  }
0x5d: {  	[spmem:s1] =	stream.indirect.scatter.add.f32 [tilespmem:s15], [sflag:$0x2], $0x10, s13, s14, $0xb8;
	[tilespmem:$0x194B0] =	vst v63  }
0x5e: {  	_ =	swait.ge [sflag:s12], $0xC80  }
0x5f: {  	s18 =	simm.s32 $0x19;
	s19 =	simm.s32 $0x32;
	[sflag:s12] =	ssyncset.done $0x0  }
.LBB2_3:
0x60: {  	s20 =	sadd.s32 s18, s9  }
0x61: {  	[sflag:s12] =	ssyncadd.s32 $0xFFFFF380;
	s21 =	smov.u32 s19;
	s22 =	sadd.s32 $0x19, s19  }
0x62: {  	[tilespmem:s11], [sflag:$0x2] =	stream.linear.gather [hbm4b:s20+s2], $0xC8, $0x38;
	[tilespmem:$0x194B0] =	vst v63  }
0x63: {  	p2 =	seq.s32 s19, $0x30BB;
	_ =	swait.ge [sflag:s12], $0xC8  }
0x64: {  	[sflag:s12] =	ssyncset.done $0x0  }
0x65: {  	s19 =	sadd.s32 s18, s8;
	s18 =	smov.u32 s21;
	[sflag:s12] =	ssyncadd.s32 $0xFFFFFF38  }
0x66: {  	[tilespmem:s13], [sflag:$0x2] =	stream.linear.gather [hbm4b:s19+s2], $0xC8, $0x38;
	[tilespmem:$0x194B0] =	vst v63  }
0x67: {  	_ =	swait.ge [sflag:s12], $0xC8  }
0x68: {  	[sflag:s12] =	ssyncset.done $0x0  }
0x69: {  	[sflag:s12] =	ssyncadd.s32 $0xFFFFFF38  }
0x6a: {  	[tilespmem:s15], [sflag:$0x1] =	stream.indirect.gather [hbm4b:s3+s14], $0x10, s11, s14, $0xb8;
	[tilespmem:$0x194B0] =	vst v63  }
0x6b: {  	_ =	swait.ge [sflag:s16], $0xC80  }
.Ltmp5:
0x6c: {  	[sflag:s16] =	ssyncset.done $0x0;
	(pc) =	sbr.rel @!p2 .LBB2_3-.Ltmp5, $4  }
0x6d: {  	[sflag:s16] =	ssyncadd.s32 $0xFFFFF380  }
0x6e: {  	[spmem:s1] =	stream.indirect.scatter.add.f32 [tilespmem:s15], [sflag:$0x2], $0x10, s13, s14, $0xb8;
	[tilespmem:$0x194B0] =	vst v63  }
0x6f: {  	_ =	swait.ge [sflag:s12], $0xC80  }
0x70: {  	s19 =	smov.u32 s22;
	[sflag:s12] =	ssyncset.done $0x0  }
0x71: {  	s19 =	sadd.s32 s18, s9;
	[sflag:s12] =	ssyncadd.s32 $0xFFFFF380  }
0x72: {  	[tilespmem:s11], [sflag:$0x2] =	stream.linear.gather [hbm4b:s19+s2], $0xC8, $0x38;
	[tilespmem:$0x194B0] =	vst v63  }
0x73: {  	_ =	swait.ge [sflag:s12], $0xC8  }
0x74: {  	[sflag:s12] =	ssyncset.done $0x0  }
0x75: {  	s31 =	sadd.s32 s18, s8;
	[sflag:s12] =	ssyncadd.s32 $0xFFFFFF38  }
0x76: {  	[tilespmem:s13], [sflag:$0x2] =	stream.linear.gather [hbm4b:s31+s2], $0xC8, $0x38;
	[tilespmem:$0x194B0] =	vst v63  }
0x77: {  	_ =	swait.ge [sflag:s12], $0xC8  }
0x78: {  	[sflag:s12] =	ssyncset.done $0x0  }
0x79: {  	[sflag:s12] =	ssyncadd.s32 $0xFFFFFF38  }
0x7a: {  	[tilespmem:s15], [sflag:$0x1] =	stream.indirect.gather [hbm4b:s3+s14], $0x10, s11, s14, $0xb8;
	[tilespmem:$0x194B0] =	vst v63  }
0x7b: {  	_ =	swait.ge [sflag:s16], $0xC80  }
0x7c: {  	[sflag:s16] =	ssyncset.done $0x0  }
.Ltmp6:
0x7d: {  	[sflag:s16] =	ssyncadd.s32 $0xFFFFF380;
	(pc) =	sbr.rel .LBB2_8-.Ltmp6, $4  }
0x7e: {  	[spmem:s1] =	stream.indirect.scatter.add.f32 [tilespmem:s15], [sflag:$0x2], $0x10, s13, s14, $0xb8;
	[tilespmem:$0x194B0] =	vst v63  }
0x7f: {  	_ =	swait.ge [sflag:s12], $0xC80  }
0x80: {  	[sflag:s12] =	ssyncset.done $0x0  }
0x81: {  	[sflag:s12] =	ssyncadd.s32 $0xFFFFF380  }
.LBB2_9:
0x82: {  	_ =	sfence.sel $0x180000  }
0x83: {  	[bflag:$0x0] =	sbarrier.arrive $0xFFFF  }
0x84: {  	_ =	strace $0x9000004A  }
0x85: {  	s0 =	sadd.s32 @!p0 $0x100000, s0;
	[bflag:$0x2] =	sbarrier.arrive $0xFFFF  }
0x86: {  	[sflag:s0] =	ssyncadd.tile.s32 @!p0 $0x1;
	_ =	shalt  }
.Lfunc_end2:
_tile_overlayer_lowered:
.L_overlay_start_2:
0x87: {  	(tag) =	ssettag $0x2  }
0x88: {  	s0 =	rddreg [dreg:$0x0];
	s2 =	stileid.u32  }
0x89: {  	s1 =	rddreg [dreg:$0x1];
	p0 =	sne.s32 s2, $0x0  }
0x8a: {  	s3 =	rddreg [dreg:$0x2];
	[bflag:$0x3] =	sbarrier.arrive $0xFFFF;
	s2 =	simm.s32 @!p0 $0x1C02  }
0x8b: {  	[timem:s3], [sflag:s2] =	dma.local @!p0 [hbm:s0], s1  }
0x8c: {  	s0 =	simm.s32 @!p0 $0x2  }
0x8d: {  	_ =	swait.ge @!p0 [sflag:s0], s1  }
0x8e: {  	s1 =	ssub.s32 @!p0 $0x0, s1;
	[sflag:s0] =	ssyncset.done @!p0 $0x0  }
0x8f: {  	[sflag:s0] =	ssyncadd.s32 @!p0 s1  }
0x90: {  	[bflag:$0x3] =	sbarrier.arrive $0xFFFF  }
0x91: {  	_ =	shalt  }

// kernel: kernel.7.cloned.1.call-start
scs
__scs_entry_jumppad:
0x0: {  	(pc) =	sbr.rel $0x88, $3  }
0x1: {  	(tag) =	ssettag $0x0;
	lr =	simm.s32 $0x1  }
0x2: {  	[smem:$0x3F8A] =	sst lr;
	_ =	strace $0xD0000000  }
0x3: {  	_ = 	snop  }
0x4: {  	_ = 	snop  }
0x5: {  	_ = 	snop  }
0x6: {  	_ = 	snop  }
0x7: {  	_ = 	snop  }
__scs_overlays_trampoline_lowered:
0x8: {  	[smem:$0x3F99] =	sst s0  }
0x9: {  	[smem:$0x3F9A] =	sst s1  }
0xa: {  	[smem:$0x3F9B] =	sst s2  }
0xb: {  	[smem:$0x3F9C] =	sst s3  }
0xc: {  	[smem:$0x3F9D] =	sst s4  }
0xd: {  	[smem:$0x3F9E] =	sst s5  }
0xe: {  	[smem:$0x3F9F] =	sst s6  }
0xf: {  	[smem:$0x3FA0] =	sst s7  }
0x10: {  	[smem:$0x3FA1] =	sst s8  }
0x11: {  	[smem:$0x3FA2] =	sst s9;
	s0 =	simm.s32 @!p0 $0x0  }
0x12: {  	s1 =	sld [smem:$0x3F88];
	s0 =	simm.s32 @p0 $0x1  }
0x13: {  	[smem:$0x3FA3] =	sst s0;
	s0 =	simm.s32 @!p1 $0x0  }
0x14: {  	s2 =	sld [smem:$0x3F87];
	s0 =	simm.s32 @p1 $0x1  }
0x15: {  	[smem:$0x3FA4] =	sst s0;
	s0 =	simm.s32 @!p2 $0x0  }
0x16: {  	s3 =	sld [smem:$0x3FDB];
	s0 =	simm.s32 @p2 $0x1  }
0x17: {  	s4 =	simm.s32 $0x1BF5;
	[smem:$0x3FA6] =	sst s0  }
0x18: {  	s0 =	sld [smem:$0x3F89];
	_ =	swait.ge [sflag:s4], $0x0  }
0x19: {  	s7 =	sld [smem:$0x3F8A]  }
0x1a: {  	s8 =	sadd.s32 $0xFFFFE003, lr  }
0x1b: {  	s9 =	sadd.s32 $0xFFFFFEF7, lr;
	s5 =	simm.s32 $0xFFFFFFFF;
	p2 =	slt.u32 s8, $0xFFFFF086  }
0x1c: {  	p1 =	slt.u32 s9, $0xF7A;
	s5 =	simm.s32 @!p2 $0x0  }
0x1d: {  	s5 =	simm.s32 @p1 $0x1;
	p0 =	seq.s32 s7, s2  }
0x1e: {  	s7 =	smul.u32 @!p0 $0xF7A, s2;
	p2 =	seq.s32 @!p0 s5, $0x0  }
0x1f: {  	s9 =	smul.u32 $0xF7A, s1;
	s8 =	simm.s32 @!p0 $0x1BF5;
	p2 =	por !p2, p0  }
0x20: {  	[sflag:s8] =	ssyncset.s32 @!p0 $0xFFFFF086;
	s6 =	sadd.s32 @!p0 s3, s7;
	s7 =	simm.s32 @!p0 $0x108  }
0x21: {  	s3 =	sadd.s32 s3, s9;
	s6 =	sadd.s32 @!p0 $0x88, s6;
	s7 =	simm.s32 @p2 $0x1082  }
0x22: {  	[simem:s7], [sflag:s8] =	dma.local @!p0 [hbm:s6], $0xF7A  }
0x23: {  	s9 =	sor.u32 $0xD0000000, s2;
	s6 =	simm.s32 $0x108;
	_ =	swait.ge @!p0 [sflag:s8], $0x0  }
0x24: {  	s3 =	sadd.s32 $0x88, s3;
	s6 =	simm.s32 @!p1 $0x1082;
	[sflag:s4] =	ssyncset.s32 $0xFFFFF086  }
0x25: {  	[simem:s6], [sflag:s4] =	dma.local [hbm:s3], $0xF7A  }
0x26: {  	[smem:$0x3F8A] =	sst s1;
	(tag) =	ssettag s2;
	_ =	strace s9  }
0x27: {  	s1 =	sld [smem:$0x3F9A]  }
0x28: {  	s2 =	sld [smem:$0x3F9B]  }
0x29: {  	s4 =	sld [smem:$0x3F9D]  }
0x2a: {  	p0 =	seq.s32 s5, $0x0;
	s5 =	sld [smem:$0x3F9E]  }
0x2b: {  	s6 =	sld [smem:$0x3F9F]  }
0x2c: {  	s7 =	sld [smem:$0x3FA0]  }
0x2d: {  	s3 =	simm.s32 $0x108;
	s8 =	sld [smem:$0x3FA1]  }
0x2e: {  	s3 =	simm.s32 @!p0 $0x1082;
	s9 =	sld [smem:$0x3FA2]  }
0x2f: {  	lr =	sadd.s32 s0, s3;
	s0 =	sld [smem:$0x3F99]  }
0x30: {  	s3 =	sld [smem:$0x3F9C]  }
0x31: {  	[smem:$0x3FA5] =	sst s10  }
0x32: {  	s10 =	sld [smem:$0x3FA3];
	_ =	sdelay $0x3  }
0x33: {  	p0 =	seq.s32 s10, $0x1;
	s10 =	sld [smem:$0x3FA5];
	_ =	sdelay $0x3  }
0x34: {  	[smem:$0x3FA5] =	sst s10  }
0x35: {  	s10 =	sld [smem:$0x3FA4];
	_ =	sdelay $0x3  }
0x36: {  	p1 =	seq.s32 s10, $0x1;
	s10 =	sld [smem:$0x3FA5];
	_ =	sdelay $0x3  }
0x37: {  	[smem:$0x3FA5] =	sst s10  }
0x38: {  	s10 =	sld [smem:$0x3FA6]  }
0x39: {  	_ = 	snop;
	(pc) =	sbr.ind lr, $3  }
0x3a: {  	_ = 	snop  }
0x3b: {  	_ = 	snop  }
0x3c: {  	p2 =	seq.s32 s10, $0x1;
	s10 =	sld [smem:$0x3FA5]  }
0x3d: {  	_ =	shalt  }
0x3e: {  	_ =	shalt  }
0x3f: {  	_ =	shalt  }
0x40: {  	_ =	shalt  }
0x41: {  	_ =	shalt  }
0x42: {  	_ =	shalt  }
0x43: {  	_ =	shalt  }
0x44: {  	_ =	shalt  }
0x45: {  	_ =	shalt  }
0x46: {  	_ =	shalt  }
0x47: {  	_ =	shalt  }
0x48: {  	_ =	shalt  }
0x49: {  	_ =	shalt  }
0x4a: {  	_ =	shalt  }
0x4b: {  	_ =	shalt  }
0x4c: {  	_ =	shalt  }
0x4d: {  	_ =	shalt  }
0x4e: {  	_ =	shalt  }
0x4f: {  	_ =	shalt  }
0x50: {  	_ =	shalt  }
0x51: {  	_ =	shalt  }
0x52: {  	_ =	shalt  }
0x53: {  	_ =	shalt  }
0x54: {  	_ =	shalt  }
0x55: {  	_ =	shalt  }
0x56: {  	_ =	shalt  }
0x57: {  	_ =	shalt  }
0x58: {  	_ =	shalt  }
0x59: {  	_ =	shalt  }
0x5a: {  	_ =	shalt  }
0x5b: {  	_ =	shalt  }
0x5c: {  	_ =	shalt  }
0x5d: {  	_ =	shalt  }
0x5e: {  	_ =	shalt  }
0x5f: {  	_ =	shalt  }
0x60: {  	_ =	shalt  }
0x61: {  	_ =	shalt  }
0x62: {  	_ =	shalt  }
0x63: {  	_ =	shalt  }
0x64: {  	_ =	shalt  }
0x65: {  	_ =	shalt  }
0x66: {  	_ =	shalt  }
0x67: {  	_ =	shalt  }
0x68: {  	_ =	shalt  }
0x69: {  	_ =	shalt  }
0x6a: {  	_ =	shalt  }
0x6b: {  	_ =	shalt  }
0x6c: {  	_ =	shalt  }
0x6d: {  	_ =	shalt  }
0x6e: {  	_ =	shalt  }
0x6f: {  	_ =	shalt  }
0x70: {  	_ =	shalt  }
0x71: {  	_ =	shalt  }
0x72: {  	_ =	shalt  }
0x73: {  	_ =	shalt  }
0x74: {  	_ =	shalt  }
0x75: {  	_ =	shalt  }
0x76: {  	_ =	shalt  }
0x77: {  	_ =	shalt  }
0x78: {  	_ =	shalt  }
0x79: {  	_ =	shalt  }
0x7a: {  	_ =	shalt  }
0x7b: {  	_ =	shalt  }
0x7c: {  	_ =	shalt  }
0x7d: {  	_ =	shalt  }
0x7e: {  	_ =	shalt  }
0x7f: {  	_ =	shalt  }
0x80: {  	_ =	shalt  }
0x81: {  	_ =	shalt  }
0x82: {  	_ =	shalt  }
0x83: {  	_ =	shalt  }
0x84: {  	_ =	shalt  }
0x85: {  	_ =	shalt  }
0x86: {  	_ =	shalt  }
0x87: {  	_ =	shalt  }
.Lfunc_end0:
.L_simem_size_0:
called_computation_lowered:
.L_overlay_start_0:
0x88: {  	s2 =	sld [smem:$0x3FD9]  }
0x89: {  	s3 =	sld [smem:$0x3FFE];
	_ =	sdelay $0x1  }
0x8a: {  	s1 =	srdreg.scid  }
0x8b: {  	s0 =	sand.u32 $0x1, s1  }
0x8c: {  	s17 =	sshll.u32 s0, $0xA;
	s2 =	sadd.s32 s3, s2  }
0x8d: {  	s2 =	sadd.s32 s2, s17  }
0x8e: {  	[smem:$0x3FB1] =	sst s2  }
0x8f: {  	_ = 	snop  }
0x90: {  	s2 =	sld [smem:$0x3FC9]  }
0x91: {  	s18 =	sld [smem:$0x3FC7];
	(tm) =	ssettm $0x1  }
0x92: {  	s4 =	sld [smem:$0x3FFB];
	_ =	sdelay $0x3  }
0x93: {  	_ =	strace s4  }
0x94: {  	s4 =	sld [smem:$0x3FFC];
	_ =	sdelay $0x3  }
0x95: {  	_ =	strace s4  }
0x96: {  	s4 =	sld [smem:$0x3FFD];
	_ =	sdelay $0x3  }
0x97: {  	_ =	strace s4  }
0x98: {  	_ =	strace $0x8FFFFFFF  }
0x99: {  	s19 =	sld [smem:$0x3FDB];
	_ =	sdelay $0x1  }
0x9a: {  	s5 =	simm.s32 $_scs_section_size  }
0x9b: {  	s6 =	simm.s32 $_size__tile_overlayer_lowered;
	s7 =	simm.s32 $_tile_overlayer_lowered  }
0x9c: {  	s22 =	simm.s32 $0x1BFF;
	s21 =	sshll.u32 s7, $0x1;
	s4 =	sadd.s32 s5, s19  }
0x9d: {  	s8 =	simm.s32 $0x0;
	s20 =	sshll.u32 s6, $0x1;
	s6 =	sadd.s32 s21, s4  }
0x9e: {  	[timem:s8], [sflag:s22] =	dma.local [hbm:s6], s20  }
0x9f: {  	_ =	swait.ge [sflag:s22], s20  }
0xa0: {  	s5 =	ssub.s32 $0x0, s20;
	[sflag:s22] =	ssyncset.done $0x0  }
0xa1: {  	[sflag:s22] =	ssyncadd.s32 s5;
	_ =	sdelay $0x1  }
0xa2: {  	s23 =	simm.s32 $0x1B8B  }
0xa3: {  	_ =	swait.ge [sflag:s23], $0x1  }
0xa4: {  	[sflag:s23] =	ssyncset.done $0x0  }
0xa5: {  	s25 =	simm.s32 $0x1B8E;
	s24 =	sld [smem:$0x3FFE];
	[sflag:s23] =	ssyncadd.s32 $0xFFFFFFFF  }
0xa6: {  	s26 =	simm.s32 $execute0_lowered;
	[smem:$0x3FD2] =	sst s25  }
0xa7: {  	s6 =	sshll.u32 s26, $0x1;
	_ =	strace $0x80000046;
	[dreg:$0x1] =	wrdreg $0xFFFFFFFF  }
0xa8: {  	s28 =	simm.s32 $_size_execute0_lowered;
	s4 =	sadd.s32 s4, s6;
	[dreg:$0x0] =	wrdreg $0x0  }
0xa9: {  	s6 =	sshll.u32 s28, $0x1;
	[dreg:$0x2] =	wrdreg s4  }
0xaa: {  	[dreg:$0x3] =	wrdreg s6  }
0xab: {  	[dreg:$0x4] =	wrdreg $0xC0  }
0xac: {  	_ =	task [dreg:s8], $0x5FFFF  }
0xad: {  	[dreg:$0x1] =	wrdreg $0xFFFFFFFF  }
0xae: {  	[dreg:$0x0] =	wrdreg $0x60  }
0xaf: {  	[dreg:$0x2] =	wrdreg s24  }
0xb0: {  	[dreg:$0x3] =	wrdreg s18  }
0xb1: {  	[dreg:$0x4] =	wrdreg s2  }
0xb2: {  	[dreg:$0x5] =	wrdreg $0xDBC00  }
0xb3: {  	[dreg:$0x6] =	wrdreg $0x0  }
0xb4: {  	[dreg:$0x7] =	wrdreg $0x9  }
0xb5: {  	_ =	task.clear_ibuf [dreg:s8], $0x8FFFF;
	_ =	strace $0x90000046  }
0xb6: {  	s29 =	simm.s32 $0x9;
	_ =	strace $0x80000048  }
0xb7: {  	_ =	swait.ge [sflag:s29], $0x1  }
0xb8: {  	[sflag:s29] =	ssyncadd.s32 $0xFFFFFFFF  }
0xb9: {  	_ =	strace $0x90000048  }
0xba: {  	_ =	sfence  }
0xbb: {  	s30 =	sld [smem:$0x0];
	_ =	sdelay $0x2  }
0xbc: {  	s31 =	sshll.u32 s1, $0xD;
	s1 =	sshrl.u32 s1, $0x2  }
0xbd: {  	s3 =	sand.u32 $0x4000, s31;
	s1 =	sadd.s32 s1, s30  }
0xbe: {  	s0 =	sor.u32 s3, s0;
	s1 =	sshll.u32 s1, $0x11  }
0xbf: {  	s0 =	sor.u32 s1, s0  }
0xc0: {  	s0 =	sadd.s32 $0x8F2B, s0  }
0xc1: {  	[sflag:s0] =	ssyncadd.remote.s32 $0x1  }
0xc2: {  	_ =	sfence.sel $0xFFFF  }
0xc3: {  	[dreg:$0x0] =	wrdreg $0xFFFFFFFF;
	(pc) =	sbr.abs _section_cstart, $3  }
0xc4: {  	[dreg:$0x1] =	wrdreg $0xFFFFFFFF  }
0xc5: {  	_ =	task.clear_ibuf [dreg:s8], $0x2FFFF;
	_ =	strace $0x9FFFFFFF  }
0xc6: {  	(tm) =	ssettm $0x7FFFFFFF  }
0xc7: {  	_ =	shalt  }
tec
execute0_lowered:
.L_overlay_start_1:
0x0: {  	(tag) =	ssettag $0x1  }
0x1: {  	s0 =	rddreg [dreg:$0x0]  }
0x2: {  	s1 =	rddreg [dreg:$0x1]  }
0x3: {  	s3 =	rddreg [dreg:$0x3]  }
0x4: {  	s4 =	rddreg [dreg:$0x4];
	s5 =	simm.s32 $0x0  }
0x5: {  	s2 =	srdreg.scid;
	s31 =	stileid.u32;
	s15 =	simm.s32 $0xF430  }
0x6: {  	s16 =	simm.s32 $0x3;
	s17 =	simm.s32 $0xFE30;
	s18 =	simm.s32 $0x10630  }
0x7: {  	s19 =	simm.s32 $0x10E30;
	s20 =	simm.s32 $0x7D0;
	s21 =	simm.s32 $0x11630  }
0x8: {  	s22 =	simm.s32 $0x11E30;
	s23 =	simm.s32 $0x1;
	s24 =	simm.s32 $0x2  }
0x9: {  	s25 =	simm.s32 $0x4650;
	s26 =	simm.s32 $0x16CB0;
	s28 =	simm.s32 $0x12630  }
0xa: {  	s29 =	simm.s32 $0x0;
	[smem:$0x7FF] =	sst s5;
	s6 =	sadd.s32 $0x34000, s0  }
0xb: {  	s2 =	sand.u32 $0x1, s2;
	s7 =	sadd.s32 $0x3200, s0;
	s8 =	sadd.s32 $0x64E00, s0  }
.Ltmp0:
0xc: {  	s9 =	sadd.s32 $0x3000, s0;
	p0 =	sne.s32 s31, $0x0;
	(pc) =	sbr.rel .LBB2_1-.Ltmp0, $4  }
0xd: {  	_ =	strace $0x80000047;
	s10 =	ssub.s32 $0x2, s2;
	s11 =	sshll.u32 s2, $0x4  }
0xe: {  	p1 =	seq.s32 s2, $0x1;
	s13 =	sshrl.u32 @!p0 s3, $0x3;
	s12 =	sshrl.u32 s10, $0x1  }
0xf: {  	s14 =	sshrl.u32 @!p0 s4, $0x3;
	s0 =	sadd.s32 s11, s0;
	s12 =	ssub.s32 s10, s12  }
0x10: {  	v0 =	vimm.f32 $1.000000000e+00;
	s10 =	smul.u32 $0x186A0, s31;
	s11 =	sadd.s32 $0x80600, s0;
	s12 =	smax.u32 s12, $0x1  }
.LBB2_8:
0x11: {  	[bflag:$0x0] =	sbarrier.arrive $0xFFFF;
	s0 =	simm.s32 @!p0 $0x1;
	s2 =	simm.s32 @!p0 $0x20  }
0x12: {  	s30 =	simm.s32 @!p0 $0x10;
	s31 =	simm.s32 @!p0 $0x1C03;
	s29 =	sadd.s32 $0x1, s29  }
0x13: {  	[hbm:s11@s2], [sflag:s31] =	dma.strided @!p0 [spmem:s14@s30], $0x1B780, s0, $0x10   }
0x14: {  	p2 =	sne.s32 s29, s12  }
.Ltmp1:
0x15: {  	_ = 	snop;
	(pc) =	sbr.rel @!p2 .LBB2_9-.Ltmp1, $4  }
0x16: {  	s0 =	simm.s32 @!p0 $0x3  }
0x17: {  	_ =	swait.ge @!p0 [sflag:s0], $0x1B780  }
0x18: {  	[sflag:s0] =	ssyncset.done @!p0 $0x0  }
0x19: {  	[sflag:s0] =	ssyncadd.s32 @!p0 $0xFFFE4880  }
.LBB2_1:
0x1a: {  	s0 =	simm.s32 @!p0 $0x1C03;
	s2 =	rddreg [dreg:$0x2]  }
0x1b: {  	[spmem:s13], [sflag:s0] =	dma.local @!p0 [hbm:s2], $0x30E0  }
0x1c: {  	s2 =	simm.s32 @!p0 $0x3  }
0x1d: {  	_ =	swait.ge @!p0 [sflag:s2], $0x30E0  }
0x1e: {  	[sflag:s2] =	ssyncset.done @!p0 $0x0  }
0x1f: {  	[sflag:s2] =	ssyncadd.s32 @!p0 $0xFFFFCF20  }
0x20: {  	[spmem:s14], [sflag:s0] =	dma.local @!p0 [hbm:s8], $0x1B780  }
0x21: {  	_ =	swait.ge @!p0 [sflag:s2], $0x1B780  }
0x22: {  	[sflag:s2] =	ssyncset.done @!p0 $0x0  }
0x23: {  	[sflag:s2] =	ssyncadd.s32 @!p0 $0xFFFE4880  }
0x24: {  	[tilespmem:s15], [sflag:$0x3] =	stream.linear.gather [hbm4b:s9+s5], $0xA00, $0x38;
	[tilespmem:$0x1B330] =	vst v63  }
.Ltmp2:
0x25: {  	_ =	swait.ge [sflag:s16], $0xA00;
	(pc) =	sbr.rel @!p1 .LBB2_2-.Ltmp2, $4  }
0x26: {  	[sflag:s16] =	ssyncset.done $0x0  }
0x27: {  	[sflag:s16] =	ssyncadd.s32 $0xFFFFF600  }
0x28: {  	[bflag:$0x0] =	sbarrier.arrive $0xFFFF  }
0x29: {  	s30 =	simm.s32 $0x0;
	s0 =	simm.s32 $0x0  }
.LBB2_5:
0x2a: {  	s0 =	smul.u32 $0x7D0, s30;
	_ =	sdelay $0x1  }
0x2b: {  	s0 =	sadd.s32 s10, s0  }
0x2c: {  	s0 =	sshrl.u32 s0, $0x3  }
0x2d: {  	s31 =	simm.s32 $0x0;
	s2 =	sadd.s32 s6, s0  }
0x2e: {  	[tilespmem:s17], [sflag:$0x3] =	stream.linear.gather [hbm4b:s2+s31], $0x7D0, $0x38;
	[tilespmem:$0x1B330] =	vst v63  }
0x2f: {  	_ =	swait.ge [sflag:s16], $0x7D0  }
0x30: {  	[sflag:s16] =	ssyncset.done $0x0  }
0x31: {  	s2 =	sadd.s32 s7, s0;
	[sflag:s16] =	ssyncadd.s32 $0xFFFFF830  }
0x32: {  	[tilespmem:s18], [sflag:$0x3] =	stream.linear.gather [hbm4b:s2+s31], $0x7D0, $0x38;
	[tilespmem:$0x1B330] =	vst v63  }
0x33: {  	_ =	swait.ge [sflag:s16], $0x7D0  }
0x34: {  	[sflag:s16] =	ssyncset.done $0x0  }
0x35: {  	s0 =	sadd.s32 s1, s0;
	[sflag:s16] =	ssyncadd.s32 $0xFFFFF830  }
0x36: {  	[tilespmem:s19], [sflag:$0x3] =	stream.linear.gather [hbm4b:s0+s31], $0x7D0, $0x38;
	[tilespmem:$0x1B330] =	vst v63  }
0x37: {  	_ =	swait.ge [sflag:s16], $0x7D0  }
0x38: {  	[sflag:s16] =	ssyncset.done $0x0  }
0x39: {  	[sflag:s16] =	ssyncadd.s32 $0xFFFFF830  }
0x3a: {  	[tilespmem:s21], [sflag:$0x1] =	stream.indirect.gather [spmem:s3], $0x1, s17, s20, $0xb8;
	[tilespmem:$0x1B330] =	vst v63  }
0x3b: {  	_ = 	snop  }
0x3c: {  	[tilespmem:s22], [sflag:$0x2] =	stream.indirect.gather [spmem:s3], $0x1, s18, s20, $0xb8;
	[tilespmem:$0x1B330] =	vst v63  }
0x3d: {  	_ =	swait.ge [sflag:s23], $0x7D0  }
0x3e: {  	[sflag:s23] =	ssyncset.done $0x0  }
0x3f: {  	[sflag:s23] =	ssyncadd.s32 $0xFFFFF830  }
0x40: {  	_ =	swait.ge [sflag:s24], $0x7D0  }
0x41: {  	[sflag:s24] =	ssyncset.done $0x0  }
0x42: {  	s0 =	simm.s32 $0x0;
	[sflag:s24] =	ssyncadd.s32 $0xFFFFF830  }
.LBB2_6:
0x43: {  	v4 =	vld [tilespmem:$0xF430]  }
0x44: {  	v5 =	vld [tilespmem:$0xF630]  }
0x45: {  	v7 =	vld [tilespmem:$0xF830]  }
0x46: {  	v9 =	vld [tilespmem:$0xFA30]  }
0x47: {  	v10 =	vld [tilespmem:$0xFC30]  }
0x48: {  	v11 =	vld [tilespmem:$0xF440]  }
0x49: {  	v12 =	vld [tilespmem:$0xF640]  }
0x4a: {  	v13 =	vld [tilespmem:$0xF840]  }
0x4b: {  	v14 =	vld [tilespmem:$0xFA40]  }
0x4c: {  	v15 =	vld [tilespmem:$0xFC40]  }
0x4d: {  	v16 =	vld [tilespmem:$0xF450]  }
0x4e: {  	v17 =	vld [tilespmem:$0xF650]  }
0x4f: {  	v18 =	vld [tilespmem:$0xF850]  }
0x50: {  	v19 =	vld [tilespmem:$0xFA50]  }
0x51: {  	v20 =	vld [tilespmem:$0xFC50]  }
0x52: {  	v21 =	vld [tilespmem:$0xF460]  }
0x53: {  	v22 =	vld [tilespmem:$0xF660]  }
0x54: {  	v23 =	vld [tilespmem:$0xF860]  }
0x55: {  	v24 =	vld [tilespmem:$0xFA60]  }
0x56: {  	v25 =	vld [tilespmem:$0xFC60]  }
0x57: {  	v26 =	vld [tilespmem:$0xF470]  }
0x58: {  	v27 =	vld [tilespmem:$0xF670]  }
0x59: {  	v28 =	vld [tilespmem:$0xF870]  }
0x5a: {  	v29 =	vld [tilespmem:$0xFA70]  }
0x5b: {  	v30 =	vld [tilespmem:$0xFC70]  }
0x5c: {  	v31 =	vld [tilespmem:$0xF480]  }
0x5d: {  	v32 =	vld [tilespmem:$0xF680]  }
0x5e: {  	v33 =	vld [tilespmem:$0xF880]  }
0x5f: {  	v34 =	vld [tilespmem:$0xFA80]  }
0x60: {  	v6 =	vld [tilespmem:$0xFC80]  }
0x61: {  	v35 =	vld [tilespmem:$0xF490]  }
0x62: {  	v36 =	vld [tilespmem:$0xF890]  }
0x63: {  	v37 =	vld [tilespmem:$0xFA90]  }
0x64: {  	v8 =	vld [tilespmem:$0xFC90]  }
0x65: {  	v38 =	vld [tilespmem:$0xF4A0]  }
0x66: {  	s2 =	sshra.s32 s0, $0x2;
	v39 =	vld [tilespmem:$0xF8A0]  }
0x67: {  	v1 =	vld [tilespmem:s2+$0x11630]  }
0x68: {  	v3 =	vld [tilespmem:s2+$0x11E30]  }
0x69: {  	v2 =	vld [tilespmem:s2+$0x10E30]  }
0x6a: {  	v59 =	vld [tilespmem:$0xF4B0]  }
0x6b: {  	v60 =	vld [tilespmem:$0xF6B0]  }
0x6c: {  	v61 =	vld [tilespmem:$0xF8B0]  }
0x6d: {  	v42 =	vld [tilespmem:$0xF6C0];
	v4 =	vmul.f32 v4, v1;
	v5 =	vmul.f32 v5, v3  }
0x6e: {  	v52 =	vmul.f32 v7, v2;
	v7 =	vld [tilespmem:$0xF690];
	v53 =	vmul.f32 v11, v1  }
0x6f: {  	v54 =	vmul.f32 v12, v3;
	v11 =	vld [tilespmem:$0xF6A0];
	v13 =	vmul.f32 v13, v2  }
0x70: {  	v56 =	vmul.f32 v16, v1;
	v57 =	vmul.f32 v17, v3;
	v17 =	vld [tilespmem:$0xFAA0]  }
0x71: {  	v58 =	vmul.f32 v18, v2;
	v43 =	vmul.f32 v23, v2;
	v23 =	vld [tilespmem:$0xFAC0]  }
0x72: {  	v21 =	vmul.f32 v21, v1;
	v46 =	vmul.f32 v26, v1;
	v26 =	vld [tilespmem:$0xFAD0]  }
0x73: {  	v22 =	vmul.f32 v22, v3;
	v47 =	vmul.f32 v27, v3;
	v27 =	vld [tilespmem:$0xFCD0]  }
0x74: {  	v50 =	vmul.f32 v31, v1;
	v51 =	vmul.f32 v32, v3;
	v32 =	vld [tilespmem:$0xF4E0];
	v4 =	vadd.f32 v5, v4  }
0x75: {  	v49 =	vmul.f32 v28, v2;
	v18 =	vld [tilespmem:$0xF8F0];
	v5 =	vadd.f32 v54, v53;
	v21 =	vadd.f32 v22, v21  }
0x76: {  	v31 =	vld [tilespmem:$0xF4F0];
	v28 =	vadd.f32 v51, v50;
	v53 =	vmul.f32 v35, v1;
	v54 =	vmul.f32 v36, v2  }
0x77: {  	v35 =	vld [tilespmem:$0xF8E0];
	v4 =	vadd.f32 v52, v4;
	v5 =	vadd.f32 v13, v5;
	v52 =	vmul.f32 v33, v2  }
0x78: {  	v36 =	vld [tilespmem:$0xF500];
	v44 =	vadd.f32 v43, v21;
	v13 =	vmul.f32 v61, v2;
	v7 =	vmul.f32 v7, v3  }
0x79: {  	v21 =	vld [tilespmem:$0xF4D0];
	v11 =	vmul.f32 v11, v3;
	v32 =	vmul.f32 v32, v1;
	v4 =	vadd.f32 v4, v9  }
0x7a: {  	v33 =	vld [tilespmem:$0xF6E0];
	v18 =	vmul.f32 v18, v2;
	v9 =	vadd.f32 v57, v56;
	v5 =	vadd.f32 v5, v14  }
0x7b: {  	v14 =	vld [tilespmem:$0xFAB0];
	v45 =	vadd.f32 v44, v24;
	v56 =	vmul.f32 v59, v1;
	v57 =	vmul.f32 v60, v3  }
0x7c: {  	v24 =	vld [tilespmem:$0xF8D0];
	v22 =	vadd.f32 v52, v28;
	v60 =	vmul.f32 v38, v1;
	v44 =	vmul.f32 v42, v3  }
0x7d: {  	v28 =	vld [tilespmem:$0xF6F0];
	v7 =	vadd.f32 v7, v53;
	v55 =	vand.u32 $0x7FFFFFFF, v4;
	v40 =	vmul.f32 $6.000000240e-01, v4  }
0x7e: {  	v4 =	vld [tilespmem:$0xFCA0];
	v9 =	vadd.f32 v58, v9;
	v62 =	vand.u32 $0x7FFFFFFF, v5;
	v5 =	vmul.f32 $6.000000240e-01, v5  }
0x7f: {  	v48 =	vmul.f32 $6.000000240e-01, v45;
	v22 =	vadd.f32 v22, v34;
	v34 =	vld [tilespmem:$0xFAF0];
	v16 =	vadd.f32 v57, v56  }
0x80: {  	v12 =	vmul.f32 $4.000000060e-01, v55;
	v7 =	vadd.f32 v54, v7;
	v9 =	vadd.f32 v9, v19;
	v19 =	vld [tilespmem:$0xFCB0]  }
0x81: {  	v21 =	vmul.f32 v21, v1;
	v33 =	vmul.f32 v33, v3;
	v13 =	vadd.f32 v13, v16;
	v16 =	vld [tilespmem:$0xF700]  }
0x82: {  	v58 =	vmul.f32 $6.000000240e-01, v22;
	v22 =	vand.u32 $0x7FFFFFFF, v22;
	v12 =	vadd.f32 v12, v40;
	v40 =	vld [tilespmem:$0xF4C0]  }
0x83: {  	v7 =	vadd.f32 v7, v37;
	v22 =	vmul.f32 $4.000000060e-01, v22;
	v37 =	vld [tilespmem:$0xF910];
	v57 =	vadd.f32 v33, v32  }
0x84: {  	v32 =	vmul.f32 v31, v1;
	v31 =	vld [tilespmem:$0xFB90];
	v41 =	vand.u32 $0x7FFFFFFF, v9;
	v9 =	vmul.f32 $6.000000240e-01, v9  }
0x85: {  	v13 =	vadd.f32 v13, v14;
	v14 =	vld [tilespmem:$0xFB00];
	v10 =	vmul.f32 v12, v10;
	v12 =	vmul.f32 $4.000000060e-01, v62  }
0x86: {  	v63 =	vmul.f32 $4.000000060e-01, v41;
	v59 =	vand.u32 $0x7FFFFFFF, v7;
	v7 =	vmul.f32 $6.000000240e-01, v7  }
0x87: {  	v41 =	vld [tilespmem:$0xF8C0];
	v22 =	vadd.f32 v22, v58;
	v62 =	vmul.f32 v39, v2;
	v58 =	vmul.f32 v35, v2  }
0x88: {  	v11 =	vadd.f32 v11, v60;
	v39 =	vld [tilespmem:$0xF710];
	v35 =	vmul.f32 v28, v3;
	v61 =	vmul.f32 $4.000000060e-01, v59  }
0x89: {  	v28 =	vld [tilespmem:$0xFD90];
	v5 =	vadd.f32 v12, v5;
	v9 =	vadd.f32 v63, v9;
	v6 =	vmul.f32 v22, v6  }
0x8a: {  	v59 =	vld [tilespmem:$0xF730];
	v11 =	vadd.f32 v62, v11;
	v16 =	vmul.f32 v16, v3;
	v63 =	vmul.f32 v40, v1  }
0x8b: {  	v10 =	vadd.f32 $0.0e+00, v10;
	v12 =	vld [tilespmem:$0xFCC0];
	v5 =	vmul.f32 v5, v15;
	v9 =	vmul.f32 v9, v20  }
0x8c: {  	v22 =	vld [tilespmem:$0xFB30];
	v15 =	vadd.f32 v47, v46;
	v11 =	vadd.f32 v11, v17;
	v46 =	vmul.f32 v41, v2  }
0x8d: {  	v20 =	vld [tilespmem:$0xF6D0];
	v38 =	vadd.f32 v44, v63;
	v5 =	vadd.f32 v5, v10;
	v10 =	vand.u32 $0x7FFFFFFF, v45  }
0x8e: {  	v40 =	vld [tilespmem:$0xF530];
	v15 =	vadd.f32 v49, v15;
	v45 =	vand.u32 $0x7FFFFFFF, v13;
	v13 =	vmul.f32 $6.000000240e-01, v13  }
0x8f: {  	v41 =	vld [tilespmem:$0xF510];
	v51 =	vand.u32 $0x7FFFFFFF, v11;
	v11 =	vmul.f32 $6.000000240e-01, v11;
	v59 =	vmul.f32 v59, v3  }
0x90: {  	v44 =	vld [tilespmem:$0xF940];
	v10 =	vmul.f32 $4.000000060e-01, v10;
	v47 =	vmul.f32 $4.000000060e-01, v45;
	v38 =	vadd.f32 v46, v38  }
0x91: {  	v17 =	vmul.f32 $4.000000060e-01, v51;
	v45 =	vmul.f32 v36, v1;
	v51 =	vld [tilespmem:$0xF750];
	v5 =	vadd.f32 v9, v5  }
0x92: {  	v36 =	vld [tilespmem:$0xF580];
	v15 =	vadd.f32 v15, v29;
	v10 =	vadd.f32 v10, v48;
	v20 =	vmul.f32 v20, v3  }
0x93: {  	v29 =	vld [tilespmem:$0xFAE0];
	v48 =	vmul.f32 v24, v2;
	v50 =	vadd.f32 v47, v13;
	v23 =	vadd.f32 v38, v23  }
0x94: {  	v9 =	vld [tilespmem:$0xFCE0];
	v11 =	vadd.f32 v17, v11;
	v17 =	vadd.f32 v58, v57;
	v58 =	vmul.f32 v40, v1  }
0x95: {  	v24 =	vld [tilespmem:$0xFB10];
	v55 =	vmul.f32 $6.000000240e-01, v15;
	v15 =	vand.u32 $0x7FFFFFFF, v15;
	v47 =	vmul.f32 v41, v1  }
0x96: {  	v13 =	vld [tilespmem:$0xFD10];
	v16 =	vadd.f32 v16, v45;
	v10 =	vmul.f32 v10, v25;
	v15 =	vmul.f32 $4.000000060e-01, v15  }
0x97: {  	v38 =	vld [tilespmem:$0xFB20];
	v25 =	vadd.f32 v61, v7;
	v20 =	vadd.f32 v20, v21;
	v19 =	vmul.f32 v50, v19  }
0x98: {  	v41 =	vld [tilespmem:$0xF770];
	v52 =	vand.u32 $0x7FFFFFFF, v23;
	v53 =	vmul.f32 $6.000000240e-01, v23;
	v4 =	vmul.f32 v11, v4  }
0x99: {  	v21 =	vld [tilespmem:$0xF520];
	v23 =	vmul.f32 v44, v2;
	v5 =	vadd.f32 v10, v5;
	v15 =	vadd.f32 v15, v55  }
0x9a: {  	v11 =	vld [tilespmem:$0xF740];
	v54 =	vmul.f32 $4.000000060e-01, v52;
	v20 =	vadd.f32 v48, v20;
	v60 =	vadd.f32 $0.0e+00, v19  }
0x9b: {  	v7 =	vld [tilespmem:$0xFD00];
	v49 =	vmul.f32 v25, v8;
	v17 =	vadd.f32 v17, v29;
	v19 =	vadd.f32 v35, v32  }
0x9c: {  	v25 =	vld [tilespmem:$0xF720];
	v48 =	vmul.f32 v39, v3;
	v15 =	vmul.f32 v15, v30;
	v20 =	vadd.f32 v20, v26  }
0x9d: {  	v43 =	vmul.f32 $6.000000240e-01, v17;
	v17 =	vand.u32 $0x7FFFFFFF, v17;
	v5 =	vmul.f32 $1.442695020e+00, v5  }
0x9e: {  	v30 =	vld [tilespmem:$0xF900];
	v18 =	vadd.f32 v18, v19;
	v17 =	vmul.f32 $4.000000060e-01, v17;
	v21 =	vmul.f32 v21, v1  }
0x9f: {  	v26 =	vld [tilespmem:$0xF920];
	v11 =	vmul.f32 v11, v3;
	v15 =	vadd.f32 $0.0e+00, v15;
	v55 =	vand.u32 $0x7FFFFFFF, v20  }
0xa0: {  	v10 =	vld [tilespmem:$0xFCF0];
	v20 =	vmul.f32 $6.000000240e-01, v20;
	v50 =	vadd.f32 v18, v34;
	v18 =	vmul.f32 v51, v3  }
0xa1: {  	v8 =	vld [tilespmem:$0xFD20];
	v52 =	vadd.f32 v48, v47;
	(erf) = vpow2.f32 v5;
	v56 =	vmul.f32 $4.000000060e-01, v55  }
0xa2: {  	v29 =	vld [tilespmem:$0xFB40];
	v25 =	vmul.f32 v25, v3;
	v6 =	vadd.f32 v6, v15;
	v15 =	vadd.f32 v54, v53  }
0xa3: {  	v35 =	vld [tilespmem:$0xFB60];
	v53 =	vmul.f32 v37, v2;
	v55 =	vmul.f32 $6.000000240e-01, v50;
	v61 =	vadd.f32 v56, v20  }
0xa4: {  	v54 =	vld [tilespmem:$0xF950];
	v46 =	vmul.f32 v30, v2;
	v21 =	vadd.f32 v25, v21;
	v40 =	vmul.f32 v26, v2  }
0xa5: {  	v32 =	vld [tilespmem:$0xFD70];
	v12 =	vmul.f32 v15, v12;
	v6 =	vadd.f32 v49, v6;
	v57 =	vadd.f32 v53, v52  }
0xa6: {  	v20 =	vld [tilespmem:$0xF930];
	v63 =	vmul.f32 v61, v27;
	v16 =	vadd.f32 v46, v16;
	v21 =	vadd.f32 v40, v21  }
0xa7: {  	v19 =	vld [tilespmem:$0xFD50];
	v62 =	vadd.f32 v12, v60;
	v12 =	vadd.f32 v17, v43;
	v17 =	vand.u32 $0x7FFFFFFF, v50  }
0xa8: {  	v49 =	vld [tilespmem:$0xF550];
	v6 =	vadd.f32 v4, v6;
	v17 =	vmul.f32 $4.000000060e-01, v17;
	v14 =	vadd.f32 v16, v14  }
0xa9: {  	v48 =	vld [tilespmem:$0xF980];
	v16 =	vadd.f32 v57, v24;
	v21 =	vadd.f32 v21, v38;
	v45 =	vmul.f32 v54, v2  }
0xaa: {  	v27 =	vld [tilespmem:$0xF540];
	v38 =	vmul.f32 v41, v3;
	v42 =	vadd.f32 v63, v62;
	v9 =	vmul.f32 v12, v9  }
0xab: {  	v60 =	vld [tilespmem:$0xF560];
	v20 =	vmul.f32 v20, v2;
	v12 =	vadd.f32 v17, v55;
	v61 =	vmul.f32 $6.000000240e-01, v14  }
0xac: {  	v62 =	vld [tilespmem:$0xF760];
	v14 =	vand.u32 $0x7FFFFFFF, v14;
	v39 =	vand.u32 $0x7FFFFFFF, v16;
	v16 =	vmul.f32 $6.000000240e-01, v16  }
0xad: {  	v63 =	vld [tilespmem:$0xF960];
	v44 =	vmul.f32 v49, v1;
	v4 =	vadd.f32 v9, v42;
	v9 =	vadd.f32 v59, v58  }
0xae: {  	v51 =	vld [tilespmem:$0xF590];
	v49 =	vand.u32 $0x7FFFFFFF, v21;
	v37 =	vmul.f32 $4.000000060e-01, v14;
	v14 =	vmul.f32 $4.000000060e-01, v39  }
0xaf: {  	v17 =	vld [tilespmem:$0xF570];
	v21 =	vmul.f32 $6.000000240e-01, v21;
	v42 =	vmul.f32 v27, v1;
	v9 =	vadd.f32 v20, v9  }
0xb0: {  	v46 =	vld [tilespmem:$0xF780];
	v10 =	vmul.f32 v12, v10;
	v12 =	vadd.f32 v37, v61;
	v14 =	vadd.f32 v14, v16  }
0xb1: {  	v30 =	vld [tilespmem:$0xFD40];
	v33 =	vmul.f32 v60, v1;
	v11 =	vadd.f32 v11, v42;
	v16 =	vadd.f32 v18, v44  }
0xb2: {  	v56 =	vld [tilespmem:$0xFB50];
	v10 =	vadd.f32 $0.0e+00, v10;
	v24 =	vmul.f32 v62, v3;
	v60 =	vmul.f32 v63, v2  }
0xb3: {  	v26 =	vld [tilespmem:$0xF970];
	v9 =	vadd.f32 v9, v22;
	v7 =	vmul.f32 v12, v7;
	v47 =	vmul.f32 v14, v13  }
0xb4: {  	v15 =	vld [tilespmem:$0xFD30];
	v11 =	vadd.f32 v23, v11;
	v14 =	vmul.f32 $4.000000060e-01, v49;
	v17 =	vmul.f32 v17, v1  }
0xb5: {  	v54 =	vld [tilespmem:$0xF790];
	v16 =	vadd.f32 v45, v16;
	v45 =	vmul.f32 v36, v1;
	v23 =	vmul.f32 v46, v3  }
0xb6: {  	v27 =	vld [tilespmem:$0xFB70];
	v13 =	vmul.f32 v48, v2;
	v48 =	vmul.f32 v51, v1;
	v59 =	vadd.f32 v24, v33  }
0xb7: {  	v37 =	vld [tilespmem:$0xF9A0];
	v43 =	vand.u32 $0x7FFFFFFF, v9;
	v11 =	vadd.f32 v11, v29;
	v16 =	vadd.f32 v16, v56  }
0xb8: {  	v63 =	vld [tilespmem:$0xF7A0];
	v9 =	vmul.f32 $6.000000240e-01, v9;
	v7 =	vadd.f32 v7, v10;
	v14 =	vadd.f32 v14, v21  }
0xb9: {  	v39 =	vld [tilespmem:$0xFBA0];
	v42 =	vadd.f32 v38, v17;
	v22 =	vadd.f32 v23, v45;
	v25 =	vmul.f32 $4.000000060e-01, v43  }
0xba: {  	v46 =	vld [tilespmem:$0xF7B0];
	v62 =	vadd.f32 v60, v59;
	v43 =	vmul.f32 v26, v2;
	v50 =	vand.u32 $0x7FFFFFFF, v11  }
0xbb: {  	v18 =	vld [tilespmem:$0xFB80];
	v52 =	vmul.f32 $6.000000240e-01, v11;
	v55 =	vand.u32 $0x7FFFFFFF, v16;
	v57 =	vmul.f32 $6.000000240e-01, v16  }
0xbc: {  	v61 =	vld [tilespmem:$0xF5A0];
	v7 =	vadd.f32 v47, v7;
	v8 =	vmul.f32 v14, v8;
	v13 =	vadd.f32 v13, v22  }
0xbd: {  	v56 =	vld [tilespmem:$0xF990];
	v59 =	vmul.f32 v63, v3;
	v63 =	vmul.f32 v37, v2;
	v9 =	vadd.f32 v25, v9  }
0xbe: {  	v20 =	vld [tilespmem:$0xFD60];
	v53 =	vmul.f32 $4.000000060e-01, v50;
	v58 =	vmul.f32 $4.000000060e-01, v55;
	v12 =	vadd.f32 v62, v35  }
0xbf: {  	v44 =	vld [tilespmem:$0xF5B0];
	v50 =	vmul.f32 $1.442695020e+00, v6;
	v37 =	vmul.f32 v46, v3;
	v5 =	vadd.f32 v8, v7  }
0xc0: {  	v49 =	vld [tilespmem:$0xFBB0];
	v13 =	vadd.f32 v13, v18;
	v9 =	vmul.f32 v9, v15;
	v10 =	vadd.f32 v53, v52  }
0xc1: {  	v36 =	vld [tilespmem:$0xF9D0];
	v11 =	vadd.f32 v58, v57;
	v41 =	vmul.f32 $6.000000240e-01, v12;
	v15 =	vmul.f32 v54, v3  }
0xc2: {  	v38 =	vld [tilespmem:$0xFBD0];
	v12 =	vand.u32 $0x7FFFFFFF, v12;
	v52 =	vmul.f32 v56, v2;
	v58 =	vmul.f32 v61, v1  }
0xc3: {  	v47 =	vld [tilespmem:$0xF9B0];
	v62 =	vmul.f32 $6.000000240e-01, v13;
	v10 =	vmul.f32 v10, v30;
	v9 =	vadd.f32 $0.0e+00, v9  }
0xc4: {  	v25 =	vld [tilespmem:$0xFD80];
	v13 =	vand.u32 $0x7FFFFFFF, v13;
	v33 =	vmul.f32 v11, v19;
	v15 =	vadd.f32 v15, v48  }
0xc5: {  	v57 =	vld [tilespmem:$0xF9C0];
	v7 =	vadd.f32 v59, v58;
	v13 =	vmul.f32 $4.000000060e-01, v13;
	v9 =	vadd.f32 v10, v9  }
0xc6: {  	v53 =	vld [tilespmem:$0xF5C0];
	v19 =	vmul.f32 v44, v1;
	v10 =	vadd.f32 v43, v42;
	v15 =	vadd.f32 v52, v15  }
0xc7: {  	v60 =	vld [tilespmem:$0xFBC0];
	v12 =	vmul.f32 $4.000000060e-01, v12;
	v7 =	vadd.f32 v63, v7;
	v13 =	vadd.f32 v13, v62  }
0xc8: {  	v55 =	vld [tilespmem:$0xF7C0];
	(erf) = vpow2.f32 v50;
	v19 =	vadd.f32 v37, v19;
	v40 =	vadd.f32 v33, v9  }
0xc9: {  	v17 =	vmul.f32 v47, v2;
	v48 =	vld [tilespmem:$0xF7F0];
	v9 =	vadd.f32 v12, v41;
	v51 =	vadd.f32 v10, v27  }
0xca: {  	v35 =	vld [tilespmem:$0xF7D0];
	v18 =	vmul.f32 v57, v2;
	v15 =	vadd.f32 v15, v31;
	v7 =	vadd.f32 v7, v39  }
0xcb: {  	v42 =	vld [tilespmem:$0xF7E0];
	v39 =	vmul.f32 v53, v1;
	v17 =	vadd.f32 v17, v19;
	v13 =	vmul.f32 v13, v25  }
0xcc: {  	v46 =	vld [tilespmem:$0xF5F0];
	v9 =	vmul.f32 v9, v20;
	v54 =	vmul.f32 $6.000000240e-01, v51;
	v6 =	vand.u32 $0x7FFFFFFF, v51  }
0xcd: {  	v59 =	vld [tilespmem:$0xF610];
	v34 =	vand.u32 $0x7FFFFFFF, v15;
	v15 =	vmul.f32 $6.000000240e-01, v15;
	v43 =	vand.u32 $0x7FFFFFFF, v7  }
0xce: {  	v33 =	vld [tilespmem:$0xF5D0];
	v7 =	vmul.f32 $6.000000240e-01, v7;
	v47 =	vadd.f32 v17, v49;
	v17 =	vmul.f32 v48, v3  }
0xcf: {  	v41 =	vld [tilespmem:$0xF5E0];
	v56 =	vmul.f32 $4.000000060e-01, v6;
	v29 =	vmul.f32 $4.000000060e-01, v34  }
0xd0: {  	v53 =	vld [tilespmem:$0xF600];
	v20 =	vmul.f32 v42, v3;
	v6 =	vadd.f32 v9, v40;
	v40 =	vmul.f32 v55, v3  }
0xd1: {  	v8 =	vld [tilespmem:$0xFDA0];
	v50 =	vmul.f32 $6.000000240e-01, v47;
	v12 =	vand.u32 $0x7FFFFFFF, v47;
	v9 =	vmul.f32 v36, v2  }
0xd2: {  	v44 =	vld [tilespmem:$0xF9E0];
	v36 =	vmul.f32 v59, v1;
	v15 =	vadd.f32 v29, v15;
	v29 =	vmul.f32 $4.000000060e-01, v43  }
0xd3: {  	v63 =	vld [tilespmem:$0xFA10];
	v61 =	vadd.f32 v56, v54;
	v12 =	vmul.f32 $4.000000060e-01, v12;
	v11 =	vmul.f32 v33, v1  }
0xd4: {  	v55 =	vld [tilespmem:$0xF800];
	v54 =	vmul.f32 v35, v3;
	v58 =	vmul.f32 v41, v1  }
0xd5: {  	v10 =	vld [tilespmem:$0xFDB0];
	v31 =	vmul.f32 v53, v1;
	v21 =	vadd.f32 v40, v39;
	v16 =	vmul.f32 v61, v32  }
0xd6: {  	v49 =	vld [tilespmem:$0xF9F0];
	v7 =	vadd.f32 v29, v7;
	v15 =	vmul.f32 v15, v28;
	v11 =	vadd.f32 v54, v11  }
0xd7: {  	v33 =	vld [tilespmem:$0xF820];
	v62 =	vadd.f32 v20, v58;
	v29 =	vmul.f32 v44, v2;
	v18 =	vadd.f32 v18, v21  }
0xd8: {  	v61 =	vld [tilespmem:$0xF810];
	v16 =	vadd.f32 $0.0e+00, v16;
	v7 =	vmul.f32 v7, v8;
	v8 =	vadd.f32 v12, v50  }
0xd9: {  	v45 =	vld [tilespmem:$0xFBE0];
	v9 =	vadd.f32 v9, v11;
	v32 =	vmul.f32 v55, v3;
	v11 =	vmul.f32 v63, v2  }
0xda: {  	v57 =	vld [tilespmem:$0xFA00];
	v14 =	vadd.f32 v18, v60;
	v60 =	vmul.f32 v46, v1;
	v13 =	vadd.f32 v13, v16  }
0xdb: {  	v30 =	vld [tilespmem:$0xF620];
	v8 =	vmul.f32 v8, v10;
	v16 =	vmul.f32 v49, v2;
	v9 =	vadd.f32 v9, v38  }
0xdc: {  	v37 =	vld [tilespmem:$0xFA20];
	v10 =	vadd.f32 v29, v62;
	v35 =	vadd.f32 v32, v31;
	v52 =	vmul.f32 $6.000000240e-01, v14  }
0xdd: {  	v51 =	vld [tilespmem:$0xFBF0];
	v14 =	vand.u32 $0x7FFFFFFF, v14;
	v21 =	vmul.f32 v61, v3;
	v3 =	vmul.f32 v33, v3  }
0xde: {  	v13 =	vadd.f32 v15, v13;
	v56 =	vmul.f32 $4.000000060e-01, v14;
	v15 =	vadd.f32 v17, v60  }
0xdf: {  	v34 =	vld [tilespmem:$0xFC00];
	v14 =	vmul.f32 v57, v2;
	v10 =	vadd.f32 v10, v45;
	v8 =	vadd.f32 $0.0e+00, v8  }
0xe0: {  	v39 =	vld [tilespmem:$0xFC10];
	v17 =	vmul.f32 v30, v1;
	v42 =	vmul.f32 $6.000000240e-01, v9;
	v15 =	vadd.f32 v16, v15  }
0xe1: {  	v9 =	vand.u32 $0x7FFFFFFF, v9;
	v38 =	vadd.f32 v21, v36;
	v12 =	vadd.f32 v56, v52  }
0xe2: {  	v2 =	vmul.f32 v37, v2;
	v14 =	vadd.f32 v14, v35;
	v15 =	vadd.f32 v15, v51  }
0xe3: {  	v43 =	vld [tilespmem:$0xFC20];
	v9 =	vmul.f32 $4.000000060e-01, v9;
	v3 =	vadd.f32 v3, v17;
	v11 =	vadd.f32 v11, v38  }
0xe4: {  	v41 =	vld [tilespmem:$0xFDF0];
	v14 =	vadd.f32 v14, v34;
	v40 =	vmul.f32 $6.000000240e-01, v15;
	v15 =	vand.u32 $0x7FFFFFFF, v15  }
0xe5: {  	v44 =	vmul.f32 $6.000000240e-01, v10;
	v11 =	vadd.f32 v11, v39;
	v15 =	vmul.f32 $4.000000060e-01, v15  }
0xe6: {  	v2 =	vadd.f32 v2, v3;
	v3 =	vld [tilespmem:$0xFE00];
	v45 =	vand.u32 $0x7FFFFFFF, v14;
	v14 =	vmul.f32 $6.000000240e-01, v14  }
0xe7: {  	v22 =	vld [tilespmem:$0xFDC0];
	v20 =	vmul.f32 $4.000000060e-01, v45;
	v47 =	vand.u32 $0x7FFFFFFF, v11;
	v15 =	vadd.f32 v15, v40  }
0xe8: {  	v48 =	vld [tilespmem:$0xFE10];
	v2 =	vadd.f32 v2, v43;
	v11 =	vmul.f32 $6.000000240e-01, v11;
	v50 =	vmul.f32 $4.000000060e-01, v47  }
0xe9: {  	v46 =	vld [tilespmem:$0xFDD0];
	v10 =	vand.u32 $0x7FFFFFFF, v10;
	v14 =	vadd.f32 v20, v14;
	v15 =	vmul.f32 v15, v41  }
0xea: {  	v52 =	vld [tilespmem:$0xFE20];
	v51 =	vand.u32 $0x7FFFFFFF, v2;
	v2 =	vmul.f32 $6.000000240e-01, v2;
	v11 =	vadd.f32 v50, v11  }
0xeb: {  	v49 =	vld [tilespmem:$0xFDE0];
	v3 =	vmul.f32 v14, v3;
	v14 =	vmul.f32 $4.000000060e-01, v51;
	v15 =	vadd.f32 $0.0e+00, v15  }
0xec: {  	v10 =	vmul.f32 $4.000000060e-01, v10;
	v9 =	vadd.f32 v9, v42;
	v12 =	vmul.f32 v12, v22  }
0xed: {  	v11 =	vmul.f32 v11, v48;
	v2 =	vadd.f32 v14, v2;
	v3 =	vadd.f32 v3, v15  }
0xee: {  	v9 =	vmul.f32 v9, v46;
	v10 =	vadd.f32 v10, v44;
	v8 =	vadd.f32 v12, v8  }
0xef: {  	v4 =	vmul.f32 $1.442695020e+00, v4;
	v2 =	vmul.f32 v2, v52;
	v3 =	vadd.f32 v11, v3  }
0xf0: {  	v5 =	vmul.f32 $1.442695020e+00, v5;
	v53 =	vmul.f32 v10, v49;
	v8 =	vadd.f32 v9, v8  }
0xf1: {  	(erf) = vpow2.f32 v4;
	v7 =	vadd.f32 v7, v13;
	v2 =	vadd.f32 v2, v3  }
0xf2: {  	(erf) = vpow2.f32 v5;
	v54 =	vmul.f32 $1.442695020e+00, v6;
	v58 =	vld [tilespmem:s2+$0x10630];
	v55 =	vadd.f32 v53, v8  }
0xf3: {  	v56 =	vmul.f32 $1.442695020e+00, v7;
	v2 =	vmul.f32 $1.442695020e+00, v2  }
0xf4: {  	(erf) = vpow2.f32 v54;
	v3 =	vmul.f32 $1.442695020e+00, v55  }
0xf5: {  	(erf) = vpow2.f32 v56  }
0xf6: {  	(erf) = vpow2.f32 v3  }
0xf7: {  	v5 =	vmul.u32 $0x9, v58;
	(erf) = vpow2.f32 v2;
	v2 =	vpop (erf)  }
0xf8: {  	v2 =	vmul.f32 v2, v1  }
0xf9: {  	[tilespmem:s2+$0x16CB0] =	vst v5;
	v3 =	vpop (erf)  }
0xfa: {  	v3 =	vmul.f32 v3, v1;
	[tilespmem:s2+$0x12E00] =	vst v2;
	v2 =	vadd.s32 $0x1, v5  }
0xfb: {  	v57 =	vpop (erf);
	[tilespmem:s2+$0x17480] =	vst v2  }
0xfc: {  	v59 =	vpop (erf);
	v2 =	vmul.f32 v57, v1;
	[tilespmem:s2+$0x135D0] =	vst v3;
	v3 =	vadd.s32 $0x2, v5  }
0xfd: {  	v60 =	vpop (erf);
	[tilespmem:s2+$0x17C50] =	vst v3  }
0xfe: {  	v61 =	vpop (erf);
	v3 =	vmul.f32 v59, v1;
	[tilespmem:s2+$0x13DA0] =	vst v2;
	v2 =	vadd.s32 $0x3, v5  }
0xff: {  	v62 =	vpop (erf);
	[tilespmem:s2+$0x18420] =	vst v2  }
0x100: {  	v63 =	vpop (erf);
	[tilespmem:s2+$0x14570] =	vst v3  }
0x101: {  	v2 =	vmul.f32 v60, v1;
	v3 =	vadd.s32 $0x4, v5;
	[tilespmem:s2+$0x12630] =	vst v63  }
0x102: {  	[tilespmem:s2+$0x18BF0] =	vst v3  }
0x103: {  	v3 =	vmul.f32 v61, v1;
	[tilespmem:s2+$0x14D40] =	vst v2;
	v2 =	vadd.s32 $0x5, v5  }
0x104: {  	[tilespmem:s2+$0x193C0] =	vst v2  }
0x105: {  	p2 =	sne.s32 s0, $0x1F00;
	v2 =	vmul.f32 v62, v1;
	[tilespmem:s2+$0x15510] =	vst v3;
	v3 =	vadd.s32 $0x6, v5  }
.Ltmp3:
0x106: {  	[tilespmem:s2+$0x19B90] =	vst v3;
	(pc) =	sbr.rel @p2 .LBB2_6-.Ltmp3, $4  }
0x107: {  	v1 =	vmul.f32 v63, v1;
	[tilespmem:s2+$0x15CE0] =	vst v2;
	v2 =	vadd.s32 $0x7, v5  }
0x108: {  	[tilespmem:s2+$0x1A360] =	vst v2;
	s2 =	sand.u32 $0x7F0, s31  }
0x109: {  	[tilespmem:s2+$0x164B0] =	vst v1;
	v1 =	vadd.s32 $0x8, v5  }
0x10a: {  	s0 =	sadd.s32 $0x40, s0;
	s31 =	sadd.s32 $0x10, s31;
	[tilespmem:s2+$0x1AB30] =	vst v1  }
0x10b: {  	[spmem:s4] =	stream.indirect.scatter.add.f32 [tilespmem:s28], [sflag:$0x3], $0x1, s26, s25, $0xb8;
	[tilespmem:$0x1B330] =	vst v63  }
0x10c: {  	s30 =	sadd.s32 $0x1, s30  }
0x10d: {  	p2 =	sne.s32 s30, $0x32  }
.Ltmp4:
0x10e: {  	_ = 	snop;
	(pc) =	sbr.rel @p2 .LBB2_5-.Ltmp4, $4  }
.Ltmp5:
0x10f: {  	_ = 	snop;
	(pc) =	sbr.rel @!p2 .LBB2_8-.Ltmp5, $4  }
0x110: {  	_ =	swait.ge [sflag:s16], $0x4650  }
0x111: {  	[sflag:s16] =	ssyncset.done $0x0  }
0x112: {  	[sflag:s16] =	ssyncadd.s32 $0xFFFFB9B0  }
0x113: {  	_ = 	snop  }
.LBB2_2:
0x114: {  	s2 =	smul.u32 $0x7D0, s0;
	_ =	sdelay $0x1  }
0x115: {  	s2 =	sadd.s32 s10, s2  }
0x116: {  	s30 =	sshrl.u32 s2, $0x3  }
0x117: {  	s2 =	simm.s32 $0x0;
	s31 =	sadd.s32 s6, s30  }
0x118: {  	[tilespmem:s17], [sflag:$0x3] =	stream.linear.gather [hbm4b:s31+s2], $0x7D0, $0x38;
	[tilespmem:$0x1B330] =	vst v63  }
0x119: {  	_ =	swait.ge [sflag:s16], $0x7D0  }
0x11a: {  	[sflag:s16] =	ssyncset.done $0x0  }
0x11b: {  	s31 =	sadd.s32 s7, s30;
	[sflag:s16] =	ssyncadd.s32 $0xFFFFF830  }
0x11c: {  	[tilespmem:s18], [sflag:$0x3] =	stream.linear.gather [hbm4b:s31+s2], $0x7D0, $0x38;
	[tilespmem:$0x1B330] =	vst v63  }
0x11d: {  	_ =	swait.ge [sflag:s16], $0x7D0  }
0x11e: {  	[sflag:s16] =	ssyncset.done $0x0  }
0x11f: {  	s30 =	sadd.s32 s1, s30;
	[sflag:s16] =	ssyncadd.s32 $0xFFFFF830  }
0x120: {  	[tilespmem:s19], [sflag:$0x3] =	stream.linear.gather [hbm4b:s30+s2], $0x7D0, $0x38;
	[tilespmem:$0x1B330] =	vst v63  }
0x121: {  	_ =	swait.ge [sflag:s16], $0x7D0  }
0x122: {  	[sflag:s16] =	ssyncset.done $0x0  }
0x123: {  	[sflag:s16] =	ssyncadd.s32 $0xFFFFF830  }
0x124: {  	[tilespmem:s21], [sflag:$0x1] =	stream.indirect.gather [spmem:s3], $0x1, s17, s20, $0xb8;
	[tilespmem:$0x1B330] =	vst v63  }
0x125: {  	_ = 	snop  }
0x126: {  	[tilespmem:s22], [sflag:$0x2] =	stream.indirect.gather [spmem:s3], $0x1, s18, s20, $0xb8;
	[tilespmem:$0x1B330] =	vst v63  }
0x127: {  	_ =	swait.ge [sflag:s23], $0x7D0  }
0x128: {  	[sflag:s23] =	ssyncset.done $0x0  }
0x129: {  	[sflag:s23] =	ssyncadd.s32 $0xFFFFF830  }
0x12a: {  	_ =	swait.ge [sflag:s24], $0x7D0  }
0x12b: {  	[sflag:s24] =	ssyncset.done $0x0  }
0x12c: {  	s30 =	simm.s32 $0x0;
	[sflag:s24] =	ssyncadd.s32 $0xFFFFF830  }
.LBB2_3:
0x12d: {  	v4 =	vld [tilespmem:$0xF430]  }
0x12e: {  	v5 =	vld [tilespmem:$0xF630]  }
0x12f: {  	v6 =	vld [tilespmem:$0xF830]  }
0x130: {  	v7 =	vld [tilespmem:$0xFA30]  }
0x131: {  	v8 =	vld [tilespmem:$0xFC30]  }
0x132: {  	v9 =	vld [tilespmem:$0xF440]  }
0x133: {  	v10 =	vld [tilespmem:$0xF640]  }
0x134: {  	v11 =	vld [tilespmem:$0xF840]  }
0x135: {  	v12 =	vld [tilespmem:$0xFA40]  }
0x136: {  	v13 =	vld [tilespmem:$0xFC40]  }
0x137: {  	v14 =	vld [tilespmem:$0xF450]  }
0x138: {  	v15 =	vld [tilespmem:$0xF650]  }
0x139: {  	v16 =	vld [tilespmem:$0xF850]  }
0x13a: {  	v17 =	vld [tilespmem:$0xFA50]  }
0x13b: {  	v18 =	vld [tilespmem:$0xFC50]  }
0x13c: {  	v19 =	vld [tilespmem:$0xF460]  }
0x13d: {  	v20 =	vld [tilespmem:$0xF660]  }
0x13e: {  	v21 =	vld [tilespmem:$0xF860]  }
0x13f: {  	v22 =	vld [tilespmem:$0xFA60]  }
0x140: {  	v23 =	vld [tilespmem:$0xFC60]  }
0x141: {  	v24 =	vld [tilespmem:$0xF470]  }
0x142: {  	v25 =	vld [tilespmem:$0xF670]  }
0x143: {  	v26 =	vld [tilespmem:$0xF870]  }
0x144: {  	v27 =	vld [tilespmem:$0xFA70]  }
0x145: {  	v28 =	vld [tilespmem:$0xFC70]  }
0x146: {  	v29 =	vld [tilespmem:$0xF480]  }
0x147: {  	v30 =	vld [tilespmem:$0xF680]  }
0x148: {  	s31 =	sshra.s32 s30, $0x2;
	v31 =	vld [tilespmem:$0xF880]  }
0x149: {  	v3 =	vld [tilespmem:s31+$0x11630]  }
0x14a: {  	v2 =	vld [tilespmem:s31+$0x11E30]  }
0x14b: {  	v1 =	vld [tilespmem:s31+$0x10E30]  }
0x14c: {  	v32 =	vld [tilespmem:$0xFA80]  }
0x14d: {  	v33 =	vld [tilespmem:$0xF490]  }
0x14e: {  	v63 =	vld [tilespmem:$0xF690]  }
0x14f: {  	v34 =	vld [tilespmem:$0xF890];
	v4 =	vmul.f32 v4, v3  }
0x150: {  	v36 =	vld [tilespmem:$0xF6A0];
	v5 =	vmul.f32 v5, v2;
	v60 =	vmul.f32 v6, v1  }
0x151: {  	v37 =	vld [tilespmem:$0xFAA0];
	v61 =	vmul.f32 v9, v3;
	v62 =	vmul.f32 v10, v2  }
0x152: {  	v44 =	vld [tilespmem:$0xF4B0];
	v41 =	vmul.f32 v11, v1;
	v14 =	vmul.f32 v14, v3  }
0x153: {  	v47 =	vld [tilespmem:$0xF6B0];
	v15 =	vmul.f32 v15, v2;
	v19 =	vmul.f32 v19, v3  }
0x154: {  	v48 =	vld [tilespmem:$0xF8B0];
	v20 =	vmul.f32 v20, v2;
	v42 =	vmul.f32 v16, v1  }
0x155: {  	v51 =	vld [tilespmem:$0xFAB0];
	v43 =	vmul.f32 v21, v1;
	v45 =	vmul.f32 v24, v3  }
0x156: {  	v52 =	vld [tilespmem:$0xF4C0];
	v46 =	vmul.f32 v25, v2;
	v50 =	vmul.f32 v26, v1  }
0x157: {  	v54 =	vld [tilespmem:$0xF6C0];
	v29 =	vmul.f32 v29, v3;
	v30 =	vmul.f32 v30, v2  }
0x158: {  	v39 =	vld [tilespmem:$0xFCC0];
	v10 =	vmul.f32 v63, v2;
	v4 =	vadd.f32 v5, v4;
	v5 =	vadd.f32 v62, v61  }
0x159: {  	v6 =	vld [tilespmem:$0xFC80];
	v63 =	vmul.f32 v34, v1;
	v14 =	vadd.f32 v15, v14;
	v19 =	vadd.f32 v20, v19  }
0x15a: {  	v9 =	vld [tilespmem:$0xFA90];
	v49 =	vadd.f32 v46, v45;
	v59 =	vadd.f32 v30, v29;
	v61 =	vmul.f32 v33, v3  }
0x15b: {  	v34 =	vld [tilespmem:$0xF6E0];
	v33 =	vmul.f32 v47, v2;
	v4 =	vadd.f32 v60, v4;
	v5 =	vadd.f32 v41, v5  }
0x15c: {  	v11 =	vld [tilespmem:$0xFC90];
	v15 =	vmul.f32 v48, v1;
	v14 =	vadd.f32 v42, v14;
	v16 =	vadd.f32 v43, v19  }
0x15d: {  	v21 =	vld [tilespmem:$0xFAE0];
	v20 =	vmul.f32 v52, v3;
	v19 =	vadd.f32 v50, v49;
	v10 =	vadd.f32 v10, v61  }
0x15e: {  	v30 =	vld [tilespmem:$0xF6D0];
	v60 =	vmul.f32 v31, v1;
	v4 =	vadd.f32 v4, v7;
	v5 =	vadd.f32 v5, v12  }
0x15f: {  	v29 =	vld [tilespmem:$0xFCE0];
	v41 =	vmul.f32 v36, v2;
	v14 =	vadd.f32 v14, v17;
	v16 =	vadd.f32 v16, v22  }
0x160: {  	v45 =	vld [tilespmem:$0xF6F0];
	v25 =	vmul.f32 v34, v2;
	v19 =	vadd.f32 v19, v27;
	v10 =	vadd.f32 v63, v10  }
0x161: {  	v46 =	vld [tilespmem:$0xF8F0];
	v22 =	vmul.f32 v54, v2;
	v35 =	vand.u32 $0x7FFFFFFF, v4;
	v4 =	vmul.f32 $6.000000240e-01, v4  }
0x162: {  	v48 =	vld [tilespmem:$0xFAF0];
	v38 =	vand.u32 $0x7FFFFFFF, v5;
	v5 =	vmul.f32 $6.000000240e-01, v5;
	v53 =	vmul.f32 $6.000000240e-01, v14  }
0x163: {  	v7 =	vld [tilespmem:$0xF4A0];
	v14 =	vand.u32 $0x7FFFFFFF, v14;
	v55 =	vand.u32 $0x7FFFFFFF, v16;
	v16 =	vmul.f32 $6.000000240e-01, v16  }
0x164: {  	v56 =	vand.u32 $0x7FFFFFFF, v19;
	v57 =	vmul.f32 $6.000000240e-01, v19;
	v35 =	vmul.f32 $4.000000060e-01, v35  }
0x165: {  	v27 =	vld [tilespmem:$0xF8C0];
	v9 =	vadd.f32 v10, v9;
	v38 =	vmul.f32 $4.000000060e-01, v38;
	v14 =	vmul.f32 $4.000000060e-01, v14  }
0x166: {  	v19 =	vld [tilespmem:$0xF8E0];
	v26 =	vmul.f32 $4.000000060e-01, v55;
	v58 =	vmul.f32 $4.000000060e-01, v56  }
0x167: {  	v52 =	vld [tilespmem:$0xF700];
	v43 =	vand.u32 $0x7FFFFFFF, v9;
	v35 =	vadd.f32 v35, v4;
	v5 =	vadd.f32 v38, v5  }
0x168: {  	v42 =	vld [tilespmem:$0xF4F0];
	v9 =	vmul.f32 $6.000000240e-01, v9;
	v16 =	vadd.f32 v26, v16;
	v7 =	vmul.f32 v7, v3  }
0x169: {  	v38 =	vld [tilespmem:$0xF4D0];
	v8 =	vmul.f32 v35, v8;
	v5 =	vmul.f32 v5, v13  }
0x16a: {  	v63 =	vld [tilespmem:$0xF710];
	v13 =	vadd.f32 v14, v53;
	v14 =	vadd.f32 v58, v57;
	v62 =	vmul.f32 v16, v23  }
0x16b: {  	v56 =	vadd.f32 v22, v20;
	v23 =	vld [tilespmem:$0xF4E0];
	v57 =	vmul.f32 v27, v1;
	v19 =	vmul.f32 v19, v1  }
0x16c: {  	v12 =	vld [tilespmem:$0xF8A0];
	v8 =	vadd.f32 $0.0e+00, v8;
	v13 =	vmul.f32 v13, v18;
	v14 =	vmul.f32 v14, v28  }
0x16d: {  	v36 =	vld [tilespmem:$0xF910];
	v7 =	vadd.f32 v41, v7;
	v28 =	vmul.f32 $4.000000060e-01, v43;
	v43 =	vmul.f32 v46, v1  }
0x16e: {  	v55 =	vld [tilespmem:$0xF900];
	v61 =	vmul.f32 v38, v3;
	v5 =	vadd.f32 v5, v8;
	v8 =	vadd.f32 v60, v59  }
0x16f: {  	v17 =	vld [tilespmem:$0xFCB0];
	v49 =	vadd.f32 v28, v9;
	v59 =	vadd.f32 v57, v56;
	v57 =	vmul.f32 v63, v2  }
0x170: {  	v22 =	vld [tilespmem:$0xFB00];
	v23 =	vmul.f32 v23, v3;
	v8 =	vadd.f32 v8, v32;
	v32 =	vmul.f32 v44, v3  }
0x171: {  	v60 =	vld [tilespmem:$0xF510];
	v5 =	vadd.f32 v13, v5;
	v44 =	vmul.f32 v12, v1;
	v53 =	vmul.f32 v49, v11  }
0x172: {  	v4 =	vld [tilespmem:$0xFCA0];
	v47 =	vadd.f32 $0.0e+00, v14;
	v12 =	vmul.f32 v45, v2;
	v49 =	vmul.f32 v52, v2  }
0x173: {  	v18 =	vld [tilespmem:$0xF8D0];
	v11 =	vmul.f32 v55, v1;
	v23 =	vadd.f32 v25, v23;
	v5 =	vadd.f32 v62, v5  }
0x174: {  	v26 =	vld [tilespmem:$0xFAD0];
	v40 =	vmul.f32 $6.000000240e-01, v8;
	v8 =	vand.u32 $0x7FFFFFFF, v8;
	v13 =	vadd.f32 v33, v32  }
0x175: {  	v35 =	vld [tilespmem:$0xFAC0];
	v7 =	vadd.f32 v44, v7;
	v62 =	vmul.f32 v30, v2;
	v8 =	vmul.f32 $4.000000060e-01, v8  }
0x176: {  	v16 =	vld [tilespmem:$0xFCD0];
	v19 =	vadd.f32 v19, v23;
	v56 =	vmul.f32 v60, v3;
	v60 =	vmul.f32 v36, v1  }
0x177: {  	v27 =	vld [tilespmem:$0xFD00];
	v5 =	vmul.f32 $1.442695020e+00, v5;
	v13 =	vadd.f32 v15, v13;
	v7 =	vadd.f32 v7, v37  }
0x178: {  	v41 =	vld [tilespmem:$0xF520];
	v37 =	vmul.f32 v18, v1;
	v15 =	vmul.f32 v42, v3;
	v8 =	vadd.f32 v8, v40  }
0x179: {  	v42 =	vld [tilespmem:$0xF720];
	v19 =	vadd.f32 v19, v21;
	v13 =	vadd.f32 v13, v51;
	(erf) = vpow2.f32 v5  }
0x17a: {  	v52 =	vld [tilespmem:$0xF930];
	v54 =	vand.u32 $0x7FFFFFFF, v7;
	v7 =	vmul.f32 $6.000000240e-01, v7;
	v12 =	vadd.f32 v12, v15  }
0x17b: {  	v51 =	vld [tilespmem:$0xF500];
	v6 =	vmul.f32 v8, v6;
	v8 =	vmul.f32 $4.000000060e-01, v54;
	v46 =	vand.u32 $0x7FFFFFFF, v19  }
0x17c: {  	v44 =	vld [tilespmem:$0xF920];
	v50 =	vand.u32 $0x7FFFFFFF, v13;
	v13 =	vmul.f32 $6.000000240e-01, v13;
	v12 =	vadd.f32 v43, v12  }
0x17d: {  	v38 =	vld [tilespmem:$0xFB10];
	v15 =	vmul.f32 $4.000000060e-01, v46;
	v9 =	vmul.f32 $4.000000060e-01, v50;
	v7 =	vadd.f32 v8, v7  }
0x17e: {  	v14 =	vld [tilespmem:$0xFCF0];
	v5 =	vadd.f32 v6, v47;
	v8 =	vadd.f32 v62, v61;
	v34 =	vmul.f32 v42, v2  }
0x17f: {  	v47 =	vld [tilespmem:$0xF530];
	v10 =	vadd.f32 v12, v48;
	v9 =	vadd.f32 v9, v13;
	v7 =	vmul.f32 v7, v4  }
0x180: {  	v50 =	vld [tilespmem:$0xF730];
	v5 =	vadd.f32 v53, v5;
	v48 =	vmul.f32 v51, v3;
	v51 =	vmul.f32 $6.000000240e-01, v19  }
0x181: {  	v45 =	vld [tilespmem:$0xFB20];
	v8 =	vadd.f32 v37, v8;
	v19 =	vmul.f32 v52, v1;
	v37 =	vmul.f32 v44, v1  }
0x182: {  	v25 =	vld [tilespmem:$0xFD10];
	v53 =	vand.u32 $0x7FFFFFFF, v10;
	v58 =	vmul.f32 v9, v17;
	v9 =	vadd.f32 v59, v35  }
0x183: {  	v33 =	vld [tilespmem:$0xFD30];
	v10 =	vmul.f32 $6.000000240e-01, v10;
	v8 =	vadd.f32 v8, v26;
	v12 =	vadd.f32 v49, v48  }
0x184: {  	v36 =	vld [tilespmem:$0xF950];
	v55 =	vmul.f32 $4.000000060e-01, v53;
	v7 =	vadd.f32 v7, v5;
	v17 =	vmul.f32 v41, v3  }
0x185: {  	v54 =	vld [tilespmem:$0xFB30];
	v30 =	vmul.f32 v47, v3;
	v31 =	vmul.f32 v50, v2;
	v6 =	vadd.f32 $0.0e+00, v58  }
0x186: {  	v43 =	vld [tilespmem:$0xF960];
	v40 =	vand.u32 $0x7FFFFFFF, v9;
	v9 =	vmul.f32 $6.000000240e-01, v9;
	v26 =	vmul.f32 $6.000000240e-01, v8  }
0x187: {  	v35 =	vld [tilespmem:$0xF750];
	v8 =	vand.u32 $0x7FFFFFFF, v8;
	v11 =	vadd.f32 v11, v12;
	v10 =	vadd.f32 v55, v10  }
0x188: {  	v61 =	vld [tilespmem:$0xF940];
	v12 =	vadd.f32 v57, v56;
	v17 =	vadd.f32 v34, v17;
	v7 =	vmul.f32 $1.442695020e+00, v7  }
0x189: {  	v58 =	vld [tilespmem:$0xF540];
	v32 =	vmul.f32 $4.000000060e-01, v40;
	v8 =	vmul.f32 $4.000000060e-01, v8;
	v11 =	vadd.f32 v11, v22  }
0x18a: {  	v59 =	vld [tilespmem:$0xF740];
	v63 =	vmul.f32 v10, v14;
	v12 =	vadd.f32 v60, v12;
	v14 =	vadd.f32 v31, v30  }
0x18b: {  	v40 =	vld [tilespmem:$0xF560];
	v17 =	vadd.f32 v37, v17;
	(erf) = vpow2.f32 v7;
	v9 =	vadd.f32 v32, v9  }
0x18c: {  	v41 =	vld [tilespmem:$0xF760];
	v8 =	vadd.f32 v8, v26;
	v23 =	vmul.f32 v35, v2;
	v12 =	vadd.f32 v12, v38  }
0x18d: {  	v57 =	vld [tilespmem:$0xF580];
	v42 =	vadd.f32 v17, v45;
	v17 =	vmul.f32 v43, v1;
	v9 =	vmul.f32 v9, v39  }
0x18e: {  	v32 =	vld [tilespmem:$0xF550];
	v14 =	vadd.f32 v19, v14;
	v8 =	vmul.f32 v8, v16;
	v20 =	vmul.f32 v58, v3  }
0x18f: {  	v62 =	vld [tilespmem:$0xFB40];
	v16 =	vmul.f32 v61, v1;
	v39 =	vand.u32 $0x7FFFFFFF, v12;
	v12 =	vmul.f32 $6.000000240e-01, v12  }
0x190: {  	v52 =	vld [tilespmem:$0xF970];
	v14 =	vadd.f32 v14, v54;
	v54 =	vmul.f32 v36, v1;
	v18 =	vmul.f32 v40, v3  }
0x191: {  	v49 =	vld [tilespmem:$0xF570];
	v6 =	vadd.f32 v9, v6;
	v9 =	vadd.f32 v15, v51;
	v15 =	vmul.f32 v59, v2  }
0x192: {  	v58 =	vld [tilespmem:$0xF780];
	v48 =	vand.u32 $0x7FFFFFFF, v42;
	v59 =	vmul.f32 v41, v2;
	v46 =	vmul.f32 $6.000000240e-01, v14  }
0x193: {  	v36 =	vld [tilespmem:$0xF990];
	v44 =	vand.u32 $0x7FFFFFFF, v14;
	v50 =	vmul.f32 v32, v3;
	v32 =	vmul.f32 v57, v3  }
0x194: {  	v40 =	vld [tilespmem:$0xF5A0];
	v5 =	vadd.f32 v8, v6;
	v6 =	vmul.f32 v9, v29;
	v29 =	vmul.f32 $6.000000240e-01, v11  }
0x195: {  	v51 =	vld [tilespmem:$0xF770];
	v11 =	vand.u32 $0x7FFFFFFF, v11;
	v9 =	vadd.f32 $0.0e+00, v63;
	v15 =	vadd.f32 v15, v20  }
0x196: {  	v45 =	vld [tilespmem:$0xFB60];
	v47 =	vmul.f32 $4.000000060e-01, v44;
	v18 =	vadd.f32 v59, v18;
	v11 =	vmul.f32 $4.000000060e-01, v11  }
0x197: {  	v21 =	vld [tilespmem:$0xFD60];
	v53 =	vadd.f32 v23, v50;
	v14 =	vmul.f32 v58, v2;
	v15 =	vadd.f32 v16, v15  }
0x198: {  	v4 =	vld [tilespmem:$0xFD20];
	v16 =	vmul.f32 v49, v3;
	v17 =	vadd.f32 v17, v18;
	v20 =	vmul.f32 v36, v1  }
0x199: {  	v13 =	vld [tilespmem:$0xFD40];
	v5 =	vadd.f32 v6, v5;
	v24 =	vmul.f32 v40, v3;
	v10 =	vadd.f32 v11, v29  }
0x19a: {  	v55 =	vld [tilespmem:$0xFB70];
	v11 =	vmul.f32 $4.000000060e-01, v39;
	v61 =	vmul.f32 v51, v2;
	v14 =	vadd.f32 v14, v32  }
0x19b: {  	v34 =	vld [tilespmem:$0xF790];
	v8 =	vadd.f32 v15, v62;
	v15 =	vmul.f32 v52, v1;
	v17 =	vadd.f32 v17, v45  }
0x19c: {  	v38 =	vld [tilespmem:$0xFB50];
	v5 =	vmul.f32 $1.442695020e+00, v5;
	v10 =	vmul.f32 v10, v27;
	v11 =	vadd.f32 v11, v12  }
0x19d: {  	v49 =	vld [tilespmem:$0xF5B0];
	v12 =	vmul.f32 $6.000000240e-01, v42;
	v16 =	vadd.f32 v61, v16;
	v56 =	vand.u32 $0x7FFFFFFF, v8  }
0x19e: {  	v58 =	vld [tilespmem:$0xF7C0];
	v8 =	vmul.f32 $6.000000240e-01, v8;
	v39 =	vmul.f32 $6.000000240e-01, v17;
	v17 =	vand.u32 $0x7FFFFFFF, v17  }
0x19f: {  	v62 =	vld [tilespmem:$0xF980];
	(erf) = vpow2.f32 v5;
	v9 =	vadd.f32 v10, v9;
	v11 =	vmul.f32 v11, v25  }
0x1a0: {  	v42 =	vld [tilespmem:$0xF7A0];
	v10 =	vadd.f32 v47, v46;
	v25 =	vmul.f32 $4.000000060e-01, v48;
	v23 =	vmul.f32 $4.000000060e-01, v56  }
0x1a1: {  	v60 =	vld [tilespmem:$0xFD70];
	v15 =	vadd.f32 v15, v16;
	v17 =	vmul.f32 $4.000000060e-01, v17;
	v16 =	vmul.f32 v34, v2  }
0x1a2: {  	v31 =	vld [tilespmem:$0xFD80];
	v29 =	vmul.f32 v49, v3;
	v9 =	vadd.f32 v11, v9;
	v12 =	vadd.f32 v25, v12  }
0x1a3: {  	v56 =	vld [tilespmem:$0xF5C0];
	v10 =	vmul.f32 v10, v33;
	v11 =	vadd.f32 v54, v53;
	v8 =	vadd.f32 v23, v8  }
0x1a4: {  	v63 =	vld [tilespmem:$0xFB80];
	v35 =	vmul.f32 v62, v1;
	v37 =	vadd.f32 v15, v55;
	v53 =	vadd.f32 v17, v39  }
0x1a5: {  	v33 =	vld [tilespmem:$0xF590];
	v15 =	vmul.f32 v58, v2;
	v26 =	vmul.f32 v42, v2;
	v11 =	vadd.f32 v11, v38  }
0x1a6: {  	v52 =	vld [tilespmem:$0xF7B0];
	v8 =	vmul.f32 v8, v13;
	v14 =	vadd.f32 v35, v14;
	v45 =	vmul.f32 $6.000000240e-01, v37  }
0x1a7: {  	v19 =	vld [tilespmem:$0xFD50];
	v41 =	vand.u32 $0x7FFFFFFF, v37;
	v4 =	vmul.f32 v12, v4;
	v12 =	vmul.f32 v53, v21  }
0x1a8: {  	v44 =	vld [tilespmem:$0xF9A0];
	v10 =	vadd.f32 $0.0e+00, v10;
	v46 =	vmul.f32 $4.000000060e-01, v41;
	v13 =	vmul.f32 v56, v3  }
0x1a9: {  	v32 =	vld [tilespmem:$0xF7D0];
	v30 =	vand.u32 $0x7FFFFFFF, v11;
	v11 =	vmul.f32 $6.000000240e-01, v11;
	v14 =	vadd.f32 v14, v63  }
0x1aa: {  	v47 =	vld [tilespmem:$0xFBA0];
	v8 =	vadd.f32 v8, v10;
	v4 =	vadd.f32 v4, v9;
	v43 =	vmul.f32 v33, v3  }
0x1ab: {  	v54 =	vld [tilespmem:$0xF9B0];
	v27 =	vmul.f32 $4.000000060e-01, v30;
	v10 =	vadd.f32 v46, v45;
	v30 =	vmul.f32 v52, v2  }
0x1ac: {  	v38 =	vld [tilespmem:$0xFB90];
	v48 =	vand.u32 $0x7FFFFFFF, v14;
	v50 =	vmul.f32 $6.000000240e-01, v14;
	v16 =	vadd.f32 v16, v43  }
0x1ad: {  	v34 =	vld [tilespmem:$0xF9D0];
	v11 =	vadd.f32 v27, v11;
	v51 =	vmul.f32 $4.000000060e-01, v48;
	v10 =	vmul.f32 v10, v60  }
0x1ae: {  	v41 =	vld [tilespmem:$0xF9E0];
	v33 =	vmul.f32 v44, v1;
	v13 =	vadd.f32 v15, v13;
	v16 =	vadd.f32 v20, v16  }
0x1af: {  	v63 =	vld [tilespmem:$0xF9C0];
	v11 =	vmul.f32 v11, v19;
	v55 =	vadd.f32 v51, v50;
	v59 =	vadd.f32 $0.0e+00, v10  }
0x1b0: {  	v61 =	vld [tilespmem:$0xFBB0];
	v17 =	vmul.f32 v54, v1;
	v10 =	vadd.f32 v26, v24;
	v20 =	vadd.f32 v30, v29  }
0x1b1: {  	v8 =	vadd.f32 v11, v8;
	v57 =	vadd.f32 v16, v38;
	v60 =	vmul.f32 v55, v31;
	v31 =	vld [tilespmem:$0xF5D0]  }
0x1b2: {  	v35 =	vld [tilespmem:$0xF5E0];
	v46 =	vmul.f32 v34, v1;
	v37 =	vadd.f32 v33, v10;
	v39 =	vadd.f32 v17, v20  }
0x1b3: {  	v38 =	vld [tilespmem:$0xF7E0];
	v16 =	vmul.f32 v32, v2;
	v17 =	vmul.f32 v41, v1;
	v8 =	vadd.f32 v12, v8  }
0x1b4: {  	v28 =	vld [tilespmem:$0xFBC0];
	v14 =	vand.u32 $0x7FFFFFFF, v57;
	v12 =	vmul.f32 v63, v1;
	v9 =	vadd.f32 v37, v47  }
0x1b5: {  	v62 =	vmul.f32 $6.000000240e-01, v57;
	v42 =	vadd.f32 v39, v61;
	v14 =	vmul.f32 $4.000000060e-01, v14  }
0x1b6: {  	v44 =	vld [tilespmem:$0xFBD0];
	v12 =	vadd.f32 v12, v13;
	v45 =	vand.u32 $0x7FFFFFFF, v9;
	v40 =	vmul.f32 v31, v3  }
0x1b7: {  	v51 =	vld [tilespmem:$0xFDB0];
	v48 =	vand.u32 $0x7FFFFFFF, v42;
	v5 =	vmul.f32 $6.000000240e-01, v42;
	v9 =	vmul.f32 $6.000000240e-01, v9  }
0x1b8: {  	v47 =	vld [tilespmem:$0xFD90];
	v3 =	vmul.f32 v35, v3;
	v2 =	vmul.f32 v38, v2;
	v13 =	vadd.f32 v16, v40  }
0x1b9: {  	v50 =	vld [tilespmem:$0xFBE0];
	v36 =	vadd.f32 v14, v62;
	v49 =	vmul.f32 $4.000000060e-01, v48;
	v43 =	vadd.f32 v12, v28  }
0x1ba: {  	v14 =	vmul.f32 $4.000000060e-01, v45;
	v2 =	vadd.f32 v2, v3;
	v13 =	vadd.f32 v46, v13  }
0x1bb: {  	v52 =	vld [tilespmem:$0xFDC0];
	v5 =	vadd.f32 v49, v5;
	v3 =	vand.u32 $0x7FFFFFFF, v43;
	v11 =	vmul.f32 $6.000000240e-01, v43  }
0x1bc: {  	v3 =	vmul.f32 $4.000000060e-01, v3;
	v2 =	vadd.f32 v17, v2;
	v12 =	vadd.f32 v13, v44  }
0x1bd: {  	v53 =	vld [tilespmem:$0xFDA0];
	v6 =	vadd.f32 v60, v59;
	v7 =	vmul.f32 v36, v47;
	v5 =	vmul.f32 v5, v51  }
0x1be: {  	v55 =	vld [tilespmem:$0xFDD0];
	v3 =	vadd.f32 v3, v11;
	v2 =	vadd.f32 v2, v50;
	v54 =	vand.u32 $0x7FFFFFFF, v12  }
0x1bf: {  	v56 =	vld [tilespmem:s31+$0x10630];
	v9 =	vadd.f32 v14, v9;
	v12 =	vmul.f32 $6.000000240e-01, v12;
	v11 =	vmul.f32 $4.000000060e-01, v54  }
0x1c0: {  	v58 =	vld [tilespmem:$0xFDE0];
	v5 =	vadd.f32 $0.0e+00, v5;
	v3 =	vmul.f32 v3, v52;
	v57 =	vand.u32 $0x7FFFFFFF, v2  }
0x1c1: {  	v2 =	vmul.f32 $6.000000240e-01, v2;
	v11 =	vadd.f32 v11, v12;
	v12 =	vmul.f32 $4.000000060e-01, v57  }
0x1c2: {  	v4 =	vmul.f32 $1.442695020e+00, v4;
	v6 =	vadd.f32 v7, v6;
	v59 =	vmul.f32 v9, v53  }
0x1c3: {  	v3 =	vadd.f32 v3, v5;
	v60 =	vmul.f32 v11, v55;
	v2 =	vadd.f32 v12, v2  }
0x1c4: {  	(erf) = vpow2.f32 v4;
	v61 =	vmul.u32 $0x9, v56;
	v62 =	vmul.f32 $1.442695020e+00, v8  }
0x1c5: {  	[tilespmem:s31+$0x12630] =	vst v1;
	v6 =	vadd.f32 v59, v6;
	v3 =	vadd.f32 v60, v3;
	v2 =	vmul.f32 v2, v58  }
0x1c6: {  	[tilespmem:s31+$0x12E00] =	vst v0;
	v63 =	vpop (erf);
	(erf) = vpow2.f32 v62  }
0x1c7: {  	[tilespmem:s31+$0x135D0] =	vst v63;
	v1 =	vmul.f32 $1.442695020e+00, v6;
	v2 =	vadd.f32 v2, v3;
	v3 =	vadd.s32 $0x1, v61  }
0x1c8: {  	[tilespmem:s31+$0x16CB0] =	vst v61  }
0x1c9: {  	(erf) = vpow2.f32 v1;
	[tilespmem:s31+$0x17480] =	vst v3;
	v1 =	vmul.f32 $1.442695020e+00, v2;
	v2 =	vadd.s32 $0x2, v61  }
0x1ca: {  	v3 =	vpop (erf);
	[tilespmem:s31+$0x17C50] =	vst v2  }
0x1cb: {  	(erf) = vpow2.f32 v1;
	[tilespmem:s31+$0x13DA0] =	vst v3;
	v1 =	vadd.s32 $0x3, v61  }
0x1cc: {  	v2 =	vpop (erf);
	[tilespmem:s31+$0x18420] =	vst v1  }
0x1cd: {  	v1 =	vadd.s32 $0x4, v61;
	[tilespmem:s31+$0x14570] =	vst v2  }
0x1ce: {  	v2 =	vpop (erf);
	[tilespmem:s31+$0x18BF0] =	vst v1  }
0x1cf: {  	v1 =	vadd.s32 $0x5, v61;
	[tilespmem:s31+$0x14D40] =	vst v2  }
0x1d0: {  	v2 =	vpop (erf);
	[tilespmem:s31+$0x193C0] =	vst v1  }
0x1d1: {  	p2 =	sne.s32 s30, $0x1F00;
	v1 =	vadd.s32 $0x6, v61;
	[tilespmem:s31+$0x15510] =	vst v2  }
.Ltmp6:
0x1d2: {  	v2 =	vpop (erf);
	[tilespmem:s31+$0x19B90] =	vst v1;
	(pc) =	sbr.rel @p2 .LBB2_3-.Ltmp6, $4  }
0x1d3: {  	v1 =	vadd.s32 $0x7, v61;
	[tilespmem:s31+$0x15CE0] =	vst v2  }
0x1d4: {  	[tilespmem:s31+$0x1A360] =	vst v1;
	s31 =	sand.u32 $0x7F0, s2;
	v1 =	vadd.s32 $0x8, v61  }
0x1d5: {  	[tilespmem:s31+$0x1AB30] =	vst v1;
	v2 =	vpop (erf)  }
0x1d6: {  	s30 =	sadd.s32 $0x40, s30;
	s2 =	sadd.s32 $0x10, s2;
	[tilespmem:s31+$0x164B0] =	vst v2  }
0x1d7: {  	[spmem:s4] =	stream.indirect.scatter.add.f32 [tilespmem:s28], [sflag:$0x3], $0x1, s26, s25, $0xb8;
	[tilespmem:$0x1B330] =	vst v63  }
0x1d8: {  	s0 =	sadd.s32 $0x1, s0  }
0x1d9: {  	p2 =	seq.s32 s0, $0x32  }
.Ltmp7:
0x1da: {  	_ = 	snop;
	(pc) =	sbr.rel @!p2 .LBB2_2-.Ltmp7, $4  }
.Ltmp8:
0x1db: {  	_ = 	snop;
	(pc) =	sbr.rel @p2 .LBB2_8-.Ltmp8, $4  }
0x1dc: {  	_ =	swait.ge [sflag:s16], $0x4650  }
0x1dd: {  	[sflag:s16] =	ssyncset.done $0x0  }
0x1de: {  	[sflag:s16] =	ssyncadd.s32 $0xFFFFB9B0  }
0x1df: {  	_ = 	snop  }
.LBB2_9:
0x1e0: {  	_ =	sfence.sel $0x180000  }
0x1e1: {  	[bflag:$0x0] =	sbarrier.arrive $0xFFFF  }
0x1e2: {  	_ =	strace $0x90000047  }
0x1e3: {  	[bflag:$0x2] =	sbarrier.arrive $0xFFFF  }
0x1e4: {  	s0 =	rddreg [dreg:$0x5]  }
0x1e5: {  	s0 =	sadd.s32 @!p0 $0x100000, s0  }
0x1e6: {  	[sflag:s0] =	ssyncadd.tile.s32 @!p0 $0x1;
	_ =	shalt  }
.Lfunc_end2:
_tile_overlayer_lowered:
.L_overlay_start_2:
0x1e7: {  	(tag) =	ssettag $0x2  }
0x1e8: {  	s0 =	rddreg [dreg:$0x0];
	s2 =	stileid.u32  }
0x1e9: {  	s1 =	rddreg [dreg:$0x1];
	p0 =	sne.s32 s2, $0x0  }
0x1ea: {  	s3 =	rddreg [dreg:$0x2];
	[bflag:$0x3] =	sbarrier.arrive $0xFFFF;
	s2 =	simm.s32 @!p0 $0x1C03  }
0x1eb: {  	[timem:s3], [sflag:s2] =	dma.local @!p0 [hbm:s0], s1  }
0x1ec: {  	s0 =	simm.s32 @!p0 $0x3  }
0x1ed: {  	_ =	swait.ge @!p0 [sflag:s0], s1  }
0x1ee: {  	s1 =	ssub.s32 @!p0 $0x0, s1;
	[sflag:s0] =	ssyncset.done @!p0 $0x0  }
0x1ef: {  	[sflag:s0] =	ssyncadd.s32 @!p0 s1  }
0x1f0: {  	[bflag:$0x3] =	sbarrier.arrive $0xFFFF  }
0x1f1: {  	_ =	shalt  }

</sc_bundles>
